<compile_context>
chip_gen: v7x
topology: tpu7x:2x2x1
jax: 0.10.2.dev20260603
libtpu: 0.0.44.dev20260713+nightly
codegen_flags: <defaults>
</compile_context>

<pallas_src>
import numpy as np

import jax
import jax.numpy as jnp
from jax import lax
from jax.experimental import pallas as pl
from jax.experimental.pallas import tpu as pltpu
from jax.experimental.pallas import tpu_sc as plsc

B = 128
V = 100000
K = 256
CAP1 = 4096
CAP2 = 1024
NW = 32
ROWS_PER_W = B // NW
IGNORED = -3000.0
M_ALL = np.uint32(0xFFFFFFFF)
M_SIGN = np.uint32(0x80000000)


def _keys_of(x):
    u = lax.bitcast_convert_type(x, jnp.uint32)
    return jnp.where((u >> 31) == jnp.uint32(1), u ^ M_ALL, u ^ M_SIGN)


def _select_bucket(hist_v, kval, lane):

    def chunk_body(jj, carry):
        above, b_sel, g_sel = carry
        base = (15 - jj) * 16
        acc = jnp.zeros((16,), jnp.int32)
        for l in range(16):
            acc = acc + plsc.load_gather(hist_v, [(base + lane) * 16 + l])
        total = jnp.sum(acc)
        pref = plsc.cumsum(acc)
        g = above + total - pref
        m = (g < kval) & (g + acc >= kval)
        b_sel = b_sel + jnp.sum(jnp.where(m, base + lane, 0))
        g_sel = g_sel + jnp.sum(jnp.where(m, g, 0))
        return (above + total, b_sel, g_sel)

    init = (jnp.int32(0), jnp.int32(0), jnp.int32(0))
    _, b_sel, g_sel = lax.fori_loop(0, 16, chunk_body, init)
    return b_sel, g_sel


def _sc_select_body(logits_hbm, outk_hbm, outi_hbm,
                    row_v, candk_v, candi_v, h0, outk_v, outi_v, cnts_v):
    wid = lax.axis_index("s") * 2 + lax.axis_index("c")
    lane = lax.iota(jnp.int32, 16)
    ones = jnp.ones((16,), jnp.int32)
    zeros_i = jnp.zeros((16,), jnp.int32)
    zeros_u = jnp.zeros((16,), jnp.uint32)

    def zero_hist(i, _):
        h0[pl.ds(i * 16, 16)] = zeros_i
        return 0

    def _popcnt(m):
        return plsc.all_reduce_population_count(m)[0]

    def row_body(r, _):
        row = wid * ROWS_PER_W + r
        pltpu.sync_copy(logits_hbm.at[row], row_v)

        @plsc.parallel_loop(0, 256, unroll=4)
        def _(i):
            h0[pl.ds(i * 16, 16)] = zeros_i

        @plsc.parallel_loop(0, V // 16, unroll=4)
        def _(i):
            key = _keys_of(row_v[pl.ds(i * 16, 16)])
            bin1 = (key >> 24).astype(jnp.int32)
            plsc.addupdate_scatter(h0, [bin1 * 16 + lane], ones)
        b1, g1 = _select_bucket(h0, jnp.int32(K), lane)
        b1u = b1.astype(jnp.uint32)

        cnts_v[pl.ds(16 * (V // 16 // 16), 16)] = zeros_i

        @plsc.parallel_loop(0, V // 16, unroll=4)
        def _(i):
            key = _keys_of(row_v[pl.ds(i * 16, 16)])
            m = (key >> 24) >= b1u
            pc = plsc.all_reduce_population_count(m)
            plsc.store_scatter(cnts_v, [lane * 0 + i], pc, mask=lane == 0)

        def prefix(j, carry):
            c = cnts_v[pl.ds(j * 16, 16)]
            total = jnp.sum(c)
            offs = carry + plsc.cumsum(c) - c
            cnts_v[pl.ds(j * 16, 16)] = offs
            return carry + total

        n1 = lax.fori_loop(0, V // 16 // 16 + 1, prefix, jnp.int32(0))

        @plsc.parallel_loop(0, V // 16, unroll=4)
        def _(i):
            key = _keys_of(row_v[pl.ds(i * 16, 16)])
            m = (key >> 24) >= b1u
            sp = jnp.minimum(cnts_v[pl.ds(i, 16)][0], CAP1)
            plsc.store_compressed(candk_v.at[pl.ds(sp, 16)], key, mask=m)
            plsc.store_compressed(candi_v.at[pl.ds(sp, 16)], i * 16 + lane, mask=m)

        n1 = jnp.minimum(n1, CAP1)
        ntrip = (n1 + 15) // 16

        lax.fori_loop(0, 256, zero_hist, 0)

        def pass_l2(i, _):
            kv = candk_v[pl.ds(i * 16, 16)]
            valid = lane < (n1 - i * 16)
            mb = valid & ((kv >> 24) == b1u)
            bin2 = ((kv >> 16) & jnp.uint32(0xFF)).astype(jnp.int32)
            plsc.addupdate_scatter(h0, [bin2 * 16 + lane], ones, mask=mb)
            return 0

        lax.fori_loop(0, ntrip, pass_l2, 0)
        b2, _ = _select_bucket(h0, jnp.int32(K) - g1, lane)
        t16 = (b1u << 8) | b2.astype(jnp.uint32)

        def zero_out(i, _):
            outk_v[pl.ds(i * 16, 16)] = zeros_u
            outi_v[pl.ds(i * 16, 16)] = zeros_i
            return 0

        lax.fori_loop(0, CAP2 // 16 + 1, zero_out, 0)

        def make_pass_c(cmp_eq):
            def pass_c(i, ptr):
                kv = candk_v[pl.ds(i * 16, 16)]
                iv = candi_v[pl.ds(i * 16, 16)]
                valid = lane < (n1 - i * 16)
                hi = kv >> 16
                m = valid & ((hi == t16) if cmp_eq else (hi > t16))
                cnt = _popcnt(m)
                sp = jnp.minimum(ptr, CAP2)
                plsc.store_compressed(outk_v.at[pl.ds(sp, 16)], kv, mask=m)
                plsc.store_compressed(outi_v.at[pl.ds(sp, 16)], iv, mask=m)
                return ptr + cnt

            return pass_c

        ng = lax.fori_loop(0, ntrip, make_pass_c(False), jnp.int32(0))
        lax.fori_loop(0, ntrip, make_pass_c(True), ng)

        pltpu.sync_copy(outk_v.at[pl.ds(0, CAP2)], outk_hbm.at[row])
        pltpu.sync_copy(outi_v.at[pl.ds(0, CAP2)], outi_hbm.at[row])
        return 0

    lax.fori_loop(0, ROWS_PER_W, row_body, 0)


def _tc_sample_body(keys_ref, idx_ref, tk_ref, tp_ref, temp_ref, rand_ref, out_ref):
    n = CAP2
    minint = jnp.int32(-2147483648)
    skey = lax.bitcast_convert_type(keys_ref[...], jnp.int32) ^ minint
    m = ~skey
    idx = idx_ref[...]
    col = lax.broadcasted_iota(jnp.int32, (B, n), 1)

    k = 2
    while k <= n:
        j = k // 2
        while j >= 1:
            lower = (col & j) == 0
            pm = jnp.where(lower, pltpu.roll(m, n - j, 1), pltpu.roll(m, j, 1))
            pidx = jnp.where(lower, pltpu.roll(idx, n - j, 1), pltpu.roll(idx, j, 1))
            precedes = (m < pm) | ((m == pm) & (idx < pidx))
            asc = (col & k) == 0
            keep_self = asc == (lower == precedes)
            m = jnp.where(keep_self, m, pm)
            idx = jnp.where(keep_self, idx, pidx)
            j //= 2
        k *= 2

    ki = (~m[:, :K]) ^ minint
    xbits = jnp.where(ki < 0, ki ^ minint, ~ki)
    vals = lax.bitcast_convert_type(xbits, jnp.float32)
    idx_s = idx[:, :K]
    colk = lax.broadcasted_iota(jnp.int32, (B, K), 1)

    tk = tk_ref[...]
    tp = tp_ref[...]
    temp = temp_ref[...]
    rand = rand_ref[...]

    vals = jnp.where(colk.astype(jnp.float32) >= tk, IGNORED, vals) / temp

    def softmax(v):
        mx = jnp.max(v, axis=1, keepdims=True)
        e = jnp.exp(v - mx)
        return e / jnp.sum(e, axis=1, keepdims=True)

    def cumsum(p):
        c = p
        d = 1
        while d < K:
            c = c + jnp.where(colk >= d, pltpu.roll(c, d, 1), 0.0)
            d *= 2
        return c

    csum = cumsum(softmax(vals))
    tp_eff = jnp.maximum(jnp.min(csum), tp)
    mask2 = (csum > tp_eff) & (colk >= 1)
    vals = jnp.where(mask2, IGNORED, vals)
    csum2 = cumsum(softmax(vals))
    counts = jnp.sum((rand > csum2).astype(jnp.int32), axis=1, keepdims=True)
    counts = jnp.minimum(counts, K - 1)
    out_ref[...] = jnp.sum(jnp.where(colk == counts, idx_s, 0), axis=1, keepdims=True)


def kernel(token_logits, sampling_params):
    mesh = plsc.VectorSubcoreMesh(core_axis_name="c", subcore_axis_name="s")
    sc_select = pl.kernel(
        _sc_select_body,
        out_type=(
            jax.ShapeDtypeStruct((B, CAP2), jnp.uint32),
            jax.ShapeDtypeStruct((B, CAP2), jnp.int32),
        ),
        mesh=mesh,
        compiler_params=pltpu.CompilerParams(needs_layout_passes=False),
        scratch_types=[
            pltpu.VMEM((V,), jnp.float32),
            pltpu.VMEM((CAP1 + 16,), jnp.uint32),
            pltpu.VMEM((CAP1 + 16,), jnp.int32),
            pltpu.VMEM((4096,), jnp.int32),
            pltpu.VMEM((CAP2 + 16,), jnp.uint32),
            pltpu.VMEM((CAP2 + 16,), jnp.int32),
            pltpu.VMEM((16 * (V // 16 // 16 + 2),), jnp.int32),
        ],
    )
    keys, idx = sc_select(token_logits)

    tk = sampling_params[:, 0:1]
    tp = sampling_params[:, 1:2]
    temp = sampling_params[:, 2:3]
    rand = jax.random.uniform(jax.random.key(1234), (B, 1), dtype=jnp.float32)

    tokens = pl.pallas_call(
        _tc_sample_body,
        out_shape=jax.ShapeDtypeStruct((B, 1), jnp.int32),
    )(keys, idx, tk, tp, temp, rand)
    return tokens.reshape(-1)

# --- scband reference (transcript-rebuilt; emitter-appended) ---
"""Pipeline reference for scband-sampler-64733747085712 (READ-ONLY COPY).

The authoritative reference and input builder live on the scoring server;
editing this copy changes nothing except your own understanding.
"""

import jax, jax.numpy as jnp
import numpy as np

MAX_TOPK = 256
IGNORED_LOGITS_VALUE = -3000.0


def setup_inputs(seed: int = 0) -> dict:
    key = jax.random.key(seed)
    k1, k2, k3, k4 = jax.random.split(key, 4)
    B, V = 128, 100000
    token_logits = jax.random.normal(k1, (B, V), dtype=jnp.float32)
    # sampling_params columns: [top_k, top_p, temperature]
    top_k = jax.random.randint(k2, (B,), 1, 200).astype(jnp.float32)
    top_p = jax.random.uniform(k3, (B,), minval=0.5, maxval=1.0, dtype=jnp.float32)
    temperature = jax.random.uniform(k4, (B,), minval=0.5, maxval=1.5, dtype=jnp.float32)
    sampling_params = jnp.stack([top_k, top_p, temperature], axis=1)
    return {"token_logits": token_logits, "sampling_params": sampling_params}


def reference(token_logits, sampling_params):
    B = token_logits.shape[0]
    dim = 1
    top_k = sampling_params[:, 0].reshape(B, 1)
    top_p = sampling_params[:, 1].reshape(B, 1)
    temperature = sampling_params[:, 2].reshape(B, 1)

    # _top_k_masked with max_topk optimization: single top-k over vocab, then per-row mask
    sorted_logits, indices = jax.lax.top_k(token_logits, MAX_TOPK)
    mask = jnp.arange(MAX_TOPK, dtype=jnp.float32)[None, :] >= top_k
    sorted_logits = jnp.where(mask, IGNORED_LOGITS_VALUE, sorted_logits)

    # temperature
    vals = sorted_logits / temperature

    # softmax + cumsum for top-p
    probs_soft_max = jax.nn.softmax(vals, axis=dim)
    probs_cumsum = jnp.cumsum(probs_soft_max, axis=dim)
    top_p_eff = jnp.maximum(jnp.min(probs_cumsum), top_p)
    top_p_mask = probs_cumsum > top_p_eff
    top_p_mask = top_p_mask.at[:, 0].set(False)  # index_fill_(dim, [0], False)
    vals = jnp.where(top_p_mask, IGNORED_LOGITS_VALUE, vals)
    probs_soft_max = jax.nn.softmax(vals, axis=dim)

    # _multinomial: cumsum + uniform selector + count
    probs_cumsum = jnp.cumsum(probs_soft_max, axis=dim)
    rand_selector = jax.random.uniform(jax.random.key(1234), (B, 1), dtype=probs_cumsum.dtype)
    greater_than_rand = rand_selector > probs_cumsum
    counts = jnp.sum(greater_than_rand, axis=dim, keepdims=True)
    counts = jnp.minimum(counts, MAX_TOPK - 1)

    tokens = jnp.take_along_axis(indices, counts.astype(jnp.int32), axis=dim).reshape(-1)
    return tokens

if __name__ == "__main__":
    import jax
    _d = setup_inputs()
    print(jax.jit(kernel)(*tuple(_d.values())))

</pallas_src>

<mosaic_0001>
#map = affine_map<(d0, d1) -> (0, 0)>
module attributes {stable_mosaic.version = 14 : i64} {
  func.func @_sc_select_body(%arg0: i32, %arg1: i32, %arg2: memref<128x100000xf32, #tpu.memory_space<hbm>>, %arg3: memref<128x1024xi32, #tpu.memory_space<hbm>>, %arg4: memref<128x1024xi32, #tpu.memory_space<hbm>>, %arg5: memref<100000xf32, #tpu.memory_space<vmem>>, %arg6: memref<4112xi32, #tpu.memory_space<vmem>>, %arg7: memref<4112xi32, #tpu.memory_space<vmem>>, %arg8: memref<4096xi32, #tpu.memory_space<vmem>>, %arg9: memref<1040xi32, #tpu.memory_space<vmem>>, %arg10: memref<1040xi32, #tpu.memory_space<vmem>>, %arg11: memref<6272xi32, #tpu.memory_space<vmem>>) attributes {dimension_semantics = [#tpu.dimension_semantics<core_parallel>, #tpu.dimension_semantics<subcore_parallel>], iteration_bounds = array<i64: 2, 16>, scalar_prefetch = 0 : i64, scratch_operands = 7 : i64, tpu.core_type = #tpu.core_type<sc_vector_subcore>, window_params = [{transform_indices = #map}, {transform_indices = #map}, {transform_indices = #map}]} {
    %mul3A = arith.constant 2 : i32
    %mul3A_0 = arith.muli %arg1, %mul3A : i32
    %add3A = arith.addi %mul3A_0, %arg0 : i32
    %iota3A = tpu.iota {dimensions = array<i32: 0>} : vector<16xi32>
    %broadcast_in_dim3A = arith.constant 1 : i32
    %broadcast_in_dim3A_1 = vector.broadcast %broadcast_in_dim3A : i32 to vector<16xi32>
    %broadcast_in_dim3A_2 = arith.constant 0 : i32
    %broadcast_in_dim3A_3 = vector.broadcast %broadcast_in_dim3A_2 : i32 to vector<16xi32>
    %broadcast_in_dim3A_4 = arith.constant 0 : i32
    %broadcast_in_dim3A_5 = vector.broadcast %broadcast_in_dim3A_4 : i32 to vector<16xi32>
    %scan3A = arith.constant 0 : i32
    %scan3A_6 = arith.constant 0 : i32
    %scan3A_7 = arith.constant 4 : i32
    %scan3A_8 = arith.addi %scan3A_6, %scan3A_7 : i32
    %scan3A_9 = arith.constant 1 : i32
    %scan3A_10 = scf.for %scan3A_12 = %scan3A_6 to %scan3A_8 step %scan3A_9 iter_args(%scan3A_13 = %scan3A) -> (i32)  : i32 {
      %mul3A_14 = arith.constant 4 : i32
      %mul3A_15 = arith.muli %add3A, %mul3A_14 : i32
      %add3A_16 = arith.addi %mul3A_15, %scan3A_12 : i32
      "tpu.region"() ({
        %run_scoped3A = tpu.sem_alloc : memref<!tpu.dma_semaphore, #tpu.memory_space<semaphore_mem>>
        %dma_start3A = arith.constant 0 : i32
        %dma_start3A_126 = tpu.memref_slice %arg2[%add3A_16, %dma_start3A] : memref<128x100000xf32, #tpu.memory_space<hbm>> -> memref<1x100000xf32, #tpu.memory_space<hbm>>
        %dma_start3A_127 = tpu.memref_squeeze %dma_start3A_126 : memref<1x100000xf32, #tpu.memory_space<hbm>> -> memref<100000xf32, #tpu.memory_space<hbm>>
        %dma_start3A_128 = arith.constant 0 : i32
        %dma_start3A_129 = tpu.memref_slice %arg2[%add3A_16, %dma_start3A_128] : memref<128x100000xf32, #tpu.memory_space<hbm>> -> memref<1x100000xf32, #tpu.memory_space<hbm>>
        %dma_start3A_130 = tpu.memref_squeeze %dma_start3A_129 : memref<1x100000xf32, #tpu.memory_space<hbm>> -> memref<100000xf32, #tpu.memory_space<hbm>>
        tpu.enqueue_dma source(%dma_start3A_130 : memref<100000xf32, #tpu.memory_space<hbm>>) target(%arg5 : memref<100000xf32, #tpu.memory_space<vmem>>) target_semaphore(%run_scoped3A : memref<!tpu.dma_semaphore, #tpu.memory_space<semaphore_mem>>)
        %dma_wait3A = arith.constant 0 : i32
        %dma_wait3A_131 = tpu.memref_slice %arg2[%add3A_16, %dma_wait3A] : memref<128x100000xf32, #tpu.memory_space<hbm>> -> memref<1x100000xf32, #tpu.memory_space<hbm>>
        %dma_wait3A_132 = tpu.memref_squeeze %dma_wait3A_131 : memref<1x100000xf32, #tpu.memory_space<hbm>> -> memref<100000xf32, #tpu.memory_space<hbm>>
        %dma_wait3A_133 = arith.constant 0 : i32
        %dma_wait3A_134 = tpu.memref_slice %arg2[%add3A_16, %dma_wait3A_133] : memref<128x100000xf32, #tpu.memory_space<hbm>> -> memref<1x100000xf32, #tpu.memory_space<hbm>>
        %dma_wait3A_135 = tpu.memref_squeeze %dma_wait3A_134 : memref<1x100000xf32, #tpu.memory_space<hbm>> -> memref<100000xf32, #tpu.memory_space<hbm>>
        tpu.wait_dma2 semaphore(%run_scoped3A : memref<!tpu.dma_semaphore, #tpu.memory_space<semaphore_mem>>) src(%dma_wait3A_135 : memref<100000xf32, #tpu.memory_space<hbm>>) dst(%arg5 : memref<100000xf32, #tpu.memory_space<vmem>>)
        tpu.yield
      }) : () -> ()
      %parallel_loop3A = arith.constant 0 : i32
      %parallel_loop3A_17 = arith.constant 256 : i32
      %parallel_loop3A_18 = arith.constant 1 : i32
      scf.for %parallel_loop3A_126 = %parallel_loop3A to %parallel_loop3A_17 step %parallel_loop3A_18  : i32 {
        %parallel_loop3A_127 = arith.constant 16 : i32
        %parallel_loop3A_128 = arith.muli %parallel_loop3A_126, %parallel_loop3A_127 : i32
        %parallel_loop3A_129 = arith.index_cast %parallel_loop3A_128 : i32 to index
        %parallel_loop3A_130 = tpu.vector_load %arg8[%parallel_loop3A_129] {strides = array<i32>} : memref<4096xi32, #tpu.memory_space<vmem>>, vector<16xi32>,
        tpu.vector_store %arg8[%parallel_loop3A_129], %broadcast_in_dim3A_3 {strides = array<i32>} : memref<4096xi32, #tpu.memory_space<vmem>>, vector<16xi32>,
      } {sc.loop_unroll_factor = 4 : i64, sc.parallel_access}
      %parallel_loop3A_19 = arith.constant 0 : i32
      %parallel_loop3A_20 = arith.constant 6250 : i32
      %parallel_loop3A_21 = arith.constant 1 : i32
      scf.for %parallel_loop3A_126 = %parallel_loop3A_19 to %parallel_loop3A_20 step %parallel_loop3A_21  : i32 {
        %parallel_loop3A_127 = arith.constant 16 : i32
        %parallel_loop3A_128 = arith.muli %parallel_loop3A_126, %parallel_loop3A_127 : i32
        %parallel_loop3A_129 = arith.index_cast %parallel_loop3A_128 : i32 to index
        %parallel_loop3A_130 = tpu.vector_load %arg5[%parallel_loop3A_129] {strides = array<i32>} : memref<100000xf32, #tpu.memory_space<vmem>>, vector<16xf32>,
        %parallel_loop3A_131 = tpu.bitcast %parallel_loop3A_130 : vector<16xf32> -> vector<16xi32>
        %parallel_loop3A_132 = arith.constant 31 : i32
        %parallel_loop3A_133 = vector.broadcast %parallel_loop3A_132 : i32 to vector<16xi32>
        %parallel_loop3A_134 = arith.shrui %parallel_loop3A_131, %parallel_loop3A_133 : vector<16xi32>
        %parallel_loop3A_135 = arith.constant 1 : i32
        %parallel_loop3A_136 = vector.broadcast %parallel_loop3A_135 : i32 to vector<16xi32>
        %parallel_loop3A_137 = arith.cmpi eq, %parallel_loop3A_134, %parallel_loop3A_136 : vector<16xi32>
        %parallel_loop3A_138 = arith.constant -1 : i32
        %parallel_loop3A_139 = vector.broadcast %parallel_loop3A_138 : i32 to vector<16xi32>
        %parallel_loop3A_140 = arith.xori %parallel_loop3A_131, %parallel_loop3A_139 : vector<16xi32>
        %parallel_loop3A_141 = arith.constant -2147483648 : i32
        %parallel_loop3A_142 = vector.broadcast %parallel_loop3A_141 : i32 to vector<16xi32>
        %parallel_loop3A_143 = arith.xori %parallel_loop3A_131, %parallel_loop3A_142 : vector<16xi32>
        %parallel_loop3A_144 = arith.select %parallel_loop3A_137, %parallel_loop3A_140, %parallel_loop3A_143 : vector<16xi1>, vector<16xi32>
        %parallel_loop3A_145 = arith.constant 24 : i32
        %parallel_loop3A_146 = vector.broadcast %parallel_loop3A_145 : i32 to vector<16xi32>
        %parallel_loop3A_147 = arith.shrui %parallel_loop3A_144, %parallel_loop3A_146 : vector<16xi32>
        %parallel_loop3A_148 = arith.constant 16 : i32
        %parallel_loop3A_149 = vector.broadcast %parallel_loop3A_148 : i32 to vector<16xi32>
        %parallel_loop3A_150 = arith.muli %parallel_loop3A_147, %parallel_loop3A_149 : vector<16xi32>
        %parallel_loop3A_151 = arith.addi %parallel_loop3A_150, %iota3A : vector<16xi32>
        tpu.vector_store_idx %arg8[%parallel_loop3A_151], %broadcast_in_dim3A_1 {add = true} : memref<4096xi32, #tpu.memory_space<vmem>>[vector<16xi32>], vector<16xi32>,
      } {sc.loop_unroll_factor = 4 : i64, sc.parallel_access}
      %scan3A_22 = arith.constant 256 : i32
      %scan3A_23 = arith.constant 0 : i32
      %scan3A_24 = arith.constant 0 : i32
      %scan3A_25 = arith.constant 0 : i32
      %scan3A_26 = arith.constant 0 : i32
      %scan3A_27 = arith.constant 16 : i32
      %scan3A_28 = arith.addi %scan3A_26, %scan3A_27 : i32
      %scan3A_29 = arith.constant 1 : i32
      %scan3A_30:3 = scf.for %scan3A_126 = %scan3A_26 to %scan3A_28 step %scan3A_29 iter_args(%scan3A_127 = %scan3A_23, %scan3A_128 = %scan3A_24, %scan3A_129 = %scan3A_25) -> (i32, i32, i32)  : i32 {
        %sub3A_130 = arith.constant 15 : i32
        %sub3A_131 = arith.subi %sub3A_130, %scan3A_126 : i32
        %mul3A_132 = arith.constant 16 : i32
        %mul3A_133 = arith.muli %sub3A_131, %mul3A_132 : i32
        %broadcast_in_dim3A_134 = arith.constant 0 : i32
        %broadcast_in_dim3A_135 = vector.broadcast %broadcast_in_dim3A_134 : i32 to vector<16xi32>
        %add3A_136 = vector.broadcast %mul3A_133 : i32 to vector<16xi32>
        %add3A_137 = arith.addi %add3A_136, %iota3A : vector<16xi32>
        %mul3A_138 = arith.constant 16 : i32
        %mul3A_139 = vector.broadcast %mul3A_138 : i32 to vector<16xi32>
        %mul3A_140 = arith.muli %add3A_137, %mul3A_139 : vector<16xi32>
        %add3A_141 = arith.constant 0 : i32
        %add3A_142 = vector.broadcast %add3A_141 : i32 to vector<16xi32>
        %add3A_143 = arith.addi %mul3A_140, %add3A_142 : vector<16xi32>
        %gather3A = tpu.vector_load_idx %arg8[%add3A_143] : memref<4096xi32, #tpu.memory_space<vmem>>[vector<16xi32>], vector<16xi32>,
        %add3A_144 = arith.addi %broadcast_in_dim3A_135, %gather3A : vector<16xi32>
        %add3A_145 = vector.broadcast %mul3A_133 : i32 to vector<16xi32>
        %add3A_146 = arith.addi %add3A_145, %iota3A : vector<16xi32>
        %mul3A_147 = arith.constant 16 : i32
        %mul3A_148 = vector.broadcast %mul3A_147 : i32 to vector<16xi32>
        %mul3A_149 = arith.muli %add3A_146, %mul3A_148 : vector<16xi32>
        %add3A_150 = arith.constant 1 : i32
        %add3A_151 = vector.broadcast %add3A_150 : i32 to vector<16xi32>
        %add3A_152 = arith.addi %mul3A_149, %add3A_151 : vector<16xi32>
        %gather3A_153 = tpu.vector_load_idx %arg8[%add3A_152] : memref<4096xi32, #tpu.memory_space<vmem>>[vector<16xi32>], vector<16xi32>,
        %add3A_154 = arith.addi %add3A_144, %gather3A_153 : vector<16xi32>
        %add3A_155 = vector.broadcast %mul3A_133 : i32 to vector<16xi32>
        %add3A_156 = arith.addi %add3A_155, %iota3A : vector<16xi32>
        %mul3A_157 = arith.constant 16 : i32
        %mul3A_158 = vector.broadcast %mul3A_157 : i32 to vector<16xi32>
        %mul3A_159 = arith.muli %add3A_156, %mul3A_158 : vector<16xi32>
        %add3A_160 = arith.constant 2 : i32
        %add3A_161 = vector.broadcast %add3A_160 : i32 to vector<16xi32>
        %add3A_162 = arith.addi %mul3A_159, %add3A_161 : vector<16xi32>
        %gather3A_163 = tpu.vector_load_idx %arg8[%add3A_162] : memref<4096xi32, #tpu.memory_space<vmem>>[vector<16xi32>], vector<16xi32>,
        %add3A_164 = arith.addi %add3A_154, %gather3A_163 : vector<16xi32>
        %add3A_165 = vector.broadcast %mul3A_133 : i32 to vector<16xi32>
        %add3A_166 = arith.addi %add3A_165, %iota3A : vector<16xi32>
        %mul3A_167 = arith.constant 16 : i32
        %mul3A_168 = vector.broadcast %mul3A_167 : i32 to vector<16xi32>
        %mul3A_169 = arith.muli %add3A_166, %mul3A_168 : vector<16xi32>
        %add3A_170 = arith.constant 3 : i32
        %add3A_171 = vector.broadcast %add3A_170 : i32 to vector<16xi32>
        %add3A_172 = arith.addi %mul3A_169, %add3A_171 : vector<16xi32>
        %gather3A_173 = tpu.vector_load_idx %arg8[%add3A_172] : memref<4096xi32, #tpu.memory_space<vmem>>[vector<16xi32>], vector<16xi32>,
        %add3A_174 = arith.addi %add3A_164, %gather3A_173 : vector<16xi32>
        %add3A_175 = vector.broadcast %mul3A_133 : i32 to vector<16xi32>
        %add3A_176 = arith.addi %add3A_175, %iota3A : vector<16xi32>
        %mul3A_177 = arith.constant 16 : i32
        %mul3A_178 = vector.broadcast %mul3A_177 : i32 to vector<16xi32>
        %mul3A_179 = arith.muli %add3A_176, %mul3A_178 : vector<16xi32>
        %add3A_180 = arith.constant 4 : i32
        %add3A_181 = vector.broadcast %add3A_180 : i32 to vector<16xi32>
        %add3A_182 = arith.addi %mul3A_179, %add3A_181 : vector<16xi32>
        %gather3A_183 = tpu.vector_load_idx %arg8[%add3A_182] : memref<4096xi32, #tpu.memory_space<vmem>>[vector<16xi32>], vector<16xi32>,
        %add3A_184 = arith.addi %add3A_174, %gather3A_183 : vector<16xi32>
        %add3A_185 = vector.broadcast %mul3A_133 : i32 to vector<16xi32>
        %add3A_186 = arith.addi %add3A_185, %iota3A : vector<16xi32>
        %mul3A_187 = arith.constant 16 : i32
        %mul3A_188 = vector.broadcast %mul3A_187 : i32 to vector<16xi32>
        %mul3A_189 = arith.muli %add3A_186, %mul3A_188 : vector<16xi32>
        %add3A_190 = arith.constant 5 : i32
        %add3A_191 = vector.broadcast %add3A_190 : i32 to vector<16xi32>
        %add3A_192 = arith.addi %mul3A_189, %add3A_191 : vector<16xi32>
        %gather3A_193 = tpu.vector_load_idx %arg8[%add3A_192] : memref<4096xi32, #tpu.memory_space<vmem>>[vector<16xi32>], vector<16xi32>,
        %add3A_194 = arith.addi %add3A_184, %gather3A_193 : vector<16xi32>
        %add3A_195 = vector.broadcast %mul3A_133 : i32 to vector<16xi32>
        %add3A_196 = arith.addi %add3A_195, %iota3A : vector<16xi32>
        %mul3A_197 = arith.constant 16 : i32
        %mul3A_198 = vector.broadcast %mul3A_197 : i32 to vector<16xi32>
        %mul3A_199 = arith.muli %add3A_196, %mul3A_198 : vector<16xi32>
        %add3A_200 = arith.constant 6 : i32
        %add3A_201 = vector.broadcast %add3A_200 : i32 to vector<16xi32>
        %add3A_202 = arith.addi %mul3A_199, %add3A_201 : vector<16xi32>
        %gather3A_203 = tpu.vector_load_idx %arg8[%add3A_202] : memref<4096xi32, #tpu.memory_space<vmem>>[vector<16xi32>], vector<16xi32>,
        %add3A_204 = arith.addi %add3A_194, %gather3A_203 : vector<16xi32>
        %add3A_205 = vector.broadcast %mul3A_133 : i32 to vector<16xi32>
        %add3A_206 = arith.addi %add3A_205, %iota3A : vector<16xi32>
        %mul3A_207 = arith.constant 16 : i32
        %mul3A_208 = vector.broadcast %mul3A_207 : i32 to vector<16xi32>
        %mul3A_209 = arith.muli %add3A_206, %mul3A_208 : vector<16xi32>
        %add3A_210 = arith.constant 7 : i32
        %add3A_211 = vector.broadcast %add3A_210 : i32 to vector<16xi32>
        %add3A_212 = arith.addi %mul3A_209, %add3A_211 : vector<16xi32>
        %gather3A_213 = tpu.vector_load_idx %arg8[%add3A_212] : memref<4096xi32, #tpu.memory_space<vmem>>[vector<16xi32>], vector<16xi32>,
        %add3A_214 = arith.addi %add3A_204, %gather3A_213 : vector<16xi32>
        %add3A_215 = vector.broadcast %mul3A_133 : i32 to vector<16xi32>
        %add3A_216 = arith.addi %add3A_215, %iota3A : vector<16xi32>
        %mul3A_217 = arith.constant 16 : i32
        %mul3A_218 = vector.broadcast %mul3A_217 : i32 to vector<16xi32>
        %mul3A_219 = arith.muli %add3A_216, %mul3A_218 : vector<16xi32>
        %add3A_220 = arith.constant 8 : i32
        %add3A_221 = vector.broadcast %add3A_220 : i32 to vector<16xi32>
        %add3A_222 = arith.addi %mul3A_219, %add3A_221 : vector<16xi32>
        %gather3A_223 = tpu.vector_load_idx %arg8[%add3A_222] : memref<4096xi32, #tpu.memory_space<vmem>>[vector<16xi32>], vector<16xi32>,
        %add3A_224 = arith.addi %add3A_214, %gather3A_223 : vector<16xi32>
        %add3A_225 = vector.broadcast %mul3A_133 : i32 to vector<16xi32>
        %add3A_226 = arith.addi %add3A_225, %iota3A : vector<16xi32>
        %mul3A_227 = arith.constant 16 : i32
        %mul3A_228 = vector.broadcast %mul3A_227 : i32 to vector<16xi32>
        %mul3A_229 = arith.muli %add3A_226, %mul3A_228 : vector<16xi32>
        %add3A_230 = arith.constant 9 : i32
        %add3A_231 = vector.broadcast %add3A_230 : i32 to vector<16xi32>
        %add3A_232 = arith.addi %mul3A_229, %add3A_231 : vector<16xi32>
        %gather3A_233 = tpu.vector_load_idx %arg8[%add3A_232] : memref<4096xi32, #tpu.memory_space<vmem>>[vector<16xi32>], vector<16xi32>,
        %add3A_234 = arith.addi %add3A_224, %gather3A_233 : vector<16xi32>
        %add3A_235 = vector.broadcast %mul3A_133 : i32 to vector<16xi32>
        %add3A_236 = arith.addi %add3A_235, %iota3A : vector<16xi32>
        %mul3A_237 = arith.constant 16 : i32
        %mul3A_238 = vector.broadcast %mul3A_237 : i32 to vector<16xi32>
        %mul3A_239 = arith.muli %add3A_236, %mul3A_238 : vector<16xi32>
        %add3A_240 = arith.constant 10 : i32
        %add3A_241 = vector.broadcast %add3A_240 : i32 to vector<16xi32>
        %add3A_242 = arith.addi %mul3A_239, %add3A_241 : vector<16xi32>
        %gather3A_243 = tpu.vector_load_idx %arg8[%add3A_242] : memref<4096xi32, #tpu.memory_space<vmem>>[vector<16xi32>], vector<16xi32>,
        %add3A_244 = arith.addi %add3A_234, %gather3A_243 : vector<16xi32>
        %add3A_245 = vector.broadcast %mul3A_133 : i32 to vector<16xi32>
        %add3A_246 = arith.addi %add3A_245, %iota3A : vector<16xi32>
        %mul3A_247 = arith.constant 16 : i32
        %mul3A_248 = vector.broadcast %mul3A_247 : i32 to vector<16xi32>
        %mul3A_249 = arith.muli %add3A_246, %mul3A_248 : vector<16xi32>
        %add3A_250 = arith.constant 11 : i32
        %add3A_251 = vector.broadcast %add3A_250 : i32 to vector<16xi32>
        %add3A_252 = arith.addi %mul3A_249, %add3A_251 : vector<16xi32>
        %gather3A_253 = tpu.vector_load_idx %arg8[%add3A_252] : memref<4096xi32, #tpu.memory_space<vmem>>[vector<16xi32>], vector<16xi32>,
        %add3A_254 = arith.addi %add3A_244, %gather3A_253 : vector<16xi32>
        %add3A_255 = vector.broadcast %mul3A_133 : i32 to vector<16xi32>
        %add3A_256 = arith.addi %add3A_255, %iota3A : vector<16xi32>
        %mul3A_257 = arith.constant 16 : i32
        %mul3A_258 = vector.broadcast %mul3A_257 : i32 to vector<16xi32>
        %mul3A_259 = arith.muli %add3A_256, %mul3A_258 : vector<16xi32>
        %add3A_260 = arith.constant 12 : i32
        %add3A_261 = vector.broadcast %add3A_260 : i32 to vector<16xi32>
        %add3A_262 = arith.addi %mul3A_259, %add3A_261 : vector<16xi32>
        %gather3A_263 = tpu.vector_load_idx %arg8[%add3A_262] : memref<4096xi32, #tpu.memory_space<vmem>>[vector<16xi32>], vector<16xi32>,
        %add3A_264 = arith.addi %add3A_254, %gather3A_263 : vector<16xi32>
        %add3A_265 = vector.broadcast %mul3A_133 : i32 to vector<16xi32>
        %add3A_266 = arith.addi %add3A_265, %iota3A : vector<16xi32>
        %mul3A_267 = arith.constant 16 : i32
        %mul3A_268 = vector.broadcast %mul3A_267 : i32 to vector<16xi32>
        %mul3A_269 = arith.muli %add3A_266, %mul3A_268 : vector<16xi32>
        %add3A_270 = arith.constant 13 : i32
        %add3A_271 = vector.broadcast %add3A_270 : i32 to vector<16xi32>
        %add3A_272 = arith.addi %mul3A_269, %add3A_271 : vector<16xi32>
        %gather3A_273 = tpu.vector_load_idx %arg8[%add3A_272] : memref<4096xi32, #tpu.memory_space<vmem>>[vector<16xi32>], vector<16xi32>,
        %add3A_274 = arith.addi %add3A_264, %gather3A_273 : vector<16xi32>
        %add3A_275 = vector.broadcast %mul3A_133 : i32 to vector<16xi32>
        %add3A_276 = arith.addi %add3A_275, %iota3A : vector<16xi32>
        %mul3A_277 = arith.constant 16 : i32
        %mul3A_278 = vector.broadcast %mul3A_277 : i32 to vector<16xi32>
        %mul3A_279 = arith.muli %add3A_276, %mul3A_278 : vector<16xi32>
        %add3A_280 = arith.constant 14 : i32
        %add3A_281 = vector.broadcast %add3A_280 : i32 to vector<16xi32>
        %add3A_282 = arith.addi %mul3A_279, %add3A_281 : vector<16xi32>
        %gather3A_283 = tpu.vector_load_idx %arg8[%add3A_282] : memref<4096xi32, #tpu.memory_space<vmem>>[vector<16xi32>], vector<16xi32>,
        %add3A_284 = arith.addi %add3A_274, %gather3A_283 : vector<16xi32>
        %add3A_285 = vector.broadcast %mul3A_133 : i32 to vector<16xi32>
        %add3A_286 = arith.addi %add3A_285, %iota3A : vector<16xi32>
        %mul3A_287 = arith.constant 16 : i32
        %mul3A_288 = vector.broadcast %mul3A_287 : i32 to vector<16xi32>
        %mul3A_289 = arith.muli %add3A_286, %mul3A_288 : vector<16xi32>
        %add3A_290 = arith.constant 15 : i32
        %add3A_291 = vector.broadcast %add3A_290 : i32 to vector<16xi32>
        %add3A_292 = arith.addi %mul3A_289, %add3A_291 : vector<16xi32>
        %gather3A_293 = tpu.vector_load_idx %arg8[%add3A_292] : memref<4096xi32, #tpu.memory_space<vmem>>[vector<16xi32>], vector<16xi32>,
        %add3A_294 = arith.addi %add3A_284, %gather3A_293 : vector<16xi32>
        %reduce_sum3A = arith.constant true
        %reduce_sum3A_295 = vector.broadcast %reduce_sum3A : i1 to vector<16xi1>
        %reduce_sum3A_296 = tpu.scan <sum>, %add3A_294 masked %reduce_sum3A_295 : vector<16xi32>, vector<16xi1> -> vector<16xi32>
        %reduce_sum3A_297 = vector.extract %reduce_sum3A_296[15] : i32 from vector<16xi32>
        %broadcast_in_dim3A_298 = arith.constant true
        %broadcast_in_dim3A_299 = vector.broadcast %broadcast_in_dim3A_298 : i1 to vector<16xi1>
        %masked_cumsum3A = tpu.scan <sum>, %add3A_294 masked %broadcast_in_dim3A_299 : vector<16xi32>, vector<16xi1> -> vector<16xi32>
        %add3A_300 = arith.addi %scan3A_127, %reduce_sum3A_297 : i32
        %sub3A_301 = vector.broadcast %add3A_300 : i32 to vector<16xi32>
        %sub3A_302 = arith.subi %sub3A_301, %masked_cumsum3A : vector<16xi32>
        %lt3A = vector.broadcast %scan3A_22 : i32 to vector<16xi32>
        %lt3A_303 = arith.cmpi slt, %sub3A_302, %lt3A : vector<16xi32>
        %add3A_304 = arith.addi %sub3A_302, %add3A_294 : vector<16xi32>
        %ge3A = vector.broadcast %scan3A_22 : i32 to vector<16xi32>
        %ge3A_305 = arith.cmpi sge, %add3A_304, %ge3A : vector<16xi32>
        %and3A_306 = arith.andi %lt3A_303, %ge3A_305 : vector<16xi1>
        %add3A_307 = vector.broadcast %mul3A_133 : i32 to vector<16xi32>
        %add3A_308 = arith.addi %add3A_307, %iota3A : vector<16xi32>
        %jit3A_309 = arith.constant 0 : i32
        %broadcast_in_dim3A_310 = vector.broadcast %jit3A_309 : i32 to vector<16xi32>
        %select_n3A_311 = arith.select %and3A_306, %add3A_308, %broadcast_in_dim3A_310 : vector<16xi1>, vector<16xi32>
        %reduce_sum3A_312 = arith.constant true
        %reduce_sum3A_313 = vector.broadcast %reduce_sum3A_312 : i1 to vector<16xi1>
        %reduce_sum3A_314 = tpu.scan <sum>, %select_n3A_311 masked %reduce_sum3A_313 : vector<16xi32>, vector<16xi1> -> vector<16xi32>
        %reduce_sum3A_315 = vector.extract %reduce_sum3A_314[15] : i32 from vector<16xi32>
        %add3A_316 = arith.addi %scan3A_128, %reduce_sum3A_315 : i32
        %jit3A_317 = arith.constant 0 : i32
        %broadcast_in_dim3A_318 = vector.broadcast %jit3A_317 : i32 to vector<16xi32>
        %select_n3A_319 = arith.select %and3A_306, %sub3A_302, %broadcast_in_dim3A_318 : vector<16xi1>, vector<16xi32>
        %reduce_sum3A_320 = arith.constant true
        %reduce_sum3A_321 = vector.broadcast %reduce_sum3A_320 : i1 to vector<16xi1>
        %reduce_sum3A_322 = tpu.scan <sum>, %select_n3A_319 masked %reduce_sum3A_321 : vector<16xi32>, vector<16xi1> -> vector<16xi32>
        %reduce_sum3A_323 = vector.extract %reduce_sum3A_322[15] : i32 from vector<16xi32>
        %add3A_324 = arith.addi %scan3A_129, %reduce_sum3A_323 : i32
        %add3A_325 = arith.addi %scan3A_127, %reduce_sum3A_297 : i32
        scf.yield %add3A_325, %add3A_316, %add3A_324 : i32, i32, i32
      }
      %scan3A_31 = arith.constant 16 : i32
      %swap3A = arith.constant 6240 : index
      %swap3A_32 = tpu.vector_load %arg11[%swap3A] {strides = array<i32>} : memref<6272xi32, #tpu.memory_space<vmem>>, vector<16xi32>,
      tpu.vector_store %arg11[%swap3A], %broadcast_in_dim3A_3 {strides = array<i32>} : memref<6272xi32, #tpu.memory_space<vmem>>, vector<16xi32>,
      %parallel_loop3A_33 = arith.constant 0 : i32
      %parallel_loop3A_34 = arith.constant 6250 : i32
      %parallel_loop3A_35 = arith.constant 1 : i32
      scf.for %parallel_loop3A_126 = %parallel_loop3A_33 to %parallel_loop3A_34 step %parallel_loop3A_35  : i32 {
        %parallel_loop3A_127 = arith.constant 16 : i32
        %parallel_loop3A_128 = arith.muli %parallel_loop3A_126, %parallel_loop3A_127 : i32
        %parallel_loop3A_129 = arith.index_cast %parallel_loop3A_128 : i32 to index
        %parallel_loop3A_130 = tpu.vector_load %arg5[%parallel_loop3A_129] {strides = array<i32>} : memref<100000xf32, #tpu.memory_space<vmem>>, vector<16xf32>,
        %parallel_loop3A_131 = tpu.bitcast %parallel_loop3A_130 : vector<16xf32> -> vector<16xi32>
        %parallel_loop3A_132 = arith.constant 31 : i32
        %parallel_loop3A_133 = vector.broadcast %parallel_loop3A_132 : i32 to vector<16xi32>
        %parallel_loop3A_134 = arith.shrui %parallel_loop3A_131, %parallel_loop3A_133 : vector<16xi32>
        %parallel_loop3A_135 = arith.constant 1 : i32
        %parallel_loop3A_136 = vector.broadcast %parallel_loop3A_135 : i32 to vector<16xi32>
        %parallel_loop3A_137 = arith.cmpi eq, %parallel_loop3A_134, %parallel_loop3A_136 : vector<16xi32>
        %parallel_loop3A_138 = arith.constant -1 : i32
        %parallel_loop3A_139 = vector.broadcast %parallel_loop3A_138 : i32 to vector<16xi32>
        %parallel_loop3A_140 = arith.xori %parallel_loop3A_131, %parallel_loop3A_139 : vector<16xi32>
        %parallel_loop3A_141 = arith.constant -2147483648 : i32
        %parallel_loop3A_142 = vector.broadcast %parallel_loop3A_141 : i32 to vector<16xi32>
        %parallel_loop3A_143 = arith.xori %parallel_loop3A_131, %parallel_loop3A_142 : vector<16xi32>
        %parallel_loop3A_144 = arith.select %parallel_loop3A_137, %parallel_loop3A_140, %parallel_loop3A_143 : vector<16xi1>, vector<16xi32>
        %parallel_loop3A_145 = arith.constant 24 : i32
        %parallel_loop3A_146 = vector.broadcast %parallel_loop3A_145 : i32 to vector<16xi32>
        %parallel_loop3A_147 = arith.shrui %parallel_loop3A_144, %parallel_loop3A_146 : vector<16xi32>
        %parallel_loop3A_148 = vector.broadcast %scan3A_30#1 : i32 to vector<16xi32>
        %parallel_loop3A_149 = arith.cmpi uge, %parallel_loop3A_147, %parallel_loop3A_148 : vector<16xi32>
        %parallel_loop3A_150 = tpu.all_reduce %parallel_loop3A_149 {dim = 0 : i64, kind = #tpu.reduction_kind<sum>} : vector<16xi1> -> vector<16xi32>
        %parallel_loop3A_151 = arith.constant 0 : i32
        %parallel_loop3A_152 = vector.broadcast %parallel_loop3A_151 : i32 to vector<16xi32>
        %parallel_loop3A_153 = arith.muli %iota3A, %parallel_loop3A_152 : vector<16xi32>
        %parallel_loop3A_154 = vector.broadcast %parallel_loop3A_126 : i32 to vector<16xi32>
        %parallel_loop3A_155 = arith.addi %parallel_loop3A_153, %parallel_loop3A_154 : vector<16xi32>
        %parallel_loop3A_156 = arith.constant 0 : i32
        %parallel_loop3A_157 = vector.broadcast %parallel_loop3A_156 : i32 to vector<16xi32>
        %parallel_loop3A_158 = arith.cmpi eq, %iota3A, %parallel_loop3A_157 : vector<16xi32>
        tpu.vector_store_idx %arg11[%parallel_loop3A_155], %parallel_loop3A_150 masked %parallel_loop3A_158 : memref<6272xi32, #tpu.memory_space<vmem>>[vector<16xi32>], vector<16xi32>, vector<16xi1>
      } {sc.loop_unroll_factor = 4 : i64, sc.parallel_access}
      %scan3A_36 = arith.constant 0 : i32
      %scan3A_37 = arith.constant 0 : i32
      %scan3A_38 = arith.constant 391 : i32
      %scan3A_39 = arith.addi %scan3A_37, %scan3A_38 : i32
      %scan3A_40 = arith.constant 1 : i32
      %scan3A_41 = scf.for %scan3A_126 = %scan3A_37 to %scan3A_39 step %scan3A_40 iter_args(%scan3A_127 = %scan3A_36) -> (i32)  : i32 {
        %mul3A_128 = arith.constant 16 : i32
        %mul3A_129 = arith.muli %scan3A_126, %mul3A_128 : i32
        %get3A = arith.index_cast %mul3A_129 : i32 to index
        %get3A_130 = tpu.vector_load %arg11[%get3A] {strides = array<i32>} : memref<6272xi32, #tpu.memory_space<vmem>>, vector<16xi32>,
        %reduce_sum3A = arith.constant true
        %reduce_sum3A_131 = vector.broadcast %reduce_sum3A : i1 to vector<16xi1>
        %reduce_sum3A_132 = tpu.scan <sum>, %get3A_130 masked %reduce_sum3A_131 : vector<16xi32>, vector<16xi1> -> vector<16xi32>
        %reduce_sum3A_133 = vector.extract %reduce_sum3A_132[15] : i32 from vector<16xi32>
        %broadcast_in_dim3A_134 = arith.constant true
        %broadcast_in_dim3A_135 = vector.broadcast %broadcast_in_dim3A_134 : i1 to vector<16xi1>
        %masked_cumsum3A = tpu.scan <sum>, %get3A_130 masked %broadcast_in_dim3A_135 : vector<16xi32>, vector<16xi1> -> vector<16xi32>
        %add3A_136 = vector.broadcast %scan3A_127 : i32 to vector<16xi32>
        %add3A_137 = arith.addi %add3A_136, %masked_cumsum3A : vector<16xi32>
        %sub3A_138 = arith.subi %add3A_137, %get3A_130 : vector<16xi32>
        %mul3A_139 = arith.constant 16 : i32
        %mul3A_140 = arith.muli %scan3A_126, %mul3A_139 : i32
        %swap3A_141 = arith.index_cast %mul3A_140 : i32 to index
        %swap3A_142 = tpu.vector_load %arg11[%swap3A_141] {strides = array<i32>} : memref<6272xi32, #tpu.memory_space<vmem>>, vector<16xi32>,
        tpu.vector_store %arg11[%swap3A_141], %sub3A_138 {strides = array<i32>} : memref<6272xi32, #tpu.memory_space<vmem>>, vector<16xi32>,
        %add3A_143 = arith.addi %scan3A_127, %reduce_sum3A_133 : i32
        scf.yield %add3A_143 : i32
      }
      %scan3A_42 = arith.constant 391 : i32
      %parallel_loop3A_43 = arith.constant 0 : i32
      %parallel_loop3A_44 = arith.constant 6250 : i32
      %parallel_loop3A_45 = arith.constant 1 : i32
      scf.for %parallel_loop3A_126 = %parallel_loop3A_43 to %parallel_loop3A_44 step %parallel_loop3A_45  : i32 {
        %parallel_loop3A_127 = arith.constant 16 : i32
        %parallel_loop3A_128 = arith.muli %parallel_loop3A_126, %parallel_loop3A_127 : i32
        %parallel_loop3A_129 = arith.index_cast %parallel_loop3A_128 : i32 to index
        %parallel_loop3A_130 = tpu.vector_load %arg5[%parallel_loop3A_129] {strides = array<i32>} : memref<100000xf32, #tpu.memory_space<vmem>>, vector<16xf32>,
        %parallel_loop3A_131 = tpu.bitcast %parallel_loop3A_130 : vector<16xf32> -> vector<16xi32>
        %parallel_loop3A_132 = arith.constant 31 : i32
        %parallel_loop3A_133 = vector.broadcast %parallel_loop3A_132 : i32 to vector<16xi32>
        %parallel_loop3A_134 = arith.shrui %parallel_loop3A_131, %parallel_loop3A_133 : vector<16xi32>
        %parallel_loop3A_135 = arith.constant 1 : i32
        %parallel_loop3A_136 = vector.broadcast %parallel_loop3A_135 : i32 to vector<16xi32>
        %parallel_loop3A_137 = arith.cmpi eq, %parallel_loop3A_134, %parallel_loop3A_136 : vector<16xi32>
        %parallel_loop3A_138 = arith.constant -1 : i32
        %parallel_loop3A_139 = vector.broadcast %parallel_loop3A_138 : i32 to vector<16xi32>
        %parallel_loop3A_140 = arith.xori %parallel_loop3A_131, %parallel_loop3A_139 : vector<16xi32>
        %parallel_loop3A_141 = arith.constant -2147483648 : i32
        %parallel_loop3A_142 = vector.broadcast %parallel_loop3A_141 : i32 to vector<16xi32>
        %parallel_loop3A_143 = arith.xori %parallel_loop3A_131, %parallel_loop3A_142 : vector<16xi32>
        %parallel_loop3A_144 = arith.select %parallel_loop3A_137, %parallel_loop3A_140, %parallel_loop3A_143 : vector<16xi1>, vector<16xi32>
        %parallel_loop3A_145 = arith.constant 24 : i32
        %parallel_loop3A_146 = vector.broadcast %parallel_loop3A_145 : i32 to vector<16xi32>
        %parallel_loop3A_147 = arith.shrui %parallel_loop3A_144, %parallel_loop3A_146 : vector<16xi32>
        %parallel_loop3A_148 = vector.broadcast %scan3A_30#1 : i32 to vector<16xi32>
        %parallel_loop3A_149 = arith.cmpi uge, %parallel_loop3A_147, %parallel_loop3A_148 : vector<16xi32>
        %parallel_loop3A_150 = arith.index_cast %parallel_loop3A_126 : i32 to index
        %parallel_loop3A_151 = tpu.vector_load %arg11[%parallel_loop3A_150] {strides = array<i32>} : memref<6272xi32, #tpu.memory_space<vmem>>, vector<16xi32>,
        %parallel_loop3A_152 = vector.extract_strided_slice %parallel_loop3A_151 {offsets = [0], sizes = [1], strides = [1]} : vector<16xi32> to vector<1xi32>
        %parallel_loop3A_153 = vector.extract %parallel_loop3A_152[0] : i32 from vector<1xi32>
        %parallel_loop3A_154 = arith.constant 4096 : i32
        %parallel_loop3A_155 = arith.minsi %parallel_loop3A_153, %parallel_loop3A_154 : i32
        %parallel_loop3A_156 = arith.index_cast %parallel_loop3A_155 : i32 to index
        %parallel_loop3A_157 = tpu.vector_load %arg6[%parallel_loop3A_156] masked %parallel_loop3A_149 {strides = array<i32>} : memref<4112xi32, #tpu.memory_space<vmem>>, vector<16xi32>, vector<16xi1>
        tpu.vector_store %arg6[%parallel_loop3A_156], %parallel_loop3A_144 masked %parallel_loop3A_149 {strides = array<i32>} : memref<4112xi32, #tpu.memory_space<vmem>>, vector<16xi32>, vector<16xi1>
        %parallel_loop3A_158 = arith.constant 16 : i32
        %parallel_loop3A_159 = arith.muli %parallel_loop3A_126, %parallel_loop3A_158 : i32
        %parallel_loop3A_160 = vector.broadcast %parallel_loop3A_159 : i32 to vector<16xi32>
        %parallel_loop3A_161 = arith.addi %parallel_loop3A_160, %iota3A : vector<16xi32>
        %parallel_loop3A_162 = arith.index_cast %parallel_loop3A_155 : i32 to index
        %parallel_loop3A_163 = tpu.vector_load %arg7[%parallel_loop3A_162] masked %parallel_loop3A_149 {strides = array<i32>} : memref<4112xi32, #tpu.memory_space<vmem>>, vector<16xi32>, vector<16xi1>
        tpu.vector_store %arg7[%parallel_loop3A_162], %parallel_loop3A_161 masked %parallel_loop3A_149 {strides = array<i32>} : memref<4112xi32, #tpu.memory_space<vmem>>, vector<16xi32>, vector<16xi1>
      } {sc.loop_unroll_factor = 4 : i64, sc.parallel_access}
      %min3A = arith.constant 4096 : i32
      %min3A_46 = arith.minsi %scan3A_41, %min3A : i32
      %add3A_47 = arith.constant 15 : i32
      %add3A_48 = arith.addi %min3A_46, %add3A_47 : i32
      %jit3A = arith.constant 16 : i32
      %div3A = arith.divsi %add3A_48, %jit3A : i32
      %sign3A = arith.constant 0 : i32
      %sign3A_49 = arith.cmpi sgt, %add3A_48, %sign3A : i32
      %sign3A_50 = arith.extui %sign3A_49 : i1 to i32
      %sign3A_51 = arith.constant 0 : i32
      %sign3A_52 = arith.cmpi slt, %add3A_48, %sign3A_51 : i32
      %sign3A_53 = arith.extui %sign3A_52 : i1 to i32
      %sign3A_54 = arith.subi %sign3A_50, %sign3A_53 : i32
      %sign3A_55 = arith.constant 0 : i32
      %sign3A_56 = arith.cmpi sgt, %jit3A, %sign3A_55 : i32
      %sign3A_57 = arith.extui %sign3A_56 : i1 to i32
      %sign3A_58 = arith.constant 0 : i32
      %sign3A_59 = arith.cmpi slt, %jit3A, %sign3A_58 : i32
      %sign3A_60 = arith.extui %sign3A_59 : i1 to i32
      %sign3A_61 = arith.subi %sign3A_57, %sign3A_60 : i32
      %ne3A = arith.cmpi ne, %sign3A_54, %sign3A_61 : i32
      %rem3A = arith.remsi %add3A_48, %jit3A : i32
      %ne3A_62 = arith.constant 0 : i32
      %ne3A_63 = arith.cmpi ne, %rem3A, %ne3A_62 : i32
      %and3A = arith.andi %ne3A, %ne3A_63 : i1
      %sub3A = arith.constant 1 : i32
      %sub3A_64 = arith.subi %div3A, %sub3A : i32
      %select_n3A = arith.select %and3A, %sub3A_64, %div3A : i32
      %scan3A_65 = arith.constant 0 : i32
      %scan3A_66 = arith.constant 0 : i32
      %scan3A_67 = arith.constant 256 : i32
      %scan3A_68 = arith.addi %scan3A_66, %scan3A_67 : i32
      %scan3A_69 = arith.constant 1 : i32
      %scan3A_70 = scf.for %scan3A_126 = %scan3A_66 to %scan3A_68 step %scan3A_69 iter_args(%scan3A_127 = %scan3A_65) -> (i32)  : i32 {
        %mul3A_128 = arith.constant 16 : i32
        %mul3A_129 = arith.muli %scan3A_126, %mul3A_128 : i32
        %swap3A_130 = arith.index_cast %mul3A_129 : i32 to index
        %swap3A_131 = tpu.vector_load %arg8[%swap3A_130] {strides = array<i32>} : memref<4096xi32, #tpu.memory_space<vmem>>, vector<16xi32>,
        tpu.vector_store %arg8[%swap3A_130], %broadcast_in_dim3A_3 {strides = array<i32>} : memref<4096xi32, #tpu.memory_space<vmem>>, vector<16xi32>,
        %scan3A_132 = arith.constant 0 : i32
        scf.yield %scan3A_132 : i32
      }
      %scan3A_71 = arith.constant 256 : i32
      %while3A = arith.constant 0 : i32
      %while3A_72 = arith.constant 0 : i32
      %while3A_73 = arith.subi %select_n3A, %while3A : i32
      %while3A_74 = arith.addi %while3A, %while3A_73 : i32
      %while3A_75 = arith.constant 1 : i32
      %while3A_76 = arith.divsi %while3A_73, %while3A_75 : i32
      %while3A_77 = arith.muli %while3A_76, %while3A_75 : i32
      %while3A_78 = arith.addi %while3A, %while3A_77 : i32
      %while3A_79 = arith.constant 1 : i32
      %while3A_80 = scf.for %while3A_126 = %while3A to %while3A_78 step %while3A_79 iter_args(%while3A_127 = %while3A_72) -> (i32)  : i32 {
        %mul3A_128 = arith.constant 16 : i32
        %mul3A_129 = arith.muli %while3A_126, %mul3A_128 : i32
        %get3A = arith.index_cast %mul3A_129 : i32 to index
        %get3A_130 = tpu.vector_load %arg6[%get3A] {strides = array<i32>} : memref<4112xi32, #tpu.memory_space<vmem>>, vector<16xi32>,
        %mul3A_131 = arith.constant 16 : i32
        %mul3A_132 = arith.muli %while3A_126, %mul3A_131 : i32
        %sub3A_133 = arith.subi %min3A_46, %mul3A_132 : i32
        %lt3A = vector.broadcast %sub3A_133 : i32 to vector<16xi32>
        %lt3A_134 = arith.cmpi slt, %iota3A, %lt3A : vector<16xi32>
        %shift_right_logical3A = arith.constant 24 : i32
        %shift_right_logical3A_135 = vector.broadcast %shift_right_logical3A : i32 to vector<16xi32>
        %shift_right_logical3A_136 = arith.shrui %get3A_130, %shift_right_logical3A_135 : vector<16xi32>
        %eq3A = vector.broadcast %scan3A_30#1 : i32 to vector<16xi32>
        %eq3A_137 = arith.cmpi eq, %shift_right_logical3A_136, %eq3A : vector<16xi32>
        %and3A_138 = arith.andi %lt3A_134, %eq3A_137 : vector<16xi1>
        %shift_right_logical3A_139 = arith.constant 16 : i32
        %shift_right_logical3A_140 = vector.broadcast %shift_right_logical3A_139 : i32 to vector<16xi32>
        %shift_right_logical3A_141 = arith.shrui %get3A_130, %shift_right_logical3A_140 : vector<16xi32>
        %and3A_142 = arith.constant 255 : i32
        %and3A_143 = vector.broadcast %and3A_142 : i32 to vector<16xi32>
        %and3A_144 = arith.andi %shift_right_logical3A_141, %and3A_143 : vector<16xi32>
        %mul3A_145 = arith.constant 16 : i32
        %mul3A_146 = vector.broadcast %mul3A_145 : i32 to vector<16xi32>
        %mul3A_147 = arith.muli %and3A_144, %mul3A_146 : vector<16xi32>
        %add3A_148 = arith.addi %mul3A_147, %iota3A : vector<16xi32>
        tpu.vector_store_idx %arg8[%add3A_148], %broadcast_in_dim3A_1 masked %and3A_138 {add = true} : memref<4096xi32, #tpu.memory_space<vmem>>[vector<16xi32>], vector<16xi32>, vector<16xi1>
        %while3A_149 = arith.constant 0 : i32
        scf.yield %while3A_149 : i32
      }
      %while3A_81 = arith.constant 1 : i32
      %while3A_82 = scf.for %while3A_126 = %while3A_78 to %while3A_74 step %while3A_81 iter_args(%while3A_127 = %while3A_80) -> (i32)  : i32 {
        %mul3A_128 = arith.constant 16 : i32
        %mul3A_129 = arith.muli %while3A_126, %mul3A_128 : i32
        %get3A = arith.index_cast %mul3A_129 : i32 to index
        %get3A_130 = tpu.vector_load %arg6[%get3A] {strides = array<i32>} : memref<4112xi32, #tpu.memory_space<vmem>>, vector<16xi32>,
        %mul3A_131 = arith.constant 16 : i32
        %mul3A_132 = arith.muli %while3A_126, %mul3A_131 : i32
        %sub3A_133 = arith.subi %min3A_46, %mul3A_132 : i32
        %lt3A = vector.broadcast %sub3A_133 : i32 to vector<16xi32>
        %lt3A_134 = arith.cmpi slt, %iota3A, %lt3A : vector<16xi32>
        %shift_right_logical3A = arith.constant 24 : i32
        %shift_right_logical3A_135 = vector.broadcast %shift_right_logical3A : i32 to vector<16xi32>
        %shift_right_logical3A_136 = arith.shrui %get3A_130, %shift_right_logical3A_135 : vector<16xi32>
        %eq3A = vector.broadcast %scan3A_30#1 : i32 to vector<16xi32>
        %eq3A_137 = arith.cmpi eq, %shift_right_logical3A_136, %eq3A : vector<16xi32>
        %and3A_138 = arith.andi %lt3A_134, %eq3A_137 : vector<16xi1>
        %shift_right_logical3A_139 = arith.constant 16 : i32
        %shift_right_logical3A_140 = vector.broadcast %shift_right_logical3A_139 : i32 to vector<16xi32>
        %shift_right_logical3A_141 = arith.shrui %get3A_130, %shift_right_logical3A_140 : vector<16xi32>
        %and3A_142 = arith.constant 255 : i32
        %and3A_143 = vector.broadcast %and3A_142 : i32 to vector<16xi32>
        %and3A_144 = arith.andi %shift_right_logical3A_141, %and3A_143 : vector<16xi32>
        %mul3A_145 = arith.constant 16 : i32
        %mul3A_146 = vector.broadcast %mul3A_145 : i32 to vector<16xi32>
        %mul3A_147 = arith.muli %and3A_144, %mul3A_146 : vector<16xi32>
        %add3A_148 = arith.addi %mul3A_147, %iota3A : vector<16xi32>
        tpu.vector_store_idx %arg8[%add3A_148], %broadcast_in_dim3A_1 masked %and3A_138 {add = true} : memref<4096xi32, #tpu.memory_space<vmem>>[vector<16xi32>], vector<16xi32>, vector<16xi1>
        %while3A_149 = arith.constant 0 : i32
        scf.yield %while3A_149 : i32
      }
      %sub3A_83 = arith.constant 256 : i32
      %sub3A_84 = arith.subi %sub3A_83, %scan3A_30#2 : i32
      %scan3A_85 = arith.constant 0 : i32
      %scan3A_86 = arith.constant 0 : i32
      %scan3A_87 = arith.constant 0 : i32
      %scan3A_88 = arith.constant 0 : i32
      %scan3A_89 = arith.constant 16 : i32
      %scan3A_90 = arith.addi %scan3A_88, %scan3A_89 : i32
      %scan3A_91 = arith.constant 1 : i32
      %scan3A_92:3 = scf.for %scan3A_126 = %scan3A_88 to %scan3A_90 step %scan3A_91 iter_args(%scan3A_127 = %scan3A_85, %scan3A_128 = %scan3A_86, %scan3A_129 = %scan3A_87) -> (i32, i32, i32)  : i32 {
        %sub3A_130 = arith.constant 15 : i32
        %sub3A_131 = arith.subi %sub3A_130, %scan3A_126 : i32
        %mul3A_132 = arith.constant 16 : i32
        %mul3A_133 = arith.muli %sub3A_131, %mul3A_132 : i32
        %broadcast_in_dim3A_134 = arith.constant 0 : i32
        %broadcast_in_dim3A_135 = vector.broadcast %broadcast_in_dim3A_134 : i32 to vector<16xi32>
        %add3A_136 = vector.broadcast %mul3A_133 : i32 to vector<16xi32>
        %add3A_137 = arith.addi %add3A_136, %iota3A : vector<16xi32>
        %mul3A_138 = arith.constant 16 : i32
        %mul3A_139 = vector.broadcast %mul3A_138 : i32 to vector<16xi32>
        %mul3A_140 = arith.muli %add3A_137, %mul3A_139 : vector<16xi32>
        %add3A_141 = arith.constant 0 : i32
        %add3A_142 = vector.broadcast %add3A_141 : i32 to vector<16xi32>
        %add3A_143 = arith.addi %mul3A_140, %add3A_142 : vector<16xi32>
        %gather3A = tpu.vector_load_idx %arg8[%add3A_143] : memref<4096xi32, #tpu.memory_space<vmem>>[vector<16xi32>], vector<16xi32>,
        %add3A_144 = arith.addi %broadcast_in_dim3A_135, %gather3A : vector<16xi32>
        %add3A_145 = vector.broadcast %mul3A_133 : i32 to vector<16xi32>
        %add3A_146 = arith.addi %add3A_145, %iota3A : vector<16xi32>
        %mul3A_147 = arith.constant 16 : i32
        %mul3A_148 = vector.broadcast %mul3A_147 : i32 to vector<16xi32>
        %mul3A_149 = arith.muli %add3A_146, %mul3A_148 : vector<16xi32>
        %add3A_150 = arith.constant 1 : i32
        %add3A_151 = vector.broadcast %add3A_150 : i32 to vector<16xi32>
        %add3A_152 = arith.addi %mul3A_149, %add3A_151 : vector<16xi32>
        %gather3A_153 = tpu.vector_load_idx %arg8[%add3A_152] : memref<4096xi32, #tpu.memory_space<vmem>>[vector<16xi32>], vector<16xi32>,
        %add3A_154 = arith.addi %add3A_144, %gather3A_153 : vector<16xi32>
        %add3A_155 = vector.broadcast %mul3A_133 : i32 to vector<16xi32>
        %add3A_156 = arith.addi %add3A_155, %iota3A : vector<16xi32>
        %mul3A_157 = arith.constant 16 : i32
        %mul3A_158 = vector.broadcast %mul3A_157 : i32 to vector<16xi32>
        %mul3A_159 = arith.muli %add3A_156, %mul3A_158 : vector<16xi32>
        %add3A_160 = arith.constant 2 : i32
        %add3A_161 = vector.broadcast %add3A_160 : i32 to vector<16xi32>
        %add3A_162 = arith.addi %mul3A_159, %add3A_161 : vector<16xi32>
        %gather3A_163 = tpu.vector_load_idx %arg8[%add3A_162] : memref<4096xi32, #tpu.memory_space<vmem>>[vector<16xi32>], vector<16xi32>,
        %add3A_164 = arith.addi %add3A_154, %gather3A_163 : vector<16xi32>
        %add3A_165 = vector.broadcast %mul3A_133 : i32 to vector<16xi32>
        %add3A_166 = arith.addi %add3A_165, %iota3A : vector<16xi32>
        %mul3A_167 = arith.constant 16 : i32
        %mul3A_168 = vector.broadcast %mul3A_167 : i32 to vector<16xi32>
        %mul3A_169 = arith.muli %add3A_166, %mul3A_168 : vector<16xi32>
        %add3A_170 = arith.constant 3 : i32
        %add3A_171 = vector.broadcast %add3A_170 : i32 to vector<16xi32>
        %add3A_172 = arith.addi %mul3A_169, %add3A_171 : vector<16xi32>
        %gather3A_173 = tpu.vector_load_idx %arg8[%add3A_172] : memref<4096xi32, #tpu.memory_space<vmem>>[vector<16xi32>], vector<16xi32>,
        %add3A_174 = arith.addi %add3A_164, %gather3A_173 : vector<16xi32>
        %add3A_175 = vector.broadcast %mul3A_133 : i32 to vector<16xi32>
        %add3A_176 = arith.addi %add3A_175, %iota3A : vector<16xi32>
        %mul3A_177 = arith.constant 16 : i32
        %mul3A_178 = vector.broadcast %mul3A_177 : i32 to vector<16xi32>
        %mul3A_179 = arith.muli %add3A_176, %mul3A_178 : vector<16xi32>
        %add3A_180 = arith.constant 4 : i32
        %add3A_181 = vector.broadcast %add3A_180 : i32 to vector<16xi32>
        %add3A_182 = arith.addi %mul3A_179, %add3A_181 : vector<16xi32>
        %gather3A_183 = tpu.vector_load_idx %arg8[%add3A_182] : memref<4096xi32, #tpu.memory_space<vmem>>[vector<16xi32>], vector<16xi32>,
        %add3A_184 = arith.addi %add3A_174, %gather3A_183 : vector<16xi32>
        %add3A_185 = vector.broadcast %mul3A_133 : i32 to vector<16xi32>
        %add3A_186 = arith.addi %add3A_185, %iota3A : vector<16xi32>
        %mul3A_187 = arith.constant 16 : i32
        %mul3A_188 = vector.broadcast %mul3A_187 : i32 to vector<16xi32>
        %mul3A_189 = arith.muli %add3A_186, %mul3A_188 : vector<16xi32>
        %add3A_190 = arith.constant 5 : i32
        %add3A_191 = vector.broadcast %add3A_190 : i32 to vector<16xi32>
        %add3A_192 = arith.addi %mul3A_189, %add3A_191 : vector<16xi32>
        %gather3A_193 = tpu.vector_load_idx %arg8[%add3A_192] : memref<4096xi32, #tpu.memory_space<vmem>>[vector<16xi32>], vector<16xi32>,
        %add3A_194 = arith.addi %add3A_184, %gather3A_193 : vector<16xi32>
        %add3A_195 = vector.broadcast %mul3A_133 : i32 to vector<16xi32>
        %add3A_196 = arith.addi %add3A_195, %iota3A : vector<16xi32>
        %mul3A_197 = arith.constant 16 : i32
        %mul3A_198 = vector.broadcast %mul3A_197 : i32 to vector<16xi32>
        %mul3A_199 = arith.muli %add3A_196, %mul3A_198 : vector<16xi32>
        %add3A_200 = arith.constant 6 : i32
        %add3A_201 = vector.broadcast %add3A_200 : i32 to vector<16xi32>
        %add3A_202 = arith.addi %mul3A_199, %add3A_201 : vector<16xi32>
        %gather3A_203 = tpu.vector_load_idx %arg8[%add3A_202] : memref<4096xi32, #tpu.memory_space<vmem>>[vector<16xi32>], vector<16xi32>,
        %add3A_204 = arith.addi %add3A_194, %gather3A_203 : vector<16xi32>
        %add3A_205 = vector.broadcast %mul3A_133 : i32 to vector<16xi32>
        %add3A_206 = arith.addi %add3A_205, %iota3A : vector<16xi32>
        %mul3A_207 = arith.constant 16 : i32
        %mul3A_208 = vector.broadcast %mul3A_207 : i32 to vector<16xi32>
        %mul3A_209 = arith.muli %add3A_206, %mul3A_208 : vector<16xi32>
        %add3A_210 = arith.constant 7 : i32
        %add3A_211 = vector.broadcast %add3A_210 : i32 to vector<16xi32>
        %add3A_212 = arith.addi %mul3A_209, %add3A_211 : vector<16xi32>
        %gather3A_213 = tpu.vector_load_idx %arg8[%add3A_212] : memref<4096xi32, #tpu.memory_space<vmem>>[vector<16xi32>], vector<16xi32>,
        %add3A_214 = arith.addi %add3A_204, %gather3A_213 : vector<16xi32>
        %add3A_215 = vector.broadcast %mul3A_133 : i32 to vector<16xi32>
        %add3A_216 = arith.addi %add3A_215, %iota3A : vector<16xi32>
        %mul3A_217 = arith.constant 16 : i32
        %mul3A_218 = vector.broadcast %mul3A_217 : i32 to vector<16xi32>
        %mul3A_219 = arith.muli %add3A_216, %mul3A_218 : vector<16xi32>
        %add3A_220 = arith.constant 8 : i32
        %add3A_221 = vector.broadcast %add3A_220 : i32 to vector<16xi32>
        %add3A_222 = arith.addi %mul3A_219, %add3A_221 : vector<16xi32>
        %gather3A_223 = tpu.vector_load_idx %arg8[%add3A_222] : memref<4096xi32, #tpu.memory_space<vmem>>[vector<16xi32>], vector<16xi32>,
        %add3A_224 = arith.addi %add3A_214, %gather3A_223 : vector<16xi32>
        %add3A_225 = vector.broadcast %mul3A_133 : i32 to vector<16xi32>
        %add3A_226 = arith.addi %add3A_225, %iota3A : vector<16xi32>
        %mul3A_227 = arith.constant 16 : i32
        %mul3A_228 = vector.broadcast %mul3A_227 : i32 to vector<16xi32>
        %mul3A_229 = arith.muli %add3A_226, %mul3A_228 : vector<16xi32>
        %add3A_230 = arith.constant 9 : i32
        %add3A_231 = vector.broadcast %add3A_230 : i32 to vector<16xi32>
        %add3A_232 = arith.addi %mul3A_229, %add3A_231 : vector<16xi32>
        %gather3A_233 = tpu.vector_load_idx %arg8[%add3A_232] : memref<4096xi32, #tpu.memory_space<vmem>>[vector<16xi32>], vector<16xi32>,
        %add3A_234 = arith.addi %add3A_224, %gather3A_233 : vector<16xi32>
        %add3A_235 = vector.broadcast %mul3A_133 : i32 to vector<16xi32>
        %add3A_236 = arith.addi %add3A_235, %iota3A : vector<16xi32>
        %mul3A_237 = arith.constant 16 : i32
        %mul3A_238 = vector.broadcast %mul3A_237 : i32 to vector<16xi32>
        %mul3A_239 = arith.muli %add3A_236, %mul3A_238 : vector<16xi32>
        %add3A_240 = arith.constant 10 : i32
        %add3A_241 = vector.broadcast %add3A_240 : i32 to vector<16xi32>
        %add3A_242 = arith.addi %mul3A_239, %add3A_241 : vector<16xi32>
        %gather3A_243 = tpu.vector_load_idx %arg8[%add3A_242] : memref<4096xi32, #tpu.memory_space<vmem>>[vector<16xi32>], vector<16xi32>,
        %add3A_244 = arith.addi %add3A_234, %gather3A_243 : vector<16xi32>
        %add3A_245 = vector.broadcast %mul3A_133 : i32 to vector<16xi32>
        %add3A_246 = arith.addi %add3A_245, %iota3A : vector<16xi32>
        %mul3A_247 = arith.constant 16 : i32
        %mul3A_248 = vector.broadcast %mul3A_247 : i32 to vector<16xi32>
        %mul3A_249 = arith.muli %add3A_246, %mul3A_248 : vector<16xi32>
        %add3A_250 = arith.constant 11 : i32
        %add3A_251 = vector.broadcast %add3A_250 : i32 to vector<16xi32>
        %add3A_252 = arith.addi %mul3A_249, %add3A_251 : vector<16xi32>
        %gather3A_253 = tpu.vector_load_idx %arg8[%add3A_252] : memref<4096xi32, #tpu.memory_space<vmem>>[vector<16xi32>], vector<16xi32>,
        %add3A_254 = arith.addi %add3A_244, %gather3A_253 : vector<16xi32>
        %add3A_255 = vector.broadcast %mul3A_133 : i32 to vector<16xi32>
        %add3A_256 = arith.addi %add3A_255, %iota3A : vector<16xi32>
        %mul3A_257 = arith.constant 16 : i32
        %mul3A_258 = vector.broadcast %mul3A_257 : i32 to vector<16xi32>
        %mul3A_259 = arith.muli %add3A_256, %mul3A_258 : vector<16xi32>
        %add3A_260 = arith.constant 12 : i32
        %add3A_261 = vector.broadcast %add3A_260 : i32 to vector<16xi32>
        %add3A_262 = arith.addi %mul3A_259, %add3A_261 : vector<16xi32>
        %gather3A_263 = tpu.vector_load_idx %arg8[%add3A_262] : memref<4096xi32, #tpu.memory_space<vmem>>[vector<16xi32>], vector<16xi32>,
        %add3A_264 = arith.addi %add3A_254, %gather3A_263 : vector<16xi32>
        %add3A_265 = vector.broadcast %mul3A_133 : i32 to vector<16xi32>
        %add3A_266 = arith.addi %add3A_265, %iota3A : vector<16xi32>
        %mul3A_267 = arith.constant 16 : i32
        %mul3A_268 = vector.broadcast %mul3A_267 : i32 to vector<16xi32>
        %mul3A_269 = arith.muli %add3A_266, %mul3A_268 : vector<16xi32>
        %add3A_270 = arith.constant 13 : i32
        %add3A_271 = vector.broadcast %add3A_270 : i32 to vector<16xi32>
        %add3A_272 = arith.addi %mul3A_269, %add3A_271 : vector<16xi32>
        %gather3A_273 = tpu.vector_load_idx %arg8[%add3A_272] : memref<4096xi32, #tpu.memory_space<vmem>>[vector<16xi32>], vector<16xi32>,
        %add3A_274 = arith.addi %add3A_264, %gather3A_273 : vector<16xi32>
        %add3A_275 = vector.broadcast %mul3A_133 : i32 to vector<16xi32>
        %add3A_276 = arith.addi %add3A_275, %iota3A : vector<16xi32>
        %mul3A_277 = arith.constant 16 : i32
        %mul3A_278 = vector.broadcast %mul3A_277 : i32 to vector<16xi32>
        %mul3A_279 = arith.muli %add3A_276, %mul3A_278 : vector<16xi32>
        %add3A_280 = arith.constant 14 : i32
        %add3A_281 = vector.broadcast %add3A_280 : i32 to vector<16xi32>
        %add3A_282 = arith.addi %mul3A_279, %add3A_281 : vector<16xi32>
        %gather3A_283 = tpu.vector_load_idx %arg8[%add3A_282] : memref<4096xi32, #tpu.memory_space<vmem>>[vector<16xi32>], vector<16xi32>,
        %add3A_284 = arith.addi %add3A_274, %gather3A_283 : vector<16xi32>
        %add3A_285 = vector.broadcast %mul3A_133 : i32 to vector<16xi32>
        %add3A_286 = arith.addi %add3A_285, %iota3A : vector<16xi32>
        %mul3A_287 = arith.constant 16 : i32
        %mul3A_288 = vector.broadcast %mul3A_287 : i32 to vector<16xi32>
        %mul3A_289 = arith.muli %add3A_286, %mul3A_288 : vector<16xi32>
        %add3A_290 = arith.constant 15 : i32
        %add3A_291 = vector.broadcast %add3A_290 : i32 to vector<16xi32>
        %add3A_292 = arith.addi %mul3A_289, %add3A_291 : vector<16xi32>
        %gather3A_293 = tpu.vector_load_idx %arg8[%add3A_292] : memref<4096xi32, #tpu.memory_space<vmem>>[vector<16xi32>], vector<16xi32>,
        %add3A_294 = arith.addi %add3A_284, %gather3A_293 : vector<16xi32>
        %reduce_sum3A = arith.constant true
        %reduce_sum3A_295 = vector.broadcast %reduce_sum3A : i1 to vector<16xi1>
        %reduce_sum3A_296 = tpu.scan <sum>, %add3A_294 masked %reduce_sum3A_295 : vector<16xi32>, vector<16xi1> -> vector<16xi32>
        %reduce_sum3A_297 = vector.extract %reduce_sum3A_296[15] : i32 from vector<16xi32>
        %broadcast_in_dim3A_298 = arith.constant true
        %broadcast_in_dim3A_299 = vector.broadcast %broadcast_in_dim3A_298 : i1 to vector<16xi1>
        %masked_cumsum3A = tpu.scan <sum>, %add3A_294 masked %broadcast_in_dim3A_299 : vector<16xi32>, vector<16xi1> -> vector<16xi32>
        %add3A_300 = arith.addi %scan3A_127, %reduce_sum3A_297 : i32
        %sub3A_301 = vector.broadcast %add3A_300 : i32 to vector<16xi32>
        %sub3A_302 = arith.subi %sub3A_301, %masked_cumsum3A : vector<16xi32>
        %lt3A = vector.broadcast %sub3A_84 : i32 to vector<16xi32>
        %lt3A_303 = arith.cmpi slt, %sub3A_302, %lt3A : vector<16xi32>
        %add3A_304 = arith.addi %sub3A_302, %add3A_294 : vector<16xi32>
        %ge3A = vector.broadcast %sub3A_84 : i32 to vector<16xi32>
        %ge3A_305 = arith.cmpi sge, %add3A_304, %ge3A : vector<16xi32>
        %and3A_306 = arith.andi %lt3A_303, %ge3A_305 : vector<16xi1>
        %add3A_307 = vector.broadcast %mul3A_133 : i32 to vector<16xi32>
        %add3A_308 = arith.addi %add3A_307, %iota3A : vector<16xi32>
        %jit3A_309 = arith.constant 0 : i32
        %broadcast_in_dim3A_310 = vector.broadcast %jit3A_309 : i32 to vector<16xi32>
        %select_n3A_311 = arith.select %and3A_306, %add3A_308, %broadcast_in_dim3A_310 : vector<16xi1>, vector<16xi32>
        %reduce_sum3A_312 = arith.constant true
        %reduce_sum3A_313 = vector.broadcast %reduce_sum3A_312 : i1 to vector<16xi1>
        %reduce_sum3A_314 = tpu.scan <sum>, %select_n3A_311 masked %reduce_sum3A_313 : vector<16xi32>, vector<16xi1> -> vector<16xi32>
        %reduce_sum3A_315 = vector.extract %reduce_sum3A_314[15] : i32 from vector<16xi32>
        %add3A_316 = arith.addi %scan3A_128, %reduce_sum3A_315 : i32
        %jit3A_317 = arith.constant 0 : i32
        %broadcast_in_dim3A_318 = vector.broadcast %jit3A_317 : i32 to vector<16xi32>
        %select_n3A_319 = arith.select %and3A_306, %sub3A_302, %broadcast_in_dim3A_318 : vector<16xi1>, vector<16xi32>
        %reduce_sum3A_320 = arith.constant true
        %reduce_sum3A_321 = vector.broadcast %reduce_sum3A_320 : i1 to vector<16xi1>
        %reduce_sum3A_322 = tpu.scan <sum>, %select_n3A_319 masked %reduce_sum3A_321 : vector<16xi32>, vector<16xi1> -> vector<16xi32>
        %reduce_sum3A_323 = vector.extract %reduce_sum3A_322[15] : i32 from vector<16xi32>
        %add3A_324 = arith.addi %scan3A_129, %reduce_sum3A_323 : i32
        %add3A_325 = arith.addi %scan3A_127, %reduce_sum3A_297 : i32
        scf.yield %add3A_325, %add3A_316, %add3A_324 : i32, i32, i32
      }
      %scan3A_93 = arith.constant 16 : i32
      %shift_left3A = arith.constant 8 : i32
      %shift_left3A_94 = arith.shli %scan3A_30#1, %shift_left3A : i32
      %or3A = arith.ori %shift_left3A_94, %scan3A_92#1 : i32
      %scan3A_95 = arith.constant 0 : i32
      %scan3A_96 = arith.constant 0 : i32
      %scan3A_97 = arith.constant 65 : i32
      %scan3A_98 = arith.addi %scan3A_96, %scan3A_97 : i32
      %scan3A_99 = arith.constant 1 : i32
      %scan3A_100 = scf.for %scan3A_126 = %scan3A_96 to %scan3A_98 step %scan3A_99 iter_args(%scan3A_127 = %scan3A_95) -> (i32)  : i32 {
        %mul3A_128 = arith.constant 16 : i32
        %mul3A_129 = arith.muli %scan3A_126, %mul3A_128 : i32
        %swap3A_130 = arith.index_cast %mul3A_129 : i32 to index
        %swap3A_131 = tpu.vector_load %arg9[%swap3A_130] {strides = array<i32>} : memref<1040xi32, #tpu.memory_space<vmem>>, vector<16xi32>,
        tpu.vector_store %arg9[%swap3A_130], %broadcast_in_dim3A_5 {strides = array<i32>} : memref<1040xi32, #tpu.memory_space<vmem>>, vector<16xi32>,
        %mul3A_132 = arith.constant 16 : i32
        %mul3A_133 = arith.muli %scan3A_126, %mul3A_132 : i32
        %swap3A_134 = arith.index_cast %mul3A_133 : i32 to index
        %swap3A_135 = tpu.vector_load %arg10[%swap3A_134] {strides = array<i32>} : memref<1040xi32, #tpu.memory_space<vmem>>, vector<16xi32>,
        tpu.vector_store %arg10[%swap3A_134], %broadcast_in_dim3A_3 {strides = array<i32>} : memref<1040xi32, #tpu.memory_space<vmem>>, vector<16xi32>,
        %scan3A_136 = arith.constant 0 : i32
        scf.yield %scan3A_136 : i32
      }
      %scan3A_101 = arith.constant 65 : i32
      %while3A_102 = arith.constant 0 : i32
      %while3A_103 = arith.constant 0 : i32
      %while3A_104 = arith.subi %select_n3A, %while3A_102 : i32
      %while3A_105 = arith.addi %while3A_102, %while3A_104 : i32
      %while3A_106 = arith.constant 1 : i32
      %while3A_107 = arith.divsi %while3A_104, %while3A_106 : i32
      %while3A_108 = arith.muli %while3A_107, %while3A_106 : i32
      %while3A_109 = arith.addi %while3A_102, %while3A_108 : i32
      %while3A_110 = arith.constant 1 : i32
      %while3A_111 = scf.for %while3A_126 = %while3A_102 to %while3A_109 step %while3A_110 iter_args(%while3A_127 = %while3A_103) -> (i32)  : i32 {
        %mul3A_128 = arith.constant 16 : i32
        %mul3A_129 = arith.muli %while3A_126, %mul3A_128 : i32
        %get3A = arith.index_cast %mul3A_129 : i32 to index
        %get3A_130 = tpu.vector_load %arg6[%get3A] {strides = array<i32>} : memref<4112xi32, #tpu.memory_space<vmem>>, vector<16xi32>,
        %mul3A_131 = arith.constant 16 : i32
        %mul3A_132 = arith.muli %while3A_126, %mul3A_131 : i32
        %get3A_133 = arith.index_cast %mul3A_132 : i32 to index
        %get3A_134 = tpu.vector_load %arg7[%get3A_133] {strides = array<i32>} : memref<4112xi32, #tpu.memory_space<vmem>>, vector<16xi32>,
        %mul3A_135 = arith.constant 16 : i32
        %mul3A_136 = arith.muli %while3A_126, %mul3A_135 : i32
        %sub3A_137 = arith.subi %min3A_46, %mul3A_136 : i32
        %lt3A = vector.broadcast %sub3A_137 : i32 to vector<16xi32>
        %lt3A_138 = arith.cmpi slt, %iota3A, %lt3A : vector<16xi32>
        %shift_right_logical3A = arith.constant 16 : i32
        %shift_right_logical3A_139 = vector.broadcast %shift_right_logical3A : i32 to vector<16xi32>
        %shift_right_logical3A_140 = arith.shrui %get3A_130, %shift_right_logical3A_139 : vector<16xi32>
        %gt3A = vector.broadcast %or3A : i32 to vector<16xi32>
        %gt3A_141 = arith.cmpi ugt, %shift_right_logical3A_140, %gt3A : vector<16xi32>
        %and3A_142 = arith.andi %lt3A_138, %gt3A_141 : vector<16xi1>
        %all_reduce_population_count3A = tpu.all_reduce %and3A_142 {dim = 0 : i64, kind = #tpu.reduction_kind<sum>} : vector<16xi1> -> vector<16xi32>
        %slice3A = vector.extract_strided_slice %all_reduce_population_count3A {offsets = [0], sizes = [1], strides = [1]} : vector<16xi32> to vector<1xi32>
        %squeeze3A = vector.extract %slice3A[0] : i32 from vector<1xi32>
        %min3A_143 = arith.constant 1024 : i32
        %min3A_144 = arith.minsi %while3A_127, %min3A_143 : i32
        %swap3A_145 = arith.index_cast %min3A_144 : i32 to index
        %swap3A_146 = tpu.vector_load %arg9[%swap3A_145] masked %and3A_142 {strides = array<i32>} : memref<1040xi32, #tpu.memory_space<vmem>>, vector<16xi32>, vector<16xi1>
        tpu.vector_store %arg9[%swap3A_145], %get3A_130 masked %and3A_142 {strides = array<i32>} : memref<1040xi32, #tpu.memory_space<vmem>>, vector<16xi32>, vector<16xi1>
        %swap3A_147 = arith.index_cast %min3A_144 : i32 to index
        %swap3A_148 = tpu.vector_load %arg10[%swap3A_147] masked %and3A_142 {strides = array<i32>} : memref<1040xi32, #tpu.memory_space<vmem>>, vector<16xi32>, vector<16xi1>
        tpu.vector_store %arg10[%swap3A_147], %get3A_134 masked %and3A_142 {strides = array<i32>} : memref<1040xi32, #tpu.memory_space<vmem>>, vector<16xi32>, vector<16xi1>
        %add3A_149 = arith.addi %while3A_127, %squeeze3A : i32
        scf.yield %add3A_149 : i32
      }
      %while3A_112 = arith.constant 1 : i32
      %while3A_113 = scf.for %while3A_126 = %while3A_109 to %while3A_105 step %while3A_112 iter_args(%while3A_127 = %while3A_111) -> (i32)  : i32 {
        %mul3A_128 = arith.constant 16 : i32
        %mul3A_129 = arith.muli %while3A_126, %mul3A_128 : i32
        %get3A = arith.index_cast %mul3A_129 : i32 to index
        %get3A_130 = tpu.vector_load %arg6[%get3A] {strides = array<i32>} : memref<4112xi32, #tpu.memory_space<vmem>>, vector<16xi32>,
        %mul3A_131 = arith.constant 16 : i32
        %mul3A_132 = arith.muli %while3A_126, %mul3A_131 : i32
        %get3A_133 = arith.index_cast %mul3A_132 : i32 to index
        %get3A_134 = tpu.vector_load %arg7[%get3A_133] {strides = array<i32>} : memref<4112xi32, #tpu.memory_space<vmem>>, vector<16xi32>,
        %mul3A_135 = arith.constant 16 : i32
        %mul3A_136 = arith.muli %while3A_126, %mul3A_135 : i32
        %sub3A_137 = arith.subi %min3A_46, %mul3A_136 : i32
        %lt3A = vector.broadcast %sub3A_137 : i32 to vector<16xi32>
        %lt3A_138 = arith.cmpi slt, %iota3A, %lt3A : vector<16xi32>
        %shift_right_logical3A = arith.constant 16 : i32
        %shift_right_logical3A_139 = vector.broadcast %shift_right_logical3A : i32 to vector<16xi32>
        %shift_right_logical3A_140 = arith.shrui %get3A_130, %shift_right_logical3A_139 : vector<16xi32>
        %gt3A = vector.broadcast %or3A : i32 to vector<16xi32>
        %gt3A_141 = arith.cmpi ugt, %shift_right_logical3A_140, %gt3A : vector<16xi32>
        %and3A_142 = arith.andi %lt3A_138, %gt3A_141 : vector<16xi1>
        %all_reduce_population_count3A = tpu.all_reduce %and3A_142 {dim = 0 : i64, kind = #tpu.reduction_kind<sum>} : vector<16xi1> -> vector<16xi32>
        %slice3A = vector.extract_strided_slice %all_reduce_population_count3A {offsets = [0], sizes = [1], strides = [1]} : vector<16xi32> to vector<1xi32>
        %squeeze3A = vector.extract %slice3A[0] : i32 from vector<1xi32>
        %min3A_143 = arith.constant 1024 : i32
        %min3A_144 = arith.minsi %while3A_127, %min3A_143 : i32
        %swap3A_145 = arith.index_cast %min3A_144 : i32 to index
        %swap3A_146 = tpu.vector_load %arg9[%swap3A_145] masked %and3A_142 {strides = array<i32>} : memref<1040xi32, #tpu.memory_space<vmem>>, vector<16xi32>, vector<16xi1>
        tpu.vector_store %arg9[%swap3A_145], %get3A_130 masked %and3A_142 {strides = array<i32>} : memref<1040xi32, #tpu.memory_space<vmem>>, vector<16xi32>, vector<16xi1>
        %swap3A_147 = arith.index_cast %min3A_144 : i32 to index
        %swap3A_148 = tpu.vector_load %arg10[%swap3A_147] masked %and3A_142 {strides = array<i32>} : memref<1040xi32, #tpu.memory_space<vmem>>, vector<16xi32>, vector<16xi1>
        tpu.vector_store %arg10[%swap3A_147], %get3A_134 masked %and3A_142 {strides = array<i32>} : memref<1040xi32, #tpu.memory_space<vmem>>, vector<16xi32>, vector<16xi1>
        %add3A_149 = arith.addi %while3A_127, %squeeze3A : i32
        scf.yield %add3A_149 : i32
      }
      %while3A_114 = arith.constant 0 : i32
      %while3A_115 = arith.subi %select_n3A, %while3A_114 : i32
      %while3A_116 = arith.addi %while3A_114, %while3A_115 : i32
      %while3A_117 = arith.constant 1 : i32
      %while3A_118 = arith.divsi %while3A_115, %while3A_117 : i32
      %while3A_119 = arith.muli %while3A_118, %while3A_117 : i32
      %while3A_120 = arith.addi %while3A_114, %while3A_119 : i32
      %while3A_121 = arith.constant 1 : i32
      %while3A_122 = scf.for %while3A_126 = %while3A_114 to %while3A_120 step %while3A_121 iter_args(%while3A_127 = %while3A_113) -> (i32)  : i32 {
        %mul3A_128 = arith.constant 16 : i32
        %mul3A_129 = arith.muli %while3A_126, %mul3A_128 : i32
        %get3A = arith.index_cast %mul3A_129 : i32 to index
        %get3A_130 = tpu.vector_load %arg6[%get3A] {strides = array<i32>} : memref<4112xi32, #tpu.memory_space<vmem>>, vector<16xi32>,
        %mul3A_131 = arith.constant 16 : i32
        %mul3A_132 = arith.muli %while3A_126, %mul3A_131 : i32
        %get3A_133 = arith.index_cast %mul3A_132 : i32 to index
        %get3A_134 = tpu.vector_load %arg7[%get3A_133] {strides = array<i32>} : memref<4112xi32, #tpu.memory_space<vmem>>, vector<16xi32>,
        %mul3A_135 = arith.constant 16 : i32
        %mul3A_136 = arith.muli %while3A_126, %mul3A_135 : i32
        %sub3A_137 = arith.subi %min3A_46, %mul3A_136 : i32
        %lt3A = vector.broadcast %sub3A_137 : i32 to vector<16xi32>
        %lt3A_138 = arith.cmpi slt, %iota3A, %lt3A : vector<16xi32>
        %shift_right_logical3A = arith.constant 16 : i32
        %shift_right_logical3A_139 = vector.broadcast %shift_right_logical3A : i32 to vector<16xi32>
        %shift_right_logical3A_140 = arith.shrui %get3A_130, %shift_right_logical3A_139 : vector<16xi32>
        %eq3A = vector.broadcast %or3A : i32 to vector<16xi32>
        %eq3A_141 = arith.cmpi eq, %shift_right_logical3A_140, %eq3A : vector<16xi32>
        %and3A_142 = arith.andi %lt3A_138, %eq3A_141 : vector<16xi1>
        %all_reduce_population_count3A = tpu.all_reduce %and3A_142 {dim = 0 : i64, kind = #tpu.reduction_kind<sum>} : vector<16xi1> -> vector<16xi32>
        %slice3A = vector.extract_strided_slice %all_reduce_population_count3A {offsets = [0], sizes = [1], strides = [1]} : vector<16xi32> to vector<1xi32>
        %squeeze3A = vector.extract %slice3A[0] : i32 from vector<1xi32>
        %min3A_143 = arith.constant 1024 : i32
        %min3A_144 = arith.minsi %while3A_127, %min3A_143 : i32
        %swap3A_145 = arith.index_cast %min3A_144 : i32 to index
        %swap3A_146 = tpu.vector_load %arg9[%swap3A_145] masked %and3A_142 {strides = array<i32>} : memref<1040xi32, #tpu.memory_space<vmem>>, vector<16xi32>, vector<16xi1>
        tpu.vector_store %arg9[%swap3A_145], %get3A_130 masked %and3A_142 {strides = array<i32>} : memref<1040xi32, #tpu.memory_space<vmem>>, vector<16xi32>, vector<16xi1>
        %swap3A_147 = arith.index_cast %min3A_144 : i32 to index
        %swap3A_148 = tpu.vector_load %arg10[%swap3A_147] masked %and3A_142 {strides = array<i32>} : memref<1040xi32, #tpu.memory_space<vmem>>, vector<16xi32>, vector<16xi1>
        tpu.vector_store %arg10[%swap3A_147], %get3A_134 masked %and3A_142 {strides = array<i32>} : memref<1040xi32, #tpu.memory_space<vmem>>, vector<16xi32>, vector<16xi1>
        %add3A_149 = arith.addi %while3A_127, %squeeze3A : i32
        scf.yield %add3A_149 : i32
      }
      %while3A_123 = arith.constant 1 : i32
      %while3A_124 = scf.for %while3A_126 = %while3A_120 to %while3A_116 step %while3A_123 iter_args(%while3A_127 = %while3A_122) -> (i32)  : i32 {
        %mul3A_128 = arith.constant 16 : i32
        %mul3A_129 = arith.muli %while3A_126, %mul3A_128 : i32
        %get3A = arith.index_cast %mul3A_129 : i32 to index
        %get3A_130 = tpu.vector_load %arg6[%get3A] {strides = array<i32>} : memref<4112xi32, #tpu.memory_space<vmem>>, vector<16xi32>,
        %mul3A_131 = arith.constant 16 : i32
        %mul3A_132 = arith.muli %while3A_126, %mul3A_131 : i32
        %get3A_133 = arith.index_cast %mul3A_132 : i32 to index
        %get3A_134 = tpu.vector_load %arg7[%get3A_133] {strides = array<i32>} : memref<4112xi32, #tpu.memory_space<vmem>>, vector<16xi32>,
        %mul3A_135 = arith.constant 16 : i32
        %mul3A_136 = arith.muli %while3A_126, %mul3A_135 : i32
        %sub3A_137 = arith.subi %min3A_46, %mul3A_136 : i32
        %lt3A = vector.broadcast %sub3A_137 : i32 to vector<16xi32>
        %lt3A_138 = arith.cmpi slt, %iota3A, %lt3A : vector<16xi32>
        %shift_right_logical3A = arith.constant 16 : i32
        %shift_right_logical3A_139 = vector.broadcast %shift_right_logical3A : i32 to vector<16xi32>
        %shift_right_logical3A_140 = arith.shrui %get3A_130, %shift_right_logical3A_139 : vector<16xi32>
        %eq3A = vector.broadcast %or3A : i32 to vector<16xi32>
        %eq3A_141 = arith.cmpi eq, %shift_right_logical3A_140, %eq3A : vector<16xi32>
        %and3A_142 = arith.andi %lt3A_138, %eq3A_141 : vector<16xi1>
        %all_reduce_population_count3A = tpu.all_reduce %and3A_142 {dim = 0 : i64, kind = #tpu.reduction_kind<sum>} : vector<16xi1> -> vector<16xi32>
        %slice3A = vector.extract_strided_slice %all_reduce_population_count3A {offsets = [0], sizes = [1], strides = [1]} : vector<16xi32> to vector<1xi32>
        %squeeze3A = vector.extract %slice3A[0] : i32 from vector<1xi32>
        %min3A_143 = arith.constant 1024 : i32
        %min3A_144 = arith.minsi %while3A_127, %min3A_143 : i32
        %swap3A_145 = arith.index_cast %min3A_144 : i32 to index
        %swap3A_146 = tpu.vector_load %arg9[%swap3A_145] masked %and3A_142 {strides = array<i32>} : memref<1040xi32, #tpu.memory_space<vmem>>, vector<16xi32>, vector<16xi1>
        tpu.vector_store %arg9[%swap3A_145], %get3A_130 masked %and3A_142 {strides = array<i32>} : memref<1040xi32, #tpu.memory_space<vmem>>, vector<16xi32>, vector<16xi1>
        %swap3A_147 = arith.index_cast %min3A_144 : i32 to index
        %swap3A_148 = tpu.vector_load %arg10[%swap3A_147] masked %and3A_142 {strides = array<i32>} : memref<1040xi32, #tpu.memory_space<vmem>>, vector<16xi32>, vector<16xi1>
        tpu.vector_store %arg10[%swap3A_147], %get3A_134 masked %and3A_142 {strides = array<i32>} : memref<1040xi32, #tpu.memory_space<vmem>>, vector<16xi32>, vector<16xi1>
        %add3A_149 = arith.addi %while3A_127, %squeeze3A : i32
        scf.yield %add3A_149 : i32
      }
      "tpu.region"() ({
        %run_scoped3A = tpu.sem_alloc : memref<!tpu.dma_semaphore, #tpu.memory_space<semaphore_mem>>
        %dma_start3A = arith.constant 0 : i32
        %dma_start3A_126 = tpu.memref_slice %arg9[%dma_start3A] : memref<1040xi32, #tpu.memory_space<vmem>> -> memref<1024xi32, #tpu.memory_space<vmem>>
        %dma_start3A_127 = arith.constant 0 : i32
        %dma_start3A_128 = tpu.memref_slice %arg3[%add3A_16, %dma_start3A_127] : memref<128x1024xi32, #tpu.memory_space<hbm>> -> memref<1x1024xi32, #tpu.memory_space<hbm>>
        %dma_start3A_129 = tpu.memref_squeeze %dma_start3A_128 : memref<1x1024xi32, #tpu.memory_space<hbm>> -> memref<1024xi32, #tpu.memory_space<hbm>>
        %dma_start3A_130 = arith.constant 0 : i32
        %dma_start3A_131 = tpu.memref_slice %arg3[%add3A_16, %dma_start3A_130] : memref<128x1024xi32, #tpu.memory_space<hbm>> -> memref<1x1024xi32, #tpu.memory_space<hbm>>
        %dma_start3A_132 = tpu.memref_squeeze %dma_start3A_131 : memref<1x1024xi32, #tpu.memory_space<hbm>> -> memref<1024xi32, #tpu.memory_space<hbm>>
        %dma_start3A_133 = arith.constant 0 : i32
        %dma_start3A_134 = tpu.memref_slice %arg9[%dma_start3A_133] : memref<1040xi32, #tpu.memory_space<vmem>> -> memref<1024xi32, #tpu.memory_space<vmem>>
        tpu.enqueue_dma source(%dma_start3A_134 : memref<1024xi32, #tpu.memory_space<vmem>>) target(%dma_start3A_132 : memref<1024xi32, #tpu.memory_space<hbm>>) target_semaphore(%run_scoped3A : memref<!tpu.dma_semaphore, #tpu.memory_space<semaphore_mem>>)
        %dma_wait3A = arith.constant 0 : i32
        %dma_wait3A_135 = tpu.memref_slice %arg9[%dma_wait3A] : memref<1040xi32, #tpu.memory_space<vmem>> -> memref<1024xi32, #tpu.memory_space<vmem>>
        %dma_wait3A_136 = arith.constant 0 : i32
        %dma_wait3A_137 = tpu.memref_slice %arg3[%add3A_16, %dma_wait3A_136] : memref<128x1024xi32, #tpu.memory_space<hbm>> -> memref<1x1024xi32, #tpu.memory_space<hbm>>
        %dma_wait3A_138 = tpu.memref_squeeze %dma_wait3A_137 : memref<1x1024xi32, #tpu.memory_space<hbm>> -> memref<1024xi32, #tpu.memory_space<hbm>>
        %dma_wait3A_139 = arith.constant 0 : i32
        %dma_wait3A_140 = tpu.memref_slice %arg3[%add3A_16, %dma_wait3A_139] : memref<128x1024xi32, #tpu.memory_space<hbm>> -> memref<1x1024xi32, #tpu.memory_space<hbm>>
        %dma_wait3A_141 = tpu.memref_squeeze %dma_wait3A_140 : memref<1x1024xi32, #tpu.memory_space<hbm>> -> memref<1024xi32, #tpu.memory_space<hbm>>
        %dma_wait3A_142 = arith.constant 0 : i32
        %dma_wait3A_143 = tpu.memref_slice %arg9[%dma_wait3A_142] : memref<1040xi32, #tpu.memory_space<vmem>> -> memref<1024xi32, #tpu.memory_space<vmem>>
        tpu.wait_dma2 semaphore(%run_scoped3A : memref<!tpu.dma_semaphore, #tpu.memory_space<semaphore_mem>>) src(%dma_wait3A_143 : memref<1024xi32, #tpu.memory_space<vmem>>) dst(%dma_wait3A_141 : memref<1024xi32, #tpu.memory_space<hbm>>)
        tpu.yield
      }) : () -> ()
      "tpu.region"() ({
        %run_scoped3A = tpu.sem_alloc : memref<!tpu.dma_semaphore, #tpu.memory_space<semaphore_mem>>
        %dma_start3A = arith.constant 0 : i32
        %dma_start3A_126 = tpu.memref_slice %arg10[%dma_start3A] : memref<1040xi32, #tpu.memory_space<vmem>> -> memref<1024xi32, #tpu.memory_space<vmem>>
        %dma_start3A_127 = arith.constant 0 : i32
        %dma_start3A_128 = tpu.memref_slice %arg4[%add3A_16, %dma_start3A_127] : memref<128x1024xi32, #tpu.memory_space<hbm>> -> memref<1x1024xi32, #tpu.memory_space<hbm>>
        %dma_start3A_129 = tpu.memref_squeeze %dma_start3A_128 : memref<1x1024xi32, #tpu.memory_space<hbm>> -> memref<1024xi32, #tpu.memory_space<hbm>>
        %dma_start3A_130 = arith.constant 0 : i32
        %dma_start3A_131 = tpu.memref_slice %arg4[%add3A_16, %dma_start3A_130] : memref<128x1024xi32, #tpu.memory_space<hbm>> -> memref<1x1024xi32, #tpu.memory_space<hbm>>
        %dma_start3A_132 = tpu.memref_squeeze %dma_start3A_131 : memref<1x1024xi32, #tpu.memory_space<hbm>> -> memref<1024xi32, #tpu.memory_space<hbm>>
        %dma_start3A_133 = arith.constant 0 : i32
        %dma_start3A_134 = tpu.memref_slice %arg10[%dma_start3A_133] : memref<1040xi32, #tpu.memory_space<vmem>> -> memref<1024xi32, #tpu.memory_space<vmem>>
        tpu.enqueue_dma source(%dma_start3A_134 : memref<1024xi32, #tpu.memory_space<vmem>>) target(%dma_start3A_132 : memref<1024xi32, #tpu.memory_space<hbm>>) target_semaphore(%run_scoped3A : memref<!tpu.dma_semaphore, #tpu.memory_space<semaphore_mem>>)
        %dma_wait3A = arith.constant 0 : i32
        %dma_wait3A_135 = tpu.memref_slice %arg10[%dma_wait3A] : memref<1040xi32, #tpu.memory_space<vmem>> -> memref<1024xi32, #tpu.memory_space<vmem>>
        %dma_wait3A_136 = arith.constant 0 : i32
        %dma_wait3A_137 = tpu.memref_slice %arg4[%add3A_16, %dma_wait3A_136] : memref<128x1024xi32, #tpu.memory_space<hbm>> -> memref<1x1024xi32, #tpu.memory_space<hbm>>
        %dma_wait3A_138 = tpu.memref_squeeze %dma_wait3A_137 : memref<1x1024xi32, #tpu.memory_space<hbm>> -> memref<1024xi32, #tpu.memory_space<hbm>>
        %dma_wait3A_139 = arith.constant 0 : i32
        %dma_wait3A_140 = tpu.memref_slice %arg4[%add3A_16, %dma_wait3A_139] : memref<128x1024xi32, #tpu.memory_space<hbm>> -> memref<1x1024xi32, #tpu.memory_space<hbm>>
        %dma_wait3A_141 = tpu.memref_squeeze %dma_wait3A_140 : memref<1x1024xi32, #tpu.memory_space<hbm>> -> memref<1024xi32, #tpu.memory_space<hbm>>
        %dma_wait3A_142 = arith.constant 0 : i32
        %dma_wait3A_143 = tpu.memref_slice %arg10[%dma_wait3A_142] : memref<1040xi32, #tpu.memory_space<vmem>> -> memref<1024xi32, #tpu.memory_space<vmem>>
        tpu.wait_dma2 semaphore(%run_scoped3A : memref<!tpu.dma_semaphore, #tpu.memory_space<semaphore_mem>>) src(%dma_wait3A_143 : memref<1024xi32, #tpu.memory_space<vmem>>) dst(%dma_wait3A_141 : memref<1024xi32, #tpu.memory_space<hbm>>)
        tpu.yield
      }) : () -> ()
      %scan3A_125 = arith.constant 0 : i32
      scf.yield %scan3A_125 : i32
    }
    %scan3A_11 = arith.constant 4 : i32
    return
  }
}

module attributes {stable_mosaic.version = 14 : i64} {
  func.func @_tc_sample_body(%arg0: memref<128x1024xi32, #tpu.memory_space<vmem>>, %arg1: memref<128x1024xi32, #tpu.memory_space<vmem>>, %arg2: memref<128x1xf32, #tpu.memory_space<vmem>>, %arg3: memref<128x1xf32, #tpu.memory_space<vmem>>, %arg4: memref<128x1xf32, #tpu.memory_space<vmem>>, %arg5: memref<128x1xf32, #tpu.memory_space<vmem>>, %arg6: memref<128x1xi32, #tpu.memory_space<vmem>>) attributes {dimension_semantics = [], scalar_prefetch = 0 : i64, scratch_operands = 0 : i64, tpu.core_type = #tpu.core_type<tc>} {
    %get3A = arith.constant 0 : index
    %get3A_0 = arith.constant 0 : index
    %get3A_1 = vector.load %arg0[%get3A, %get3A_0] : memref<128x1024xi32, #tpu.memory_space<vmem>>, vector<128x1024xi32>
    %bitcast_convert_type3A = tpu.bitcast %get3A_1 : vector<128x1024xi32> -> vector<128x1024xi32>
    %xor3A = arith.constant -2147483648 : i32
    %xor3A_2 = vector.broadcast %xor3A : i32 to vector<128x1024xi32>
    %xor3A_3 = arith.xori %bitcast_convert_type3A, %xor3A_2 : vector<128x1024xi32>
    %not3A = arith.constant dense<-1> : vector<128x1024xi32>
    %not3A_4 = arith.xori %xor3A_3, %not3A : vector<128x1024xi32>
    %get3A_5 = arith.constant 0 : index
    %get3A_6 = arith.constant 0 : index
    %get3A_7 = vector.load %arg1[%get3A_5, %get3A_6] : memref<128x1024xi32, #tpu.memory_space<vmem>>, vector<128x1024xi32>
    %iota3A = tpu.iota {dimensions = array<i32: 1>} : vector<128x1024xi32>
    %and3A = arith.constant 1 : i32
    %and3A_8 = vector.broadcast %and3A : i32 to vector<128x1024xi32>
    %and3A_9 = arith.andi %iota3A, %and3A_8 : vector<128x1024xi32>
    %eq3A = arith.constant 0 : i32
    %eq3A_10 = vector.broadcast %eq3A : i32 to vector<128x1024xi32>
    %eq3A_11 = arith.cmpi eq, %and3A_9, %eq3A_10 : vector<128x1024xi32>
    %roll3A = arith.constant 1023 : i32
    %roll3A_12 = tpu.dynamic_rotate %not3A_4 by %roll3A dim 1 : vector<128x1024xi32>, i32 -> vector<128x1024xi32>
    %roll3A_13 = arith.constant 1 : i32
    %roll3A_14 = tpu.dynamic_rotate %not3A_4 by %roll3A_13 dim 1 : vector<128x1024xi32>, i32 -> vector<128x1024xi32>
    %select_n3A = arith.select %eq3A_11, %roll3A_12, %roll3A_14 : vector<128x1024xi1>, vector<128x1024xi32>
    %roll3A_15 = arith.constant 1023 : i32
    %roll3A_16 = tpu.dynamic_rotate %get3A_7 by %roll3A_15 dim 1 : vector<128x1024xi32>, i32 -> vector<128x1024xi32>
    %roll3A_17 = arith.constant 1 : i32
    %roll3A_18 = tpu.dynamic_rotate %get3A_7 by %roll3A_17 dim 1 : vector<128x1024xi32>, i32 -> vector<128x1024xi32>
    %select_n3A_19 = arith.select %eq3A_11, %roll3A_16, %roll3A_18 : vector<128x1024xi1>, vector<128x1024xi32>
    %lt3A = arith.cmpi slt, %not3A_4, %select_n3A : vector<128x1024xi32>
    %eq3A_20 = arith.cmpi eq, %not3A_4, %select_n3A : vector<128x1024xi32>
    %lt3A_21 = arith.cmpi slt, %get3A_7, %select_n3A_19 : vector<128x1024xi32>
    %and3A_22 = arith.andi %eq3A_20, %lt3A_21 : vector<128x1024xi1>
    %or3A = arith.ori %lt3A, %and3A_22 : vector<128x1024xi1>
    %and3A_23 = arith.constant 2 : i32
    %and3A_24 = vector.broadcast %and3A_23 : i32 to vector<128x1024xi32>
    %and3A_25 = arith.andi %iota3A, %and3A_24 : vector<128x1024xi32>
    %eq3A_26 = arith.constant 0 : i32
    %eq3A_27 = vector.broadcast %eq3A_26 : i32 to vector<128x1024xi32>
    %eq3A_28 = arith.cmpi eq, %and3A_25, %eq3A_27 : vector<128x1024xi32>
    %eq3A_29 = arith.xori %eq3A_11, %or3A : vector<128x1024xi1>
    %eq3A_30 = arith.constant dense<true> : vector<128x1024xi1>
    %eq3A_31 = arith.xori %eq3A_29, %eq3A_30 : vector<128x1024xi1>
    %eq3A_32 = arith.xori %eq3A_28, %eq3A_31 : vector<128x1024xi1>
    %eq3A_33 = arith.constant dense<true> : vector<128x1024xi1>
    %eq3A_34 = arith.xori %eq3A_32, %eq3A_33 : vector<128x1024xi1>
    %select_n3A_35 = arith.select %eq3A_34, %not3A_4, %select_n3A : vector<128x1024xi1>, vector<128x1024xi32>
    %select_n3A_36 = arith.select %eq3A_34, %get3A_7, %select_n3A_19 : vector<128x1024xi1>, vector<128x1024xi32>
    %and3A_37 = arith.constant 2 : i32
    %and3A_38 = vector.broadcast %and3A_37 : i32 to vector<128x1024xi32>
    %and3A_39 = arith.andi %iota3A, %and3A_38 : vector<128x1024xi32>
    %eq3A_40 = arith.constant 0 : i32
    %eq3A_41 = vector.broadcast %eq3A_40 : i32 to vector<128x1024xi32>
    %eq3A_42 = arith.cmpi eq, %and3A_39, %eq3A_41 : vector<128x1024xi32>
    %roll3A_43 = arith.constant 1022 : i32
    %roll3A_44 = tpu.dynamic_rotate %select_n3A_35 by %roll3A_43 dim 1 : vector<128x1024xi32>, i32 -> vector<128x1024xi32>
    %roll3A_45 = arith.constant 2 : i32
    %roll3A_46 = tpu.dynamic_rotate %select_n3A_35 by %roll3A_45 dim 1 : vector<128x1024xi32>, i32 -> vector<128x1024xi32>
    %select_n3A_47 = arith.select %eq3A_42, %roll3A_44, %roll3A_46 : vector<128x1024xi1>, vector<128x1024xi32>
    %roll3A_48 = arith.constant 1022 : i32
    %roll3A_49 = tpu.dynamic_rotate %select_n3A_36 by %roll3A_48 dim 1 : vector<128x1024xi32>, i32 -> vector<128x1024xi32>
    %roll3A_50 = arith.constant 2 : i32
    %roll3A_51 = tpu.dynamic_rotate %select_n3A_36 by %roll3A_50 dim 1 : vector<128x1024xi32>, i32 -> vector<128x1024xi32>
    %select_n3A_52 = arith.select %eq3A_42, %roll3A_49, %roll3A_51 : vector<128x1024xi1>, vector<128x1024xi32>
    %lt3A_53 = arith.cmpi slt, %select_n3A_35, %select_n3A_47 : vector<128x1024xi32>
    %eq3A_54 = arith.cmpi eq, %select_n3A_35, %select_n3A_47 : vector<128x1024xi32>
    %lt3A_55 = arith.cmpi slt, %select_n3A_36, %select_n3A_52 : vector<128x1024xi32>
    %and3A_56 = arith.andi %eq3A_54, %lt3A_55 : vector<128x1024xi1>
    %or3A_57 = arith.ori %lt3A_53, %and3A_56 : vector<128x1024xi1>
    %and3A_58 = arith.constant 4 : i32
    %and3A_59 = vector.broadcast %and3A_58 : i32 to vector<128x1024xi32>
    %and3A_60 = arith.andi %iota3A, %and3A_59 : vector<128x1024xi32>
    %eq3A_61 = arith.constant 0 : i32
    %eq3A_62 = vector.broadcast %eq3A_61 : i32 to vector<128x1024xi32>
    %eq3A_63 = arith.cmpi eq, %and3A_60, %eq3A_62 : vector<128x1024xi32>
    %eq3A_64 = arith.xori %eq3A_42, %or3A_57 : vector<128x1024xi1>
    %eq3A_65 = arith.constant dense<true> : vector<128x1024xi1>
    %eq3A_66 = arith.xori %eq3A_64, %eq3A_65 : vector<128x1024xi1>
    %eq3A_67 = arith.xori %eq3A_63, %eq3A_66 : vector<128x1024xi1>
    %eq3A_68 = arith.constant dense<true> : vector<128x1024xi1>
    %eq3A_69 = arith.xori %eq3A_67, %eq3A_68 : vector<128x1024xi1>
    %select_n3A_70 = arith.select %eq3A_69, %select_n3A_35, %select_n3A_47 : vector<128x1024xi1>, vector<128x1024xi32>
    %select_n3A_71 = arith.select %eq3A_69, %select_n3A_36, %select_n3A_52 : vector<128x1024xi1>, vector<128x1024xi32>
    %and3A_72 = arith.constant 1 : i32
    %and3A_73 = vector.broadcast %and3A_72 : i32 to vector<128x1024xi32>
    %and3A_74 = arith.andi %iota3A, %and3A_73 : vector<128x1024xi32>
    %eq3A_75 = arith.constant 0 : i32
    %eq3A_76 = vector.broadcast %eq3A_75 : i32 to vector<128x1024xi32>
    %eq3A_77 = arith.cmpi eq, %and3A_74, %eq3A_76 : vector<128x1024xi32>
    %roll3A_78 = arith.constant 1023 : i32
    %roll3A_79 = tpu.dynamic_rotate %select_n3A_70 by %roll3A_78 dim 1 : vector<128x1024xi32>, i32 -> vector<128x1024xi32>
    %roll3A_80 = arith.constant 1 : i32
    %roll3A_81 = tpu.dynamic_rotate %select_n3A_70 by %roll3A_80 dim 1 : vector<128x1024xi32>, i32 -> vector<128x1024xi32>
    %select_n3A_82 = arith.select %eq3A_77, %roll3A_79, %roll3A_81 : vector<128x1024xi1>, vector<128x1024xi32>
    %roll3A_83 = arith.constant 1023 : i32
    %roll3A_84 = tpu.dynamic_rotate %select_n3A_71 by %roll3A_83 dim 1 : vector<128x1024xi32>, i32 -> vector<128x1024xi32>
    %roll3A_85 = arith.constant 1 : i32
    %roll3A_86 = tpu.dynamic_rotate %select_n3A_71 by %roll3A_85 dim 1 : vector<128x1024xi32>, i32 -> vector<128x1024xi32>
    %select_n3A_87 = arith.select %eq3A_77, %roll3A_84, %roll3A_86 : vector<128x1024xi1>, vector<128x1024xi32>
    %lt3A_88 = arith.cmpi slt, %select_n3A_70, %select_n3A_82 : vector<128x1024xi32>
    %eq3A_89 = arith.cmpi eq, %select_n3A_70, %select_n3A_82 : vector<128x1024xi32>
    %lt3A_90 = arith.cmpi slt, %select_n3A_71, %select_n3A_87 : vector<128x1024xi32>
    %and3A_91 = arith.andi %eq3A_89, %lt3A_90 : vector<128x1024xi1>
    %or3A_92 = arith.ori %lt3A_88, %and3A_91 : vector<128x1024xi1>
    %and3A_93 = arith.constant 4 : i32
    %and3A_94 = vector.broadcast %and3A_93 : i32 to vector<128x1024xi32>
    %and3A_95 = arith.andi %iota3A, %and3A_94 : vector<128x1024xi32>
    %eq3A_96 = arith.constant 0 : i32
    %eq3A_97 = vector.broadcast %eq3A_96 : i32 to vector<128x1024xi32>
    %eq3A_98 = arith.cmpi eq, %and3A_95, %eq3A_97 : vector<128x1024xi32>
    %eq3A_99 = arith.xori %eq3A_77, %or3A_92 : vector<128x1024xi1>
    %eq3A_100 = arith.constant dense<true> : vector<128x1024xi1>
    %eq3A_101 = arith.xori %eq3A_99, %eq3A_100 : vector<128x1024xi1>
    %eq3A_102 = arith.xori %eq3A_98, %eq3A_101 : vector<128x1024xi1>
    %eq3A_103 = arith.constant dense<true> : vector<128x1024xi1>
    %eq3A_104 = arith.xori %eq3A_102, %eq3A_103 : vector<128x1024xi1>
    %select_n3A_105 = arith.select %eq3A_104, %select_n3A_70, %select_n3A_82 : vector<128x1024xi1>, vector<128x1024xi32>
    %select_n3A_106 = arith.select %eq3A_104, %select_n3A_71, %select_n3A_87 : vector<128x1024xi1>, vector<128x1024xi32>
    %and3A_107 = arith.constant 4 : i32
    %and3A_108 = vector.broadcast %and3A_107 : i32 to vector<128x1024xi32>
    %and3A_109 = arith.andi %iota3A, %and3A_108 : vector<128x1024xi32>
    %eq3A_110 = arith.constant 0 : i32
    %eq3A_111 = vector.broadcast %eq3A_110 : i32 to vector<128x1024xi32>
    %eq3A_112 = arith.cmpi eq, %and3A_109, %eq3A_111 : vector<128x1024xi32>
    %roll3A_113 = arith.constant 1020 : i32
    %roll3A_114 = tpu.dynamic_rotate %select_n3A_105 by %roll3A_113 dim 1 : vector<128x1024xi32>, i32 -> vector<128x1024xi32>
    %roll3A_115 = arith.constant 4 : i32
    %roll3A_116 = tpu.dynamic_rotate %select_n3A_105 by %roll3A_115 dim 1 : vector<128x1024xi32>, i32 -> vector<128x1024xi32>
    %select_n3A_117 = arith.select %eq3A_112, %roll3A_114, %roll3A_116 : vector<128x1024xi1>, vector<128x1024xi32>
    %roll3A_118 = arith.constant 1020 : i32
    %roll3A_119 = tpu.dynamic_rotate %select_n3A_106 by %roll3A_118 dim 1 : vector<128x1024xi32>, i32 -> vector<128x1024xi32>
    %roll3A_120 = arith.constant 4 : i32
    %roll3A_121 = tpu.dynamic_rotate %select_n3A_106 by %roll3A_120 dim 1 : vector<128x1024xi32>, i32 -> vector<128x1024xi32>
    %select_n3A_122 = arith.select %eq3A_112, %roll3A_119, %roll3A_121 : vector<128x1024xi1>, vector<128x1024xi32>
    %lt3A_123 = arith.cmpi slt, %select_n3A_105, %select_n3A_117 : vector<128x1024xi32>
    %eq3A_124 = arith.cmpi eq, %select_n3A_105, %select_n3A_117 : vector<128x1024xi32>
    %lt3A_125 = arith.cmpi slt, %select_n3A_106, %select_n3A_122 : vector<128x1024xi32>
    %and3A_126 = arith.andi %eq3A_124, %lt3A_125 : vector<128x1024xi1>
    %or3A_127 = arith.ori %lt3A_123, %and3A_126 : vector<128x1024xi1>
    %and3A_128 = arith.constant 8 : i32
    %and3A_129 = vector.broadcast %and3A_128 : i32 to vector<128x1024xi32>
    %and3A_130 = arith.andi %iota3A, %and3A_129 : vector<128x1024xi32>
    %eq3A_131 = arith.constant 0 : i32
    %eq3A_132 = vector.broadcast %eq3A_131 : i32 to vector<128x1024xi32>
    %eq3A_133 = arith.cmpi eq, %and3A_130, %eq3A_132 : vector<128x1024xi32>
    %eq3A_134 = arith.xori %eq3A_112, %or3A_127 : vector<128x1024xi1>
    %eq3A_135 = arith.constant dense<true> : vector<128x1024xi1>
    %eq3A_136 = arith.xori %eq3A_134, %eq3A_135 : vector<128x1024xi1>
    %eq3A_137 = arith.xori %eq3A_133, %eq3A_136 : vector<128x1024xi1>
    %eq3A_138 = arith.constant dense<true> : vector<128x1024xi1>
    %eq3A_139 = arith.xori %eq3A_137, %eq3A_138 : vector<128x1024xi1>
    %select_n3A_140 = arith.select %eq3A_139, %select_n3A_105, %select_n3A_117 : vector<128x1024xi1>, vector<128x1024xi32>
    %select_n3A_141 = arith.select %eq3A_139, %select_n3A_106, %select_n3A_122 : vector<128x1024xi1>, vector<128x1024xi32>
    %and3A_142 = arith.constant 2 : i32
    %and3A_143 = vector.broadcast %and3A_142 : i32 to vector<128x1024xi32>
    %and3A_144 = arith.andi %iota3A, %and3A_143 : vector<128x1024xi32>
    %eq3A_145 = arith.constant 0 : i32
    %eq3A_146 = vector.broadcast %eq3A_145 : i32 to vector<128x1024xi32>
    %eq3A_147 = arith.cmpi eq, %and3A_144, %eq3A_146 : vector<128x1024xi32>
    %roll3A_148 = arith.constant 1022 : i32
    %roll3A_149 = tpu.dynamic_rotate %select_n3A_140 by %roll3A_148 dim 1 : vector<128x1024xi32>, i32 -> vector<128x1024xi32>
    %roll3A_150 = arith.constant 2 : i32
    %roll3A_151 = tpu.dynamic_rotate %select_n3A_140 by %roll3A_150 dim 1 : vector<128x1024xi32>, i32 -> vector<128x1024xi32>
    %select_n3A_152 = arith.select %eq3A_147, %roll3A_149, %roll3A_151 : vector<128x1024xi1>, vector<128x1024xi32>
    %roll3A_153 = arith.constant 1022 : i32
    %roll3A_154 = tpu.dynamic_rotate %select_n3A_141 by %roll3A_153 dim 1 : vector<128x1024xi32>, i32 -> vector<128x1024xi32>
    %roll3A_155 = arith.constant 2 : i32
    %roll3A_156 = tpu.dynamic_rotate %select_n3A_141 by %roll3A_155 dim 1 : vector<128x1024xi32>, i32 -> vector<128x1024xi32>
    %select_n3A_157 = arith.select %eq3A_147, %roll3A_154, %roll3A_156 : vector<128x1024xi1>, vector<128x1024xi32>
    %lt3A_158 = arith.cmpi slt, %select_n3A_140, %select_n3A_152 : vector<128x1024xi32>
    %eq3A_159 = arith.cmpi eq, %select_n3A_140, %select_n3A_152 : vector<128x1024xi32>
    %lt3A_160 = arith.cmpi slt, %select_n3A_141, %select_n3A_157 : vector<128x1024xi32>
    %and3A_161 = arith.andi %eq3A_159, %lt3A_160 : vector<128x1024xi1>
    %or3A_162 = arith.ori %lt3A_158, %and3A_161 : vector<128x1024xi1>
    %and3A_163 = arith.constant 8 : i32
    %and3A_164 = vector.broadcast %and3A_163 : i32 to vector<128x1024xi32>
    %and3A_165 = arith.andi %iota3A, %and3A_164 : vector<128x1024xi32>
    %eq3A_166 = arith.constant 0 : i32
    %eq3A_167 = vector.broadcast %eq3A_166 : i32 to vector<128x1024xi32>
    %eq3A_168 = arith.cmpi eq, %and3A_165, %eq3A_167 : vector<128x1024xi32>
    %eq3A_169 = arith.xori %eq3A_147, %or3A_162 : vector<128x1024xi1>
    %eq3A_170 = arith.constant dense<true> : vector<128x1024xi1>
    %eq3A_171 = arith.xori %eq3A_169, %eq3A_170 : vector<128x1024xi1>
    %eq3A_172 = arith.xori %eq3A_168, %eq3A_171 : vector<128x1024xi1>
    %eq3A_173 = arith.constant dense<true> : vector<128x1024xi1>
    %eq3A_174 = arith.xori %eq3A_172, %eq3A_173 : vector<128x1024xi1>
    %select_n3A_175 = arith.select %eq3A_174, %select_n3A_140, %select_n3A_152 : vector<128x1024xi1>, vector<128x1024xi32>
    %select_n3A_176 = arith.select %eq3A_174, %select_n3A_141, %select_n3A_157 : vector<128x1024xi1>, vector<128x1024xi32>
    %and3A_177 = arith.constant 1 : i32
    %and3A_178 = vector.broadcast %and3A_177 : i32 to vector<128x1024xi32>
    %and3A_179 = arith.andi %iota3A, %and3A_178 : vector<128x1024xi32>
    %eq3A_180 = arith.constant 0 : i32
    %eq3A_181 = vector.broadcast %eq3A_180 : i32 to vector<128x1024xi32>
    %eq3A_182 = arith.cmpi eq, %and3A_179, %eq3A_181 : vector<128x1024xi32>
    %roll3A_183 = arith.constant 1023 : i32
    %roll3A_184 = tpu.dynamic_rotate %select_n3A_175 by %roll3A_183 dim 1 : vector<128x1024xi32>, i32 -> vector<128x1024xi32>
    %roll3A_185 = arith.constant 1 : i32
    %roll3A_186 = tpu.dynamic_rotate %select_n3A_175 by %roll3A_185 dim 1 : vector<128x1024xi32>, i32 -> vector<128x1024xi32>
    %select_n3A_187 = arith.select %eq3A_182, %roll3A_184, %roll3A_186 : vector<128x1024xi1>, vector<128x1024xi32>
    %roll3A_188 = arith.constant 1023 : i32
    %roll3A_189 = tpu.dynamic_rotate %select_n3A_176 by %roll3A_188 dim 1 : vector<128x1024xi32>, i32 -> vector<128x1024xi32>
    %roll3A_190 = arith.constant 1 : i32
    %roll3A_191 = tpu.dynamic_rotate %select_n3A_176 by %roll3A_190 dim 1 : vector<128x1024xi32>, i32 -> vector<128x1024xi32>
    %select_n3A_192 = arith.select %eq3A_182, %roll3A_189, %roll3A_191 : vector<128x1024xi1>, vector<128x1024xi32>
    %lt3A_193 = arith.cmpi slt, %select_n3A_175, %select_n3A_187 : vector<128x1024xi32>
    %eq3A_194 = arith.cmpi eq, %select_n3A_175, %select_n3A_187 : vector<128x1024xi32>
    %lt3A_195 = arith.cmpi slt, %select_n3A_176, %select_n3A_192 : vector<128x1024xi32>
    %and3A_196 = arith.andi %eq3A_194, %lt3A_195 : vector<128x1024xi1>
    %or3A_197 = arith.ori %lt3A_193, %and3A_196 : vector<128x1024xi1>
    %and3A_198 = arith.constant 8 : i32
    %and3A_199 = vector.broadcast %and3A_198 : i32 to vector<128x1024xi32>
    %and3A_200 = arith.andi %iota3A, %and3A_199 : vector<128x1024xi32>
    %eq3A_201 = arith.constant 0 : i32
    %eq3A_202 = vector.broadcast %eq3A_201 : i32 to vector<128x1024xi32>
    %eq3A_203 = arith.cmpi eq, %and3A_200, %eq3A_202 : vector<128x1024xi32>
    %eq3A_204 = arith.xori %eq3A_182, %or3A_197 : vector<128x1024xi1>
    %eq3A_205 = arith.constant dense<true> : vector<128x1024xi1>
    %eq3A_206 = arith.xori %eq3A_204, %eq3A_205 : vector<128x1024xi1>
    %eq3A_207 = arith.xori %eq3A_203, %eq3A_206 : vector<128x1024xi1>
    %eq3A_208 = arith.constant dense<true> : vector<128x1024xi1>
    %eq3A_209 = arith.xori %eq3A_207, %eq3A_208 : vector<128x1024xi1>
    %select_n3A_210 = arith.select %eq3A_209, %select_n3A_175, %select_n3A_187 : vector<128x1024xi1>, vector<128x1024xi32>
    %select_n3A_211 = arith.select %eq3A_209, %select_n3A_176, %select_n3A_192 : vector<128x1024xi1>, vector<128x1024xi32>
    %and3A_212 = arith.constant 8 : i32
    %and3A_213 = vector.broadcast %and3A_212 : i32 to vector<128x1024xi32>
    %and3A_214 = arith.andi %iota3A, %and3A_213 : vector<128x1024xi32>
    %eq3A_215 = arith.constant 0 : i32
    %eq3A_216 = vector.broadcast %eq3A_215 : i32 to vector<128x1024xi32>
    %eq3A_217 = arith.cmpi eq, %and3A_214, %eq3A_216 : vector<128x1024xi32>
    %roll3A_218 = arith.constant 1016 : i32
    %roll3A_219 = tpu.dynamic_rotate %select_n3A_210 by %roll3A_218 dim 1 : vector<128x1024xi32>, i32 -> vector<128x1024xi32>
    %roll3A_220 = arith.constant 8 : i32
    %roll3A_221 = tpu.dynamic_rotate %select_n3A_210 by %roll3A_220 dim 1 : vector<128x1024xi32>, i32 -> vector<128x1024xi32>
    %select_n3A_222 = arith.select %eq3A_217, %roll3A_219, %roll3A_221 : vector<128x1024xi1>, vector<128x1024xi32>
    %roll3A_223 = arith.constant 1016 : i32
    %roll3A_224 = tpu.dynamic_rotate %select_n3A_211 by %roll3A_223 dim 1 : vector<128x1024xi32>, i32 -> vector<128x1024xi32>
    %roll3A_225 = arith.constant 8 : i32
    %roll3A_226 = tpu.dynamic_rotate %select_n3A_211 by %roll3A_225 dim 1 : vector<128x1024xi32>, i32 -> vector<128x1024xi32>
    %select_n3A_227 = arith.select %eq3A_217, %roll3A_224, %roll3A_226 : vector<128x1024xi1>, vector<128x1024xi32>
    %lt3A_228 = arith.cmpi slt, %select_n3A_210, %select_n3A_222 : vector<128x1024xi32>
    %eq3A_229 = arith.cmpi eq, %select_n3A_210, %select_n3A_222 : vector<128x1024xi32>
    %lt3A_230 = arith.cmpi slt, %select_n3A_211, %select_n3A_227 : vector<128x1024xi32>
    %and3A_231 = arith.andi %eq3A_229, %lt3A_230 : vector<128x1024xi1>
    %or3A_232 = arith.ori %lt3A_228, %and3A_231 : vector<128x1024xi1>
    %and3A_233 = arith.constant 16 : i32
    %and3A_234 = vector.broadcast %and3A_233 : i32 to vector<128x1024xi32>
    %and3A_235 = arith.andi %iota3A, %and3A_234 : vector<128x1024xi32>
    %eq3A_236 = arith.constant 0 : i32
    %eq3A_237 = vector.broadcast %eq3A_236 : i32 to vector<128x1024xi32>
    %eq3A_238 = arith.cmpi eq, %and3A_235, %eq3A_237 : vector<128x1024xi32>
    %eq3A_239 = arith.xori %eq3A_217, %or3A_232 : vector<128x1024xi1>
    %eq3A_240 = arith.constant dense<true> : vector<128x1024xi1>
    %eq3A_241 = arith.xori %eq3A_239, %eq3A_240 : vector<128x1024xi1>
    %eq3A_242 = arith.xori %eq3A_238, %eq3A_241 : vector<128x1024xi1>
    %eq3A_243 = arith.constant dense<true> : vector<128x1024xi1>
    %eq3A_244 = arith.xori %eq3A_242, %eq3A_243 : vector<128x1024xi1>
    %select_n3A_245 = arith.select %eq3A_244, %select_n3A_210, %select_n3A_222 : vector<128x1024xi1>, vector<128x1024xi32>
    %select_n3A_246 = arith.select %eq3A_244, %select_n3A_211, %select_n3A_227 : vector<128x1024xi1>, vector<128x1024xi32>
    %and3A_247 = arith.constant 4 : i32
    %and3A_248 = vector.broadcast %and3A_247 : i32 to vector<128x1024xi32>
    %and3A_249 = arith.andi %iota3A, %and3A_248 : vector<128x1024xi32>
    %eq3A_250 = arith.constant 0 : i32
    %eq3A_251 = vector.broadcast %eq3A_250 : i32 to vector<128x1024xi32>
    %eq3A_252 = arith.cmpi eq, %and3A_249, %eq3A_251 : vector<128x1024xi32>
    %roll3A_253 = arith.constant 1020 : i32
    %roll3A_254 = tpu.dynamic_rotate %select_n3A_245 by %roll3A_253 dim 1 : vector<128x1024xi32>, i32 -> vector<128x1024xi32>
    %roll3A_255 = arith.constant 4 : i32
    %roll3A_256 = tpu.dynamic_rotate %select_n3A_245 by %roll3A_255 dim 1 : vector<128x1024xi32>, i32 -> vector<128x1024xi32>
    %select_n3A_257 = arith.select %eq3A_252, %roll3A_254, %roll3A_256 : vector<128x1024xi1>, vector<128x1024xi32>
    %roll3A_258 = arith.constant 1020 : i32
    %roll3A_259 = tpu.dynamic_rotate %select_n3A_246 by %roll3A_258 dim 1 : vector<128x1024xi32>, i32 -> vector<128x1024xi32>
    %roll3A_260 = arith.constant 4 : i32
    %roll3A_261 = tpu.dynamic_rotate %select_n3A_246 by %roll3A_260 dim 1 : vector<128x1024xi32>, i32 -> vector<128x1024xi32>
    %select_n3A_262 = arith.select %eq3A_252, %roll3A_259, %roll3A_261 : vector<128x1024xi1>, vector<128x1024xi32>
    %lt3A_263 = arith.cmpi slt, %select_n3A_245, %select_n3A_257 : vector<128x1024xi32>
    %eq3A_264 = arith.cmpi eq, %select_n3A_245, %select_n3A_257 : vector<128x1024xi32>
    %lt3A_265 = arith.cmpi slt, %select_n3A_246, %select_n3A_262 : vector<128x1024xi32>
    %and3A_266 = arith.andi %eq3A_264, %lt3A_265 : vector<128x1024xi1>
    %or3A_267 = arith.ori %lt3A_263, %and3A_266 : vector<128x1024xi1>
    %and3A_268 = arith.constant 16 : i32
    %and3A_269 = vector.broadcast %and3A_268 : i32 to vector<128x1024xi32>
    %and3A_270 = arith.andi %iota3A, %and3A_269 : vector<128x1024xi32>
    %eq3A_271 = arith.constant 0 : i32
    %eq3A_272 = vector.broadcast %eq3A_271 : i32 to vector<128x1024xi32>
    %eq3A_273 = arith.cmpi eq, %and3A_270, %eq3A_272 : vector<128x1024xi32>
    %eq3A_274 = arith.xori %eq3A_252, %or3A_267 : vector<128x1024xi1>
    %eq3A_275 = arith.constant dense<true> : vector<128x1024xi1>
    %eq3A_276 = arith.xori %eq3A_274, %eq3A_275 : vector<128x1024xi1>
    %eq3A_277 = arith.xori %eq3A_273, %eq3A_276 : vector<128x1024xi1>
    %eq3A_278 = arith.constant dense<true> : vector<128x1024xi1>
    %eq3A_279 = arith.xori %eq3A_277, %eq3A_278 : vector<128x1024xi1>
    %select_n3A_280 = arith.select %eq3A_279, %select_n3A_245, %select_n3A_257 : vector<128x1024xi1>, vector<128x1024xi32>
    %select_n3A_281 = arith.select %eq3A_279, %select_n3A_246, %select_n3A_262 : vector<128x1024xi1>, vector<128x1024xi32>
    %and3A_282 = arith.constant 2 : i32
    %and3A_283 = vector.broadcast %and3A_282 : i32 to vector<128x1024xi32>
    %and3A_284 = arith.andi %iota3A, %and3A_283 : vector<128x1024xi32>
    %eq3A_285 = arith.constant 0 : i32
    %eq3A_286 = vector.broadcast %eq3A_285 : i32 to vector<128x1024xi32>
    %eq3A_287 = arith.cmpi eq, %and3A_284, %eq3A_286 : vector<128x1024xi32>
    %roll3A_288 = arith.constant 1022 : i32
    %roll3A_289 = tpu.dynamic_rotate %select_n3A_280 by %roll3A_288 dim 1 : vector<128x1024xi32>, i32 -> vector<128x1024xi32>
    %roll3A_290 = arith.constant 2 : i32
    %roll3A_291 = tpu.dynamic_rotate %select_n3A_280 by %roll3A_290 dim 1 : vector<128x1024xi32>, i32 -> vector<128x1024xi32>
    %select_n3A_292 = arith.select %eq3A_287, %roll3A_289, %roll3A_291 : vector<128x1024xi1>, vector<128x1024xi32>
    %roll3A_293 = arith.constant 1022 : i32
    %roll3A_294 = tpu.dynamic_rotate %select_n3A_281 by %roll3A_293 dim 1 : vector<128x1024xi32>, i32 -> vector<128x1024xi32>
    %roll3A_295 = arith.constant 2 : i32
    %roll3A_296 = tpu.dynamic_rotate %select_n3A_281 by %roll3A_295 dim 1 : vector<128x1024xi32>, i32 -> vector<128x1024xi32>
    %select_n3A_297 = arith.select %eq3A_287, %roll3A_294, %roll3A_296 : vector<128x1024xi1>, vector<128x1024xi32>
    %lt3A_298 = arith.cmpi slt, %select_n3A_280, %select_n3A_292 : vector<128x1024xi32>
    %eq3A_299 = arith.cmpi eq, %select_n3A_280, %select_n3A_292 : vector<128x1024xi32>
    %lt3A_300 = arith.cmpi slt, %select_n3A_281, %select_n3A_297 : vector<128x1024xi32>
    %and3A_301 = arith.andi %eq3A_299, %lt3A_300 : vector<128x1024xi1>
    %or3A_302 = arith.ori %lt3A_298, %and3A_301 : vector<128x1024xi1>
    %and3A_303 = arith.constant 16 : i32
    %and3A_304 = vector.broadcast %and3A_303 : i32 to vector<128x1024xi32>
    %and3A_305 = arith.andi %iota3A, %and3A_304 : vector<128x1024xi32>
    %eq3A_306 = arith.constant 0 : i32
    %eq3A_307 = vector.broadcast %eq3A_306 : i32 to vector<128x1024xi32>
    %eq3A_308 = arith.cmpi eq, %and3A_305, %eq3A_307 : vector<128x1024xi32>
    %eq3A_309 = arith.xori %eq3A_287, %or3A_302 : vector<128x1024xi1>
    %eq3A_310 = arith.constant dense<true> : vector<128x1024xi1>
    %eq3A_311 = arith.xori %eq3A_309, %eq3A_310 : vector<128x1024xi1>
    %eq3A_312 = arith.xori %eq3A_308, %eq3A_311 : vector<128x1024xi1>
    %eq3A_313 = arith.constant dense<true> : vector<128x1024xi1>
    %eq3A_314 = arith.xori %eq3A_312, %eq3A_313 : vector<128x1024xi1>
    %select_n3A_315 = arith.select %eq3A_314, %select_n3A_280, %select_n3A_292 : vector<128x1024xi1>, vector<128x1024xi32>
    %select_n3A_316 = arith.select %eq3A_314, %select_n3A_281, %select_n3A_297 : vector<128x1024xi1>, vector<128x1024xi32>
    %and3A_317 = arith.constant 1 : i32
    %and3A_318 = vector.broadcast %and3A_317 : i32 to vector<128x1024xi32>
    %and3A_319 = arith.andi %iota3A, %and3A_318 : vector<128x1024xi32>
    %eq3A_320 = arith.constant 0 : i32
    %eq3A_321 = vector.broadcast %eq3A_320 : i32 to vector<128x1024xi32>
    %eq3A_322 = arith.cmpi eq, %and3A_319, %eq3A_321 : vector<128x1024xi32>
    %roll3A_323 = arith.constant 1023 : i32
    %roll3A_324 = tpu.dynamic_rotate %select_n3A_315 by %roll3A_323 dim 1 : vector<128x1024xi32>, i32 -> vector<128x1024xi32>
    %roll3A_325 = arith.constant 1 : i32
    %roll3A_326 = tpu.dynamic_rotate %select_n3A_315 by %roll3A_325 dim 1 : vector<128x1024xi32>, i32 -> vector<128x1024xi32>
    %select_n3A_327 = arith.select %eq3A_322, %roll3A_324, %roll3A_326 : vector<128x1024xi1>, vector<128x1024xi32>
    %roll3A_328 = arith.constant 1023 : i32
    %roll3A_329 = tpu.dynamic_rotate %select_n3A_316 by %roll3A_328 dim 1 : vector<128x1024xi32>, i32 -> vector<128x1024xi32>
    %roll3A_330 = arith.constant 1 : i32
    %roll3A_331 = tpu.dynamic_rotate %select_n3A_316 by %roll3A_330 dim 1 : vector<128x1024xi32>, i32 -> vector<128x1024xi32>
    %select_n3A_332 = arith.select %eq3A_322, %roll3A_329, %roll3A_331 : vector<128x1024xi1>, vector<128x1024xi32>
    %lt3A_333 = arith.cmpi slt, %select_n3A_315, %select_n3A_327 : vector<128x1024xi32>
    %eq3A_334 = arith.cmpi eq, %select_n3A_315, %select_n3A_327 : vector<128x1024xi32>
    %lt3A_335 = arith.cmpi slt, %select_n3A_316, %select_n3A_332 : vector<128x1024xi32>
    %and3A_336 = arith.andi %eq3A_334, %lt3A_335 : vector<128x1024xi1>
    %or3A_337 = arith.ori %lt3A_333, %and3A_336 : vector<128x1024xi1>
    %and3A_338 = arith.constant 16 : i32
    %and3A_339 = vector.broadcast %and3A_338 : i32 to vector<128x1024xi32>
    %and3A_340 = arith.andi %iota3A, %and3A_339 : vector<128x1024xi32>
    %eq3A_341 = arith.constant 0 : i32
    %eq3A_342 = vector.broadcast %eq3A_341 : i32 to vector<128x1024xi32>
    %eq3A_343 = arith.cmpi eq, %and3A_340, %eq3A_342 : vector<128x1024xi32>
    %eq3A_344 = arith.xori %eq3A_322, %or3A_337 : vector<128x1024xi1>
    %eq3A_345 = arith.constant dense<true> : vector<128x1024xi1>
    %eq3A_346 = arith.xori %eq3A_344, %eq3A_345 : vector<128x1024xi1>
    %eq3A_347 = arith.xori %eq3A_343, %eq3A_346 : vector<128x1024xi1>
    %eq3A_348 = arith.constant dense<true> : vector<128x1024xi1>
    %eq3A_349 = arith.xori %eq3A_347, %eq3A_348 : vector<128x1024xi1>
    %select_n3A_350 = arith.select %eq3A_349, %select_n3A_315, %select_n3A_327 : vector<128x1024xi1>, vector<128x1024xi32>
    %select_n3A_351 = arith.select %eq3A_349, %select_n3A_316, %select_n3A_332 : vector<128x1024xi1>, vector<128x1024xi32>
    %and3A_352 = arith.constant 16 : i32
    %and3A_353 = vector.broadcast %and3A_352 : i32 to vector<128x1024xi32>
    %and3A_354 = arith.andi %iota3A, %and3A_353 : vector<128x1024xi32>
    %eq3A_355 = arith.constant 0 : i32
    %eq3A_356 = vector.broadcast %eq3A_355 : i32 to vector<128x1024xi32>
    %eq3A_357 = arith.cmpi eq, %and3A_354, %eq3A_356 : vector<128x1024xi32>
    %roll3A_358 = arith.constant 1008 : i32
    %roll3A_359 = tpu.dynamic_rotate %select_n3A_350 by %roll3A_358 dim 1 : vector<128x1024xi32>, i32 -> vector<128x1024xi32>
    %roll3A_360 = arith.constant 16 : i32
    %roll3A_361 = tpu.dynamic_rotate %select_n3A_350 by %roll3A_360 dim 1 : vector<128x1024xi32>, i32 -> vector<128x1024xi32>
    %select_n3A_362 = arith.select %eq3A_357, %roll3A_359, %roll3A_361 : vector<128x1024xi1>, vector<128x1024xi32>
    %roll3A_363 = arith.constant 1008 : i32
    %roll3A_364 = tpu.dynamic_rotate %select_n3A_351 by %roll3A_363 dim 1 : vector<128x1024xi32>, i32 -> vector<128x1024xi32>
    %roll3A_365 = arith.constant 16 : i32
    %roll3A_366 = tpu.dynamic_rotate %select_n3A_351 by %roll3A_365 dim 1 : vector<128x1024xi32>, i32 -> vector<128x1024xi32>
    %select_n3A_367 = arith.select %eq3A_357, %roll3A_364, %roll3A_366 : vector<128x1024xi1>, vector<128x1024xi32>
    %lt3A_368 = arith.cmpi slt, %select_n3A_350, %select_n3A_362 : vector<128x1024xi32>
    %eq3A_369 = arith.cmpi eq, %select_n3A_350, %select_n3A_362 : vector<128x1024xi32>
    %lt3A_370 = arith.cmpi slt, %select_n3A_351, %select_n3A_367 : vector<128x1024xi32>
    %and3A_371 = arith.andi %eq3A_369, %lt3A_370 : vector<128x1024xi1>
    %or3A_372 = arith.ori %lt3A_368, %and3A_371 : vector<128x1024xi1>
    %and3A_373 = arith.constant 32 : i32
    %and3A_374 = vector.broadcast %and3A_373 : i32 to vector<128x1024xi32>
    %and3A_375 = arith.andi %iota3A, %and3A_374 : vector<128x1024xi32>
    %eq3A_376 = arith.constant 0 : i32
    %eq3A_377 = vector.broadcast %eq3A_376 : i32 to vector<128x1024xi32>
    %eq3A_378 = arith.cmpi eq, %and3A_375, %eq3A_377 : vector<128x1024xi32>
    %eq3A_379 = arith.xori %eq3A_357, %or3A_372 : vector<128x1024xi1>
    %eq3A_380 = arith.constant dense<true> : vector<128x1024xi1>
    %eq3A_381 = arith.xori %eq3A_379, %eq3A_380 : vector<128x1024xi1>
    %eq3A_382 = arith.xori %eq3A_378, %eq3A_381 : vector<128x1024xi1>
    %eq3A_383 = arith.constant dense<true> : vector<128x1024xi1>
    %eq3A_384 = arith.xori %eq3A_382, %eq3A_383 : vector<128x1024xi1>
    %select_n3A_385 = arith.select %eq3A_384, %select_n3A_350, %select_n3A_362 : vector<128x1024xi1>, vector<128x1024xi32>
    %select_n3A_386 = arith.select %eq3A_384, %select_n3A_351, %select_n3A_367 : vector<128x1024xi1>, vector<128x1024xi32>
    %and3A_387 = arith.constant 8 : i32
    %and3A_388 = vector.broadcast %and3A_387 : i32 to vector<128x1024xi32>
    %and3A_389 = arith.andi %iota3A, %and3A_388 : vector<128x1024xi32>
    %eq3A_390 = arith.constant 0 : i32
    %eq3A_391 = vector.broadcast %eq3A_390 : i32 to vector<128x1024xi32>
    %eq3A_392 = arith.cmpi eq, %and3A_389, %eq3A_391 : vector<128x1024xi32>
    %roll3A_393 = arith.constant 1016 : i32
    %roll3A_394 = tpu.dynamic_rotate %select_n3A_385 by %roll3A_393 dim 1 : vector<128x1024xi32>, i32 -> vector<128x1024xi32>
    %roll3A_395 = arith.constant 8 : i32
    %roll3A_396 = tpu.dynamic_rotate %select_n3A_385 by %roll3A_395 dim 1 : vector<128x1024xi32>, i32 -> vector<128x1024xi32>
    %select_n3A_397 = arith.select %eq3A_392, %roll3A_394, %roll3A_396 : vector<128x1024xi1>, vector<128x1024xi32>
    %roll3A_398 = arith.constant 1016 : i32
    %roll3A_399 = tpu.dynamic_rotate %select_n3A_386 by %roll3A_398 dim 1 : vector<128x1024xi32>, i32 -> vector<128x1024xi32>
    %roll3A_400 = arith.constant 8 : i32
    %roll3A_401 = tpu.dynamic_rotate %select_n3A_386 by %roll3A_400 dim 1 : vector<128x1024xi32>, i32 -> vector<128x1024xi32>
    %select_n3A_402 = arith.select %eq3A_392, %roll3A_399, %roll3A_401 : vector<128x1024xi1>, vector<128x1024xi32>
    %lt3A_403 = arith.cmpi slt, %select_n3A_385, %select_n3A_397 : vector<128x1024xi32>
    %eq3A_404 = arith.cmpi eq, %select_n3A_385, %select_n3A_397 : vector<128x1024xi32>
    %lt3A_405 = arith.cmpi slt, %select_n3A_386, %select_n3A_402 : vector<128x1024xi32>
    %and3A_406 = arith.andi %eq3A_404, %lt3A_405 : vector<128x1024xi1>
    %or3A_407 = arith.ori %lt3A_403, %and3A_406 : vector<128x1024xi1>
    %and3A_408 = arith.constant 32 : i32
    %and3A_409 = vector.broadcast %and3A_408 : i32 to vector<128x1024xi32>
    %and3A_410 = arith.andi %iota3A, %and3A_409 : vector<128x1024xi32>
    %eq3A_411 = arith.constant 0 : i32
    %eq3A_412 = vector.broadcast %eq3A_411 : i32 to vector<128x1024xi32>
    %eq3A_413 = arith.cmpi eq, %and3A_410, %eq3A_412 : vector<128x1024xi32>
    %eq3A_414 = arith.xori %eq3A_392, %or3A_407 : vector<128x1024xi1>
    %eq3A_415 = arith.constant dense<true> : vector<128x1024xi1>
    %eq3A_416 = arith.xori %eq3A_414, %eq3A_415 : vector<128x1024xi1>
    %eq3A_417 = arith.xori %eq3A_413, %eq3A_416 : vector<128x1024xi1>
    %eq3A_418 = arith.constant dense<true> : vector<128x1024xi1>
    %eq3A_419 = arith.xori %eq3A_417, %eq3A_418 : vector<128x1024xi1>
    %select_n3A_420 = arith.select %eq3A_419, %select_n3A_385, %select_n3A_397 : vector<128x1024xi1>, vector<128x1024xi32>
    %select_n3A_421 = arith.select %eq3A_419, %select_n3A_386, %select_n3A_402 : vector<128x1024xi1>, vector<128x1024xi32>
    %and3A_422 = arith.constant 4 : i32
    %and3A_423 = vector.broadcast %and3A_422 : i32 to vector<128x1024xi32>
    %and3A_424 = arith.andi %iota3A, %and3A_423 : vector<128x1024xi32>
    %eq3A_425 = arith.constant 0 : i32
    %eq3A_426 = vector.broadcast %eq3A_425 : i32 to vector<128x1024xi32>
    %eq3A_427 = arith.cmpi eq, %and3A_424, %eq3A_426 : vector<128x1024xi32>
    %roll3A_428 = arith.constant 1020 : i32
    %roll3A_429 = tpu.dynamic_rotate %select_n3A_420 by %roll3A_428 dim 1 : vector<128x1024xi32>, i32 -> vector<128x1024xi32>
    %roll3A_430 = arith.constant 4 : i32
    %roll3A_431 = tpu.dynamic_rotate %select_n3A_420 by %roll3A_430 dim 1 : vector<128x1024xi32>, i32 -> vector<128x1024xi32>
    %select_n3A_432 = arith.select %eq3A_427, %roll3A_429, %roll3A_431 : vector<128x1024xi1>, vector<128x1024xi32>
    %roll3A_433 = arith.constant 1020 : i32
    %roll3A_434 = tpu.dynamic_rotate %select_n3A_421 by %roll3A_433 dim 1 : vector<128x1024xi32>, i32 -> vector<128x1024xi32>
    %roll3A_435 = arith.constant 4 : i32
    %roll3A_436 = tpu.dynamic_rotate %select_n3A_421 by %roll3A_435 dim 1 : vector<128x1024xi32>, i32 -> vector<128x1024xi32>
    %select_n3A_437 = arith.select %eq3A_427, %roll3A_434, %roll3A_436 : vector<128x1024xi1>, vector<128x1024xi32>
    %lt3A_438 = arith.cmpi slt, %select_n3A_420, %select_n3A_432 : vector<128x1024xi32>
    %eq3A_439 = arith.cmpi eq, %select_n3A_420, %select_n3A_432 : vector<128x1024xi32>
    %lt3A_440 = arith.cmpi slt, %select_n3A_421, %select_n3A_437 : vector<128x1024xi32>
    %and3A_441 = arith.andi %eq3A_439, %lt3A_440 : vector<128x1024xi1>
    %or3A_442 = arith.ori %lt3A_438, %and3A_441 : vector<128x1024xi1>
    %and3A_443 = arith.constant 32 : i32
    %and3A_444 = vector.broadcast %and3A_443 : i32 to vector<128x1024xi32>
    %and3A_445 = arith.andi %iota3A, %and3A_444 : vector<128x1024xi32>
    %eq3A_446 = arith.constant 0 : i32
    %eq3A_447 = vector.broadcast %eq3A_446 : i32 to vector<128x1024xi32>
    %eq3A_448 = arith.cmpi eq, %and3A_445, %eq3A_447 : vector<128x1024xi32>
    %eq3A_449 = arith.xori %eq3A_427, %or3A_442 : vector<128x1024xi1>
    %eq3A_450 = arith.constant dense<true> : vector<128x1024xi1>
    %eq3A_451 = arith.xori %eq3A_449, %eq3A_450 : vector<128x1024xi1>
    %eq3A_452 = arith.xori %eq3A_448, %eq3A_451 : vector<128x1024xi1>
    %eq3A_453 = arith.constant dense<true> : vector<128x1024xi1>
    %eq3A_454 = arith.xori %eq3A_452, %eq3A_453 : vector<128x1024xi1>
    %select_n3A_455 = arith.select %eq3A_454, %select_n3A_420, %select_n3A_432 : vector<128x1024xi1>, vector<128x1024xi32>
    %select_n3A_456 = arith.select %eq3A_454, %select_n3A_421, %select_n3A_437 : vector<128x1024xi1>, vector<128x1024xi32>
    %and3A_457 = arith.constant 2 : i32
    %and3A_458 = vector.broadcast %and3A_457 : i32 to vector<128x1024xi32>
    %and3A_459 = arith.andi %iota3A, %and3A_458 : vector<128x1024xi32>
    %eq3A_460 = arith.constant 0 : i32
    %eq3A_461 = vector.broadcast %eq3A_460 : i32 to vector<128x1024xi32>
    %eq3A_462 = arith.cmpi eq, %and3A_459, %eq3A_461 : vector<128x1024xi32>
    %roll3A_463 = arith.constant 1022 : i32
    %roll3A_464 = tpu.dynamic_rotate %select_n3A_455 by %roll3A_463 dim 1 : vector<128x1024xi32>, i32 -> vector<128x1024xi32>
    %roll3A_465 = arith.constant 2 : i32
    %roll3A_466 = tpu.dynamic_rotate %select_n3A_455 by %roll3A_465 dim 1 : vector<128x1024xi32>, i32 -> vector<128x1024xi32>
    %select_n3A_467 = arith.select %eq3A_462, %roll3A_464, %roll3A_466 : vector<128x1024xi1>, vector<128x1024xi32>
    %roll3A_468 = arith.constant 1022 : i32
    %roll3A_469 = tpu.dynamic_rotate %select_n3A_456 by %roll3A_468 dim 1 : vector<128x1024xi32>, i32 -> vector<128x1024xi32>
    %roll3A_470 = arith.constant 2 : i32
    %roll3A_471 = tpu.dynamic_rotate %select_n3A_456 by %roll3A_470 dim 1 : vector<128x1024xi32>, i32 -> vector<128x1024xi32>
    %select_n3A_472 = arith.select %eq3A_462, %roll3A_469, %roll3A_471 : vector<128x1024xi1>, vector<128x1024xi32>
    %lt3A_473 = arith.cmpi slt, %select_n3A_455, %select_n3A_467 : vector<128x1024xi32>
    %eq3A_474 = arith.cmpi eq, %select_n3A_455, %select_n3A_467 : vector<128x1024xi32>
    %lt3A_475 = arith.cmpi slt, %select_n3A_456, %select_n3A_472 : vector<128x1024xi32>
    %and3A_476 = arith.andi %eq3A_474, %lt3A_475 : vector<128x1024xi1>
    %or3A_477 = arith.ori %lt3A_473, %and3A_476 : vector<128x1024xi1>
    %and3A_478 = arith.constant 32 : i32
    %and3A_479 = vector.broadcast %and3A_478 : i32 to vector<128x1024xi32>
    %and3A_480 = arith.andi %iota3A, %and3A_479 : vector<128x1024xi32>
    %eq3A_481 = arith.constant 0 : i32
    %eq3A_482 = vector.broadcast %eq3A_481 : i32 to vector<128x1024xi32>
    %eq3A_483 = arith.cmpi eq, %and3A_480, %eq3A_482 : vector<128x1024xi32>
    %eq3A_484 = arith.xori %eq3A_462, %or3A_477 : vector<128x1024xi1>
    %eq3A_485 = arith.constant dense<true> : vector<128x1024xi1>
    %eq3A_486 = arith.xori %eq3A_484, %eq3A_485 : vector<128x1024xi1>
    %eq3A_487 = arith.xori %eq3A_483, %eq3A_486 : vector<128x1024xi1>
    %eq3A_488 = arith.constant dense<true> : vector<128x1024xi1>
    %eq3A_489 = arith.xori %eq3A_487, %eq3A_488 : vector<128x1024xi1>
    %select_n3A_490 = arith.select %eq3A_489, %select_n3A_455, %select_n3A_467 : vector<128x1024xi1>, vector<128x1024xi32>
    %select_n3A_491 = arith.select %eq3A_489, %select_n3A_456, %select_n3A_472 : vector<128x1024xi1>, vector<128x1024xi32>
    %and3A_492 = arith.constant 1 : i32
    %and3A_493 = vector.broadcast %and3A_492 : i32 to vector<128x1024xi32>
    %and3A_494 = arith.andi %iota3A, %and3A_493 : vector<128x1024xi32>
    %eq3A_495 = arith.constant 0 : i32
    %eq3A_496 = vector.broadcast %eq3A_495 : i32 to vector<128x1024xi32>
    %eq3A_497 = arith.cmpi eq, %and3A_494, %eq3A_496 : vector<128x1024xi32>
    %roll3A_498 = arith.constant 1023 : i32
    %roll3A_499 = tpu.dynamic_rotate %select_n3A_490 by %roll3A_498 dim 1 : vector<128x1024xi32>, i32 -> vector<128x1024xi32>
    %roll3A_500 = arith.constant 1 : i32
    %roll3A_501 = tpu.dynamic_rotate %select_n3A_490 by %roll3A_500 dim 1 : vector<128x1024xi32>, i32 -> vector<128x1024xi32>
    %select_n3A_502 = arith.select %eq3A_497, %roll3A_499, %roll3A_501 : vector<128x1024xi1>, vector<128x1024xi32>
    %roll3A_503 = arith.constant 1023 : i32
    %roll3A_504 = tpu.dynamic_rotate %select_n3A_491 by %roll3A_503 dim 1 : vector<128x1024xi32>, i32 -> vector<128x1024xi32>
    %roll3A_505 = arith.constant 1 : i32
    %roll3A_506 = tpu.dynamic_rotate %select_n3A_491 by %roll3A_505 dim 1 : vector<128x1024xi32>, i32 -> vector<128x1024xi32>
    %select_n3A_507 = arith.select %eq3A_497, %roll3A_504, %roll3A_506 : vector<128x1024xi1>, vector<128x1024xi32>
    %lt3A_508 = arith.cmpi slt, %select_n3A_490, %select_n3A_502 : vector<128x1024xi32>
    %eq3A_509 = arith.cmpi eq, %select_n3A_490, %select_n3A_502 : vector<128x1024xi32>
    %lt3A_510 = arith.cmpi slt, %select_n3A_491, %select_n3A_507 : vector<128x1024xi32>
    %and3A_511 = arith.andi %eq3A_509, %lt3A_510 : vector<128x1024xi1>
    %or3A_512 = arith.ori %lt3A_508, %and3A_511 : vector<128x1024xi1>
    %and3A_513 = arith.constant 32 : i32
    %and3A_514 = vector.broadcast %and3A_513 : i32 to vector<128x1024xi32>
    %and3A_515 = arith.andi %iota3A, %and3A_514 : vector<128x1024xi32>
    %eq3A_516 = arith.constant 0 : i32
    %eq3A_517 = vector.broadcast %eq3A_516 : i32 to vector<128x1024xi32>
    %eq3A_518 = arith.cmpi eq, %and3A_515, %eq3A_517 : vector<128x1024xi32>
    %eq3A_519 = arith.xori %eq3A_497, %or3A_512 : vector<128x1024xi1>
    %eq3A_520 = arith.constant dense<true> : vector<128x1024xi1>
    %eq3A_521 = arith.xori %eq3A_519, %eq3A_520 : vector<128x1024xi1>
    %eq3A_522 = arith.xori %eq3A_518, %eq3A_521 : vector<128x1024xi1>
    %eq3A_523 = arith.constant dense<true> : vector<128x1024xi1>
    %eq3A_524 = arith.xori %eq3A_522, %eq3A_523 : vector<128x1024xi1>
    %select_n3A_525 = arith.select %eq3A_524, %select_n3A_490, %select_n3A_502 : vector<128x1024xi1>, vector<128x1024xi32>
    %select_n3A_526 = arith.select %eq3A_524, %select_n3A_491, %select_n3A_507 : vector<128x1024xi1>, vector<128x1024xi32>
    %and3A_527 = arith.constant 32 : i32
    %and3A_528 = vector.broadcast %and3A_527 : i32 to vector<128x1024xi32>
    %and3A_529 = arith.andi %iota3A, %and3A_528 : vector<128x1024xi32>
    %eq3A_530 = arith.constant 0 : i32
    %eq3A_531 = vector.broadcast %eq3A_530 : i32 to vector<128x1024xi32>
    %eq3A_532 = arith.cmpi eq, %and3A_529, %eq3A_531 : vector<128x1024xi32>
    %roll3A_533 = arith.constant 992 : i32
    %roll3A_534 = tpu.dynamic_rotate %select_n3A_525 by %roll3A_533 dim 1 : vector<128x1024xi32>, i32 -> vector<128x1024xi32>
    %roll3A_535 = arith.constant 32 : i32
    %roll3A_536 = tpu.dynamic_rotate %select_n3A_525 by %roll3A_535 dim 1 : vector<128x1024xi32>, i32 -> vector<128x1024xi32>
    %select_n3A_537 = arith.select %eq3A_532, %roll3A_534, %roll3A_536 : vector<128x1024xi1>, vector<128x1024xi32>
    %roll3A_538 = arith.constant 992 : i32
    %roll3A_539 = tpu.dynamic_rotate %select_n3A_526 by %roll3A_538 dim 1 : vector<128x1024xi32>, i32 -> vector<128x1024xi32>
    %roll3A_540 = arith.constant 32 : i32
    %roll3A_541 = tpu.dynamic_rotate %select_n3A_526 by %roll3A_540 dim 1 : vector<128x1024xi32>, i32 -> vector<128x1024xi32>
    %select_n3A_542 = arith.select %eq3A_532, %roll3A_539, %roll3A_541 : vector<128x1024xi1>, vector<128x1024xi32>
    %lt3A_543 = arith.cmpi slt, %select_n3A_525, %select_n3A_537 : vector<128x1024xi32>
    %eq3A_544 = arith.cmpi eq, %select_n3A_525, %select_n3A_537 : vector<128x1024xi32>
    %lt3A_545 = arith.cmpi slt, %select_n3A_526, %select_n3A_542 : vector<128x1024xi32>
    %and3A_546 = arith.andi %eq3A_544, %lt3A_545 : vector<128x1024xi1>
    %or3A_547 = arith.ori %lt3A_543, %and3A_546 : vector<128x1024xi1>
    %and3A_548 = arith.constant 64 : i32
    %and3A_549 = vector.broadcast %and3A_548 : i32 to vector<128x1024xi32>
    %and3A_550 = arith.andi %iota3A, %and3A_549 : vector<128x1024xi32>
    %eq3A_551 = arith.constant 0 : i32
    %eq3A_552 = vector.broadcast %eq3A_551 : i32 to vector<128x1024xi32>
    %eq3A_553 = arith.cmpi eq, %and3A_550, %eq3A_552 : vector<128x1024xi32>
    %eq3A_554 = arith.xori %eq3A_532, %or3A_547 : vector<128x1024xi1>
    %eq3A_555 = arith.constant dense<true> : vector<128x1024xi1>
    %eq3A_556 = arith.xori %eq3A_554, %eq3A_555 : vector<128x1024xi1>
    %eq3A_557 = arith.xori %eq3A_553, %eq3A_556 : vector<128x1024xi1>
    %eq3A_558 = arith.constant dense<true> : vector<128x1024xi1>
    %eq3A_559 = arith.xori %eq3A_557, %eq3A_558 : vector<128x1024xi1>
    %select_n3A_560 = arith.select %eq3A_559, %select_n3A_525, %select_n3A_537 : vector<128x1024xi1>, vector<128x1024xi32>
    %select_n3A_561 = arith.select %eq3A_559, %select_n3A_526, %select_n3A_542 : vector<128x1024xi1>, vector<128x1024xi32>
    %and3A_562 = arith.constant 16 : i32
    %and3A_563 = vector.broadcast %and3A_562 : i32 to vector<128x1024xi32>
    %and3A_564 = arith.andi %iota3A, %and3A_563 : vector<128x1024xi32>
    %eq3A_565 = arith.constant 0 : i32
    %eq3A_566 = vector.broadcast %eq3A_565 : i32 to vector<128x1024xi32>
    %eq3A_567 = arith.cmpi eq, %and3A_564, %eq3A_566 : vector<128x1024xi32>
    %roll3A_568 = arith.constant 1008 : i32
    %roll3A_569 = tpu.dynamic_rotate %select_n3A_560 by %roll3A_568 dim 1 : vector<128x1024xi32>, i32 -> vector<128x1024xi32>
    %roll3A_570 = arith.constant 16 : i32
    %roll3A_571 = tpu.dynamic_rotate %select_n3A_560 by %roll3A_570 dim 1 : vector<128x1024xi32>, i32 -> vector<128x1024xi32>
    %select_n3A_572 = arith.select %eq3A_567, %roll3A_569, %roll3A_571 : vector<128x1024xi1>, vector<128x1024xi32>
    %roll3A_573 = arith.constant 1008 : i32
    %roll3A_574 = tpu.dynamic_rotate %select_n3A_561 by %roll3A_573 dim 1 : vector<128x1024xi32>, i32 -> vector<128x1024xi32>
    %roll3A_575 = arith.constant 16 : i32
    %roll3A_576 = tpu.dynamic_rotate %select_n3A_561 by %roll3A_575 dim 1 : vector<128x1024xi32>, i32 -> vector<128x1024xi32>
    %select_n3A_577 = arith.select %eq3A_567, %roll3A_574, %roll3A_576 : vector<128x1024xi1>, vector<128x1024xi32>
    %lt3A_578 = arith.cmpi slt, %select_n3A_560, %select_n3A_572 : vector<128x1024xi32>
    %eq3A_579 = arith.cmpi eq, %select_n3A_560, %select_n3A_572 : vector<128x1024xi32>
    %lt3A_580 = arith.cmpi slt, %select_n3A_561, %select_n3A_577 : vector<128x1024xi32>
    %and3A_581 = arith.andi %eq3A_579, %lt3A_580 : vector<128x1024xi1>
    %or3A_582 = arith.ori %lt3A_578, %and3A_581 : vector<128x1024xi1>
    %and3A_583 = arith.constant 64 : i32
    %and3A_584 = vector.broadcast %and3A_583 : i32 to vector<128x1024xi32>
    %and3A_585 = arith.andi %iota3A, %and3A_584 : vector<128x1024xi32>
    %eq3A_586 = arith.constant 0 : i32
    %eq3A_587 = vector.broadcast %eq3A_586 : i32 to vector<128x1024xi32>
    %eq3A_588 = arith.cmpi eq, %and3A_585, %eq3A_587 : vector<128x1024xi32>
    %eq3A_589 = arith.xori %eq3A_567, %or3A_582 : vector<128x1024xi1>
    %eq3A_590 = arith.constant dense<true> : vector<128x1024xi1>
    %eq3A_591 = arith.xori %eq3A_589, %eq3A_590 : vector<128x1024xi1>
    %eq3A_592 = arith.xori %eq3A_588, %eq3A_591 : vector<128x1024xi1>
    %eq3A_593 = arith.constant dense<true> : vector<128x1024xi1>
    %eq3A_594 = arith.xori %eq3A_592, %eq3A_593 : vector<128x1024xi1>
    %select_n3A_595 = arith.select %eq3A_594, %select_n3A_560, %select_n3A_572 : vector<128x1024xi1>, vector<128x1024xi32>
    %select_n3A_596 = arith.select %eq3A_594, %select_n3A_561, %select_n3A_577 : vector<128x1024xi1>, vector<128x1024xi32>
    %and3A_597 = arith.constant 8 : i32
    %and3A_598 = vector.broadcast %and3A_597 : i32 to vector<128x1024xi32>
    %and3A_599 = arith.andi %iota3A, %and3A_598 : vector<128x1024xi32>
    %eq3A_600 = arith.constant 0 : i32
    %eq3A_601 = vector.broadcast %eq3A_600 : i32 to vector<128x1024xi32>
    %eq3A_602 = arith.cmpi eq, %and3A_599, %eq3A_601 : vector<128x1024xi32>
    %roll3A_603 = arith.constant 1016 : i32
    %roll3A_604 = tpu.dynamic_rotate %select_n3A_595 by %roll3A_603 dim 1 : vector<128x1024xi32>, i32 -> vector<128x1024xi32>
    %roll3A_605 = arith.constant 8 : i32
    %roll3A_606 = tpu.dynamic_rotate %select_n3A_595 by %roll3A_605 dim 1 : vector<128x1024xi32>, i32 -> vector<128x1024xi32>
    %select_n3A_607 = arith.select %eq3A_602, %roll3A_604, %roll3A_606 : vector<128x1024xi1>, vector<128x1024xi32>
    %roll3A_608 = arith.constant 1016 : i32
    %roll3A_609 = tpu.dynamic_rotate %select_n3A_596 by %roll3A_608 dim 1 : vector<128x1024xi32>, i32 -> vector<128x1024xi32>
    %roll3A_610 = arith.constant 8 : i32
    %roll3A_611 = tpu.dynamic_rotate %select_n3A_596 by %roll3A_610 dim 1 : vector<128x1024xi32>, i32 -> vector<128x1024xi32>
    %select_n3A_612 = arith.select %eq3A_602, %roll3A_609, %roll3A_611 : vector<128x1024xi1>, vector<128x1024xi32>
    %lt3A_613 = arith.cmpi slt, %select_n3A_595, %select_n3A_607 : vector<128x1024xi32>
    %eq3A_614 = arith.cmpi eq, %select_n3A_595, %select_n3A_607 : vector<128x1024xi32>
    %lt3A_615 = arith.cmpi slt, %select_n3A_596, %select_n3A_612 : vector<128x1024xi32>
    %and3A_616 = arith.andi %eq3A_614, %lt3A_615 : vector<128x1024xi1>
    %or3A_617 = arith.ori %lt3A_613, %and3A_616 : vector<128x1024xi1>
    %and3A_618 = arith.constant 64 : i32
    %and3A_619 = vector.broadcast %and3A_618 : i32 to vector<128x1024xi32>
    %and3A_620 = arith.andi %iota3A, %and3A_619 : vector<128x1024xi32>
    %eq3A_621 = arith.constant 0 : i32
    %eq3A_622 = vector.broadcast %eq3A_621 : i32 to vector<128x1024xi32>
    %eq3A_623 = arith.cmpi eq, %and3A_620, %eq3A_622 : vector<128x1024xi32>
    %eq3A_624 = arith.xori %eq3A_602, %or3A_617 : vector<128x1024xi1>
    %eq3A_625 = arith.constant dense<true> : vector<128x1024xi1>
    %eq3A_626 = arith.xori %eq3A_624, %eq3A_625 : vector<128x1024xi1>
    %eq3A_627 = arith.xori %eq3A_623, %eq3A_626 : vector<128x1024xi1>
    %eq3A_628 = arith.constant dense<true> : vector<128x1024xi1>
    %eq3A_629 = arith.xori %eq3A_627, %eq3A_628 : vector<128x1024xi1>
    %select_n3A_630 = arith.select %eq3A_629, %select_n3A_595, %select_n3A_607 : vector<128x1024xi1>, vector<128x1024xi32>
    %select_n3A_631 = arith.select %eq3A_629, %select_n3A_596, %select_n3A_612 : vector<128x1024xi1>, vector<128x1024xi32>
    %and3A_632 = arith.constant 4 : i32
    %and3A_633 = vector.broadcast %and3A_632 : i32 to vector<128x1024xi32>
    %and3A_634 = arith.andi %iota3A, %and3A_633 : vector<128x1024xi32>
    %eq3A_635 = arith.constant 0 : i32
    %eq3A_636 = vector.broadcast %eq3A_635 : i32 to vector<128x1024xi32>
    %eq3A_637 = arith.cmpi eq, %and3A_634, %eq3A_636 : vector<128x1024xi32>
    %roll3A_638 = arith.constant 1020 : i32
    %roll3A_639 = tpu.dynamic_rotate %select_n3A_630 by %roll3A_638 dim 1 : vector<128x1024xi32>, i32 -> vector<128x1024xi32>
    %roll3A_640 = arith.constant 4 : i32
    %roll3A_641 = tpu.dynamic_rotate %select_n3A_630 by %roll3A_640 dim 1 : vector<128x1024xi32>, i32 -> vector<128x1024xi32>
    %select_n3A_642 = arith.select %eq3A_637, %roll3A_639, %roll3A_641 : vector<128x1024xi1>, vector<128x1024xi32>
    %roll3A_643 = arith.constant 1020 : i32
    %roll3A_644 = tpu.dynamic_rotate %select_n3A_631 by %roll3A_643 dim 1 : vector<128x1024xi32>, i32 -> vector<128x1024xi32>
    %roll3A_645 = arith.constant 4 : i32
    %roll3A_646 = tpu.dynamic_rotate %select_n3A_631 by %roll3A_645 dim 1 : vector<128x1024xi32>, i32 -> vector<128x1024xi32>
    %select_n3A_647 = arith.select %eq3A_637, %roll3A_644, %roll3A_646 : vector<128x1024xi1>, vector<128x1024xi32>
    %lt3A_648 = arith.cmpi slt, %select_n3A_630, %select_n3A_642 : vector<128x1024xi32>
    %eq3A_649 = arith.cmpi eq, %select_n3A_630, %select_n3A_642 : vector<128x1024xi32>
    %lt3A_650 = arith.cmpi slt, %select_n3A_631, %select_n3A_647 : vector<128x1024xi32>
    %and3A_651 = arith.andi %eq3A_649, %lt3A_650 : vector<128x1024xi1>
    %or3A_652 = arith.ori %lt3A_648, %and3A_651 : vector<128x1024xi1>
    %and3A_653 = arith.constant 64 : i32
    %and3A_654 = vector.broadcast %and3A_653 : i32 to vector<128x1024xi32>
    %and3A_655 = arith.andi %iota3A, %and3A_654 : vector<128x1024xi32>
    %eq3A_656 = arith.constant 0 : i32
    %eq3A_657 = vector.broadcast %eq3A_656 : i32 to vector<128x1024xi32>
    %eq3A_658 = arith.cmpi eq, %and3A_655, %eq3A_657 : vector<128x1024xi32>
    %eq3A_659 = arith.xori %eq3A_637, %or3A_652 : vector<128x1024xi1>
    %eq3A_660 = arith.constant dense<true> : vector<128x1024xi1>
    %eq3A_661 = arith.xori %eq3A_659, %eq3A_660 : vector<128x1024xi1>
    %eq3A_662 = arith.xori %eq3A_658, %eq3A_661 : vector<128x1024xi1>
    %eq3A_663 = arith.constant dense<true> : vector<128x1024xi1>
    %eq3A_664 = arith.xori %eq3A_662, %eq3A_663 : vector<128x1024xi1>
    %select_n3A_665 = arith.select %eq3A_664, %select_n3A_630, %select_n3A_642 : vector<128x1024xi1>, vector<128x1024xi32>
    %select_n3A_666 = arith.select %eq3A_664, %select_n3A_631, %select_n3A_647 : vector<128x1024xi1>, vector<128x1024xi32>
    %and3A_667 = arith.constant 2 : i32
    %and3A_668 = vector.broadcast %and3A_667 : i32 to vector<128x1024xi32>
    %and3A_669 = arith.andi %iota3A, %and3A_668 : vector<128x1024xi32>
    %eq3A_670 = arith.constant 0 : i32
    %eq3A_671 = vector.broadcast %eq3A_670 : i32 to vector<128x1024xi32>
    %eq3A_672 = arith.cmpi eq, %and3A_669, %eq3A_671 : vector<128x1024xi32>
    %roll3A_673 = arith.constant 1022 : i32
    %roll3A_674 = tpu.dynamic_rotate %select_n3A_665 by %roll3A_673 dim 1 : vector<128x1024xi32>, i32 -> vector<128x1024xi32>
    %roll3A_675 = arith.constant 2 : i32
    %roll3A_676 = tpu.dynamic_rotate %select_n3A_665 by %roll3A_675 dim 1 : vector<128x1024xi32>, i32 -> vector<128x1024xi32>
    %select_n3A_677 = arith.select %eq3A_672, %roll3A_674, %roll3A_676 : vector<128x1024xi1>, vector<128x1024xi32>
    %roll3A_678 = arith.constant 1022 : i32
    %roll3A_679 = tpu.dynamic_rotate %select_n3A_666 by %roll3A_678 dim 1 : vector<128x1024xi32>, i32 -> vector<128x1024xi32>
    %roll3A_680 = arith.constant 2 : i32
    %roll3A_681 = tpu.dynamic_rotate %select_n3A_666 by %roll3A_680 dim 1 : vector<128x1024xi32>, i32 -> vector<128x1024xi32>
    %select_n3A_682 = arith.select %eq3A_672, %roll3A_679, %roll3A_681 : vector<128x1024xi1>, vector<128x1024xi32>
    %lt3A_683 = arith.cmpi slt, %select_n3A_665, %select_n3A_677 : vector<128x1024xi32>
    %eq3A_684 = arith.cmpi eq, %select_n3A_665, %select_n3A_677 : vector<128x1024xi32>
    %lt3A_685 = arith.cmpi slt, %select_n3A_666, %select_n3A_682 : vector<128x1024xi32>
    %and3A_686 = arith.andi %eq3A_684, %lt3A_685 : vector<128x1024xi1>
    %or3A_687 = arith.ori %lt3A_683, %and3A_686 : vector<128x1024xi1>
    %and3A_688 = arith.constant 64 : i32
    %and3A_689 = vector.broadcast %and3A_688 : i32 to vector<128x1024xi32>
    %and3A_690 = arith.andi %iota3A, %and3A_689 : vector<128x1024xi32>
    %eq3A_691 = arith.constant 0 : i32
    %eq3A_692 = vector.broadcast %eq3A_691 : i32 to vector<128x1024xi32>
    %eq3A_693 = arith.cmpi eq, %and3A_690, %eq3A_692 : vector<128x1024xi32>
    %eq3A_694 = arith.xori %eq3A_672, %or3A_687 : vector<128x1024xi1>
    %eq3A_695 = arith.constant dense<true> : vector<128x1024xi1>
    %eq3A_696 = arith.xori %eq3A_694, %eq3A_695 : vector<128x1024xi1>
    %eq3A_697 = arith.xori %eq3A_693, %eq3A_696 : vector<128x1024xi1>
    %eq3A_698 = arith.constant dense<true> : vector<128x1024xi1>
    %eq3A_699 = arith.xori %eq3A_697, %eq3A_698 : vector<128x1024xi1>
    %select_n3A_700 = arith.select %eq3A_699, %select_n3A_665, %select_n3A_677 : vector<128x1024xi1>, vector<128x1024xi32>
    %select_n3A_701 = arith.select %eq3A_699, %select_n3A_666, %select_n3A_682 : vector<128x1024xi1>, vector<128x1024xi32>
    %and3A_702 = arith.constant 1 : i32
    %and3A_703 = vector.broadcast %and3A_702 : i32 to vector<128x1024xi32>
    %and3A_704 = arith.andi %iota3A, %and3A_703 : vector<128x1024xi32>
    %eq3A_705 = arith.constant 0 : i32
    %eq3A_706 = vector.broadcast %eq3A_705 : i32 to vector<128x1024xi32>
    %eq3A_707 = arith.cmpi eq, %and3A_704, %eq3A_706 : vector<128x1024xi32>
    %roll3A_708 = arith.constant 1023 : i32
    %roll3A_709 = tpu.dynamic_rotate %select_n3A_700 by %roll3A_708 dim 1 : vector<128x1024xi32>, i32 -> vector<128x1024xi32>
    %roll3A_710 = arith.constant 1 : i32
    %roll3A_711 = tpu.dynamic_rotate %select_n3A_700 by %roll3A_710 dim 1 : vector<128x1024xi32>, i32 -> vector<128x1024xi32>
    %select_n3A_712 = arith.select %eq3A_707, %roll3A_709, %roll3A_711 : vector<128x1024xi1>, vector<128x1024xi32>
    %roll3A_713 = arith.constant 1023 : i32
    %roll3A_714 = tpu.dynamic_rotate %select_n3A_701 by %roll3A_713 dim 1 : vector<128x1024xi32>, i32 -> vector<128x1024xi32>
    %roll3A_715 = arith.constant 1 : i32
    %roll3A_716 = tpu.dynamic_rotate %select_n3A_701 by %roll3A_715 dim 1 : vector<128x1024xi32>, i32 -> vector<128x1024xi32>
    %select_n3A_717 = arith.select %eq3A_707, %roll3A_714, %roll3A_716 : vector<128x1024xi1>, vector<128x1024xi32>
    %lt3A_718 = arith.cmpi slt, %select_n3A_700, %select_n3A_712 : vector<128x1024xi32>
    %eq3A_719 = arith.cmpi eq, %select_n3A_700, %select_n3A_712 : vector<128x1024xi32>
    %lt3A_720 = arith.cmpi slt, %select_n3A_701, %select_n3A_717 : vector<128x1024xi32>
    %and3A_721 = arith.andi %eq3A_719, %lt3A_720 : vector<128x1024xi1>
    %or3A_722 = arith.ori %lt3A_718, %and3A_721 : vector<128x1024xi1>
    %and3A_723 = arith.constant 64 : i32
    %and3A_724 = vector.broadcast %and3A_723 : i32 to vector<128x1024xi32>
    %and3A_725 = arith.andi %iota3A, %and3A_724 : vector<128x1024xi32>
    %eq3A_726 = arith.constant 0 : i32
    %eq3A_727 = vector.broadcast %eq3A_726 : i32 to vector<128x1024xi32>
    %eq3A_728 = arith.cmpi eq, %and3A_725, %eq3A_727 : vector<128x1024xi32>
    %eq3A_729 = arith.xori %eq3A_707, %or3A_722 : vector<128x1024xi1>
    %eq3A_730 = arith.constant dense<true> : vector<128x1024xi1>
    %eq3A_731 = arith.xori %eq3A_729, %eq3A_730 : vector<128x1024xi1>
    %eq3A_732 = arith.xori %eq3A_728, %eq3A_731 : vector<128x1024xi1>
    %eq3A_733 = arith.constant dense<true> : vector<128x1024xi1>
    %eq3A_734 = arith.xori %eq3A_732, %eq3A_733 : vector<128x1024xi1>
    %select_n3A_735 = arith.select %eq3A_734, %select_n3A_700, %select_n3A_712 : vector<128x1024xi1>, vector<128x1024xi32>
    %select_n3A_736 = arith.select %eq3A_734, %select_n3A_701, %select_n3A_717 : vector<128x1024xi1>, vector<128x1024xi32>
    %and3A_737 = arith.constant 64 : i32
    %and3A_738 = vector.broadcast %and3A_737 : i32 to vector<128x1024xi32>
    %and3A_739 = arith.andi %iota3A, %and3A_738 : vector<128x1024xi32>
    %eq3A_740 = arith.constant 0 : i32
    %eq3A_741 = vector.broadcast %eq3A_740 : i32 to vector<128x1024xi32>
    %eq3A_742 = arith.cmpi eq, %and3A_739, %eq3A_741 : vector<128x1024xi32>
    %roll3A_743 = arith.constant 960 : i32
    %roll3A_744 = tpu.dynamic_rotate %select_n3A_735 by %roll3A_743 dim 1 : vector<128x1024xi32>, i32 -> vector<128x1024xi32>
    %roll3A_745 = arith.constant 64 : i32
    %roll3A_746 = tpu.dynamic_rotate %select_n3A_735 by %roll3A_745 dim 1 : vector<128x1024xi32>, i32 -> vector<128x1024xi32>
    %select_n3A_747 = arith.select %eq3A_742, %roll3A_744, %roll3A_746 : vector<128x1024xi1>, vector<128x1024xi32>
    %roll3A_748 = arith.constant 960 : i32
    %roll3A_749 = tpu.dynamic_rotate %select_n3A_736 by %roll3A_748 dim 1 : vector<128x1024xi32>, i32 -> vector<128x1024xi32>
    %roll3A_750 = arith.constant 64 : i32
    %roll3A_751 = tpu.dynamic_rotate %select_n3A_736 by %roll3A_750 dim 1 : vector<128x1024xi32>, i32 -> vector<128x1024xi32>
    %select_n3A_752 = arith.select %eq3A_742, %roll3A_749, %roll3A_751 : vector<128x1024xi1>, vector<128x1024xi32>
    %lt3A_753 = arith.cmpi slt, %select_n3A_735, %select_n3A_747 : vector<128x1024xi32>
    %eq3A_754 = arith.cmpi eq, %select_n3A_735, %select_n3A_747 : vector<128x1024xi32>
    %lt3A_755 = arith.cmpi slt, %select_n3A_736, %select_n3A_752 : vector<128x1024xi32>
    %and3A_756 = arith.andi %eq3A_754, %lt3A_755 : vector<128x1024xi1>
    %or3A_757 = arith.ori %lt3A_753, %and3A_756 : vector<128x1024xi1>
    %and3A_758 = arith.constant 128 : i32
    %and3A_759 = vector.broadcast %and3A_758 : i32 to vector<128x1024xi32>
    %and3A_760 = arith.andi %iota3A, %and3A_759 : vector<128x1024xi32>
    %eq3A_761 = arith.constant 0 : i32
    %eq3A_762 = vector.broadcast %eq3A_761 : i32 to vector<128x1024xi32>
    %eq3A_763 = arith.cmpi eq, %and3A_760, %eq3A_762 : vector<128x1024xi32>
    %eq3A_764 = arith.xori %eq3A_742, %or3A_757 : vector<128x1024xi1>
    %eq3A_765 = arith.constant dense<true> : vector<128x1024xi1>
    %eq3A_766 = arith.xori %eq3A_764, %eq3A_765 : vector<128x1024xi1>
    %eq3A_767 = arith.xori %eq3A_763, %eq3A_766 : vector<128x1024xi1>
    %eq3A_768 = arith.constant dense<true> : vector<128x1024xi1>
    %eq3A_769 = arith.xori %eq3A_767, %eq3A_768 : vector<128x1024xi1>
    %select_n3A_770 = arith.select %eq3A_769, %select_n3A_735, %select_n3A_747 : vector<128x1024xi1>, vector<128x1024xi32>
    %select_n3A_771 = arith.select %eq3A_769, %select_n3A_736, %select_n3A_752 : vector<128x1024xi1>, vector<128x1024xi32>
    %and3A_772 = arith.constant 32 : i32
    %and3A_773 = vector.broadcast %and3A_772 : i32 to vector<128x1024xi32>
    %and3A_774 = arith.andi %iota3A, %and3A_773 : vector<128x1024xi32>
    %eq3A_775 = arith.constant 0 : i32
    %eq3A_776 = vector.broadcast %eq3A_775 : i32 to vector<128x1024xi32>
    %eq3A_777 = arith.cmpi eq, %and3A_774, %eq3A_776 : vector<128x1024xi32>
    %roll3A_778 = arith.constant 992 : i32
    %roll3A_779 = tpu.dynamic_rotate %select_n3A_770 by %roll3A_778 dim 1 : vector<128x1024xi32>, i32 -> vector<128x1024xi32>
    %roll3A_780 = arith.constant 32 : i32
    %roll3A_781 = tpu.dynamic_rotate %select_n3A_770 by %roll3A_780 dim 1 : vector<128x1024xi32>, i32 -> vector<128x1024xi32>
    %select_n3A_782 = arith.select %eq3A_777, %roll3A_779, %roll3A_781 : vector<128x1024xi1>, vector<128x1024xi32>
    %roll3A_783 = arith.constant 992 : i32
    %roll3A_784 = tpu.dynamic_rotate %select_n3A_771 by %roll3A_783 dim 1 : vector<128x1024xi32>, i32 -> vector<128x1024xi32>
    %roll3A_785 = arith.constant 32 : i32
    %roll3A_786 = tpu.dynamic_rotate %select_n3A_771 by %roll3A_785 dim 1 : vector<128x1024xi32>, i32 -> vector<128x1024xi32>
    %select_n3A_787 = arith.select %eq3A_777, %roll3A_784, %roll3A_786 : vector<128x1024xi1>, vector<128x1024xi32>
    %lt3A_788 = arith.cmpi slt, %select_n3A_770, %select_n3A_782 : vector<128x1024xi32>
    %eq3A_789 = arith.cmpi eq, %select_n3A_770, %select_n3A_782 : vector<128x1024xi32>
    %lt3A_790 = arith.cmpi slt, %select_n3A_771, %select_n3A_787 : vector<128x1024xi32>
    %and3A_791 = arith.andi %eq3A_789, %lt3A_790 : vector<128x1024xi1>
    %or3A_792 = arith.ori %lt3A_788, %and3A_791 : vector<128x1024xi1>
    %and3A_793 = arith.constant 128 : i32
    %and3A_794 = vector.broadcast %and3A_793 : i32 to vector<128x1024xi32>
    %and3A_795 = arith.andi %iota3A, %and3A_794 : vector<128x1024xi32>
    %eq3A_796 = arith.constant 0 : i32
    %eq3A_797 = vector.broadcast %eq3A_796 : i32 to vector<128x1024xi32>
    %eq3A_798 = arith.cmpi eq, %and3A_795, %eq3A_797 : vector<128x1024xi32>
    %eq3A_799 = arith.xori %eq3A_777, %or3A_792 : vector<128x1024xi1>
    %eq3A_800 = arith.constant dense<true> : vector<128x1024xi1>
    %eq3A_801 = arith.xori %eq3A_799, %eq3A_800 : vector<128x1024xi1>
    %eq3A_802 = arith.xori %eq3A_798, %eq3A_801 : vector<128x1024xi1>
    %eq3A_803 = arith.constant dense<true> : vector<128x1024xi1>
    %eq3A_804 = arith.xori %eq3A_802, %eq3A_803 : vector<128x1024xi1>
    %select_n3A_805 = arith.select %eq3A_804, %select_n3A_770, %select_n3A_782 : vector<128x1024xi1>, vector<128x1024xi32>
    %select_n3A_806 = arith.select %eq3A_804, %select_n3A_771, %select_n3A_787 : vector<128x1024xi1>, vector<128x1024xi32>
    %and3A_807 = arith.constant 16 : i32
    %and3A_808 = vector.broadcast %and3A_807 : i32 to vector<128x1024xi32>
    %and3A_809 = arith.andi %iota3A, %and3A_808 : vector<128x1024xi32>
    %eq3A_810 = arith.constant 0 : i32
    %eq3A_811 = vector.broadcast %eq3A_810 : i32 to vector<128x1024xi32>
    %eq3A_812 = arith.cmpi eq, %and3A_809, %eq3A_811 : vector<128x1024xi32>
    %roll3A_813 = arith.constant 1008 : i32
    %roll3A_814 = tpu.dynamic_rotate %select_n3A_805 by %roll3A_813 dim 1 : vector<128x1024xi32>, i32 -> vector<128x1024xi32>
    %roll3A_815 = arith.constant 16 : i32
    %roll3A_816 = tpu.dynamic_rotate %select_n3A_805 by %roll3A_815 dim 1 : vector<128x1024xi32>, i32 -> vector<128x1024xi32>
    %select_n3A_817 = arith.select %eq3A_812, %roll3A_814, %roll3A_816 : vector<128x1024xi1>, vector<128x1024xi32>
    %roll3A_818 = arith.constant 1008 : i32
    %roll3A_819 = tpu.dynamic_rotate %select_n3A_806 by %roll3A_818 dim 1 : vector<128x1024xi32>, i32 -> vector<128x1024xi32>
    %roll3A_820 = arith.constant 16 : i32
    %roll3A_821 = tpu.dynamic_rotate %select_n3A_806 by %roll3A_820 dim 1 : vector<128x1024xi32>, i32 -> vector<128x1024xi32>
    %select_n3A_822 = arith.select %eq3A_812, %roll3A_819, %roll3A_821 : vector<128x1024xi1>, vector<128x1024xi32>
    %lt3A_823 = arith.cmpi slt, %select_n3A_805, %select_n3A_817 : vector<128x1024xi32>
    %eq3A_824 = arith.cmpi eq, %select_n3A_805, %select_n3A_817 : vector<128x1024xi32>
    %lt3A_825 = arith.cmpi slt, %select_n3A_806, %select_n3A_822 : vector<128x1024xi32>
    %and3A_826 = arith.andi %eq3A_824, %lt3A_825 : vector<128x1024xi1>
    %or3A_827 = arith.ori %lt3A_823, %and3A_826 : vector<128x1024xi1>
    %and3A_828 = arith.constant 128 : i32
    %and3A_829 = vector.broadcast %and3A_828 : i32 to vector<128x1024xi32>
    %and3A_830 = arith.andi %iota3A, %and3A_829 : vector<128x1024xi32>
    %eq3A_831 = arith.constant 0 : i32
    %eq3A_832 = vector.broadcast %eq3A_831 : i32 to vector<128x1024xi32>
    %eq3A_833 = arith.cmpi eq, %and3A_830, %eq3A_832 : vector<128x1024xi32>
    %eq3A_834 = arith.xori %eq3A_812, %or3A_827 : vector<128x1024xi1>
    %eq3A_835 = arith.constant dense<true> : vector<128x1024xi1>
    %eq3A_836 = arith.xori %eq3A_834, %eq3A_835 : vector<128x1024xi1>
    %eq3A_837 = arith.xori %eq3A_833, %eq3A_836 : vector<128x1024xi1>
    %eq3A_838 = arith.constant dense<true> : vector<128x1024xi1>
    %eq3A_839 = arith.xori %eq3A_837, %eq3A_838 : vector<128x1024xi1>
    %select_n3A_840 = arith.select %eq3A_839, %select_n3A_805, %select_n3A_817 : vector<128x1024xi1>, vector<128x1024xi32>
    %select_n3A_841 = arith.select %eq3A_839, %select_n3A_806, %select_n3A_822 : vector<128x1024xi1>, vector<128x1024xi32>
    %and3A_842 = arith.constant 8 : i32
    %and3A_843 = vector.broadcast %and3A_842 : i32 to vector<128x1024xi32>
    %and3A_844 = arith.andi %iota3A, %and3A_843 : vector<128x1024xi32>
    %eq3A_845 = arith.constant 0 : i32
    %eq3A_846 = vector.broadcast %eq3A_845 : i32 to vector<128x1024xi32>
    %eq3A_847 = arith.cmpi eq, %and3A_844, %eq3A_846 : vector<128x1024xi32>
    %roll3A_848 = arith.constant 1016 : i32
    %roll3A_849 = tpu.dynamic_rotate %select_n3A_840 by %roll3A_848 dim 1 : vector<128x1024xi32>, i32 -> vector<128x1024xi32>
    %roll3A_850 = arith.constant 8 : i32
    %roll3A_851 = tpu.dynamic_rotate %select_n3A_840 by %roll3A_850 dim 1 : vector<128x1024xi32>, i32 -> vector<128x1024xi32>
    %select_n3A_852 = arith.select %eq3A_847, %roll3A_849, %roll3A_851 : vector<128x1024xi1>, vector<128x1024xi32>
    %roll3A_853 = arith.constant 1016 : i32
    %roll3A_854 = tpu.dynamic_rotate %select_n3A_841 by %roll3A_853 dim 1 : vector<128x1024xi32>, i32 -> vector<128x1024xi32>
    %roll3A_855 = arith.constant 8 : i32
    %roll3A_856 = tpu.dynamic_rotate %select_n3A_841 by %roll3A_855 dim 1 : vector<128x1024xi32>, i32 -> vector<128x1024xi32>
    %select_n3A_857 = arith.select %eq3A_847, %roll3A_854, %roll3A_856 : vector<128x1024xi1>, vector<128x1024xi32>
    %lt3A_858 = arith.cmpi slt, %select_n3A_840, %select_n3A_852 : vector<128x1024xi32>
    %eq3A_859 = arith.cmpi eq, %select_n3A_840, %select_n3A_852 : vector<128x1024xi32>
    %lt3A_860 = arith.cmpi slt, %select_n3A_841, %select_n3A_857 : vector<128x1024xi32>
    %and3A_861 = arith.andi %eq3A_859, %lt3A_860 : vector<128x1024xi1>
    %or3A_862 = arith.ori %lt3A_858, %and3A_861 : vector<128x1024xi1>
    %and3A_863 = arith.constant 128 : i32
    %and3A_864 = vector.broadcast %and3A_863 : i32 to vector<128x1024xi32>
    %and3A_865 = arith.andi %iota3A, %and3A_864 : vector<128x1024xi32>
    %eq3A_866 = arith.constant 0 : i32
    %eq3A_867 = vector.broadcast %eq3A_866 : i32 to vector<128x1024xi32>
    %eq3A_868 = arith.cmpi eq, %and3A_865, %eq3A_867 : vector<128x1024xi32>
    %eq3A_869 = arith.xori %eq3A_847, %or3A_862 : vector<128x1024xi1>
    %eq3A_870 = arith.constant dense<true> : vector<128x1024xi1>
    %eq3A_871 = arith.xori %eq3A_869, %eq3A_870 : vector<128x1024xi1>
    %eq3A_872 = arith.xori %eq3A_868, %eq3A_871 : vector<128x1024xi1>
    %eq3A_873 = arith.constant dense<true> : vector<128x1024xi1>
    %eq3A_874 = arith.xori %eq3A_872, %eq3A_873 : vector<128x1024xi1>
    %select_n3A_875 = arith.select %eq3A_874, %select_n3A_840, %select_n3A_852 : vector<128x1024xi1>, vector<128x1024xi32>
    %select_n3A_876 = arith.select %eq3A_874, %select_n3A_841, %select_n3A_857 : vector<128x1024xi1>, vector<128x1024xi32>
    %and3A_877 = arith.constant 4 : i32
    %and3A_878 = vector.broadcast %and3A_877 : i32 to vector<128x1024xi32>
    %and3A_879 = arith.andi %iota3A, %and3A_878 : vector<128x1024xi32>
    %eq3A_880 = arith.constant 0 : i32
    %eq3A_881 = vector.broadcast %eq3A_880 : i32 to vector<128x1024xi32>
    %eq3A_882 = arith.cmpi eq, %and3A_879, %eq3A_881 : vector<128x1024xi32>
    %roll3A_883 = arith.constant 1020 : i32
    %roll3A_884 = tpu.dynamic_rotate %select_n3A_875 by %roll3A_883 dim 1 : vector<128x1024xi32>, i32 -> vector<128x1024xi32>
    %roll3A_885 = arith.constant 4 : i32
    %roll3A_886 = tpu.dynamic_rotate %select_n3A_875 by %roll3A_885 dim 1 : vector<128x1024xi32>, i32 -> vector<128x1024xi32>
    %select_n3A_887 = arith.select %eq3A_882, %roll3A_884, %roll3A_886 : vector<128x1024xi1>, vector<128x1024xi32>
    %roll3A_888 = arith.constant 1020 : i32
    %roll3A_889 = tpu.dynamic_rotate %select_n3A_876 by %roll3A_888 dim 1 : vector<128x1024xi32>, i32 -> vector<128x1024xi32>
    %roll3A_890 = arith.constant 4 : i32
    %roll3A_891 = tpu.dynamic_rotate %select_n3A_876 by %roll3A_890 dim 1 : vector<128x1024xi32>, i32 -> vector<128x1024xi32>
    %select_n3A_892 = arith.select %eq3A_882, %roll3A_889, %roll3A_891 : vector<128x1024xi1>, vector<128x1024xi32>
    %lt3A_893 = arith.cmpi slt, %select_n3A_875, %select_n3A_887 : vector<128x1024xi32>
    %eq3A_894 = arith.cmpi eq, %select_n3A_875, %select_n3A_887 : vector<128x1024xi32>
    %lt3A_895 = arith.cmpi slt, %select_n3A_876, %select_n3A_892 : vector<128x1024xi32>
    %and3A_896 = arith.andi %eq3A_894, %lt3A_895 : vector<128x1024xi1>
    %or3A_897 = arith.ori %lt3A_893, %and3A_896 : vector<128x1024xi1>
    %and3A_898 = arith.constant 128 : i32
    %and3A_899 = vector.broadcast %and3A_898 : i32 to vector<128x1024xi32>
    %and3A_900 = arith.andi %iota3A, %and3A_899 : vector<128x1024xi32>
    %eq3A_901 = arith.constant 0 : i32
    %eq3A_902 = vector.broadcast %eq3A_901 : i32 to vector<128x1024xi32>
    %eq3A_903 = arith.cmpi eq, %and3A_900, %eq3A_902 : vector<128x1024xi32>
    %eq3A_904 = arith.xori %eq3A_882, %or3A_897 : vector<128x1024xi1>
    %eq3A_905 = arith.constant dense<true> : vector<128x1024xi1>
    %eq3A_906 = arith.xori %eq3A_904, %eq3A_905 : vector<128x1024xi1>
    %eq3A_907 = arith.xori %eq3A_903, %eq3A_906 : vector<128x1024xi1>
    %eq3A_908 = arith.constant dense<true> : vector<128x1024xi1>
    %eq3A_909 = arith.xori %eq3A_907, %eq3A_908 : vector<128x1024xi1>
    %select_n3A_910 = arith.select %eq3A_909, %select_n3A_875, %select_n3A_887 : vector<128x1024xi1>, vector<128x1024xi32>
    %select_n3A_911 = arith.select %eq3A_909, %select_n3A_876, %select_n3A_892 : vector<128x1024xi1>, vector<128x1024xi32>
    %and3A_912 = arith.constant 2 : i32
    %and3A_913 = vector.broadcast %and3A_912 : i32 to vector<128x1024xi32>
    %and3A_914 = arith.andi %iota3A, %and3A_913 : vector<128x1024xi32>
    %eq3A_915 = arith.constant 0 : i32
    %eq3A_916 = vector.broadcast %eq3A_915 : i32 to vector<128x1024xi32>
    %eq3A_917 = arith.cmpi eq, %and3A_914, %eq3A_916 : vector<128x1024xi32>
    %roll3A_918 = arith.constant 1022 : i32
    %roll3A_919 = tpu.dynamic_rotate %select_n3A_910 by %roll3A_918 dim 1 : vector<128x1024xi32>, i32 -> vector<128x1024xi32>
    %roll3A_920 = arith.constant 2 : i32
    %roll3A_921 = tpu.dynamic_rotate %select_n3A_910 by %roll3A_920 dim 1 : vector<128x1024xi32>, i32 -> vector<128x1024xi32>
    %select_n3A_922 = arith.select %eq3A_917, %roll3A_919, %roll3A_921 : vector<128x1024xi1>, vector<128x1024xi32>
    %roll3A_923 = arith.constant 1022 : i32
    %roll3A_924 = tpu.dynamic_rotate %select_n3A_911 by %roll3A_923 dim 1 : vector<128x1024xi32>, i32 -> vector<128x1024xi32>
    %roll3A_925 = arith.constant 2 : i32
    %roll3A_926 = tpu.dynamic_rotate %select_n3A_911 by %roll3A_925 dim 1 : vector<128x1024xi32>, i32 -> vector<128x1024xi32>
    %select_n3A_927 = arith.select %eq3A_917, %roll3A_924, %roll3A_926 : vector<128x1024xi1>, vector<128x1024xi32>
    %lt3A_928 = arith.cmpi slt, %select_n3A_910, %select_n3A_922 : vector<128x1024xi32>
    %eq3A_929 = arith.cmpi eq, %select_n3A_910, %select_n3A_922 : vector<128x1024xi32>
    %lt3A_930 = arith.cmpi slt, %select_n3A_911, %select_n3A_927 : vector<128x1024xi32>
    %and3A_931 = arith.andi %eq3A_929, %lt3A_930 : vector<128x1024xi1>
    %or3A_932 = arith.ori %lt3A_928, %and3A_931 : vector<128x1024xi1>
    %and3A_933 = arith.constant 128 : i32
    %and3A_934 = vector.broadcast %and3A_933 : i32 to vector<128x1024xi32>
    %and3A_935 = arith.andi %iota3A, %and3A_934 : vector<128x1024xi32>
    %eq3A_936 = arith.constant 0 : i32
    %eq3A_937 = vector.broadcast %eq3A_936 : i32 to vector<128x1024xi32>
    %eq3A_938 = arith.cmpi eq, %and3A_935, %eq3A_937 : vector<128x1024xi32>
    %eq3A_939 = arith.xori %eq3A_917, %or3A_932 : vector<128x1024xi1>
    %eq3A_940 = arith.constant dense<true> : vector<128x1024xi1>
    %eq3A_941 = arith.xori %eq3A_939, %eq3A_940 : vector<128x1024xi1>
    %eq3A_942 = arith.xori %eq3A_938, %eq3A_941 : vector<128x1024xi1>
    %eq3A_943 = arith.constant dense<true> : vector<128x1024xi1>
    %eq3A_944 = arith.xori %eq3A_942, %eq3A_943 : vector<128x1024xi1>
    %select_n3A_945 = arith.select %eq3A_944, %select_n3A_910, %select_n3A_922 : vector<128x1024xi1>, vector<128x1024xi32>
    %select_n3A_946 = arith.select %eq3A_944, %select_n3A_911, %select_n3A_927 : vector<128x1024xi1>, vector<128x1024xi32>
    %and3A_947 = arith.constant 1 : i32
    %and3A_948 = vector.broadcast %and3A_947 : i32 to vector<128x1024xi32>
    %and3A_949 = arith.andi %iota3A, %and3A_948 : vector<128x1024xi32>
    %eq3A_950 = arith.constant 0 : i32
    %eq3A_951 = vector.broadcast %eq3A_950 : i32 to vector<128x1024xi32>
    %eq3A_952 = arith.cmpi eq, %and3A_949, %eq3A_951 : vector<128x1024xi32>
    %roll3A_953 = arith.constant 1023 : i32
    %roll3A_954 = tpu.dynamic_rotate %select_n3A_945 by %roll3A_953 dim 1 : vector<128x1024xi32>, i32 -> vector<128x1024xi32>
    %roll3A_955 = arith.constant 1 : i32
    %roll3A_956 = tpu.dynamic_rotate %select_n3A_945 by %roll3A_955 dim 1 : vector<128x1024xi32>, i32 -> vector<128x1024xi32>
    %select_n3A_957 = arith.select %eq3A_952, %roll3A_954, %roll3A_956 : vector<128x1024xi1>, vector<128x1024xi32>
    %roll3A_958 = arith.constant 1023 : i32
    %roll3A_959 = tpu.dynamic_rotate %select_n3A_946 by %roll3A_958 dim 1 : vector<128x1024xi32>, i32 -> vector<128x1024xi32>
    %roll3A_960 = arith.constant 1 : i32
    %roll3A_961 = tpu.dynamic_rotate %select_n3A_946 by %roll3A_960 dim 1 : vector<128x1024xi32>, i32 -> vector<128x1024xi32>
    %select_n3A_962 = arith.select %eq3A_952, %roll3A_959, %roll3A_961 : vector<128x1024xi1>, vector<128x1024xi32>
    %lt3A_963 = arith.cmpi slt, %select_n3A_945, %select_n3A_957 : vector<128x1024xi32>
    %eq3A_964 = arith.cmpi eq, %select_n3A_945, %select_n3A_957 : vector<128x1024xi32>
    %lt3A_965 = arith.cmpi slt, %select_n3A_946, %select_n3A_962 : vector<128x1024xi32>
    %and3A_966 = arith.andi %eq3A_964, %lt3A_965 : vector<128x1024xi1>
    %or3A_967 = arith.ori %lt3A_963, %and3A_966 : vector<128x1024xi1>
    %and3A_968 = arith.constant 128 : i32
    %and3A_969 = vector.broadcast %and3A_968 : i32 to vector<128x1024xi32>
    %and3A_970 = arith.andi %iota3A, %and3A_969 : vector<128x1024xi32>
    %eq3A_971 = arith.constant 0 : i32
    %eq3A_972 = vector.broadcast %eq3A_971 : i32 to vector<128x1024xi32>
    %eq3A_973 = arith.cmpi eq, %and3A_970, %eq3A_972 : vector<128x1024xi32>
    %eq3A_974 = arith.xori %eq3A_952, %or3A_967 : vector<128x1024xi1>
    %eq3A_975 = arith.constant dense<true> : vector<128x1024xi1>
    %eq3A_976 = arith.xori %eq3A_974, %eq3A_975 : vector<128x1024xi1>
    %eq3A_977 = arith.xori %eq3A_973, %eq3A_976 : vector<128x1024xi1>
    %eq3A_978 = arith.constant dense<true> : vector<128x1024xi1>
    %eq3A_979 = arith.xori %eq3A_977, %eq3A_978 : vector<128x1024xi1>
    %select_n3A_980 = arith.select %eq3A_979, %select_n3A_945, %select_n3A_957 : vector<128x1024xi1>, vector<128x1024xi32>
    %select_n3A_981 = arith.select %eq3A_979, %select_n3A_946, %select_n3A_962 : vector<128x1024xi1>, vector<128x1024xi32>
    %and3A_982 = arith.constant 128 : i32
    %and3A_983 = vector.broadcast %and3A_982 : i32 to vector<128x1024xi32>
    %and3A_984 = arith.andi %iota3A, %and3A_983 : vector<128x1024xi32>
    %eq3A_985 = arith.constant 0 : i32
    %eq3A_986 = vector.broadcast %eq3A_985 : i32 to vector<128x1024xi32>
    %eq3A_987 = arith.cmpi eq, %and3A_984, %eq3A_986 : vector<128x1024xi32>
    %roll3A_988 = arith.constant 896 : i32
    %roll3A_989 = tpu.dynamic_rotate %select_n3A_980 by %roll3A_988 dim 1 : vector<128x1024xi32>, i32 -> vector<128x1024xi32>
    %roll3A_990 = arith.constant 128 : i32
    %roll3A_991 = tpu.dynamic_rotate %select_n3A_980 by %roll3A_990 dim 1 : vector<128x1024xi32>, i32 -> vector<128x1024xi32>
    %select_n3A_992 = arith.select %eq3A_987, %roll3A_989, %roll3A_991 : vector<128x1024xi1>, vector<128x1024xi32>
    %roll3A_993 = arith.constant 896 : i32
    %roll3A_994 = tpu.dynamic_rotate %select_n3A_981 by %roll3A_993 dim 1 : vector<128x1024xi32>, i32 -> vector<128x1024xi32>
    %roll3A_995 = arith.constant 128 : i32
    %roll3A_996 = tpu.dynamic_rotate %select_n3A_981 by %roll3A_995 dim 1 : vector<128x1024xi32>, i32 -> vector<128x1024xi32>
    %select_n3A_997 = arith.select %eq3A_987, %roll3A_994, %roll3A_996 : vector<128x1024xi1>, vector<128x1024xi32>
    %lt3A_998 = arith.cmpi slt, %select_n3A_980, %select_n3A_992 : vector<128x1024xi32>
    %eq3A_999 = arith.cmpi eq, %select_n3A_980, %select_n3A_992 : vector<128x1024xi32>
    %lt3A_1000 = arith.cmpi slt, %select_n3A_981, %select_n3A_997 : vector<128x1024xi32>
    %and3A_1001 = arith.andi %eq3A_999, %lt3A_1000 : vector<128x1024xi1>
    %or3A_1002 = arith.ori %lt3A_998, %and3A_1001 : vector<128x1024xi1>
    %and3A_1003 = arith.constant 256 : i32
    %and3A_1004 = vector.broadcast %and3A_1003 : i32 to vector<128x1024xi32>
    %and3A_1005 = arith.andi %iota3A, %and3A_1004 : vector<128x1024xi32>
    %eq3A_1006 = arith.constant 0 : i32
    %eq3A_1007 = vector.broadcast %eq3A_1006 : i32 to vector<128x1024xi32>
    %eq3A_1008 = arith.cmpi eq, %and3A_1005, %eq3A_1007 : vector<128x1024xi32>
    %eq3A_1009 = arith.xori %eq3A_987, %or3A_1002 : vector<128x1024xi1>
    %eq3A_1010 = arith.constant dense<true> : vector<128x1024xi1>
    %eq3A_1011 = arith.xori %eq3A_1009, %eq3A_1010 : vector<128x1024xi1>
    %eq3A_1012 = arith.xori %eq3A_1008, %eq3A_1011 : vector<128x1024xi1>
    %eq3A_1013 = arith.constant dense<true> : vector<128x1024xi1>
    %eq3A_1014 = arith.xori %eq3A_1012, %eq3A_1013 : vector<128x1024xi1>
    %select_n3A_1015 = arith.select %eq3A_1014, %select_n3A_980, %select_n3A_992 : vector<128x1024xi1>, vector<128x1024xi32>
    %select_n3A_1016 = arith.select %eq3A_1014, %select_n3A_981, %select_n3A_997 : vector<128x1024xi1>, vector<128x1024xi32>
    %and3A_1017 = arith.constant 64 : i32
    %and3A_1018 = vector.broadcast %and3A_1017 : i32 to vector<128x1024xi32>
    %and3A_1019 = arith.andi %iota3A, %and3A_1018 : vector<128x1024xi32>
    %eq3A_1020 = arith.constant 0 : i32
    %eq3A_1021 = vector.broadcast %eq3A_1020 : i32 to vector<128x1024xi32>
    %eq3A_1022 = arith.cmpi eq, %and3A_1019, %eq3A_1021 : vector<128x1024xi32>
    %roll3A_1023 = arith.constant 960 : i32
    %roll3A_1024 = tpu.dynamic_rotate %select_n3A_1015 by %roll3A_1023 dim 1 : vector<128x1024xi32>, i32 -> vector<128x1024xi32>
    %roll3A_1025 = arith.constant 64 : i32
    %roll3A_1026 = tpu.dynamic_rotate %select_n3A_1015 by %roll3A_1025 dim 1 : vector<128x1024xi32>, i32 -> vector<128x1024xi32>
    %select_n3A_1027 = arith.select %eq3A_1022, %roll3A_1024, %roll3A_1026 : vector<128x1024xi1>, vector<128x1024xi32>
    %roll3A_1028 = arith.constant 960 : i32
    %roll3A_1029 = tpu.dynamic_rotate %select_n3A_1016 by %roll3A_1028 dim 1 : vector<128x1024xi32>, i32 -> vector<128x1024xi32>
    %roll3A_1030 = arith.constant 64 : i32
    %roll3A_1031 = tpu.dynamic_rotate %select_n3A_1016 by %roll3A_1030 dim 1 : vector<128x1024xi32>, i32 -> vector<128x1024xi32>
    %select_n3A_1032 = arith.select %eq3A_1022, %roll3A_1029, %roll3A_1031 : vector<128x1024xi1>, vector<128x1024xi32>
    %lt3A_1033 = arith.cmpi slt, %select_n3A_1015, %select_n3A_1027 : vector<128x1024xi32>
    %eq3A_1034 = arith.cmpi eq, %select_n3A_1015, %select_n3A_1027 : vector<128x1024xi32>
    %lt3A_1035 = arith.cmpi slt, %select_n3A_1016, %select_n3A_1032 : vector<128x1024xi32>
    %and3A_1036 = arith.andi %eq3A_1034, %lt3A_1035 : vector<128x1024xi1>
    %or3A_1037 = arith.ori %lt3A_1033, %and3A_1036 : vector<128x1024xi1>
    %and3A_1038 = arith.constant 256 : i32
    %and3A_1039 = vector.broadcast %and3A_1038 : i32 to vector<128x1024xi32>
    %and3A_1040 = arith.andi %iota3A, %and3A_1039 : vector<128x1024xi32>
    %eq3A_1041 = arith.constant 0 : i32
    %eq3A_1042 = vector.broadcast %eq3A_1041 : i32 to vector<128x1024xi32>
    %eq3A_1043 = arith.cmpi eq, %and3A_1040, %eq3A_1042 : vector<128x1024xi32>
    %eq3A_1044 = arith.xori %eq3A_1022, %or3A_1037 : vector<128x1024xi1>
    %eq3A_1045 = arith.constant dense<true> : vector<128x1024xi1>
    %eq3A_1046 = arith.xori %eq3A_1044, %eq3A_1045 : vector<128x1024xi1>
    %eq3A_1047 = arith.xori %eq3A_1043, %eq3A_1046 : vector<128x1024xi1>
    %eq3A_1048 = arith.constant dense<true> : vector<128x1024xi1>
    %eq3A_1049 = arith.xori %eq3A_1047, %eq3A_1048 : vector<128x1024xi1>
    %select_n3A_1050 = arith.select %eq3A_1049, %select_n3A_1015, %select_n3A_1027 : vector<128x1024xi1>, vector<128x1024xi32>
    %select_n3A_1051 = arith.select %eq3A_1049, %select_n3A_1016, %select_n3A_1032 : vector<128x1024xi1>, vector<128x1024xi32>
    %and3A_1052 = arith.constant 32 : i32
    %and3A_1053 = vector.broadcast %and3A_1052 : i32 to vector<128x1024xi32>
    %and3A_1054 = arith.andi %iota3A, %and3A_1053 : vector<128x1024xi32>
    %eq3A_1055 = arith.constant 0 : i32
    %eq3A_1056 = vector.broadcast %eq3A_1055 : i32 to vector<128x1024xi32>
    %eq3A_1057 = arith.cmpi eq, %and3A_1054, %eq3A_1056 : vector<128x1024xi32>
    %roll3A_1058 = arith.constant 992 : i32
    %roll3A_1059 = tpu.dynamic_rotate %select_n3A_1050 by %roll3A_1058 dim 1 : vector<128x1024xi32>, i32 -> vector<128x1024xi32>
    %roll3A_1060 = arith.constant 32 : i32
    %roll3A_1061 = tpu.dynamic_rotate %select_n3A_1050 by %roll3A_1060 dim 1 : vector<128x1024xi32>, i32 -> vector<128x1024xi32>
    %select_n3A_1062 = arith.select %eq3A_1057, %roll3A_1059, %roll3A_1061 : vector<128x1024xi1>, vector<128x1024xi32>
    %roll3A_1063 = arith.constant 992 : i32
    %roll3A_1064 = tpu.dynamic_rotate %select_n3A_1051 by %roll3A_1063 dim 1 : vector<128x1024xi32>, i32 -> vector<128x1024xi32>
    %roll3A_1065 = arith.constant 32 : i32
    %roll3A_1066 = tpu.dynamic_rotate %select_n3A_1051 by %roll3A_1065 dim 1 : vector<128x1024xi32>, i32 -> vector<128x1024xi32>
    %select_n3A_1067 = arith.select %eq3A_1057, %roll3A_1064, %roll3A_1066 : vector<128x1024xi1>, vector<128x1024xi32>
    %lt3A_1068 = arith.cmpi slt, %select_n3A_1050, %select_n3A_1062 : vector<128x1024xi32>
    %eq3A_1069 = arith.cmpi eq, %select_n3A_1050, %select_n3A_1062 : vector<128x1024xi32>
    %lt3A_1070 = arith.cmpi slt, %select_n3A_1051, %select_n3A_1067 : vector<128x1024xi32>
    %and3A_1071 = arith.andi %eq3A_1069, %lt3A_1070 : vector<128x1024xi1>
    %or3A_1072 = arith.ori %lt3A_1068, %and3A_1071 : vector<128x1024xi1>
    %and3A_1073 = arith.constant 256 : i32
    %and3A_1074 = vector.broadcast %and3A_1073 : i32 to vector<128x1024xi32>
    %and3A_1075 = arith.andi %iota3A, %and3A_1074 : vector<128x1024xi32>
    %eq3A_1076 = arith.constant 0 : i32
    %eq3A_1077 = vector.broadcast %eq3A_1076 : i32 to vector<128x1024xi32>
    %eq3A_1078 = arith.cmpi eq, %and3A_1075, %eq3A_1077 : vector<128x1024xi32>
    %eq3A_1079 = arith.xori %eq3A_1057, %or3A_1072 : vector<128x1024xi1>
    %eq3A_1080 = arith.constant dense<true> : vector<128x1024xi1>
    %eq3A_1081 = arith.xori %eq3A_1079, %eq3A_1080 : vector<128x1024xi1>
    %eq3A_1082 = arith.xori %eq3A_1078, %eq3A_1081 : vector<128x1024xi1>
    %eq3A_1083 = arith.constant dense<true> : vector<128x1024xi1>
    %eq3A_1084 = arith.xori %eq3A_1082, %eq3A_1083 : vector<128x1024xi1>
    %select_n3A_1085 = arith.select %eq3A_1084, %select_n3A_1050, %select_n3A_1062 : vector<128x1024xi1>, vector<128x1024xi32>
    %select_n3A_1086 = arith.select %eq3A_1084, %select_n3A_1051, %select_n3A_1067 : vector<128x1024xi1>, vector<128x1024xi32>
    %and3A_1087 = arith.constant 16 : i32
    %and3A_1088 = vector.broadcast %and3A_1087 : i32 to vector<128x1024xi32>
    %and3A_1089 = arith.andi %iota3A, %and3A_1088 : vector<128x1024xi32>
    %eq3A_1090 = arith.constant 0 : i32
    %eq3A_1091 = vector.broadcast %eq3A_1090 : i32 to vector<128x1024xi32>
    %eq3A_1092 = arith.cmpi eq, %and3A_1089, %eq3A_1091 : vector<128x1024xi32>
    %roll3A_1093 = arith.constant 1008 : i32
    %roll3A_1094 = tpu.dynamic_rotate %select_n3A_1085 by %roll3A_1093 dim 1 : vector<128x1024xi32>, i32 -> vector<128x1024xi32>
    %roll3A_1095 = arith.constant 16 : i32
    %roll3A_1096 = tpu.dynamic_rotate %select_n3A_1085 by %roll3A_1095 dim 1 : vector<128x1024xi32>, i32 -> vector<128x1024xi32>
    %select_n3A_1097 = arith.select %eq3A_1092, %roll3A_1094, %roll3A_1096 : vector<128x1024xi1>, vector<128x1024xi32>
    %roll3A_1098 = arith.constant 1008 : i32
    %roll3A_1099 = tpu.dynamic_rotate %select_n3A_1086 by %roll3A_1098 dim 1 : vector<128x1024xi32>, i32 -> vector<128x1024xi32>
    %roll3A_1100 = arith.constant 16 : i32
    %roll3A_1101 = tpu.dynamic_rotate %select_n3A_1086 by %roll3A_1100 dim 1 : vector<128x1024xi32>, i32 -> vector<128x1024xi32>
    %select_n3A_1102 = arith.select %eq3A_1092, %roll3A_1099, %roll3A_1101 : vector<128x1024xi1>, vector<128x1024xi32>
    %lt3A_1103 = arith.cmpi slt, %select_n3A_1085, %select_n3A_1097 : vector<128x1024xi32>
    %eq3A_1104 = arith.cmpi eq, %select_n3A_1085, %select_n3A_1097 : vector<128x1024xi32>
    %lt3A_1105 = arith.cmpi slt, %select_n3A_1086, %select_n3A_1102 : vector<128x1024xi32>
    %and3A_1106 = arith.andi %eq3A_1104, %lt3A_1105 : vector<128x1024xi1>
    %or3A_1107 = arith.ori %lt3A_1103, %and3A_1106 : vector<128x1024xi1>
    %and3A_1108 = arith.constant 256 : i32
    %and3A_1109 = vector.broadcast %and3A_1108 : i32 to vector<128x1024xi32>
    %and3A_1110 = arith.andi %iota3A, %and3A_1109 : vector<128x1024xi32>
    %eq3A_1111 = arith.constant 0 : i32
    %eq3A_1112 = vector.broadcast %eq3A_1111 : i32 to vector<128x1024xi32>
    %eq3A_1113 = arith.cmpi eq, %and3A_1110, %eq3A_1112 : vector<128x1024xi32>
    %eq3A_1114 = arith.xori %eq3A_1092, %or3A_1107 : vector<128x1024xi1>
    %eq3A_1115 = arith.constant dense<true> : vector<128x1024xi1>
    %eq3A_1116 = arith.xori %eq3A_1114, %eq3A_1115 : vector<128x1024xi1>
    %eq3A_1117 = arith.xori %eq3A_1113, %eq3A_1116 : vector<128x1024xi1>
    %eq3A_1118 = arith.constant dense<true> : vector<128x1024xi1>
    %eq3A_1119 = arith.xori %eq3A_1117, %eq3A_1118 : vector<128x1024xi1>
    %select_n3A_1120 = arith.select %eq3A_1119, %select_n3A_1085, %select_n3A_1097 : vector<128x1024xi1>, vector<128x1024xi32>
    %select_n3A_1121 = arith.select %eq3A_1119, %select_n3A_1086, %select_n3A_1102 : vector<128x1024xi1>, vector<128x1024xi32>
    %and3A_1122 = arith.constant 8 : i32
    %and3A_1123 = vector.broadcast %and3A_1122 : i32 to vector<128x1024xi32>
    %and3A_1124 = arith.andi %iota3A, %and3A_1123 : vector<128x1024xi32>
    %eq3A_1125 = arith.constant 0 : i32
    %eq3A_1126 = vector.broadcast %eq3A_1125 : i32 to vector<128x1024xi32>
    %eq3A_1127 = arith.cmpi eq, %and3A_1124, %eq3A_1126 : vector<128x1024xi32>
    %roll3A_1128 = arith.constant 1016 : i32
    %roll3A_1129 = tpu.dynamic_rotate %select_n3A_1120 by %roll3A_1128 dim 1 : vector<128x1024xi32>, i32 -> vector<128x1024xi32>
    %roll3A_1130 = arith.constant 8 : i32
    %roll3A_1131 = tpu.dynamic_rotate %select_n3A_1120 by %roll3A_1130 dim 1 : vector<128x1024xi32>, i32 -> vector<128x1024xi32>
    %select_n3A_1132 = arith.select %eq3A_1127, %roll3A_1129, %roll3A_1131 : vector<128x1024xi1>, vector<128x1024xi32>
    %roll3A_1133 = arith.constant 1016 : i32
    %roll3A_1134 = tpu.dynamic_rotate %select_n3A_1121 by %roll3A_1133 dim 1 : vector<128x1024xi32>, i32 -> vector<128x1024xi32>
    %roll3A_1135 = arith.constant 8 : i32
    %roll3A_1136 = tpu.dynamic_rotate %select_n3A_1121 by %roll3A_1135 dim 1 : vector<128x1024xi32>, i32 -> vector<128x1024xi32>
    %select_n3A_1137 = arith.select %eq3A_1127, %roll3A_1134, %roll3A_1136 : vector<128x1024xi1>, vector<128x1024xi32>
    %lt3A_1138 = arith.cmpi slt, %select_n3A_1120, %select_n3A_1132 : vector<128x1024xi32>
    %eq3A_1139 = arith.cmpi eq, %select_n3A_1120, %select_n3A_1132 : vector<128x1024xi32>
    %lt3A_1140 = arith.cmpi slt, %select_n3A_1121, %select_n3A_1137 : vector<128x1024xi32>
    %and3A_1141 = arith.andi %eq3A_1139, %lt3A_1140 : vector<128x1024xi1>
    %or3A_1142 = arith.ori %lt3A_1138, %and3A_1141 : vector<128x1024xi1>
    %and3A_1143 = arith.constant 256 : i32
    %and3A_1144 = vector.broadcast %and3A_1143 : i32 to vector<128x1024xi32>
    %and3A_1145 = arith.andi %iota3A, %and3A_1144 : vector<128x1024xi32>
    %eq3A_1146 = arith.constant 0 : i32
    %eq3A_1147 = vector.broadcast %eq3A_1146 : i32 to vector<128x1024xi32>
    %eq3A_1148 = arith.cmpi eq, %and3A_1145, %eq3A_1147 : vector<128x1024xi32>
    %eq3A_1149 = arith.xori %eq3A_1127, %or3A_1142 : vector<128x1024xi1>
    %eq3A_1150 = arith.constant dense<true> : vector<128x1024xi1>
    %eq3A_1151 = arith.xori %eq3A_1149, %eq3A_1150 : vector<128x1024xi1>
    %eq3A_1152 = arith.xori %eq3A_1148, %eq3A_1151 : vector<128x1024xi1>
    %eq3A_1153 = arith.constant dense<true> : vector<128x1024xi1>
    %eq3A_1154 = arith.xori %eq3A_1152, %eq3A_1153 : vector<128x1024xi1>
    %select_n3A_1155 = arith.select %eq3A_1154, %select_n3A_1120, %select_n3A_1132 : vector<128x1024xi1>, vector<128x1024xi32>
    %select_n3A_1156 = arith.select %eq3A_1154, %select_n3A_1121, %select_n3A_1137 : vector<128x1024xi1>, vector<128x1024xi32>
    %and3A_1157 = arith.constant 4 : i32
    %and3A_1158 = vector.broadcast %and3A_1157 : i32 to vector<128x1024xi32>
    %and3A_1159 = arith.andi %iota3A, %and3A_1158 : vector<128x1024xi32>
    %eq3A_1160 = arith.constant 0 : i32
    %eq3A_1161 = vector.broadcast %eq3A_1160 : i32 to vector<128x1024xi32>
    %eq3A_1162 = arith.cmpi eq, %and3A_1159, %eq3A_1161 : vector<128x1024xi32>
    %roll3A_1163 = arith.constant 1020 : i32
    %roll3A_1164 = tpu.dynamic_rotate %select_n3A_1155 by %roll3A_1163 dim 1 : vector<128x1024xi32>, i32 -> vector<128x1024xi32>
    %roll3A_1165 = arith.constant 4 : i32
    %roll3A_1166 = tpu.dynamic_rotate %select_n3A_1155 by %roll3A_1165 dim 1 : vector<128x1024xi32>, i32 -> vector<128x1024xi32>
    %select_n3A_1167 = arith.select %eq3A_1162, %roll3A_1164, %roll3A_1166 : vector<128x1024xi1>, vector<128x1024xi32>
    %roll3A_1168 = arith.constant 1020 : i32
    %roll3A_1169 = tpu.dynamic_rotate %select_n3A_1156 by %roll3A_1168 dim 1 : vector<128x1024xi32>, i32 -> vector<128x1024xi32>
    %roll3A_1170 = arith.constant 4 : i32
    %roll3A_1171 = tpu.dynamic_rotate %select_n3A_1156 by %roll3A_1170 dim 1 : vector<128x1024xi32>, i32 -> vector<128x1024xi32>
    %select_n3A_1172 = arith.select %eq3A_1162, %roll3A_1169, %roll3A_1171 : vector<128x1024xi1>, vector<128x1024xi32>
    %lt3A_1173 = arith.cmpi slt, %select_n3A_1155, %select_n3A_1167 : vector<128x1024xi32>
    %eq3A_1174 = arith.cmpi eq, %select_n3A_1155, %select_n3A_1167 : vector<128x1024xi32>
    %lt3A_1175 = arith.cmpi slt, %select_n3A_1156, %select_n3A_1172 : vector<128x1024xi32>
    %and3A_1176 = arith.andi %eq3A_1174, %lt3A_1175 : vector<128x1024xi1>
    %or3A_1177 = arith.ori %lt3A_1173, %and3A_1176 : vector<128x1024xi1>
    %and3A_1178 = arith.constant 256 : i32
    %and3A_1179 = vector.broadcast %and3A_1178 : i32 to vector<128x1024xi32>
    %and3A_1180 = arith.andi %iota3A, %and3A_1179 : vector<128x1024xi32>
    %eq3A_1181 = arith.constant 0 : i32
    %eq3A_1182 = vector.broadcast %eq3A_1181 : i32 to vector<128x1024xi32>
    %eq3A_1183 = arith.cmpi eq, %and3A_1180, %eq3A_1182 : vector<128x1024xi32>
    %eq3A_1184 = arith.xori %eq3A_1162, %or3A_1177 : vector<128x1024xi1>
    %eq3A_1185 = arith.constant dense<true> : vector<128x1024xi1>
    %eq3A_1186 = arith.xori %eq3A_1184, %eq3A_1185 : vector<128x1024xi1>
    %eq3A_1187 = arith.xori %eq3A_1183, %eq3A_1186 : vector<128x1024xi1>
    %eq3A_1188 = arith.constant dense<true> : vector<128x1024xi1>
    %eq3A_1189 = arith.xori %eq3A_1187, %eq3A_1188 : vector<128x1024xi1>
    %select_n3A_1190 = arith.select %eq3A_1189, %select_n3A_1155, %select_n3A_1167 : vector<128x1024xi1>, vector<128x1024xi32>
    %select_n3A_1191 = arith.select %eq3A_1189, %select_n3A_1156, %select_n3A_1172 : vector<128x1024xi1>, vector<128x1024xi32>
    %and3A_1192 = arith.constant 2 : i32
    %and3A_1193 = vector.broadcast %and3A_1192 : i32 to vector<128x1024xi32>
    %and3A_1194 = arith.andi %iota3A, %and3A_1193 : vector<128x1024xi32>
    %eq3A_1195 = arith.constant 0 : i32
    %eq3A_1196 = vector.broadcast %eq3A_1195 : i32 to vector<128x1024xi32>
    %eq3A_1197 = arith.cmpi eq, %and3A_1194, %eq3A_1196 : vector<128x1024xi32>
    %roll3A_1198 = arith.constant 1022 : i32
    %roll3A_1199 = tpu.dynamic_rotate %select_n3A_1190 by %roll3A_1198 dim 1 : vector<128x1024xi32>, i32 -> vector<128x1024xi32>
    %roll3A_1200 = arith.constant 2 : i32
    %roll3A_1201 = tpu.dynamic_rotate %select_n3A_1190 by %roll3A_1200 dim 1 : vector<128x1024xi32>, i32 -> vector<128x1024xi32>
    %select_n3A_1202 = arith.select %eq3A_1197, %roll3A_1199, %roll3A_1201 : vector<128x1024xi1>, vector<128x1024xi32>
    %roll3A_1203 = arith.constant 1022 : i32
    %roll3A_1204 = tpu.dynamic_rotate %select_n3A_1191 by %roll3A_1203 dim 1 : vector<128x1024xi32>, i32 -> vector<128x1024xi32>
    %roll3A_1205 = arith.constant 2 : i32
    %roll3A_1206 = tpu.dynamic_rotate %select_n3A_1191 by %roll3A_1205 dim 1 : vector<128x1024xi32>, i32 -> vector<128x1024xi32>
    %select_n3A_1207 = arith.select %eq3A_1197, %roll3A_1204, %roll3A_1206 : vector<128x1024xi1>, vector<128x1024xi32>
    %lt3A_1208 = arith.cmpi slt, %select_n3A_1190, %select_n3A_1202 : vector<128x1024xi32>
    %eq3A_1209 = arith.cmpi eq, %select_n3A_1190, %select_n3A_1202 : vector<128x1024xi32>
    %lt3A_1210 = arith.cmpi slt, %select_n3A_1191, %select_n3A_1207 : vector<128x1024xi32>
    %and3A_1211 = arith.andi %eq3A_1209, %lt3A_1210 : vector<128x1024xi1>
    %or3A_1212 = arith.ori %lt3A_1208, %and3A_1211 : vector<128x1024xi1>
    %and3A_1213 = arith.constant 256 : i32
    %and3A_1214 = vector.broadcast %and3A_1213 : i32 to vector<128x1024xi32>
    %and3A_1215 = arith.andi %iota3A, %and3A_1214 : vector<128x1024xi32>
    %eq3A_1216 = arith.constant 0 : i32
    %eq3A_1217 = vector.broadcast %eq3A_1216 : i32 to vector<128x1024xi32>
    %eq3A_1218 = arith.cmpi eq, %and3A_1215, %eq3A_1217 : vector<128x1024xi32>
    %eq3A_1219 = arith.xori %eq3A_1197, %or3A_1212 : vector<128x1024xi1>
    %eq3A_1220 = arith.constant dense<true> : vector<128x1024xi1>
    %eq3A_1221 = arith.xori %eq3A_1219, %eq3A_1220 : vector<128x1024xi1>
    %eq3A_1222 = arith.xori %eq3A_1218, %eq3A_1221 : vector<128x1024xi1>
    %eq3A_1223 = arith.constant dense<true> : vector<128x1024xi1>
    %eq3A_1224 = arith.xori %eq3A_1222, %eq3A_1223 : vector<128x1024xi1>
    %select_n3A_1225 = arith.select %eq3A_1224, %select_n3A_1190, %select_n3A_1202 : vector<128x1024xi1>, vector<128x1024xi32>
    %select_n3A_1226 = arith.select %eq3A_1224, %select_n3A_1191, %select_n3A_1207 : vector<128x1024xi1>, vector<128x1024xi32>
    %and3A_1227 = arith.constant 1 : i32
    %and3A_1228 = vector.broadcast %and3A_1227 : i32 to vector<128x1024xi32>
    %and3A_1229 = arith.andi %iota3A, %and3A_1228 : vector<128x1024xi32>
    %eq3A_1230 = arith.constant 0 : i32
    %eq3A_1231 = vector.broadcast %eq3A_1230 : i32 to vector<128x1024xi32>
    %eq3A_1232 = arith.cmpi eq, %and3A_1229, %eq3A_1231 : vector<128x1024xi32>
    %roll3A_1233 = arith.constant 1023 : i32
    %roll3A_1234 = tpu.dynamic_rotate %select_n3A_1225 by %roll3A_1233 dim 1 : vector<128x1024xi32>, i32 -> vector<128x1024xi32>
    %roll3A_1235 = arith.constant 1 : i32
    %roll3A_1236 = tpu.dynamic_rotate %select_n3A_1225 by %roll3A_1235 dim 1 : vector<128x1024xi32>, i32 -> vector<128x1024xi32>
    %select_n3A_1237 = arith.select %eq3A_1232, %roll3A_1234, %roll3A_1236 : vector<128x1024xi1>, vector<128x1024xi32>
    %roll3A_1238 = arith.constant 1023 : i32
    %roll3A_1239 = tpu.dynamic_rotate %select_n3A_1226 by %roll3A_1238 dim 1 : vector<128x1024xi32>, i32 -> vector<128x1024xi32>
    %roll3A_1240 = arith.constant 1 : i32
    %roll3A_1241 = tpu.dynamic_rotate %select_n3A_1226 by %roll3A_1240 dim 1 : vector<128x1024xi32>, i32 -> vector<128x1024xi32>
    %select_n3A_1242 = arith.select %eq3A_1232, %roll3A_1239, %roll3A_1241 : vector<128x1024xi1>, vector<128x1024xi32>
    %lt3A_1243 = arith.cmpi slt, %select_n3A_1225, %select_n3A_1237 : vector<128x1024xi32>
    %eq3A_1244 = arith.cmpi eq, %select_n3A_1225, %select_n3A_1237 : vector<128x1024xi32>
    %lt3A_1245 = arith.cmpi slt, %select_n3A_1226, %select_n3A_1242 : vector<128x1024xi32>
    %and3A_1246 = arith.andi %eq3A_1244, %lt3A_1245 : vector<128x1024xi1>
    %or3A_1247 = arith.ori %lt3A_1243, %and3A_1246 : vector<128x1024xi1>
    %and3A_1248 = arith.constant 256 : i32
    %and3A_1249 = vector.broadcast %and3A_1248 : i32 to vector<128x1024xi32>
    %and3A_1250 = arith.andi %iota3A, %and3A_1249 : vector<128x1024xi32>
    %eq3A_1251 = arith.constant 0 : i32
    %eq3A_1252 = vector.broadcast %eq3A_1251 : i32 to vector<128x1024xi32>
    %eq3A_1253 = arith.cmpi eq, %and3A_1250, %eq3A_1252 : vector<128x1024xi32>
    %eq3A_1254 = arith.xori %eq3A_1232, %or3A_1247 : vector<128x1024xi1>
    %eq3A_1255 = arith.constant dense<true> : vector<128x1024xi1>
    %eq3A_1256 = arith.xori %eq3A_1254, %eq3A_1255 : vector<128x1024xi1>
    %eq3A_1257 = arith.xori %eq3A_1253, %eq3A_1256 : vector<128x1024xi1>
    %eq3A_1258 = arith.constant dense<true> : vector<128x1024xi1>
    %eq3A_1259 = arith.xori %eq3A_1257, %eq3A_1258 : vector<128x1024xi1>
    %select_n3A_1260 = arith.select %eq3A_1259, %select_n3A_1225, %select_n3A_1237 : vector<128x1024xi1>, vector<128x1024xi32>
    %select_n3A_1261 = arith.select %eq3A_1259, %select_n3A_1226, %select_n3A_1242 : vector<128x1024xi1>, vector<128x1024xi32>
    %and3A_1262 = arith.constant 256 : i32
    %and3A_1263 = vector.broadcast %and3A_1262 : i32 to vector<128x1024xi32>
    %and3A_1264 = arith.andi %iota3A, %and3A_1263 : vector<128x1024xi32>
    %eq3A_1265 = arith.constant 0 : i32
    %eq3A_1266 = vector.broadcast %eq3A_1265 : i32 to vector<128x1024xi32>
    %eq3A_1267 = arith.cmpi eq, %and3A_1264, %eq3A_1266 : vector<128x1024xi32>
    %roll3A_1268 = arith.constant 768 : i32
    %roll3A_1269 = tpu.dynamic_rotate %select_n3A_1260 by %roll3A_1268 dim 1 : vector<128x1024xi32>, i32 -> vector<128x1024xi32>
    %roll3A_1270 = arith.constant 256 : i32
    %roll3A_1271 = tpu.dynamic_rotate %select_n3A_1260 by %roll3A_1270 dim 1 : vector<128x1024xi32>, i32 -> vector<128x1024xi32>
    %select_n3A_1272 = arith.select %eq3A_1267, %roll3A_1269, %roll3A_1271 : vector<128x1024xi1>, vector<128x1024xi32>
    %roll3A_1273 = arith.constant 768 : i32
    %roll3A_1274 = tpu.dynamic_rotate %select_n3A_1261 by %roll3A_1273 dim 1 : vector<128x1024xi32>, i32 -> vector<128x1024xi32>
    %roll3A_1275 = arith.constant 256 : i32
    %roll3A_1276 = tpu.dynamic_rotate %select_n3A_1261 by %roll3A_1275 dim 1 : vector<128x1024xi32>, i32 -> vector<128x1024xi32>
    %select_n3A_1277 = arith.select %eq3A_1267, %roll3A_1274, %roll3A_1276 : vector<128x1024xi1>, vector<128x1024xi32>
    %lt3A_1278 = arith.cmpi slt, %select_n3A_1260, %select_n3A_1272 : vector<128x1024xi32>
    %eq3A_1279 = arith.cmpi eq, %select_n3A_1260, %select_n3A_1272 : vector<128x1024xi32>
    %lt3A_1280 = arith.cmpi slt, %select_n3A_1261, %select_n3A_1277 : vector<128x1024xi32>
    %and3A_1281 = arith.andi %eq3A_1279, %lt3A_1280 : vector<128x1024xi1>
    %or3A_1282 = arith.ori %lt3A_1278, %and3A_1281 : vector<128x1024xi1>
    %and3A_1283 = arith.constant 512 : i32
    %and3A_1284 = vector.broadcast %and3A_1283 : i32 to vector<128x1024xi32>
    %and3A_1285 = arith.andi %iota3A, %and3A_1284 : vector<128x1024xi32>
    %eq3A_1286 = arith.constant 0 : i32
    %eq3A_1287 = vector.broadcast %eq3A_1286 : i32 to vector<128x1024xi32>
    %eq3A_1288 = arith.cmpi eq, %and3A_1285, %eq3A_1287 : vector<128x1024xi32>
    %eq3A_1289 = arith.xori %eq3A_1267, %or3A_1282 : vector<128x1024xi1>
    %eq3A_1290 = arith.constant dense<true> : vector<128x1024xi1>
    %eq3A_1291 = arith.xori %eq3A_1289, %eq3A_1290 : vector<128x1024xi1>
    %eq3A_1292 = arith.xori %eq3A_1288, %eq3A_1291 : vector<128x1024xi1>
    %eq3A_1293 = arith.constant dense<true> : vector<128x1024xi1>
    %eq3A_1294 = arith.xori %eq3A_1292, %eq3A_1293 : vector<128x1024xi1>
    %select_n3A_1295 = arith.select %eq3A_1294, %select_n3A_1260, %select_n3A_1272 : vector<128x1024xi1>, vector<128x1024xi32>
    %select_n3A_1296 = arith.select %eq3A_1294, %select_n3A_1261, %select_n3A_1277 : vector<128x1024xi1>, vector<128x1024xi32>
    %and3A_1297 = arith.constant 128 : i32
    %and3A_1298 = vector.broadcast %and3A_1297 : i32 to vector<128x1024xi32>
    %and3A_1299 = arith.andi %iota3A, %and3A_1298 : vector<128x1024xi32>
    %eq3A_1300 = arith.constant 0 : i32
    %eq3A_1301 = vector.broadcast %eq3A_1300 : i32 to vector<128x1024xi32>
    %eq3A_1302 = arith.cmpi eq, %and3A_1299, %eq3A_1301 : vector<128x1024xi32>
    %roll3A_1303 = arith.constant 896 : i32
    %roll3A_1304 = tpu.dynamic_rotate %select_n3A_1295 by %roll3A_1303 dim 1 : vector<128x1024xi32>, i32 -> vector<128x1024xi32>
    %roll3A_1305 = arith.constant 128 : i32
    %roll3A_1306 = tpu.dynamic_rotate %select_n3A_1295 by %roll3A_1305 dim 1 : vector<128x1024xi32>, i32 -> vector<128x1024xi32>
    %select_n3A_1307 = arith.select %eq3A_1302, %roll3A_1304, %roll3A_1306 : vector<128x1024xi1>, vector<128x1024xi32>
    %roll3A_1308 = arith.constant 896 : i32
    %roll3A_1309 = tpu.dynamic_rotate %select_n3A_1296 by %roll3A_1308 dim 1 : vector<128x1024xi32>, i32 -> vector<128x1024xi32>
    %roll3A_1310 = arith.constant 128 : i32
    %roll3A_1311 = tpu.dynamic_rotate %select_n3A_1296 by %roll3A_1310 dim 1 : vector<128x1024xi32>, i32 -> vector<128x1024xi32>
    %select_n3A_1312 = arith.select %eq3A_1302, %roll3A_1309, %roll3A_1311 : vector<128x1024xi1>, vector<128x1024xi32>
    %lt3A_1313 = arith.cmpi slt, %select_n3A_1295, %select_n3A_1307 : vector<128x1024xi32>
    %eq3A_1314 = arith.cmpi eq, %select_n3A_1295, %select_n3A_1307 : vector<128x1024xi32>
    %lt3A_1315 = arith.cmpi slt, %select_n3A_1296, %select_n3A_1312 : vector<128x1024xi32>
    %and3A_1316 = arith.andi %eq3A_1314, %lt3A_1315 : vector<128x1024xi1>
    %or3A_1317 = arith.ori %lt3A_1313, %and3A_1316 : vector<128x1024xi1>
    %and3A_1318 = arith.constant 512 : i32
    %and3A_1319 = vector.broadcast %and3A_1318 : i32 to vector<128x1024xi32>
    %and3A_1320 = arith.andi %iota3A, %and3A_1319 : vector<128x1024xi32>
    %eq3A_1321 = arith.constant 0 : i32
    %eq3A_1322 = vector.broadcast %eq3A_1321 : i32 to vector<128x1024xi32>
    %eq3A_1323 = arith.cmpi eq, %and3A_1320, %eq3A_1322 : vector<128x1024xi32>
    %eq3A_1324 = arith.xori %eq3A_1302, %or3A_1317 : vector<128x1024xi1>
    %eq3A_1325 = arith.constant dense<true> : vector<128x1024xi1>
    %eq3A_1326 = arith.xori %eq3A_1324, %eq3A_1325 : vector<128x1024xi1>
    %eq3A_1327 = arith.xori %eq3A_1323, %eq3A_1326 : vector<128x1024xi1>
    %eq3A_1328 = arith.constant dense<true> : vector<128x1024xi1>
    %eq3A_1329 = arith.xori %eq3A_1327, %eq3A_1328 : vector<128x1024xi1>
    %select_n3A_1330 = arith.select %eq3A_1329, %select_n3A_1295, %select_n3A_1307 : vector<128x1024xi1>, vector<128x1024xi32>
    %select_n3A_1331 = arith.select %eq3A_1329, %select_n3A_1296, %select_n3A_1312 : vector<128x1024xi1>, vector<128x1024xi32>
    %and3A_1332 = arith.constant 64 : i32
    %and3A_1333 = vector.broadcast %and3A_1332 : i32 to vector<128x1024xi32>
    %and3A_1334 = arith.andi %iota3A, %and3A_1333 : vector<128x1024xi32>
    %eq3A_1335 = arith.constant 0 : i32
    %eq3A_1336 = vector.broadcast %eq3A_1335 : i32 to vector<128x1024xi32>
    %eq3A_1337 = arith.cmpi eq, %and3A_1334, %eq3A_1336 : vector<128x1024xi32>
    %roll3A_1338 = arith.constant 960 : i32
    %roll3A_1339 = tpu.dynamic_rotate %select_n3A_1330 by %roll3A_1338 dim 1 : vector<128x1024xi32>, i32 -> vector<128x1024xi32>
    %roll3A_1340 = arith.constant 64 : i32
    %roll3A_1341 = tpu.dynamic_rotate %select_n3A_1330 by %roll3A_1340 dim 1 : vector<128x1024xi32>, i32 -> vector<128x1024xi32>
    %select_n3A_1342 = arith.select %eq3A_1337, %roll3A_1339, %roll3A_1341 : vector<128x1024xi1>, vector<128x1024xi32>
    %roll3A_1343 = arith.constant 960 : i32
    %roll3A_1344 = tpu.dynamic_rotate %select_n3A_1331 by %roll3A_1343 dim 1 : vector<128x1024xi32>, i32 -> vector<128x1024xi32>
    %roll3A_1345 = arith.constant 64 : i32
    %roll3A_1346 = tpu.dynamic_rotate %select_n3A_1331 by %roll3A_1345 dim 1 : vector<128x1024xi32>, i32 -> vector<128x1024xi32>
    %select_n3A_1347 = arith.select %eq3A_1337, %roll3A_1344, %roll3A_1346 : vector<128x1024xi1>, vector<128x1024xi32>
    %lt3A_1348 = arith.cmpi slt, %select_n3A_1330, %select_n3A_1342 : vector<128x1024xi32>
    %eq3A_1349 = arith.cmpi eq, %select_n3A_1330, %select_n3A_1342 : vector<128x1024xi32>
    %lt3A_1350 = arith.cmpi slt, %select_n3A_1331, %select_n3A_1347 : vector<128x1024xi32>
    %and3A_1351 = arith.andi %eq3A_1349, %lt3A_1350 : vector<128x1024xi1>
    %or3A_1352 = arith.ori %lt3A_1348, %and3A_1351 : vector<128x1024xi1>
    %and3A_1353 = arith.constant 512 : i32
    %and3A_1354 = vector.broadcast %and3A_1353 : i32 to vector<128x1024xi32>
    %and3A_1355 = arith.andi %iota3A, %and3A_1354 : vector<128x1024xi32>
    %eq3A_1356 = arith.constant 0 : i32
    %eq3A_1357 = vector.broadcast %eq3A_1356 : i32 to vector<128x1024xi32>
    %eq3A_1358 = arith.cmpi eq, %and3A_1355, %eq3A_1357 : vector<128x1024xi32>
    %eq3A_1359 = arith.xori %eq3A_1337, %or3A_1352 : vector<128x1024xi1>
    %eq3A_1360 = arith.constant dense<true> : vector<128x1024xi1>
    %eq3A_1361 = arith.xori %eq3A_1359, %eq3A_1360 : vector<128x1024xi1>
    %eq3A_1362 = arith.xori %eq3A_1358, %eq3A_1361 : vector<128x1024xi1>
    %eq3A_1363 = arith.constant dense<true> : vector<128x1024xi1>
    %eq3A_1364 = arith.xori %eq3A_1362, %eq3A_1363 : vector<128x1024xi1>
    %select_n3A_1365 = arith.select %eq3A_1364, %select_n3A_1330, %select_n3A_1342 : vector<128x1024xi1>, vector<128x1024xi32>
    %select_n3A_1366 = arith.select %eq3A_1364, %select_n3A_1331, %select_n3A_1347 : vector<128x1024xi1>, vector<128x1024xi32>
    %and3A_1367 = arith.constant 32 : i32
    %and3A_1368 = vector.broadcast %and3A_1367 : i32 to vector<128x1024xi32>
    %and3A_1369 = arith.andi %iota3A, %and3A_1368 : vector<128x1024xi32>
    %eq3A_1370 = arith.constant 0 : i32
    %eq3A_1371 = vector.broadcast %eq3A_1370 : i32 to vector<128x1024xi32>
    %eq3A_1372 = arith.cmpi eq, %and3A_1369, %eq3A_1371 : vector<128x1024xi32>
    %roll3A_1373 = arith.constant 992 : i32
    %roll3A_1374 = tpu.dynamic_rotate %select_n3A_1365 by %roll3A_1373 dim 1 : vector<128x1024xi32>, i32 -> vector<128x1024xi32>
    %roll3A_1375 = arith.constant 32 : i32
    %roll3A_1376 = tpu.dynamic_rotate %select_n3A_1365 by %roll3A_1375 dim 1 : vector<128x1024xi32>, i32 -> vector<128x1024xi32>
    %select_n3A_1377 = arith.select %eq3A_1372, %roll3A_1374, %roll3A_1376 : vector<128x1024xi1>, vector<128x1024xi32>
    %roll3A_1378 = arith.constant 992 : i32
    %roll3A_1379 = tpu.dynamic_rotate %select_n3A_1366 by %roll3A_1378 dim 1 : vector<128x1024xi32>, i32 -> vector<128x1024xi32>
    %roll3A_1380 = arith.constant 32 : i32
    %roll3A_1381 = tpu.dynamic_rotate %select_n3A_1366 by %roll3A_1380 dim 1 : vector<128x1024xi32>, i32 -> vector<128x1024xi32>
    %select_n3A_1382 = arith.select %eq3A_1372, %roll3A_1379, %roll3A_1381 : vector<128x1024xi1>, vector<128x1024xi32>
    %lt3A_1383 = arith.cmpi slt, %select_n3A_1365, %select_n3A_1377 : vector<128x1024xi32>
    %eq3A_1384 = arith.cmpi eq, %select_n3A_1365, %select_n3A_1377 : vector<128x1024xi32>
    %lt3A_1385 = arith.cmpi slt, %select_n3A_1366, %select_n3A_1382 : vector<128x1024xi32>
    %and3A_1386 = arith.andi %eq3A_1384, %lt3A_1385 : vector<128x1024xi1>
    %or3A_1387 = arith.ori %lt3A_1383, %and3A_1386 : vector<128x1024xi1>
    %and3A_1388 = arith.constant 512 : i32
    %and3A_1389 = vector.broadcast %and3A_1388 : i32 to vector<128x1024xi32>
    %and3A_1390 = arith.andi %iota3A, %and3A_1389 : vector<128x1024xi32>
    %eq3A_1391 = arith.constant 0 : i32
    %eq3A_1392 = vector.broadcast %eq3A_1391 : i32 to vector<128x1024xi32>
    %eq3A_1393 = arith.cmpi eq, %and3A_1390, %eq3A_1392 : vector<128x1024xi32>
    %eq3A_1394 = arith.xori %eq3A_1372, %or3A_1387 : vector<128x1024xi1>
    %eq3A_1395 = arith.constant dense<true> : vector<128x1024xi1>
    %eq3A_1396 = arith.xori %eq3A_1394, %eq3A_1395 : vector<128x1024xi1>
    %eq3A_1397 = arith.xori %eq3A_1393, %eq3A_1396 : vector<128x1024xi1>
    %eq3A_1398 = arith.constant dense<true> : vector<128x1024xi1>
    %eq3A_1399 = arith.xori %eq3A_1397, %eq3A_1398 : vector<128x1024xi1>
    %select_n3A_1400 = arith.select %eq3A_1399, %select_n3A_1365, %select_n3A_1377 : vector<128x1024xi1>, vector<128x1024xi32>
    %select_n3A_1401 = arith.select %eq3A_1399, %select_n3A_1366, %select_n3A_1382 : vector<128x1024xi1>, vector<128x1024xi32>
    %and3A_1402 = arith.constant 16 : i32
    %and3A_1403 = vector.broadcast %and3A_1402 : i32 to vector<128x1024xi32>
    %and3A_1404 = arith.andi %iota3A, %and3A_1403 : vector<128x1024xi32>
    %eq3A_1405 = arith.constant 0 : i32
    %eq3A_1406 = vector.broadcast %eq3A_1405 : i32 to vector<128x1024xi32>
    %eq3A_1407 = arith.cmpi eq, %and3A_1404, %eq3A_1406 : vector<128x1024xi32>
    %roll3A_1408 = arith.constant 1008 : i32
    %roll3A_1409 = tpu.dynamic_rotate %select_n3A_1400 by %roll3A_1408 dim 1 : vector<128x1024xi32>, i32 -> vector<128x1024xi32>
    %roll3A_1410 = arith.constant 16 : i32
    %roll3A_1411 = tpu.dynamic_rotate %select_n3A_1400 by %roll3A_1410 dim 1 : vector<128x1024xi32>, i32 -> vector<128x1024xi32>
    %select_n3A_1412 = arith.select %eq3A_1407, %roll3A_1409, %roll3A_1411 : vector<128x1024xi1>, vector<128x1024xi32>
    %roll3A_1413 = arith.constant 1008 : i32
    %roll3A_1414 = tpu.dynamic_rotate %select_n3A_1401 by %roll3A_1413 dim 1 : vector<128x1024xi32>, i32 -> vector<128x1024xi32>
    %roll3A_1415 = arith.constant 16 : i32
    %roll3A_1416 = tpu.dynamic_rotate %select_n3A_1401 by %roll3A_1415 dim 1 : vector<128x1024xi32>, i32 -> vector<128x1024xi32>
    %select_n3A_1417 = arith.select %eq3A_1407, %roll3A_1414, %roll3A_1416 : vector<128x1024xi1>, vector<128x1024xi32>
    %lt3A_1418 = arith.cmpi slt, %select_n3A_1400, %select_n3A_1412 : vector<128x1024xi32>
    %eq3A_1419 = arith.cmpi eq, %select_n3A_1400, %select_n3A_1412 : vector<128x1024xi32>
    %lt3A_1420 = arith.cmpi slt, %select_n3A_1401, %select_n3A_1417 : vector<128x1024xi32>
    %and3A_1421 = arith.andi %eq3A_1419, %lt3A_1420 : vector<128x1024xi1>
    %or3A_1422 = arith.ori %lt3A_1418, %and3A_1421 : vector<128x1024xi1>
    %and3A_1423 = arith.constant 512 : i32
    %and3A_1424 = vector.broadcast %and3A_1423 : i32 to vector<128x1024xi32>
    %and3A_1425 = arith.andi %iota3A, %and3A_1424 : vector<128x1024xi32>
    %eq3A_1426 = arith.constant 0 : i32
    %eq3A_1427 = vector.broadcast %eq3A_1426 : i32 to vector<128x1024xi32>
    %eq3A_1428 = arith.cmpi eq, %and3A_1425, %eq3A_1427 : vector<128x1024xi32>
    %eq3A_1429 = arith.xori %eq3A_1407, %or3A_1422 : vector<128x1024xi1>
    %eq3A_1430 = arith.constant dense<true> : vector<128x1024xi1>
    %eq3A_1431 = arith.xori %eq3A_1429, %eq3A_1430 : vector<128x1024xi1>
    %eq3A_1432 = arith.xori %eq3A_1428, %eq3A_1431 : vector<128x1024xi1>
    %eq3A_1433 = arith.constant dense<true> : vector<128x1024xi1>
    %eq3A_1434 = arith.xori %eq3A_1432, %eq3A_1433 : vector<128x1024xi1>
    %select_n3A_1435 = arith.select %eq3A_1434, %select_n3A_1400, %select_n3A_1412 : vector<128x1024xi1>, vector<128x1024xi32>
    %select_n3A_1436 = arith.select %eq3A_1434, %select_n3A_1401, %select_n3A_1417 : vector<128x1024xi1>, vector<128x1024xi32>
    %and3A_1437 = arith.constant 8 : i32
    %and3A_1438 = vector.broadcast %and3A_1437 : i32 to vector<128x1024xi32>
    %and3A_1439 = arith.andi %iota3A, %and3A_1438 : vector<128x1024xi32>
    %eq3A_1440 = arith.constant 0 : i32
    %eq3A_1441 = vector.broadcast %eq3A_1440 : i32 to vector<128x1024xi32>
    %eq3A_1442 = arith.cmpi eq, %and3A_1439, %eq3A_1441 : vector<128x1024xi32>
    %roll3A_1443 = arith.constant 1016 : i32
    %roll3A_1444 = tpu.dynamic_rotate %select_n3A_1435 by %roll3A_1443 dim 1 : vector<128x1024xi32>, i32 -> vector<128x1024xi32>
    %roll3A_1445 = arith.constant 8 : i32
    %roll3A_1446 = tpu.dynamic_rotate %select_n3A_1435 by %roll3A_1445 dim 1 : vector<128x1024xi32>, i32 -> vector<128x1024xi32>
    %select_n3A_1447 = arith.select %eq3A_1442, %roll3A_1444, %roll3A_1446 : vector<128x1024xi1>, vector<128x1024xi32>
    %roll3A_1448 = arith.constant 1016 : i32
    %roll3A_1449 = tpu.dynamic_rotate %select_n3A_1436 by %roll3A_1448 dim 1 : vector<128x1024xi32>, i32 -> vector<128x1024xi32>
    %roll3A_1450 = arith.constant 8 : i32
    %roll3A_1451 = tpu.dynamic_rotate %select_n3A_1436 by %roll3A_1450 dim 1 : vector<128x1024xi32>, i32 -> vector<128x1024xi32>
    %select_n3A_1452 = arith.select %eq3A_1442, %roll3A_1449, %roll3A_1451 : vector<128x1024xi1>, vector<128x1024xi32>
    %lt3A_1453 = arith.cmpi slt, %select_n3A_1435, %select_n3A_1447 : vector<128x1024xi32>
    %eq3A_1454 = arith.cmpi eq, %select_n3A_1435, %select_n3A_1447 : vector<128x1024xi32>
    %lt3A_1455 = arith.cmpi slt, %select_n3A_1436, %select_n3A_1452 : vector<128x1024xi32>
    %and3A_1456 = arith.andi %eq3A_1454, %lt3A_1455 : vector<128x1024xi1>
    %or3A_1457 = arith.ori %lt3A_1453, %and3A_1456 : vector<128x1024xi1>
    %and3A_1458 = arith.constant 512 : i32
    %and3A_1459 = vector.broadcast %and3A_1458 : i32 to vector<128x1024xi32>
    %and3A_1460 = arith.andi %iota3A, %and3A_1459 : vector<128x1024xi32>
    %eq3A_1461 = arith.constant 0 : i32
    %eq3A_1462 = vector.broadcast %eq3A_1461 : i32 to vector<128x1024xi32>
    %eq3A_1463 = arith.cmpi eq, %and3A_1460, %eq3A_1462 : vector<128x1024xi32>
    %eq3A_1464 = arith.xori %eq3A_1442, %or3A_1457 : vector<128x1024xi1>
    %eq3A_1465 = arith.constant dense<true> : vector<128x1024xi1>
    %eq3A_1466 = arith.xori %eq3A_1464, %eq3A_1465 : vector<128x1024xi1>
    %eq3A_1467 = arith.xori %eq3A_1463, %eq3A_1466 : vector<128x1024xi1>
    %eq3A_1468 = arith.constant dense<true> : vector<128x1024xi1>
    %eq3A_1469 = arith.xori %eq3A_1467, %eq3A_1468 : vector<128x1024xi1>
    %select_n3A_1470 = arith.select %eq3A_1469, %select_n3A_1435, %select_n3A_1447 : vector<128x1024xi1>, vector<128x1024xi32>
    %select_n3A_1471 = arith.select %eq3A_1469, %select_n3A_1436, %select_n3A_1452 : vector<128x1024xi1>, vector<128x1024xi32>
    %and3A_1472 = arith.constant 4 : i32
    %and3A_1473 = vector.broadcast %and3A_1472 : i32 to vector<128x1024xi32>
    %and3A_1474 = arith.andi %iota3A, %and3A_1473 : vector<128x1024xi32>
    %eq3A_1475 = arith.constant 0 : i32
    %eq3A_1476 = vector.broadcast %eq3A_1475 : i32 to vector<128x1024xi32>
    %eq3A_1477 = arith.cmpi eq, %and3A_1474, %eq3A_1476 : vector<128x1024xi32>
    %roll3A_1478 = arith.constant 1020 : i32
    %roll3A_1479 = tpu.dynamic_rotate %select_n3A_1470 by %roll3A_1478 dim 1 : vector<128x1024xi32>, i32 -> vector<128x1024xi32>
    %roll3A_1480 = arith.constant 4 : i32
    %roll3A_1481 = tpu.dynamic_rotate %select_n3A_1470 by %roll3A_1480 dim 1 : vector<128x1024xi32>, i32 -> vector<128x1024xi32>
    %select_n3A_1482 = arith.select %eq3A_1477, %roll3A_1479, %roll3A_1481 : vector<128x1024xi1>, vector<128x1024xi32>
    %roll3A_1483 = arith.constant 1020 : i32
    %roll3A_1484 = tpu.dynamic_rotate %select_n3A_1471 by %roll3A_1483 dim 1 : vector<128x1024xi32>, i32 -> vector<128x1024xi32>
    %roll3A_1485 = arith.constant 4 : i32
    %roll3A_1486 = tpu.dynamic_rotate %select_n3A_1471 by %roll3A_1485 dim 1 : vector<128x1024xi32>, i32 -> vector<128x1024xi32>
    %select_n3A_1487 = arith.select %eq3A_1477, %roll3A_1484, %roll3A_1486 : vector<128x1024xi1>, vector<128x1024xi32>
    %lt3A_1488 = arith.cmpi slt, %select_n3A_1470, %select_n3A_1482 : vector<128x1024xi32>
    %eq3A_1489 = arith.cmpi eq, %select_n3A_1470, %select_n3A_1482 : vector<128x1024xi32>
    %lt3A_1490 = arith.cmpi slt, %select_n3A_1471, %select_n3A_1487 : vector<128x1024xi32>
    %and3A_1491 = arith.andi %eq3A_1489, %lt3A_1490 : vector<128x1024xi1>
    %or3A_1492 = arith.ori %lt3A_1488, %and3A_1491 : vector<128x1024xi1>
    %and3A_1493 = arith.constant 512 : i32
    %and3A_1494 = vector.broadcast %and3A_1493 : i32 to vector<128x1024xi32>
    %and3A_1495 = arith.andi %iota3A, %and3A_1494 : vector<128x1024xi32>
    %eq3A_1496 = arith.constant 0 : i32
    %eq3A_1497 = vector.broadcast %eq3A_1496 : i32 to vector<128x1024xi32>
    %eq3A_1498 = arith.cmpi eq, %and3A_1495, %eq3A_1497 : vector<128x1024xi32>
    %eq3A_1499 = arith.xori %eq3A_1477, %or3A_1492 : vector<128x1024xi1>
    %eq3A_1500 = arith.constant dense<true> : vector<128x1024xi1>
    %eq3A_1501 = arith.xori %eq3A_1499, %eq3A_1500 : vector<128x1024xi1>
    %eq3A_1502 = arith.xori %eq3A_1498, %eq3A_1501 : vector<128x1024xi1>
    %eq3A_1503 = arith.constant dense<true> : vector<128x1024xi1>
    %eq3A_1504 = arith.xori %eq3A_1502, %eq3A_1503 : vector<128x1024xi1>
    %select_n3A_1505 = arith.select %eq3A_1504, %select_n3A_1470, %select_n3A_1482 : vector<128x1024xi1>, vector<128x1024xi32>
    %select_n3A_1506 = arith.select %eq3A_1504, %select_n3A_1471, %select_n3A_1487 : vector<128x1024xi1>, vector<128x1024xi32>
    %and3A_1507 = arith.constant 2 : i32
    %and3A_1508 = vector.broadcast %and3A_1507 : i32 to vector<128x1024xi32>
    %and3A_1509 = arith.andi %iota3A, %and3A_1508 : vector<128x1024xi32>
    %eq3A_1510 = arith.constant 0 : i32
    %eq3A_1511 = vector.broadcast %eq3A_1510 : i32 to vector<128x1024xi32>
    %eq3A_1512 = arith.cmpi eq, %and3A_1509, %eq3A_1511 : vector<128x1024xi32>
    %roll3A_1513 = arith.constant 1022 : i32
    %roll3A_1514 = tpu.dynamic_rotate %select_n3A_1505 by %roll3A_1513 dim 1 : vector<128x1024xi32>, i32 -> vector<128x1024xi32>
    %roll3A_1515 = arith.constant 2 : i32
    %roll3A_1516 = tpu.dynamic_rotate %select_n3A_1505 by %roll3A_1515 dim 1 : vector<128x1024xi32>, i32 -> vector<128x1024xi32>
    %select_n3A_1517 = arith.select %eq3A_1512, %roll3A_1514, %roll3A_1516 : vector<128x1024xi1>, vector<128x1024xi32>
    %roll3A_1518 = arith.constant 1022 : i32
    %roll3A_1519 = tpu.dynamic_rotate %select_n3A_1506 by %roll3A_1518 dim 1 : vector<128x1024xi32>, i32 -> vector<128x1024xi32>
    %roll3A_1520 = arith.constant 2 : i32
    %roll3A_1521 = tpu.dynamic_rotate %select_n3A_1506 by %roll3A_1520 dim 1 : vector<128x1024xi32>, i32 -> vector<128x1024xi32>
    %select_n3A_1522 = arith.select %eq3A_1512, %roll3A_1519, %roll3A_1521 : vector<128x1024xi1>, vector<128x1024xi32>
    %lt3A_1523 = arith.cmpi slt, %select_n3A_1505, %select_n3A_1517 : vector<128x1024xi32>
    %eq3A_1524 = arith.cmpi eq, %select_n3A_1505, %select_n3A_1517 : vector<128x1024xi32>
    %lt3A_1525 = arith.cmpi slt, %select_n3A_1506, %select_n3A_1522 : vector<128x1024xi32>
    %and3A_1526 = arith.andi %eq3A_1524, %lt3A_1525 : vector<128x1024xi1>
    %or3A_1527 = arith.ori %lt3A_1523, %and3A_1526 : vector<128x1024xi1>
    %and3A_1528 = arith.constant 512 : i32
    %and3A_1529 = vector.broadcast %and3A_1528 : i32 to vector<128x1024xi32>
    %and3A_1530 = arith.andi %iota3A, %and3A_1529 : vector<128x1024xi32>
    %eq3A_1531 = arith.constant 0 : i32
    %eq3A_1532 = vector.broadcast %eq3A_1531 : i32 to vector<128x1024xi32>
    %eq3A_1533 = arith.cmpi eq, %and3A_1530, %eq3A_1532 : vector<128x1024xi32>
    %eq3A_1534 = arith.xori %eq3A_1512, %or3A_1527 : vector<128x1024xi1>
    %eq3A_1535 = arith.constant dense<true> : vector<128x1024xi1>
    %eq3A_1536 = arith.xori %eq3A_1534, %eq3A_1535 : vector<128x1024xi1>
    %eq3A_1537 = arith.xori %eq3A_1533, %eq3A_1536 : vector<128x1024xi1>
    %eq3A_1538 = arith.constant dense<true> : vector<128x1024xi1>
    %eq3A_1539 = arith.xori %eq3A_1537, %eq3A_1538 : vector<128x1024xi1>
    %select_n3A_1540 = arith.select %eq3A_1539, %select_n3A_1505, %select_n3A_1517 : vector<128x1024xi1>, vector<128x1024xi32>
    %select_n3A_1541 = arith.select %eq3A_1539, %select_n3A_1506, %select_n3A_1522 : vector<128x1024xi1>, vector<128x1024xi32>
    %and3A_1542 = arith.constant 1 : i32
    %and3A_1543 = vector.broadcast %and3A_1542 : i32 to vector<128x1024xi32>
    %and3A_1544 = arith.andi %iota3A, %and3A_1543 : vector<128x1024xi32>
    %eq3A_1545 = arith.constant 0 : i32
    %eq3A_1546 = vector.broadcast %eq3A_1545 : i32 to vector<128x1024xi32>
    %eq3A_1547 = arith.cmpi eq, %and3A_1544, %eq3A_1546 : vector<128x1024xi32>
    %roll3A_1548 = arith.constant 1023 : i32
    %roll3A_1549 = tpu.dynamic_rotate %select_n3A_1540 by %roll3A_1548 dim 1 : vector<128x1024xi32>, i32 -> vector<128x1024xi32>
    %roll3A_1550 = arith.constant 1 : i32
    %roll3A_1551 = tpu.dynamic_rotate %select_n3A_1540 by %roll3A_1550 dim 1 : vector<128x1024xi32>, i32 -> vector<128x1024xi32>
    %select_n3A_1552 = arith.select %eq3A_1547, %roll3A_1549, %roll3A_1551 : vector<128x1024xi1>, vector<128x1024xi32>
    %roll3A_1553 = arith.constant 1023 : i32
    %roll3A_1554 = tpu.dynamic_rotate %select_n3A_1541 by %roll3A_1553 dim 1 : vector<128x1024xi32>, i32 -> vector<128x1024xi32>
    %roll3A_1555 = arith.constant 1 : i32
    %roll3A_1556 = tpu.dynamic_rotate %select_n3A_1541 by %roll3A_1555 dim 1 : vector<128x1024xi32>, i32 -> vector<128x1024xi32>
    %select_n3A_1557 = arith.select %eq3A_1547, %roll3A_1554, %roll3A_1556 : vector<128x1024xi1>, vector<128x1024xi32>
    %lt3A_1558 = arith.cmpi slt, %select_n3A_1540, %select_n3A_1552 : vector<128x1024xi32>
    %eq3A_1559 = arith.cmpi eq, %select_n3A_1540, %select_n3A_1552 : vector<128x1024xi32>
    %lt3A_1560 = arith.cmpi slt, %select_n3A_1541, %select_n3A_1557 : vector<128x1024xi32>
    %and3A_1561 = arith.andi %eq3A_1559, %lt3A_1560 : vector<128x1024xi1>
    %or3A_1562 = arith.ori %lt3A_1558, %and3A_1561 : vector<128x1024xi1>
    %and3A_1563 = arith.constant 512 : i32
    %and3A_1564 = vector.broadcast %and3A_1563 : i32 to vector<128x1024xi32>
    %and3A_1565 = arith.andi %iota3A, %and3A_1564 : vector<128x1024xi32>
    %eq3A_1566 = arith.constant 0 : i32
    %eq3A_1567 = vector.broadcast %eq3A_1566 : i32 to vector<128x1024xi32>
    %eq3A_1568 = arith.cmpi eq, %and3A_1565, %eq3A_1567 : vector<128x1024xi32>
    %eq3A_1569 = arith.xori %eq3A_1547, %or3A_1562 : vector<128x1024xi1>
    %eq3A_1570 = arith.constant dense<true> : vector<128x1024xi1>
    %eq3A_1571 = arith.xori %eq3A_1569, %eq3A_1570 : vector<128x1024xi1>
    %eq3A_1572 = arith.xori %eq3A_1568, %eq3A_1571 : vector<128x1024xi1>
    %eq3A_1573 = arith.constant dense<true> : vector<128x1024xi1>
    %eq3A_1574 = arith.xori %eq3A_1572, %eq3A_1573 : vector<128x1024xi1>
    %select_n3A_1575 = arith.select %eq3A_1574, %select_n3A_1540, %select_n3A_1552 : vector<128x1024xi1>, vector<128x1024xi32>
    %select_n3A_1576 = arith.select %eq3A_1574, %select_n3A_1541, %select_n3A_1557 : vector<128x1024xi1>, vector<128x1024xi32>
    %and3A_1577 = arith.constant 512 : i32
    %and3A_1578 = vector.broadcast %and3A_1577 : i32 to vector<128x1024xi32>
    %and3A_1579 = arith.andi %iota3A, %and3A_1578 : vector<128x1024xi32>
    %eq3A_1580 = arith.constant 0 : i32
    %eq3A_1581 = vector.broadcast %eq3A_1580 : i32 to vector<128x1024xi32>
    %eq3A_1582 = arith.cmpi eq, %and3A_1579, %eq3A_1581 : vector<128x1024xi32>
    %roll3A_1583 = arith.constant 512 : i32
    %roll3A_1584 = tpu.dynamic_rotate %select_n3A_1575 by %roll3A_1583 dim 1 : vector<128x1024xi32>, i32 -> vector<128x1024xi32>
    %roll3A_1585 = arith.constant 512 : i32
    %roll3A_1586 = tpu.dynamic_rotate %select_n3A_1575 by %roll3A_1585 dim 1 : vector<128x1024xi32>, i32 -> vector<128x1024xi32>
    %select_n3A_1587 = arith.select %eq3A_1582, %roll3A_1584, %roll3A_1586 : vector<128x1024xi1>, vector<128x1024xi32>
    %roll3A_1588 = arith.constant 512 : i32
    %roll3A_1589 = tpu.dynamic_rotate %select_n3A_1576 by %roll3A_1588 dim 1 : vector<128x1024xi32>, i32 -> vector<128x1024xi32>
    %roll3A_1590 = arith.constant 512 : i32
    %roll3A_1591 = tpu.dynamic_rotate %select_n3A_1576 by %roll3A_1590 dim 1 : vector<128x1024xi32>, i32 -> vector<128x1024xi32>
    %select_n3A_1592 = arith.select %eq3A_1582, %roll3A_1589, %roll3A_1591 : vector<128x1024xi1>, vector<128x1024xi32>
    %lt3A_1593 = arith.cmpi slt, %select_n3A_1575, %select_n3A_1587 : vector<128x1024xi32>
    %eq3A_1594 = arith.cmpi eq, %select_n3A_1575, %select_n3A_1587 : vector<128x1024xi32>
    %lt3A_1595 = arith.cmpi slt, %select_n3A_1576, %select_n3A_1592 : vector<128x1024xi32>
    %and3A_1596 = arith.andi %eq3A_1594, %lt3A_1595 : vector<128x1024xi1>
    %or3A_1597 = arith.ori %lt3A_1593, %and3A_1596 : vector<128x1024xi1>
    %and3A_1598 = arith.constant 1024 : i32
    %and3A_1599 = vector.broadcast %and3A_1598 : i32 to vector<128x1024xi32>
    %and3A_1600 = arith.andi %iota3A, %and3A_1599 : vector<128x1024xi32>
    %eq3A_1601 = arith.constant 0 : i32
    %eq3A_1602 = vector.broadcast %eq3A_1601 : i32 to vector<128x1024xi32>
    %eq3A_1603 = arith.cmpi eq, %and3A_1600, %eq3A_1602 : vector<128x1024xi32>
    %eq3A_1604 = arith.xori %eq3A_1582, %or3A_1597 : vector<128x1024xi1>
    %eq3A_1605 = arith.constant dense<true> : vector<128x1024xi1>
    %eq3A_1606 = arith.xori %eq3A_1604, %eq3A_1605 : vector<128x1024xi1>
    %eq3A_1607 = arith.xori %eq3A_1603, %eq3A_1606 : vector<128x1024xi1>
    %eq3A_1608 = arith.constant dense<true> : vector<128x1024xi1>
    %eq3A_1609 = arith.xori %eq3A_1607, %eq3A_1608 : vector<128x1024xi1>
    %select_n3A_1610 = arith.select %eq3A_1609, %select_n3A_1575, %select_n3A_1587 : vector<128x1024xi1>, vector<128x1024xi32>
    %select_n3A_1611 = arith.select %eq3A_1609, %select_n3A_1576, %select_n3A_1592 : vector<128x1024xi1>, vector<128x1024xi32>
    %and3A_1612 = arith.constant 256 : i32
    %and3A_1613 = vector.broadcast %and3A_1612 : i32 to vector<128x1024xi32>
    %and3A_1614 = arith.andi %iota3A, %and3A_1613 : vector<128x1024xi32>
    %eq3A_1615 = arith.constant 0 : i32
    %eq3A_1616 = vector.broadcast %eq3A_1615 : i32 to vector<128x1024xi32>
    %eq3A_1617 = arith.cmpi eq, %and3A_1614, %eq3A_1616 : vector<128x1024xi32>
    %roll3A_1618 = arith.constant 768 : i32
    %roll3A_1619 = tpu.dynamic_rotate %select_n3A_1610 by %roll3A_1618 dim 1 : vector<128x1024xi32>, i32 -> vector<128x1024xi32>
    %roll3A_1620 = arith.constant 256 : i32
    %roll3A_1621 = tpu.dynamic_rotate %select_n3A_1610 by %roll3A_1620 dim 1 : vector<128x1024xi32>, i32 -> vector<128x1024xi32>
    %select_n3A_1622 = arith.select %eq3A_1617, %roll3A_1619, %roll3A_1621 : vector<128x1024xi1>, vector<128x1024xi32>
    %roll3A_1623 = arith.constant 768 : i32
    %roll3A_1624 = tpu.dynamic_rotate %select_n3A_1611 by %roll3A_1623 dim 1 : vector<128x1024xi32>, i32 -> vector<128x1024xi32>
    %roll3A_1625 = arith.constant 256 : i32
    %roll3A_1626 = tpu.dynamic_rotate %select_n3A_1611 by %roll3A_1625 dim 1 : vector<128x1024xi32>, i32 -> vector<128x1024xi32>
    %select_n3A_1627 = arith.select %eq3A_1617, %roll3A_1624, %roll3A_1626 : vector<128x1024xi1>, vector<128x1024xi32>
    %lt3A_1628 = arith.cmpi slt, %select_n3A_1610, %select_n3A_1622 : vector<128x1024xi32>
    %eq3A_1629 = arith.cmpi eq, %select_n3A_1610, %select_n3A_1622 : vector<128x1024xi32>
    %lt3A_1630 = arith.cmpi slt, %select_n3A_1611, %select_n3A_1627 : vector<128x1024xi32>
    %and3A_1631 = arith.andi %eq3A_1629, %lt3A_1630 : vector<128x1024xi1>
    %or3A_1632 = arith.ori %lt3A_1628, %and3A_1631 : vector<128x1024xi1>
    %and3A_1633 = arith.constant 1024 : i32
    %and3A_1634 = vector.broadcast %and3A_1633 : i32 to vector<128x1024xi32>
    %and3A_1635 = arith.andi %iota3A, %and3A_1634 : vector<128x1024xi32>
    %eq3A_1636 = arith.constant 0 : i32
    %eq3A_1637 = vector.broadcast %eq3A_1636 : i32 to vector<128x1024xi32>
    %eq3A_1638 = arith.cmpi eq, %and3A_1635, %eq3A_1637 : vector<128x1024xi32>
    %eq3A_1639 = arith.xori %eq3A_1617, %or3A_1632 : vector<128x1024xi1>
    %eq3A_1640 = arith.constant dense<true> : vector<128x1024xi1>
    %eq3A_1641 = arith.xori %eq3A_1639, %eq3A_1640 : vector<128x1024xi1>
    %eq3A_1642 = arith.xori %eq3A_1638, %eq3A_1641 : vector<128x1024xi1>
    %eq3A_1643 = arith.constant dense<true> : vector<128x1024xi1>
    %eq3A_1644 = arith.xori %eq3A_1642, %eq3A_1643 : vector<128x1024xi1>
    %select_n3A_1645 = arith.select %eq3A_1644, %select_n3A_1610, %select_n3A_1622 : vector<128x1024xi1>, vector<128x1024xi32>
    %select_n3A_1646 = arith.select %eq3A_1644, %select_n3A_1611, %select_n3A_1627 : vector<128x1024xi1>, vector<128x1024xi32>
    %and3A_1647 = arith.constant 128 : i32
    %and3A_1648 = vector.broadcast %and3A_1647 : i32 to vector<128x1024xi32>
    %and3A_1649 = arith.andi %iota3A, %and3A_1648 : vector<128x1024xi32>
    %eq3A_1650 = arith.constant 0 : i32
    %eq3A_1651 = vector.broadcast %eq3A_1650 : i32 to vector<128x1024xi32>
    %eq3A_1652 = arith.cmpi eq, %and3A_1649, %eq3A_1651 : vector<128x1024xi32>
    %roll3A_1653 = arith.constant 896 : i32
    %roll3A_1654 = tpu.dynamic_rotate %select_n3A_1645 by %roll3A_1653 dim 1 : vector<128x1024xi32>, i32 -> vector<128x1024xi32>
    %roll3A_1655 = arith.constant 128 : i32
    %roll3A_1656 = tpu.dynamic_rotate %select_n3A_1645 by %roll3A_1655 dim 1 : vector<128x1024xi32>, i32 -> vector<128x1024xi32>
    %select_n3A_1657 = arith.select %eq3A_1652, %roll3A_1654, %roll3A_1656 : vector<128x1024xi1>, vector<128x1024xi32>
    %roll3A_1658 = arith.constant 896 : i32
    %roll3A_1659 = tpu.dynamic_rotate %select_n3A_1646 by %roll3A_1658 dim 1 : vector<128x1024xi32>, i32 -> vector<128x1024xi32>
    %roll3A_1660 = arith.constant 128 : i32
    %roll3A_1661 = tpu.dynamic_rotate %select_n3A_1646 by %roll3A_1660 dim 1 : vector<128x1024xi32>, i32 -> vector<128x1024xi32>
    %select_n3A_1662 = arith.select %eq3A_1652, %roll3A_1659, %roll3A_1661 : vector<128x1024xi1>, vector<128x1024xi32>
    %lt3A_1663 = arith.cmpi slt, %select_n3A_1645, %select_n3A_1657 : vector<128x1024xi32>
    %eq3A_1664 = arith.cmpi eq, %select_n3A_1645, %select_n3A_1657 : vector<128x1024xi32>
    %lt3A_1665 = arith.cmpi slt, %select_n3A_1646, %select_n3A_1662 : vector<128x1024xi32>
    %and3A_1666 = arith.andi %eq3A_1664, %lt3A_1665 : vector<128x1024xi1>
    %or3A_1667 = arith.ori %lt3A_1663, %and3A_1666 : vector<128x1024xi1>
    %and3A_1668 = arith.constant 1024 : i32
    %and3A_1669 = vector.broadcast %and3A_1668 : i32 to vector<128x1024xi32>
    %and3A_1670 = arith.andi %iota3A, %and3A_1669 : vector<128x1024xi32>
    %eq3A_1671 = arith.constant 0 : i32
    %eq3A_1672 = vector.broadcast %eq3A_1671 : i32 to vector<128x1024xi32>
    %eq3A_1673 = arith.cmpi eq, %and3A_1670, %eq3A_1672 : vector<128x1024xi32>
    %eq3A_1674 = arith.xori %eq3A_1652, %or3A_1667 : vector<128x1024xi1>
    %eq3A_1675 = arith.constant dense<true> : vector<128x1024xi1>
    %eq3A_1676 = arith.xori %eq3A_1674, %eq3A_1675 : vector<128x1024xi1>
    %eq3A_1677 = arith.xori %eq3A_1673, %eq3A_1676 : vector<128x1024xi1>
    %eq3A_1678 = arith.constant dense<true> : vector<128x1024xi1>
    %eq3A_1679 = arith.xori %eq3A_1677, %eq3A_1678 : vector<128x1024xi1>
    %select_n3A_1680 = arith.select %eq3A_1679, %select_n3A_1645, %select_n3A_1657 : vector<128x1024xi1>, vector<128x1024xi32>
    %select_n3A_1681 = arith.select %eq3A_1679, %select_n3A_1646, %select_n3A_1662 : vector<128x1024xi1>, vector<128x1024xi32>
    %and3A_1682 = arith.constant 64 : i32
    %and3A_1683 = vector.broadcast %and3A_1682 : i32 to vector<128x1024xi32>
    %and3A_1684 = arith.andi %iota3A, %and3A_1683 : vector<128x1024xi32>
    %eq3A_1685 = arith.constant 0 : i32
    %eq3A_1686 = vector.broadcast %eq3A_1685 : i32 to vector<128x1024xi32>
    %eq3A_1687 = arith.cmpi eq, %and3A_1684, %eq3A_1686 : vector<128x1024xi32>
    %roll3A_1688 = arith.constant 960 : i32
    %roll3A_1689 = tpu.dynamic_rotate %select_n3A_1680 by %roll3A_1688 dim 1 : vector<128x1024xi32>, i32 -> vector<128x1024xi32>
    %roll3A_1690 = arith.constant 64 : i32
    %roll3A_1691 = tpu.dynamic_rotate %select_n3A_1680 by %roll3A_1690 dim 1 : vector<128x1024xi32>, i32 -> vector<128x1024xi32>
    %select_n3A_1692 = arith.select %eq3A_1687, %roll3A_1689, %roll3A_1691 : vector<128x1024xi1>, vector<128x1024xi32>
    %roll3A_1693 = arith.constant 960 : i32
    %roll3A_1694 = tpu.dynamic_rotate %select_n3A_1681 by %roll3A_1693 dim 1 : vector<128x1024xi32>, i32 -> vector<128x1024xi32>
    %roll3A_1695 = arith.constant 64 : i32
    %roll3A_1696 = tpu.dynamic_rotate %select_n3A_1681 by %roll3A_1695 dim 1 : vector<128x1024xi32>, i32 -> vector<128x1024xi32>
    %select_n3A_1697 = arith.select %eq3A_1687, %roll3A_1694, %roll3A_1696 : vector<128x1024xi1>, vector<128x1024xi32>
    %lt3A_1698 = arith.cmpi slt, %select_n3A_1680, %select_n3A_1692 : vector<128x1024xi32>
    %eq3A_1699 = arith.cmpi eq, %select_n3A_1680, %select_n3A_1692 : vector<128x1024xi32>
    %lt3A_1700 = arith.cmpi slt, %select_n3A_1681, %select_n3A_1697 : vector<128x1024xi32>
    %and3A_1701 = arith.andi %eq3A_1699, %lt3A_1700 : vector<128x1024xi1>
    %or3A_1702 = arith.ori %lt3A_1698, %and3A_1701 : vector<128x1024xi1>
    %and3A_1703 = arith.constant 1024 : i32
    %and3A_1704 = vector.broadcast %and3A_1703 : i32 to vector<128x1024xi32>
    %and3A_1705 = arith.andi %iota3A, %and3A_1704 : vector<128x1024xi32>
    %eq3A_1706 = arith.constant 0 : i32
    %eq3A_1707 = vector.broadcast %eq3A_1706 : i32 to vector<128x1024xi32>
    %eq3A_1708 = arith.cmpi eq, %and3A_1705, %eq3A_1707 : vector<128x1024xi32>
    %eq3A_1709 = arith.xori %eq3A_1687, %or3A_1702 : vector<128x1024xi1>
    %eq3A_1710 = arith.constant dense<true> : vector<128x1024xi1>
    %eq3A_1711 = arith.xori %eq3A_1709, %eq3A_1710 : vector<128x1024xi1>
    %eq3A_1712 = arith.xori %eq3A_1708, %eq3A_1711 : vector<128x1024xi1>
    %eq3A_1713 = arith.constant dense<true> : vector<128x1024xi1>
    %eq3A_1714 = arith.xori %eq3A_1712, %eq3A_1713 : vector<128x1024xi1>
    %select_n3A_1715 = arith.select %eq3A_1714, %select_n3A_1680, %select_n3A_1692 : vector<128x1024xi1>, vector<128x1024xi32>
    %select_n3A_1716 = arith.select %eq3A_1714, %select_n3A_1681, %select_n3A_1697 : vector<128x1024xi1>, vector<128x1024xi32>
    %and3A_1717 = arith.constant 32 : i32
    %and3A_1718 = vector.broadcast %and3A_1717 : i32 to vector<128x1024xi32>
    %and3A_1719 = arith.andi %iota3A, %and3A_1718 : vector<128x1024xi32>
    %eq3A_1720 = arith.constant 0 : i32
    %eq3A_1721 = vector.broadcast %eq3A_1720 : i32 to vector<128x1024xi32>
    %eq3A_1722 = arith.cmpi eq, %and3A_1719, %eq3A_1721 : vector<128x1024xi32>
    %roll3A_1723 = arith.constant 992 : i32
    %roll3A_1724 = tpu.dynamic_rotate %select_n3A_1715 by %roll3A_1723 dim 1 : vector<128x1024xi32>, i32 -> vector<128x1024xi32>
    %roll3A_1725 = arith.constant 32 : i32
    %roll3A_1726 = tpu.dynamic_rotate %select_n3A_1715 by %roll3A_1725 dim 1 : vector<128x1024xi32>, i32 -> vector<128x1024xi32>
    %select_n3A_1727 = arith.select %eq3A_1722, %roll3A_1724, %roll3A_1726 : vector<128x1024xi1>, vector<128x1024xi32>
    %roll3A_1728 = arith.constant 992 : i32
    %roll3A_1729 = tpu.dynamic_rotate %select_n3A_1716 by %roll3A_1728 dim 1 : vector<128x1024xi32>, i32 -> vector<128x1024xi32>
    %roll3A_1730 = arith.constant 32 : i32
    %roll3A_1731 = tpu.dynamic_rotate %select_n3A_1716 by %roll3A_1730 dim 1 : vector<128x1024xi32>, i32 -> vector<128x1024xi32>
    %select_n3A_1732 = arith.select %eq3A_1722, %roll3A_1729, %roll3A_1731 : vector<128x1024xi1>, vector<128x1024xi32>
    %lt3A_1733 = arith.cmpi slt, %select_n3A_1715, %select_n3A_1727 : vector<128x1024xi32>
    %eq3A_1734 = arith.cmpi eq, %select_n3A_1715, %select_n3A_1727 : vector<128x1024xi32>
    %lt3A_1735 = arith.cmpi slt, %select_n3A_1716, %select_n3A_1732 : vector<128x1024xi32>
    %and3A_1736 = arith.andi %eq3A_1734, %lt3A_1735 : vector<128x1024xi1>
    %or3A_1737 = arith.ori %lt3A_1733, %and3A_1736 : vector<128x1024xi1>
    %and3A_1738 = arith.constant 1024 : i32
    %and3A_1739 = vector.broadcast %and3A_1738 : i32 to vector<128x1024xi32>
    %and3A_1740 = arith.andi %iota3A, %and3A_1739 : vector<128x1024xi32>
    %eq3A_1741 = arith.constant 0 : i32
    %eq3A_1742 = vector.broadcast %eq3A_1741 : i32 to vector<128x1024xi32>
    %eq3A_1743 = arith.cmpi eq, %and3A_1740, %eq3A_1742 : vector<128x1024xi32>
    %eq3A_1744 = arith.xori %eq3A_1722, %or3A_1737 : vector<128x1024xi1>
    %eq3A_1745 = arith.constant dense<true> : vector<128x1024xi1>
    %eq3A_1746 = arith.xori %eq3A_1744, %eq3A_1745 : vector<128x1024xi1>
    %eq3A_1747 = arith.xori %eq3A_1743, %eq3A_1746 : vector<128x1024xi1>
    %eq3A_1748 = arith.constant dense<true> : vector<128x1024xi1>
    %eq3A_1749 = arith.xori %eq3A_1747, %eq3A_1748 : vector<128x1024xi1>
    %select_n3A_1750 = arith.select %eq3A_1749, %select_n3A_1715, %select_n3A_1727 : vector<128x1024xi1>, vector<128x1024xi32>
    %select_n3A_1751 = arith.select %eq3A_1749, %select_n3A_1716, %select_n3A_1732 : vector<128x1024xi1>, vector<128x1024xi32>
    %and3A_1752 = arith.constant 16 : i32
    %and3A_1753 = vector.broadcast %and3A_1752 : i32 to vector<128x1024xi32>
    %and3A_1754 = arith.andi %iota3A, %and3A_1753 : vector<128x1024xi32>
    %eq3A_1755 = arith.constant 0 : i32
    %eq3A_1756 = vector.broadcast %eq3A_1755 : i32 to vector<128x1024xi32>
    %eq3A_1757 = arith.cmpi eq, %and3A_1754, %eq3A_1756 : vector<128x1024xi32>
    %roll3A_1758 = arith.constant 1008 : i32
    %roll3A_1759 = tpu.dynamic_rotate %select_n3A_1750 by %roll3A_1758 dim 1 : vector<128x1024xi32>, i32 -> vector<128x1024xi32>
    %roll3A_1760 = arith.constant 16 : i32
    %roll3A_1761 = tpu.dynamic_rotate %select_n3A_1750 by %roll3A_1760 dim 1 : vector<128x1024xi32>, i32 -> vector<128x1024xi32>
    %select_n3A_1762 = arith.select %eq3A_1757, %roll3A_1759, %roll3A_1761 : vector<128x1024xi1>, vector<128x1024xi32>
    %roll3A_1763 = arith.constant 1008 : i32
    %roll3A_1764 = tpu.dynamic_rotate %select_n3A_1751 by %roll3A_1763 dim 1 : vector<128x1024xi32>, i32 -> vector<128x1024xi32>
    %roll3A_1765 = arith.constant 16 : i32
    %roll3A_1766 = tpu.dynamic_rotate %select_n3A_1751 by %roll3A_1765 dim 1 : vector<128x1024xi32>, i32 -> vector<128x1024xi32>
    %select_n3A_1767 = arith.select %eq3A_1757, %roll3A_1764, %roll3A_1766 : vector<128x1024xi1>, vector<128x1024xi32>
    %lt3A_1768 = arith.cmpi slt, %select_n3A_1750, %select_n3A_1762 : vector<128x1024xi32>
    %eq3A_1769 = arith.cmpi eq, %select_n3A_1750, %select_n3A_1762 : vector<128x1024xi32>
    %lt3A_1770 = arith.cmpi slt, %select_n3A_1751, %select_n3A_1767 : vector<128x1024xi32>
    %and3A_1771 = arith.andi %eq3A_1769, %lt3A_1770 : vector<128x1024xi1>
    %or3A_1772 = arith.ori %lt3A_1768, %and3A_1771 : vector<128x1024xi1>
    %and3A_1773 = arith.constant 1024 : i32
    %and3A_1774 = vector.broadcast %and3A_1773 : i32 to vector<128x1024xi32>
    %and3A_1775 = arith.andi %iota3A, %and3A_1774 : vector<128x1024xi32>
    %eq3A_1776 = arith.constant 0 : i32
    %eq3A_1777 = vector.broadcast %eq3A_1776 : i32 to vector<128x1024xi32>
    %eq3A_1778 = arith.cmpi eq, %and3A_1775, %eq3A_1777 : vector<128x1024xi32>
    %eq3A_1779 = arith.xori %eq3A_1757, %or3A_1772 : vector<128x1024xi1>
    %eq3A_1780 = arith.constant dense<true> : vector<128x1024xi1>
    %eq3A_1781 = arith.xori %eq3A_1779, %eq3A_1780 : vector<128x1024xi1>
    %eq3A_1782 = arith.xori %eq3A_1778, %eq3A_1781 : vector<128x1024xi1>
    %eq3A_1783 = arith.constant dense<true> : vector<128x1024xi1>
    %eq3A_1784 = arith.xori %eq3A_1782, %eq3A_1783 : vector<128x1024xi1>
    %select_n3A_1785 = arith.select %eq3A_1784, %select_n3A_1750, %select_n3A_1762 : vector<128x1024xi1>, vector<128x1024xi32>
    %select_n3A_1786 = arith.select %eq3A_1784, %select_n3A_1751, %select_n3A_1767 : vector<128x1024xi1>, vector<128x1024xi32>
    %and3A_1787 = arith.constant 8 : i32
    %and3A_1788 = vector.broadcast %and3A_1787 : i32 to vector<128x1024xi32>
    %and3A_1789 = arith.andi %iota3A, %and3A_1788 : vector<128x1024xi32>
    %eq3A_1790 = arith.constant 0 : i32
    %eq3A_1791 = vector.broadcast %eq3A_1790 : i32 to vector<128x1024xi32>
    %eq3A_1792 = arith.cmpi eq, %and3A_1789, %eq3A_1791 : vector<128x1024xi32>
    %roll3A_1793 = arith.constant 1016 : i32
    %roll3A_1794 = tpu.dynamic_rotate %select_n3A_1785 by %roll3A_1793 dim 1 : vector<128x1024xi32>, i32 -> vector<128x1024xi32>
    %roll3A_1795 = arith.constant 8 : i32
    %roll3A_1796 = tpu.dynamic_rotate %select_n3A_1785 by %roll3A_1795 dim 1 : vector<128x1024xi32>, i32 -> vector<128x1024xi32>
    %select_n3A_1797 = arith.select %eq3A_1792, %roll3A_1794, %roll3A_1796 : vector<128x1024xi1>, vector<128x1024xi32>
    %roll3A_1798 = arith.constant 1016 : i32
    %roll3A_1799 = tpu.dynamic_rotate %select_n3A_1786 by %roll3A_1798 dim 1 : vector<128x1024xi32>, i32 -> vector<128x1024xi32>
    %roll3A_1800 = arith.constant 8 : i32
    %roll3A_1801 = tpu.dynamic_rotate %select_n3A_1786 by %roll3A_1800 dim 1 : vector<128x1024xi32>, i32 -> vector<128x1024xi32>
    %select_n3A_1802 = arith.select %eq3A_1792, %roll3A_1799, %roll3A_1801 : vector<128x1024xi1>, vector<128x1024xi32>
    %lt3A_1803 = arith.cmpi slt, %select_n3A_1785, %select_n3A_1797 : vector<128x1024xi32>
    %eq3A_1804 = arith.cmpi eq, %select_n3A_1785, %select_n3A_1797 : vector<128x1024xi32>
    %lt3A_1805 = arith.cmpi slt, %select_n3A_1786, %select_n3A_1802 : vector<128x1024xi32>
    %and3A_1806 = arith.andi %eq3A_1804, %lt3A_1805 : vector<128x1024xi1>
    %or3A_1807 = arith.ori %lt3A_1803, %and3A_1806 : vector<128x1024xi1>
    %and3A_1808 = arith.constant 1024 : i32
    %and3A_1809 = vector.broadcast %and3A_1808 : i32 to vector<128x1024xi32>
    %and3A_1810 = arith.andi %iota3A, %and3A_1809 : vector<128x1024xi32>
    %eq3A_1811 = arith.constant 0 : i32
    %eq3A_1812 = vector.broadcast %eq3A_1811 : i32 to vector<128x1024xi32>
    %eq3A_1813 = arith.cmpi eq, %and3A_1810, %eq3A_1812 : vector<128x1024xi32>
    %eq3A_1814 = arith.xori %eq3A_1792, %or3A_1807 : vector<128x1024xi1>
    %eq3A_1815 = arith.constant dense<true> : vector<128x1024xi1>
    %eq3A_1816 = arith.xori %eq3A_1814, %eq3A_1815 : vector<128x1024xi1>
    %eq3A_1817 = arith.xori %eq3A_1813, %eq3A_1816 : vector<128x1024xi1>
    %eq3A_1818 = arith.constant dense<true> : vector<128x1024xi1>
    %eq3A_1819 = arith.xori %eq3A_1817, %eq3A_1818 : vector<128x1024xi1>
    %select_n3A_1820 = arith.select %eq3A_1819, %select_n3A_1785, %select_n3A_1797 : vector<128x1024xi1>, vector<128x1024xi32>
    %select_n3A_1821 = arith.select %eq3A_1819, %select_n3A_1786, %select_n3A_1802 : vector<128x1024xi1>, vector<128x1024xi32>
    %and3A_1822 = arith.constant 4 : i32
    %and3A_1823 = vector.broadcast %and3A_1822 : i32 to vector<128x1024xi32>
    %and3A_1824 = arith.andi %iota3A, %and3A_1823 : vector<128x1024xi32>
    %eq3A_1825 = arith.constant 0 : i32
    %eq3A_1826 = vector.broadcast %eq3A_1825 : i32 to vector<128x1024xi32>
    %eq3A_1827 = arith.cmpi eq, %and3A_1824, %eq3A_1826 : vector<128x1024xi32>
    %roll3A_1828 = arith.constant 1020 : i32
    %roll3A_1829 = tpu.dynamic_rotate %select_n3A_1820 by %roll3A_1828 dim 1 : vector<128x1024xi32>, i32 -> vector<128x1024xi32>
    %roll3A_1830 = arith.constant 4 : i32
    %roll3A_1831 = tpu.dynamic_rotate %select_n3A_1820 by %roll3A_1830 dim 1 : vector<128x1024xi32>, i32 -> vector<128x1024xi32>
    %select_n3A_1832 = arith.select %eq3A_1827, %roll3A_1829, %roll3A_1831 : vector<128x1024xi1>, vector<128x1024xi32>
    %roll3A_1833 = arith.constant 1020 : i32
    %roll3A_1834 = tpu.dynamic_rotate %select_n3A_1821 by %roll3A_1833 dim 1 : vector<128x1024xi32>, i32 -> vector<128x1024xi32>
    %roll3A_1835 = arith.constant 4 : i32
    %roll3A_1836 = tpu.dynamic_rotate %select_n3A_1821 by %roll3A_1835 dim 1 : vector<128x1024xi32>, i32 -> vector<128x1024xi32>
    %select_n3A_1837 = arith.select %eq3A_1827, %roll3A_1834, %roll3A_1836 : vector<128x1024xi1>, vector<128x1024xi32>
    %lt3A_1838 = arith.cmpi slt, %select_n3A_1820, %select_n3A_1832 : vector<128x1024xi32>
    %eq3A_1839 = arith.cmpi eq, %select_n3A_1820, %select_n3A_1832 : vector<128x1024xi32>
    %lt3A_1840 = arith.cmpi slt, %select_n3A_1821, %select_n3A_1837 : vector<128x1024xi32>
    %and3A_1841 = arith.andi %eq3A_1839, %lt3A_1840 : vector<128x1024xi1>
    %or3A_1842 = arith.ori %lt3A_1838, %and3A_1841 : vector<128x1024xi1>
    %and3A_1843 = arith.constant 1024 : i32
    %and3A_1844 = vector.broadcast %and3A_1843 : i32 to vector<128x1024xi32>
    %and3A_1845 = arith.andi %iota3A, %and3A_1844 : vector<128x1024xi32>
    %eq3A_1846 = arith.constant 0 : i32
    %eq3A_1847 = vector.broadcast %eq3A_1846 : i32 to vector<128x1024xi32>
    %eq3A_1848 = arith.cmpi eq, %and3A_1845, %eq3A_1847 : vector<128x1024xi32>
    %eq3A_1849 = arith.xori %eq3A_1827, %or3A_1842 : vector<128x1024xi1>
    %eq3A_1850 = arith.constant dense<true> : vector<128x1024xi1>
    %eq3A_1851 = arith.xori %eq3A_1849, %eq3A_1850 : vector<128x1024xi1>
    %eq3A_1852 = arith.xori %eq3A_1848, %eq3A_1851 : vector<128x1024xi1>
    %eq3A_1853 = arith.constant dense<true> : vector<128x1024xi1>
    %eq3A_1854 = arith.xori %eq3A_1852, %eq3A_1853 : vector<128x1024xi1>
    %select_n3A_1855 = arith.select %eq3A_1854, %select_n3A_1820, %select_n3A_1832 : vector<128x1024xi1>, vector<128x1024xi32>
    %select_n3A_1856 = arith.select %eq3A_1854, %select_n3A_1821, %select_n3A_1837 : vector<128x1024xi1>, vector<128x1024xi32>
    %and3A_1857 = arith.constant 2 : i32
    %and3A_1858 = vector.broadcast %and3A_1857 : i32 to vector<128x1024xi32>
    %and3A_1859 = arith.andi %iota3A, %and3A_1858 : vector<128x1024xi32>
    %eq3A_1860 = arith.constant 0 : i32
    %eq3A_1861 = vector.broadcast %eq3A_1860 : i32 to vector<128x1024xi32>
    %eq3A_1862 = arith.cmpi eq, %and3A_1859, %eq3A_1861 : vector<128x1024xi32>
    %roll3A_1863 = arith.constant 1022 : i32
    %roll3A_1864 = tpu.dynamic_rotate %select_n3A_1855 by %roll3A_1863 dim 1 : vector<128x1024xi32>, i32 -> vector<128x1024xi32>
    %roll3A_1865 = arith.constant 2 : i32
    %roll3A_1866 = tpu.dynamic_rotate %select_n3A_1855 by %roll3A_1865 dim 1 : vector<128x1024xi32>, i32 -> vector<128x1024xi32>
    %select_n3A_1867 = arith.select %eq3A_1862, %roll3A_1864, %roll3A_1866 : vector<128x1024xi1>, vector<128x1024xi32>
    %roll3A_1868 = arith.constant 1022 : i32
    %roll3A_1869 = tpu.dynamic_rotate %select_n3A_1856 by %roll3A_1868 dim 1 : vector<128x1024xi32>, i32 -> vector<128x1024xi32>
    %roll3A_1870 = arith.constant 2 : i32
    %roll3A_1871 = tpu.dynamic_rotate %select_n3A_1856 by %roll3A_1870 dim 1 : vector<128x1024xi32>, i32 -> vector<128x1024xi32>
    %select_n3A_1872 = arith.select %eq3A_1862, %roll3A_1869, %roll3A_1871 : vector<128x1024xi1>, vector<128x1024xi32>
    %lt3A_1873 = arith.cmpi slt, %select_n3A_1855, %select_n3A_1867 : vector<128x1024xi32>
    %eq3A_1874 = arith.cmpi eq, %select_n3A_1855, %select_n3A_1867 : vector<128x1024xi32>
    %lt3A_1875 = arith.cmpi slt, %select_n3A_1856, %select_n3A_1872 : vector<128x1024xi32>
    %and3A_1876 = arith.andi %eq3A_1874, %lt3A_1875 : vector<128x1024xi1>
    %or3A_1877 = arith.ori %lt3A_1873, %and3A_1876 : vector<128x1024xi1>
    %and3A_1878 = arith.constant 1024 : i32
    %and3A_1879 = vector.broadcast %and3A_1878 : i32 to vector<128x1024xi32>
    %and3A_1880 = arith.andi %iota3A, %and3A_1879 : vector<128x1024xi32>
    %eq3A_1881 = arith.constant 0 : i32
    %eq3A_1882 = vector.broadcast %eq3A_1881 : i32 to vector<128x1024xi32>
    %eq3A_1883 = arith.cmpi eq, %and3A_1880, %eq3A_1882 : vector<128x1024xi32>
    %eq3A_1884 = arith.xori %eq3A_1862, %or3A_1877 : vector<128x1024xi1>
    %eq3A_1885 = arith.constant dense<true> : vector<128x1024xi1>
    %eq3A_1886 = arith.xori %eq3A_1884, %eq3A_1885 : vector<128x1024xi1>
    %eq3A_1887 = arith.xori %eq3A_1883, %eq3A_1886 : vector<128x1024xi1>
    %eq3A_1888 = arith.constant dense<true> : vector<128x1024xi1>
    %eq3A_1889 = arith.xori %eq3A_1887, %eq3A_1888 : vector<128x1024xi1>
    %select_n3A_1890 = arith.select %eq3A_1889, %select_n3A_1855, %select_n3A_1867 : vector<128x1024xi1>, vector<128x1024xi32>
    %select_n3A_1891 = arith.select %eq3A_1889, %select_n3A_1856, %select_n3A_1872 : vector<128x1024xi1>, vector<128x1024xi32>
    %and3A_1892 = arith.constant 1 : i32
    %and3A_1893 = vector.broadcast %and3A_1892 : i32 to vector<128x1024xi32>
    %and3A_1894 = arith.andi %iota3A, %and3A_1893 : vector<128x1024xi32>
    %eq3A_1895 = arith.constant 0 : i32
    %eq3A_1896 = vector.broadcast %eq3A_1895 : i32 to vector<128x1024xi32>
    %eq3A_1897 = arith.cmpi eq, %and3A_1894, %eq3A_1896 : vector<128x1024xi32>
    %roll3A_1898 = arith.constant 1023 : i32
    %roll3A_1899 = tpu.dynamic_rotate %select_n3A_1890 by %roll3A_1898 dim 1 : vector<128x1024xi32>, i32 -> vector<128x1024xi32>
    %roll3A_1900 = arith.constant 1 : i32
    %roll3A_1901 = tpu.dynamic_rotate %select_n3A_1890 by %roll3A_1900 dim 1 : vector<128x1024xi32>, i32 -> vector<128x1024xi32>
    %select_n3A_1902 = arith.select %eq3A_1897, %roll3A_1899, %roll3A_1901 : vector<128x1024xi1>, vector<128x1024xi32>
    %roll3A_1903 = arith.constant 1023 : i32
    %roll3A_1904 = tpu.dynamic_rotate %select_n3A_1891 by %roll3A_1903 dim 1 : vector<128x1024xi32>, i32 -> vector<128x1024xi32>
    %roll3A_1905 = arith.constant 1 : i32
    %roll3A_1906 = tpu.dynamic_rotate %select_n3A_1891 by %roll3A_1905 dim 1 : vector<128x1024xi32>, i32 -> vector<128x1024xi32>
    %select_n3A_1907 = arith.select %eq3A_1897, %roll3A_1904, %roll3A_1906 : vector<128x1024xi1>, vector<128x1024xi32>
    %lt3A_1908 = arith.cmpi slt, %select_n3A_1890, %select_n3A_1902 : vector<128x1024xi32>
    %eq3A_1909 = arith.cmpi eq, %select_n3A_1890, %select_n3A_1902 : vector<128x1024xi32>
    %lt3A_1910 = arith.cmpi slt, %select_n3A_1891, %select_n3A_1907 : vector<128x1024xi32>
    %and3A_1911 = arith.andi %eq3A_1909, %lt3A_1910 : vector<128x1024xi1>
    %or3A_1912 = arith.ori %lt3A_1908, %and3A_1911 : vector<128x1024xi1>
    %and3A_1913 = arith.constant 1024 : i32
    %and3A_1914 = vector.broadcast %and3A_1913 : i32 to vector<128x1024xi32>
    %and3A_1915 = arith.andi %iota3A, %and3A_1914 : vector<128x1024xi32>
    %eq3A_1916 = arith.constant 0 : i32
    %eq3A_1917 = vector.broadcast %eq3A_1916 : i32 to vector<128x1024xi32>
    %eq3A_1918 = arith.cmpi eq, %and3A_1915, %eq3A_1917 : vector<128x1024xi32>
    %eq3A_1919 = arith.xori %eq3A_1897, %or3A_1912 : vector<128x1024xi1>
    %eq3A_1920 = arith.constant dense<true> : vector<128x1024xi1>
    %eq3A_1921 = arith.xori %eq3A_1919, %eq3A_1920 : vector<128x1024xi1>
    %eq3A_1922 = arith.xori %eq3A_1918, %eq3A_1921 : vector<128x1024xi1>
    %eq3A_1923 = arith.constant dense<true> : vector<128x1024xi1>
    %eq3A_1924 = arith.xori %eq3A_1922, %eq3A_1923 : vector<128x1024xi1>
    %select_n3A_1925 = arith.select %eq3A_1924, %select_n3A_1890, %select_n3A_1902 : vector<128x1024xi1>, vector<128x1024xi32>
    %select_n3A_1926 = arith.select %eq3A_1924, %select_n3A_1891, %select_n3A_1907 : vector<128x1024xi1>, vector<128x1024xi32>
    %slice3A = vector.extract_strided_slice %select_n3A_1925 {offsets = [0, 0], sizes = [128, 256], strides = [1, 1]} : vector<128x1024xi32> to vector<128x256xi32>
    %not3A_1927 = arith.constant dense<-1> : vector<128x256xi32>
    %not3A_1928 = arith.xori %slice3A, %not3A_1927 : vector<128x256xi32>
    %xor3A_1929 = arith.constant -2147483648 : i32
    %xor3A_1930 = vector.broadcast %xor3A_1929 : i32 to vector<128x256xi32>
    %xor3A_1931 = arith.xori %not3A_1928, %xor3A_1930 : vector<128x256xi32>
    %lt3A_1932 = arith.constant 0 : i32
    %lt3A_1933 = vector.broadcast %lt3A_1932 : i32 to vector<128x256xi32>
    %lt3A_1934 = arith.cmpi slt, %xor3A_1931, %lt3A_1933 : vector<128x256xi32>
    %xor3A_1935 = arith.constant -2147483648 : i32
    %xor3A_1936 = vector.broadcast %xor3A_1935 : i32 to vector<128x256xi32>
    %xor3A_1937 = arith.xori %xor3A_1931, %xor3A_1936 : vector<128x256xi32>
    %not3A_1938 = arith.constant dense<-1> : vector<128x256xi32>
    %not3A_1939 = arith.xori %xor3A_1931, %not3A_1938 : vector<128x256xi32>
    %select_n3A_1940 = arith.select %lt3A_1934, %xor3A_1937, %not3A_1939 : vector<128x256xi1>, vector<128x256xi32>
    %bitcast_convert_type3A_1941 = tpu.bitcast %select_n3A_1940 : vector<128x256xi32> -> vector<128x256xf32>
    %slice3A_1942 = vector.extract_strided_slice %select_n3A_1926 {offsets = [0, 0], sizes = [128, 256], strides = [1, 1]} : vector<128x1024xi32> to vector<128x256xi32>
    %iota3A_1943 = tpu.iota {dimensions = array<i32: 1>} : vector<128x256xi32>
    %get3A_1944 = arith.constant 0 : index
    %get3A_1945 = arith.constant 0 : index
    %get3A_1946 = vector.load %arg2[%get3A_1944, %get3A_1945] : memref<128x1xf32, #tpu.memory_space<vmem>>, vector<128x1xf32>
    %get3A_1947 = arith.constant 0 : index
    %get3A_1948 = arith.constant 0 : index
    %get3A_1949 = vector.load %arg3[%get3A_1947, %get3A_1948] : memref<128x1xf32, #tpu.memory_space<vmem>>, vector<128x1xf32>
    %get3A_1950 = arith.constant 0 : index
    %get3A_1951 = arith.constant 0 : index
    %get3A_1952 = vector.load %arg4[%get3A_1950, %get3A_1951] : memref<128x1xf32, #tpu.memory_space<vmem>>, vector<128x1xf32>
    %get3A_1953 = arith.constant 0 : index
    %get3A_1954 = arith.constant 0 : index
    %get3A_1955 = vector.load %arg5[%get3A_1953, %get3A_1954] : memref<128x1xf32, #tpu.memory_space<vmem>>, vector<128x1xf32>
    %convert_element_type3A = arith.sitofp %iota3A_1943 : vector<128x256xi32> to vector<128x256xf32>
    %ge3A = vector.broadcast %get3A_1946 : vector<128x1xf32> to vector<128x256xf32>
    %ge3A_1956 = arith.cmpf oge, %convert_element_type3A, %ge3A : vector<128x256xf32>
    %jit3A = arith.constant -3.000000e+03 : f32
    %broadcast_in_dim3A = vector.broadcast %jit3A : f32 to vector<128x256xf32>
    %select_n3A_1957 = arith.select %ge3A_1956, %broadcast_in_dim3A, %bitcast_convert_type3A_1941 : vector<128x256xi1>, vector<128x256xf32>
    %div3A = vector.broadcast %get3A_1952 : vector<128x1xf32> to vector<128x256xf32>
    %div3A_1958 = arith.divf %select_n3A_1957, %div3A : vector<128x256xf32>
    %reduce_max3A = arith.constant dense<0xFF800000> : vector<128xf32>
    %reduce_max3A_1959 = vector.multi_reduction <maximumf>, %div3A_1958, %reduce_max3A [1] : vector<128x256xf32> to vector<128xf32>
    %broadcast_in_dim3A_1960 = vector.shape_cast %reduce_max3A_1959 : vector<128xf32> to vector<128x1xf32>
    %sub3A = vector.broadcast %broadcast_in_dim3A_1960 : vector<128x1xf32> to vector<128x256xf32>
    %sub3A_1961 = arith.subf %div3A_1958, %sub3A : vector<128x256xf32>
    %exp3A = math.exp %sub3A_1961 : vector<128x256xf32>
    %reduce_sum3A = arith.constant dense<0.000000e+00> : vector<128xf32>
    %reduce_sum3A_1962 = vector.multi_reduction <add>, %exp3A, %reduce_sum3A [1] : vector<128x256xf32> to vector<128xf32>
    %broadcast_in_dim3A_1963 = vector.shape_cast %reduce_sum3A_1962 : vector<128xf32> to vector<128x1xf32>
    %div3A_1964 = vector.broadcast %broadcast_in_dim3A_1963 : vector<128x1xf32> to vector<128x256xf32>
    %div3A_1965 = arith.divf %exp3A, %div3A_1964 : vector<128x256xf32>
    %ge3A_1966 = arith.constant 1 : i32
    %ge3A_1967 = vector.broadcast %ge3A_1966 : i32 to vector<128x256xi32>
    %ge3A_1968 = arith.cmpi sge, %iota3A_1943, %ge3A_1967 : vector<128x256xi32>
    %roll3A_1969 = arith.constant 1 : i32
    %roll3A_1970 = tpu.dynamic_rotate %div3A_1965 by %roll3A_1969 dim 1 : vector<128x256xf32>, i32 -> vector<128x256xf32>
    %jit3A_1971 = arith.constant 0.000000e+00 : f32
    %broadcast_in_dim3A_1972 = vector.broadcast %jit3A_1971 : f32 to vector<128x256xf32>
    %select_n3A_1973 = arith.select %ge3A_1968, %roll3A_1970, %broadcast_in_dim3A_1972 : vector<128x256xi1>, vector<128x256xf32>
    %add3A = arith.addf %div3A_1965, %select_n3A_1973 : vector<128x256xf32>
    %ge3A_1974 = arith.constant 2 : i32
    %ge3A_1975 = vector.broadcast %ge3A_1974 : i32 to vector<128x256xi32>
    %ge3A_1976 = arith.cmpi sge, %iota3A_1943, %ge3A_1975 : vector<128x256xi32>
    %roll3A_1977 = arith.constant 2 : i32
    %roll3A_1978 = tpu.dynamic_rotate %add3A by %roll3A_1977 dim 1 : vector<128x256xf32>, i32 -> vector<128x256xf32>
    %jit3A_1979 = arith.constant 0.000000e+00 : f32
    %broadcast_in_dim3A_1980 = vector.broadcast %jit3A_1979 : f32 to vector<128x256xf32>
    %select_n3A_1981 = arith.select %ge3A_1976, %roll3A_1978, %broadcast_in_dim3A_1980 : vector<128x256xi1>, vector<128x256xf32>
    %add3A_1982 = arith.addf %add3A, %select_n3A_1981 : vector<128x256xf32>
    %ge3A_1983 = arith.constant 4 : i32
    %ge3A_1984 = vector.broadcast %ge3A_1983 : i32 to vector<128x256xi32>
    %ge3A_1985 = arith.cmpi sge, %iota3A_1943, %ge3A_1984 : vector<128x256xi32>
    %roll3A_1986 = arith.constant 4 : i32
    %roll3A_1987 = tpu.dynamic_rotate %add3A_1982 by %roll3A_1986 dim 1 : vector<128x256xf32>, i32 -> vector<128x256xf32>
    %jit3A_1988 = arith.constant 0.000000e+00 : f32
    %broadcast_in_dim3A_1989 = vector.broadcast %jit3A_1988 : f32 to vector<128x256xf32>
    %select_n3A_1990 = arith.select %ge3A_1985, %roll3A_1987, %broadcast_in_dim3A_1989 : vector<128x256xi1>, vector<128x256xf32>
    %add3A_1991 = arith.addf %add3A_1982, %select_n3A_1990 : vector<128x256xf32>
    %ge3A_1992 = arith.constant 8 : i32
    %ge3A_1993 = vector.broadcast %ge3A_1992 : i32 to vector<128x256xi32>
    %ge3A_1994 = arith.cmpi sge, %iota3A_1943, %ge3A_1993 : vector<128x256xi32>
    %roll3A_1995 = arith.constant 8 : i32
    %roll3A_1996 = tpu.dynamic_rotate %add3A_1991 by %roll3A_1995 dim 1 : vector<128x256xf32>, i32 -> vector<128x256xf32>
    %jit3A_1997 = arith.constant 0.000000e+00 : f32
    %broadcast_in_dim3A_1998 = vector.broadcast %jit3A_1997 : f32 to vector<128x256xf32>
    %select_n3A_1999 = arith.select %ge3A_1994, %roll3A_1996, %broadcast_in_dim3A_1998 : vector<128x256xi1>, vector<128x256xf32>
    %add3A_2000 = arith.addf %add3A_1991, %select_n3A_1999 : vector<128x256xf32>
    %ge3A_2001 = arith.constant 16 : i32
    %ge3A_2002 = vector.broadcast %ge3A_2001 : i32 to vector<128x256xi32>
    %ge3A_2003 = arith.cmpi sge, %iota3A_1943, %ge3A_2002 : vector<128x256xi32>
    %roll3A_2004 = arith.constant 16 : i32
    %roll3A_2005 = tpu.dynamic_rotate %add3A_2000 by %roll3A_2004 dim 1 : vector<128x256xf32>, i32 -> vector<128x256xf32>
    %jit3A_2006 = arith.constant 0.000000e+00 : f32
    %broadcast_in_dim3A_2007 = vector.broadcast %jit3A_2006 : f32 to vector<128x256xf32>
    %select_n3A_2008 = arith.select %ge3A_2003, %roll3A_2005, %broadcast_in_dim3A_2007 : vector<128x256xi1>, vector<128x256xf32>
    %add3A_2009 = arith.addf %add3A_2000, %select_n3A_2008 : vector<128x256xf32>
    %ge3A_2010 = arith.constant 32 : i32
    %ge3A_2011 = vector.broadcast %ge3A_2010 : i32 to vector<128x256xi32>
    %ge3A_2012 = arith.cmpi sge, %iota3A_1943, %ge3A_2011 : vector<128x256xi32>
    %roll3A_2013 = arith.constant 32 : i32
    %roll3A_2014 = tpu.dynamic_rotate %add3A_2009 by %roll3A_2013 dim 1 : vector<128x256xf32>, i32 -> vector<128x256xf32>
    %jit3A_2015 = arith.constant 0.000000e+00 : f32
    %broadcast_in_dim3A_2016 = vector.broadcast %jit3A_2015 : f32 to vector<128x256xf32>
    %select_n3A_2017 = arith.select %ge3A_2012, %roll3A_2014, %broadcast_in_dim3A_2016 : vector<128x256xi1>, vector<128x256xf32>
    %add3A_2018 = arith.addf %add3A_2009, %select_n3A_2017 : vector<128x256xf32>
    %ge3A_2019 = arith.constant 64 : i32
    %ge3A_2020 = vector.broadcast %ge3A_2019 : i32 to vector<128x256xi32>
    %ge3A_2021 = arith.cmpi sge, %iota3A_1943, %ge3A_2020 : vector<128x256xi32>
    %roll3A_2022 = arith.constant 64 : i32
    %roll3A_2023 = tpu.dynamic_rotate %add3A_2018 by %roll3A_2022 dim 1 : vector<128x256xf32>, i32 -> vector<128x256xf32>
    %jit3A_2024 = arith.constant 0.000000e+00 : f32
    %broadcast_in_dim3A_2025 = vector.broadcast %jit3A_2024 : f32 to vector<128x256xf32>
    %select_n3A_2026 = arith.select %ge3A_2021, %roll3A_2023, %broadcast_in_dim3A_2025 : vector<128x256xi1>, vector<128x256xf32>
    %add3A_2027 = arith.addf %add3A_2018, %select_n3A_2026 : vector<128x256xf32>
    %ge3A_2028 = arith.constant 128 : i32
    %ge3A_2029 = vector.broadcast %ge3A_2028 : i32 to vector<128x256xi32>
    %ge3A_2030 = arith.cmpi sge, %iota3A_1943, %ge3A_2029 : vector<128x256xi32>
    %roll3A_2031 = arith.constant 128 : i32
    %roll3A_2032 = tpu.dynamic_rotate %add3A_2027 by %roll3A_2031 dim 1 : vector<128x256xf32>, i32 -> vector<128x256xf32>
    %jit3A_2033 = arith.constant 0.000000e+00 : f32
    %broadcast_in_dim3A_2034 = vector.broadcast %jit3A_2033 : f32 to vector<128x256xf32>
    %select_n3A_2035 = arith.select %ge3A_2030, %roll3A_2032, %broadcast_in_dim3A_2034 : vector<128x256xi1>, vector<128x256xf32>
    %add3A_2036 = arith.addf %add3A_2027, %select_n3A_2035 : vector<128x256xf32>
    %reduce_min3A = vector.shape_cast %add3A_2036 : vector<128x256xf32> to vector<1x128x256xf32>
    %reduce_min3A_2037 = arith.constant dense<0x7F800000> : vector<1xf32>
    %reduce_min3A_2038 = vector.multi_reduction <minimumf>, %reduce_min3A, %reduce_min3A_2037 [1, 2] : vector<1x128x256xf32> to vector<1xf32>
    %reduce_min3A_2039 = vector.shape_cast %reduce_min3A_2038 : vector<1xf32> to vector<1x1x1xf32>
    %reduce_min3A_2040 = vector.extract %reduce_min3A_2039[0, 0, 0] : f32 from vector<1x1x1xf32>
    %max3A = vector.broadcast %reduce_min3A_2040 : f32 to vector<128x1xf32>
    %max3A_2041 = arith.maximumf %max3A, %get3A_1949 : vector<128x1xf32>
    %gt3A = vector.broadcast %max3A_2041 : vector<128x1xf32> to vector<128x256xf32>
    %gt3A_2042 = arith.cmpf ogt, %add3A_2036, %gt3A : vector<128x256xf32>
    %ge3A_2043 = arith.constant 1 : i32
    %ge3A_2044 = vector.broadcast %ge3A_2043 : i32 to vector<128x256xi32>
    %ge3A_2045 = arith.cmpi sge, %iota3A_1943, %ge3A_2044 : vector<128x256xi32>
    %and3A_2046 = arith.andi %gt3A_2042, %ge3A_2045 : vector<128x256xi1>
    %jit3A_2047 = arith.constant -3.000000e+03 : f32
    %broadcast_in_dim3A_2048 = vector.broadcast %jit3A_2047 : f32 to vector<128x256xf32>
    %select_n3A_2049 = arith.select %and3A_2046, %broadcast_in_dim3A_2048, %div3A_1958 : vector<128x256xi1>, vector<128x256xf32>
    %reduce_max3A_2050 = arith.constant dense<0xFF800000> : vector<128xf32>
    %reduce_max3A_2051 = vector.multi_reduction <maximumf>, %select_n3A_2049, %reduce_max3A_2050 [1] : vector<128x256xf32> to vector<128xf32>
    %broadcast_in_dim3A_2052 = vector.shape_cast %reduce_max3A_2051 : vector<128xf32> to vector<128x1xf32>
    %sub3A_2053 = vector.broadcast %broadcast_in_dim3A_2052 : vector<128x1xf32> to vector<128x256xf32>
    %sub3A_2054 = arith.subf %select_n3A_2049, %sub3A_2053 : vector<128x256xf32>
    %exp3A_2055 = math.exp %sub3A_2054 : vector<128x256xf32>
    %reduce_sum3A_2056 = arith.constant dense<0.000000e+00> : vector<128xf32>
    %reduce_sum3A_2057 = vector.multi_reduction <add>, %exp3A_2055, %reduce_sum3A_2056 [1] : vector<128x256xf32> to vector<128xf32>
    %broadcast_in_dim3A_2058 = vector.shape_cast %reduce_sum3A_2057 : vector<128xf32> to vector<128x1xf32>
    %div3A_2059 = vector.broadcast %broadcast_in_dim3A_2058 : vector<128x1xf32> to vector<128x256xf32>
    %div3A_2060 = arith.divf %exp3A_2055, %div3A_2059 : vector<128x256xf32>
    %ge3A_2061 = arith.constant 1 : i32
    %ge3A_2062 = vector.broadcast %ge3A_2061 : i32 to vector<128x256xi32>
    %ge3A_2063 = arith.cmpi sge, %iota3A_1943, %ge3A_2062 : vector<128x256xi32>
    %roll3A_2064 = arith.constant 1 : i32
    %roll3A_2065 = tpu.dynamic_rotate %div3A_2060 by %roll3A_2064 dim 1 : vector<128x256xf32>, i32 -> vector<128x256xf32>
    %jit3A_2066 = arith.constant 0.000000e+00 : f32
    %broadcast_in_dim3A_2067 = vector.broadcast %jit3A_2066 : f32 to vector<128x256xf32>
    %select_n3A_2068 = arith.select %ge3A_2063, %roll3A_2065, %broadcast_in_dim3A_2067 : vector<128x256xi1>, vector<128x256xf32>
    %add3A_2069 = arith.addf %div3A_2060, %select_n3A_2068 : vector<128x256xf32>
    %ge3A_2070 = arith.constant 2 : i32
    %ge3A_2071 = vector.broadcast %ge3A_2070 : i32 to vector<128x256xi32>
    %ge3A_2072 = arith.cmpi sge, %iota3A_1943, %ge3A_2071 : vector<128x256xi32>
    %roll3A_2073 = arith.constant 2 : i32
    %roll3A_2074 = tpu.dynamic_rotate %add3A_2069 by %roll3A_2073 dim 1 : vector<128x256xf32>, i32 -> vector<128x256xf32>
    %jit3A_2075 = arith.constant 0.000000e+00 : f32
    %broadcast_in_dim3A_2076 = vector.broadcast %jit3A_2075 : f32 to vector<128x256xf32>
    %select_n3A_2077 = arith.select %ge3A_2072, %roll3A_2074, %broadcast_in_dim3A_2076 : vector<128x256xi1>, vector<128x256xf32>
    %add3A_2078 = arith.addf %add3A_2069, %select_n3A_2077 : vector<128x256xf32>
    %ge3A_2079 = arith.constant 4 : i32
    %ge3A_2080 = vector.broadcast %ge3A_2079 : i32 to vector<128x256xi32>
    %ge3A_2081 = arith.cmpi sge, %iota3A_1943, %ge3A_2080 : vector<128x256xi32>
    %roll3A_2082 = arith.constant 4 : i32
    %roll3A_2083 = tpu.dynamic_rotate %add3A_2078 by %roll3A_2082 dim 1 : vector<128x256xf32>, i32 -> vector<128x256xf32>
    %jit3A_2084 = arith.constant 0.000000e+00 : f32
    %broadcast_in_dim3A_2085 = vector.broadcast %jit3A_2084 : f32 to vector<128x256xf32>
    %select_n3A_2086 = arith.select %ge3A_2081, %roll3A_2083, %broadcast_in_dim3A_2085 : vector<128x256xi1>, vector<128x256xf32>
    %add3A_2087 = arith.addf %add3A_2078, %select_n3A_2086 : vector<128x256xf32>
    %ge3A_2088 = arith.constant 8 : i32
    %ge3A_2089 = vector.broadcast %ge3A_2088 : i32 to vector<128x256xi32>
    %ge3A_2090 = arith.cmpi sge, %iota3A_1943, %ge3A_2089 : vector<128x256xi32>
    %roll3A_2091 = arith.constant 8 : i32
    %roll3A_2092 = tpu.dynamic_rotate %add3A_2087 by %roll3A_2091 dim 1 : vector<128x256xf32>, i32 -> vector<128x256xf32>
    %jit3A_2093 = arith.constant 0.000000e+00 : f32
    %broadcast_in_dim3A_2094 = vector.broadcast %jit3A_2093 : f32 to vector<128x256xf32>
    %select_n3A_2095 = arith.select %ge3A_2090, %roll3A_2092, %broadcast_in_dim3A_2094 : vector<128x256xi1>, vector<128x256xf32>
    %add3A_2096 = arith.addf %add3A_2087, %select_n3A_2095 : vector<128x256xf32>
    %ge3A_2097 = arith.constant 16 : i32
    %ge3A_2098 = vector.broadcast %ge3A_2097 : i32 to vector<128x256xi32>
    %ge3A_2099 = arith.cmpi sge, %iota3A_1943, %ge3A_2098 : vector<128x256xi32>
    %roll3A_2100 = arith.constant 16 : i32
    %roll3A_2101 = tpu.dynamic_rotate %add3A_2096 by %roll3A_2100 dim 1 : vector<128x256xf32>, i32 -> vector<128x256xf32>
    %jit3A_2102 = arith.constant 0.000000e+00 : f32
    %broadcast_in_dim3A_2103 = vector.broadcast %jit3A_2102 : f32 to vector<128x256xf32>
    %select_n3A_2104 = arith.select %ge3A_2099, %roll3A_2101, %broadcast_in_dim3A_2103 : vector<128x256xi1>, vector<128x256xf32>
    %add3A_2105 = arith.addf %add3A_2096, %select_n3A_2104 : vector<128x256xf32>
    %ge3A_2106 = arith.constant 32 : i32
    %ge3A_2107 = vector.broadcast %ge3A_2106 : i32 to vector<128x256xi32>
    %ge3A_2108 = arith.cmpi sge, %iota3A_1943, %ge3A_2107 : vector<128x256xi32>
    %roll3A_2109 = arith.constant 32 : i32
    %roll3A_2110 = tpu.dynamic_rotate %add3A_2105 by %roll3A_2109 dim 1 : vector<128x256xf32>, i32 -> vector<128x256xf32>
    %jit3A_2111 = arith.constant 0.000000e+00 : f32
    %broadcast_in_dim3A_2112 = vector.broadcast %jit3A_2111 : f32 to vector<128x256xf32>
    %select_n3A_2113 = arith.select %ge3A_2108, %roll3A_2110, %broadcast_in_dim3A_2112 : vector<128x256xi1>, vector<128x256xf32>
    %add3A_2114 = arith.addf %add3A_2105, %select_n3A_2113 : vector<128x256xf32>
    %ge3A_2115 = arith.constant 64 : i32
    %ge3A_2116 = vector.broadcast %ge3A_2115 : i32 to vector<128x256xi32>
    %ge3A_2117 = arith.cmpi sge, %iota3A_1943, %ge3A_2116 : vector<128x256xi32>
    %roll3A_2118 = arith.constant 64 : i32
    %roll3A_2119 = tpu.dynamic_rotate %add3A_2114 by %roll3A_2118 dim 1 : vector<128x256xf32>, i32 -> vector<128x256xf32>
    %jit3A_2120 = arith.constant 0.000000e+00 : f32
    %broadcast_in_dim3A_2121 = vector.broadcast %jit3A_2120 : f32 to vector<128x256xf32>
    %select_n3A_2122 = arith.select %ge3A_2117, %roll3A_2119, %broadcast_in_dim3A_2121 : vector<128x256xi1>, vector<128x256xf32>
    %add3A_2123 = arith.addf %add3A_2114, %select_n3A_2122 : vector<128x256xf32>
    %ge3A_2124 = arith.constant 128 : i32
    %ge3A_2125 = vector.broadcast %ge3A_2124 : i32 to vector<128x256xi32>
    %ge3A_2126 = arith.cmpi sge, %iota3A_1943, %ge3A_2125 : vector<128x256xi32>
    %roll3A_2127 = arith.constant 128 : i32
    %roll3A_2128 = tpu.dynamic_rotate %add3A_2123 by %roll3A_2127 dim 1 : vector<128x256xf32>, i32 -> vector<128x256xf32>
    %jit3A_2129 = arith.constant 0.000000e+00 : f32
    %broadcast_in_dim3A_2130 = vector.broadcast %jit3A_2129 : f32 to vector<128x256xf32>
    %select_n3A_2131 = arith.select %ge3A_2126, %roll3A_2128, %broadcast_in_dim3A_2130 : vector<128x256xi1>, vector<128x256xf32>
    %add3A_2132 = arith.addf %add3A_2123, %select_n3A_2131 : vector<128x256xf32>
    %gt3A_2133 = vector.broadcast %get3A_1955 : vector<128x1xf32> to vector<128x256xf32>
    %gt3A_2134 = arith.cmpf ogt, %gt3A_2133, %add3A_2132 : vector<128x256xf32>
    %convert_element_type3A_2135 = arith.extui %gt3A_2134 : vector<128x256xi1> to vector<128x256xi32>
    %reduce_sum3A_2136 = arith.constant dense<0> : vector<128xi32>
    %reduce_sum3A_2137 = vector.multi_reduction <add>, %convert_element_type3A_2135, %reduce_sum3A_2136 [1] : vector<128x256xi32> to vector<128xi32>
    %broadcast_in_dim3A_2138 = vector.shape_cast %reduce_sum3A_2137 : vector<128xi32> to vector<128x1xi32>
    %min3A = arith.constant 255 : i32
    %min3A_2139 = vector.broadcast %min3A : i32 to vector<128x1xi32>
    %min3A_2140 = arith.minsi %broadcast_in_dim3A_2138, %min3A_2139 : vector<128x1xi32>
    %eq3A_2141 = vector.broadcast %min3A_2140 : vector<128x1xi32> to vector<128x256xi32>
    %eq3A_2142 = arith.cmpi eq, %iota3A_1943, %eq3A_2141 : vector<128x256xi32>
    %jit3A_2143 = arith.constant 0 : i32
    %broadcast_in_dim3A_2144 = vector.broadcast %jit3A_2143 : i32 to vector<128x256xi32>
    %select_n3A_2145 = arith.select %eq3A_2142, %slice3A_1942, %broadcast_in_dim3A_2144 : vector<128x256xi1>, vector<128x256xi32>
    %reduce_sum3A_2146 = arith.constant dense<0> : vector<128xi32>
    %reduce_sum3A_2147 = vector.multi_reduction <add>, %select_n3A_2145, %reduce_sum3A_2146 [1] : vector<128x256xi32> to vector<128xi32>
    %broadcast_in_dim3A_2148 = vector.shape_cast %reduce_sum3A_2147 : vector<128xi32> to vector<128x1xi32>
    %swap3A = arith.constant 0 : index
    %swap3A_2149 = arith.constant 0 : index
    %swap3A_2150 = vector.load %arg6[%swap3A, %swap3A_2149] : memref<128x1xi32, #tpu.memory_space<vmem>>, vector<128x1xi32>
    tpu.vector_store %arg6[%swap3A, %swap3A_2149], %broadcast_in_dim3A_2148 {strides = array<i32>} : memref<128x1xi32, #tpu.memory_space<vmem>>, vector<128x1xi32>,
    return
  }
}

</mosaic_0001>

<sc_bundles>
// kernel: kernel.4.cloned.1.call-start
scs
__scs_entry_jumppad:
0x0: {  	(pc) =	sbr.rel $0x88, $3  }
0x1: {  	(tag) =	ssettag $0x0;
	lr =	simm.s32 $0x1  }
0x2: {  	[smem:$0x3F9F] =	sst lr;
	_ =	strace $0xD0000000  }
0x3: {  	_ = 	snop  }
0x4: {  	_ = 	snop  }
0x5: {  	_ = 	snop  }
0x6: {  	_ = 	snop  }
0x7: {  	_ = 	snop  }
__scs_overlays_trampoline_lowered:
0x8: {  	[smem:$0x3FAE] =	sst s0  }
0x9: {  	[smem:$0x3FAF] =	sst s1  }
0xa: {  	[smem:$0x3FB0] =	sst s2  }
0xb: {  	[smem:$0x3FB1] =	sst s3  }
0xc: {  	[smem:$0x3FB2] =	sst s4  }
0xd: {  	[smem:$0x3FB3] =	sst s5  }
0xe: {  	[smem:$0x3FB4] =	sst s6  }
0xf: {  	[smem:$0x3FB5] =	sst s7  }
0x10: {  	[smem:$0x3FB6] =	sst s8  }
0x11: {  	[smem:$0x3FB7] =	sst s9;
	s0 =	simm.s32 @!p0 $0x0  }
0x12: {  	s1 =	sld [smem:$0x3F9D];
	s0 =	simm.s32 @p0 $0x1  }
0x13: {  	[smem:$0x3FB8] =	sst s0;
	s0 =	simm.s32 @!p1 $0x0  }
0x14: {  	s2 =	sld [smem:$0x3F9C];
	s0 =	simm.s32 @p1 $0x1  }
0x15: {  	[smem:$0x3FB9] =	sst s0;
	s0 =	simm.s32 @!p2 $0x0  }
0x16: {  	s3 =	sld [smem:$0x3FDB];
	s0 =	simm.s32 @p2 $0x1  }
0x17: {  	s4 =	simm.s32 $0x1BF5;
	[smem:$0x3FBB] =	sst s0  }
0x18: {  	s0 =	sld [smem:$0x3F9E];
	_ =	swait.ge [sflag:s4], $0x0  }
0x19: {  	s7 =	sld [smem:$0x3F9F]  }
0x1a: {  	s8 =	sadd.s32 $0xFFFFE003, lr  }
0x1b: {  	s9 =	sadd.s32 $0xFFFFFEF7, lr;
	s5 =	simm.s32 $0xFFFFFFFF;
	p2 =	slt.u32 s8, $0xFFFFF086  }
0x1c: {  	p1 =	slt.u32 s9, $0xF7A;
	s5 =	simm.s32 @!p2 $0x0  }
0x1d: {  	s5 =	simm.s32 @p1 $0x1;
	p0 =	seq.s32 s7, s2  }
0x1e: {  	s7 =	smul.u32 @!p0 $0xF7A, s2;
	p2 =	seq.s32 @!p0 s5, $0x0  }
0x1f: {  	s9 =	smul.u32 $0xF7A, s1;
	s8 =	simm.s32 @!p0 $0x1BF5;
	p2 =	por !p2, p0  }
0x20: {  	[sflag:s8] =	ssyncset.s32 @!p0 $0xFFFFF086;
	s6 =	sadd.s32 @!p0 s3, s7;
	s7 =	simm.s32 @!p0 $0x108  }
0x21: {  	s3 =	sadd.s32 s3, s9;
	s6 =	sadd.s32 @!p0 $0x88, s6;
	s7 =	simm.s32 @p2 $0x1082  }
0x22: {  	[simem:s7], [sflag:s8] =	dma.local @!p0 [hbm:s6], $0xF7A  }
0x23: {  	s9 =	sor.u32 $0xD0000000, s2;
	s6 =	simm.s32 $0x108;
	_ =	swait.ge @!p0 [sflag:s8], $0x0  }
0x24: {  	s3 =	sadd.s32 $0x88, s3;
	s6 =	simm.s32 @!p1 $0x1082;
	[sflag:s4] =	ssyncset.s32 $0xFFFFF086  }
0x25: {  	[simem:s6], [sflag:s4] =	dma.local [hbm:s3], $0xF7A  }
0x26: {  	[smem:$0x3F9F] =	sst s1;
	(tag) =	ssettag s2;
	_ =	strace s9  }
0x27: {  	s1 =	sld [smem:$0x3FAF]  }
0x28: {  	s2 =	sld [smem:$0x3FB0]  }
0x29: {  	s4 =	sld [smem:$0x3FB2]  }
0x2a: {  	p0 =	seq.s32 s5, $0x0;
	s5 =	sld [smem:$0x3FB3]  }
0x2b: {  	s6 =	sld [smem:$0x3FB4]  }
0x2c: {  	s7 =	sld [smem:$0x3FB5]  }
0x2d: {  	s3 =	simm.s32 $0x108;
	s8 =	sld [smem:$0x3FB6]  }
0x2e: {  	s3 =	simm.s32 @!p0 $0x1082;
	s9 =	sld [smem:$0x3FB7]  }
0x2f: {  	lr =	sadd.s32 s0, s3;
	s0 =	sld [smem:$0x3FAE]  }
0x30: {  	s3 =	sld [smem:$0x3FB1]  }
0x31: {  	[smem:$0x3FBA] =	sst s10  }
0x32: {  	s10 =	sld [smem:$0x3FB8];
	_ =	sdelay $0x3  }
0x33: {  	p0 =	seq.s32 s10, $0x1;
	s10 =	sld [smem:$0x3FBA];
	_ =	sdelay $0x3  }
0x34: {  	[smem:$0x3FBA] =	sst s10  }
0x35: {  	s10 =	sld [smem:$0x3FB9];
	_ =	sdelay $0x3  }
0x36: {  	p1 =	seq.s32 s10, $0x1;
	s10 =	sld [smem:$0x3FBA];
	_ =	sdelay $0x3  }
0x37: {  	[smem:$0x3FBA] =	sst s10  }
0x38: {  	s10 =	sld [smem:$0x3FBB]  }
0x39: {  	_ = 	snop;
	(pc) =	sbr.ind lr, $3  }
0x3a: {  	_ = 	snop  }
0x3b: {  	_ = 	snop  }
0x3c: {  	p2 =	seq.s32 s10, $0x1;
	s10 =	sld [smem:$0x3FBA]  }
0x3d: {  	_ =	shalt  }
0x3e: {  	_ =	shalt  }
0x3f: {  	_ =	shalt  }
0x40: {  	_ =	shalt  }
0x41: {  	_ =	shalt  }
0x42: {  	_ =	shalt  }
0x43: {  	_ =	shalt  }
0x44: {  	_ =	shalt  }
0x45: {  	_ =	shalt  }
0x46: {  	_ =	shalt  }
0x47: {  	_ =	shalt  }
0x48: {  	_ =	shalt  }
0x49: {  	_ =	shalt  }
0x4a: {  	_ =	shalt  }
0x4b: {  	_ =	shalt  }
0x4c: {  	_ =	shalt  }
0x4d: {  	_ =	shalt  }
0x4e: {  	_ =	shalt  }
0x4f: {  	_ =	shalt  }
0x50: {  	_ =	shalt  }
0x51: {  	_ =	shalt  }
0x52: {  	_ =	shalt  }
0x53: {  	_ =	shalt  }
0x54: {  	_ =	shalt  }
0x55: {  	_ =	shalt  }
0x56: {  	_ =	shalt  }
0x57: {  	_ =	shalt  }
0x58: {  	_ =	shalt  }
0x59: {  	_ =	shalt  }
0x5a: {  	_ =	shalt  }
0x5b: {  	_ =	shalt  }
0x5c: {  	_ =	shalt  }
0x5d: {  	_ =	shalt  }
0x5e: {  	_ =	shalt  }
0x5f: {  	_ =	shalt  }
0x60: {  	_ =	shalt  }
0x61: {  	_ =	shalt  }
0x62: {  	_ =	shalt  }
0x63: {  	_ =	shalt  }
0x64: {  	_ =	shalt  }
0x65: {  	_ =	shalt  }
0x66: {  	_ =	shalt  }
0x67: {  	_ =	shalt  }
0x68: {  	_ =	shalt  }
0x69: {  	_ =	shalt  }
0x6a: {  	_ =	shalt  }
0x6b: {  	_ =	shalt  }
0x6c: {  	_ =	shalt  }
0x6d: {  	_ =	shalt  }
0x6e: {  	_ =	shalt  }
0x6f: {  	_ =	shalt  }
0x70: {  	_ =	shalt  }
0x71: {  	_ =	shalt  }
0x72: {  	_ =	shalt  }
0x73: {  	_ =	shalt  }
0x74: {  	_ =	shalt  }
0x75: {  	_ =	shalt  }
0x76: {  	_ =	shalt  }
0x77: {  	_ =	shalt  }
0x78: {  	_ =	shalt  }
0x79: {  	_ =	shalt  }
0x7a: {  	_ =	shalt  }
0x7b: {  	_ =	shalt  }
0x7c: {  	_ =	shalt  }
0x7d: {  	_ =	shalt  }
0x7e: {  	_ =	shalt  }
0x7f: {  	_ =	shalt  }
0x80: {  	_ =	shalt  }
0x81: {  	_ =	shalt  }
0x82: {  	_ =	shalt  }
0x83: {  	_ =	shalt  }
0x84: {  	_ =	shalt  }
0x85: {  	_ =	shalt  }
0x86: {  	_ =	shalt  }
0x87: {  	_ =	shalt  }
.Lfunc_end0:
.L_simem_size_0:
called_computation_lowered:
.L_overlay_start_0:
0x88: {  	s2 =	sld [smem:$0x3FD9]  }
0x89: {  	s3 =	sld [smem:$0x3FFE];
	_ =	sdelay $0x1  }
0x8a: {  	s1 =	srdreg.scid  }
0x8b: {  	s0 =	sand.u32 $0x1, s1  }
0x8c: {  	s16 =	sshll.u32 s0, $0xA;
	s2 =	sadd.s32 s3, s2  }
0x8d: {  	s2 =	sadd.s32 s2, s16  }
0x8e: {  	[smem:$0x3FC6] =	sst s2  }
0x8f: {  	_ = 	snop  }
0x90: {  	(tm) =	ssettm $0x1  }
0x91: {  	s17 =	sld [smem:$0x3FFB];
	_ =	sdelay $0x3  }
0x92: {  	_ =	strace s17  }
0x93: {  	s2 =	sld [smem:$0x3FFC];
	_ =	sdelay $0x3  }
0x94: {  	_ =	strace s2  }
0x95: {  	s2 =	sld [smem:$0x3FFD];
	_ =	sdelay $0x3  }
0x96: {  	_ =	strace s2  }
0x97: {  	_ =	strace $0x8FFFFFFF  }
0x98: {  	s18 =	sld [smem:$0x3FDB];
	_ =	sdelay $0x1  }
0x99: {  	s19 =	simm.s32 $_scs_section_size  }
0x9a: {  	s4 =	simm.s32 $_size__tile_overlayer_lowered;
	s5 =	simm.s32 $_tile_overlayer_lowered  }
0x9b: {  	s22 =	simm.s32 $0x1BFF;
	s21 =	sshll.u32 s5, $0x1;
	s2 =	sadd.s32 s19, s18  }
0x9c: {  	s6 =	simm.s32 $0x0;
	s20 =	sshll.u32 s4, $0x1;
	s4 =	sadd.s32 s21, s2  }
0x9d: {  	[timem:s6], [sflag:s22] =	dma.local [hbm:s4], s20  }
0x9e: {  	_ =	swait.ge [sflag:s22], s20  }
0x9f: {  	s3 =	ssub.s32 $0x0, s20;
	[sflag:s22] =	ssyncset.done $0x0  }
0xa0: {  	[sflag:s22] =	ssyncadd.s32 s3;
	_ =	sdelay $0x1  }
0xa1: {  	s23 =	simm.s32 $0x1B8B  }
0xa2: {  	_ =	swait.ge [sflag:s23], $0x1  }
0xa3: {  	[sflag:s23] =	ssyncset.done $0x0  }
0xa4: {  	s25 =	simm.s32 $0x1B8E;
	s24 =	sld [smem:$0x3FFE];
	[sflag:s23] =	ssyncadd.s32 $0xFFFFFFFF  }
0xa5: {  	s26 =	simm.s32 $execute0_lowered;
	[smem:$0x3FD2] =	sst s25  }
0xa6: {  	s4 =	sshll.u32 s26, $0x1;
	_ =	strace $0x80000046;
	[dreg:$0x1] =	wrdreg $0xFFFFFFFF  }
0xa7: {  	s28 =	simm.s32 $_size_execute0_lowered;
	s2 =	sadd.s32 s2, s4;
	[dreg:$0x0] =	wrdreg $0x0  }
0xa8: {  	s4 =	sshll.u32 s28, $0x1;
	[dreg:$0x2] =	wrdreg s2  }
0xa9: {  	[dreg:$0x3] =	wrdreg s4  }
0xaa: {  	[dreg:$0x4] =	wrdreg $0xC0  }
0xab: {  	_ =	task [dreg:s6], $0x5FFFF  }
0xac: {  	[dreg:$0x1] =	wrdreg $0xFFFFFFFF  }
0xad: {  	[dreg:$0x0] =	wrdreg $0x60  }
0xae: {  	[dreg:$0x2] =	wrdreg s24  }
0xaf: {  	[dreg:$0x3] =	wrdreg $0x9  }
0xb0: {  	_ =	task.clear_ibuf [dreg:s6], $0x4FFFF;
	_ =	strace $0x90000046  }
0xb1: {  	s29 =	simm.s32 $0x9;
	_ =	strace $0x80000048  }
0xb2: {  	_ =	swait.ge [sflag:s29], $0x1  }
0xb3: {  	[sflag:s29] =	ssyncadd.s32 $0xFFFFFFFF  }
0xb4: {  	_ =	strace $0x90000048  }
0xb5: {  	_ =	sfence  }
0xb6: {  	s30 =	sld [smem:$0x0];
	_ =	sdelay $0x2  }
0xb7: {  	s31 =	sshll.u32 s1, $0xD;
	s1 =	sshrl.u32 s1, $0x2  }
0xb8: {  	s3 =	sand.u32 $0x4000, s31;
	s1 =	sadd.s32 s1, s30  }
0xb9: {  	s0 =	sor.u32 s3, s0;
	s1 =	sshll.u32 s1, $0x11  }
0xba: {  	s0 =	sor.u32 s1, s0  }
0xbb: {  	s0 =	sadd.s32 $0x8F2B, s0  }
0xbc: {  	[sflag:s0] =	ssyncadd.remote.s32 $0x1  }
0xbd: {  	_ =	sfence.sel $0xFFFF  }
0xbe: {  	[dreg:$0x0] =	wrdreg $0xFFFFFFFF;
	(pc) =	sbr.abs _section_cstart, $3  }
0xbf: {  	[dreg:$0x1] =	wrdreg $0xFFFFFFFF  }
0xc0: {  	_ =	task.clear_ibuf [dreg:s6], $0x2FFFF;
	_ =	strace $0x9FFFFFFF  }
0xc1: {  	(tm) =	ssettm $0x7FFFFFFF  }
tec
execute0_lowered:
.L_overlay_start_1:
0x0: {  	(tag) =	ssettag $0x1  }
0x1: {  	s2 =	rddreg [dreg:$0x0];
	s1 =	simm.s32 $0x0  }
0x2: {  	s3 =	srdreg.scid;
	s0 =	stileid.u32;
	s10 =	simm.s32 $0x80  }
0x3: {  	s11 =	simm.s32 $0x400;
	s12 =	simm.s32 $0x1;
	s13 =	simm.s32 $0x1A800  }
0x4: {  	s14 =	simm.s32 $0x1C100;
	s15 =	simm.s32 $0x1B800;
	s16 =	simm.s32 $0x1BC80  }
.Ltmp0:
0x5: {  	s17 =	simm.s32 $0x0;
	s6 =	sand.u32 $0x1, s3;
	(pc) =	sbr.rel .LBB2_1-.Ltmp0, $4  }
0x6: {  	[smem:$0x7FF] =	sst s1;
	s3 =	sadd.s32 $0xC00, s2;
	s7 =	ssub.s32 $0x2, s6  }
0x7: {  	s4 =	sadd.s32 $0x187C00, s2;
	s5 =	sadd.s32 $0x18BC00, s2;
	s8 =	sshrl.u32 s7, $0x1  }
0x8: {  	_ =	strace $0x80000047;
	s6 =	sshll.u32 s6, $0x9;
	s9 =	ssub.s32 s7, s8  }
0x9: {  	v0 =	vimm.s32 $0x0;
	v1 =	vlaneseq.u32;
	v2 =	vimm.s32 $0x1;
	s7 =	smul.u32 $0xC3800, s0;
	s8 =	sshll.u32 s0, $0xD;
	s9 =	smax.u32 s9, $0x1  }
.LBB2_46:
0xa: {  	s17 =	sadd.s32 $0x1, s17  }
0xb: {  	p0 =	sne.s32 s17, s9  }
.Ltmp1:
0xc: {  	_ = 	snop;
	(pc) =	sbr.rel @!p0 .LBB2_47-.Ltmp1, $1  }
0xd: {  	_ =	sdelay $0x3  }
.LBB2_1:
.Ltmp2:
0xe: {  	(pc) =	sbr.rel .LBB2_2-.Ltmp2, $2  }
0xf: {  	_ =	sdelay $0x2  }
0x10: {  	s18 =	simm.s32 $0x0  }
.LBB2_40:
0x11: {  	s25 =	smov.u32 s21;
	s22 =	simm.s32 $0x19780;
	s24 =	smov.u32 s23  }
.LBB2_44:
0x12: {  	s0 =	sadd.s32 @p0 $0xFFFFFFF0, s25  }
0x13: {  	s21 =	smov.u32 @p0 s0  }
0x14: {  	v6 =	vshrl.u32 v5, $0x10;
	v4 =	vmov s21  }
0x15: {  	vm1 =	veq.s32 v6, v3;
	vm0 =	vgt.s32 v4, v1  }
0x16: {  	vm0 =	vmand vm0, vm1  }
0x17: {  	v3 =	vmpcnt.ones.xlane vm0;
	_ =	sdelay $0x1  }
0x18: {  	(v2sf) =	vpush v3, $0x0;
	_ =	sdelay $0x7  }
0x19: {  	s0 =	sadd.s32 @p0 $0x10, s22  }
0x1a: {  	s20 =	smov.u32 @p0 s0;
	s2 =	spop @p0 (v2sf)  }
0x1b: {  	s0 =	sadd.s32 @p0 s24, s2;
	v3 =	vld [tilespmem:s20+$0x0]  }
0x1c: {  	s23 =	smov.u32 @p0 s0  }
0x1d: {  	p0 =	slt.s32 s23, $0x400  }
0x1e: {  	s23 =	simm.s32 @!p0 $0x400  }
0x1f: {  	[tilespmem:s23+$0x1B800] =	vst.msk vm0, v5  }
0x20: {  	[tilespmem:s23+$0x1BC80] =	vst.msk vm0, v3;
	s31 =	spop (v2sf)  }
.LBB2_45:
0x21: {  	s0 =	sadd.s32 s8, s19  }
0x22: {  	s0 =	sshrl.u32 s0, $0x3  }
0x23: {  	s2 =	sadd.s32 s4, s0  }
0x24: {  	[hbm4b:s2+s10] =	stream.strided.scatter [tilespmem:s15], [sflag:$0x1], $0x400, s11, s10, $0x38;
	[tilespmem:$0x1D980] =	vst v63  }
0x25: {  	s18 =	sadd.s32 $0x1, s18;
	_ =	swait.ge [sflag:s12], $0x400  }
0x26: {  	p0 =	sne.s32 s18, $0x4;
	[sflag:s12] =	ssyncset.done $0x0  }
.Ltmp3:
0x27: {  	s0 =	sadd.s32 s5, s0;
	[sflag:s12] =	ssyncadd.s32 $0xFFFFFC00;
	(pc) =	sbr.rel @!p0 .LBB2_46-.Ltmp3, $4  }
0x28: {  	[hbm4b:s0+s10] =	stream.strided.scatter [tilespmem:s16], [sflag:$0x1], $0x400, s11, s10, $0x38;
	[tilespmem:$0x1D980] =	vst v63  }
0x29: {  	_ =	swait.ge [sflag:s12], $0x400  }
0x2a: {  	[sflag:s12] =	ssyncset.done $0x0  }
0x2b: {  	[sflag:s12] =	ssyncadd.s32 $0xFFFFFC00  }
.LBB2_2:
0x2c: {  	s19 =	sshll.u32 s18, $0x7  }
0x2d: {  	s19 =	sadd.s32 s6, s19  }
0x2e: {  	s20 =	sadd.s32 s7, s19  }
0x2f: {  	s20 =	sshrl.u32 s20, $0x3  }
0x30: {  	s20 =	sadd.s32 s3, s20  }
0x31: {  	[tilespmem:s1], [sflag:$0x1] =	stream.strided.gather [hbm4b:s20+s10], $0x18700, s11, s10, $0x38;
	[tilespmem:$0x1D980] =	vst v63  }
0x32: {  	_ =	swait.ge [sflag:s12], $0x18700  }
0x33: {  	[sflag:s12] =	ssyncset.done $0x0  }
0x34: {  	s20 =	simm.s32 $0x1A820;
	[sflag:s12] =	ssyncadd.s32 $0xFFFE7900  }
0x35: {  	[tilespmem:s20+$0xFFFFFFE0] =	vst v0  }
0x36: {  	[tilespmem:s20+$0x10] =	vst v0  }
0x37: {  	s21 =	simm.s32 $0x0;
	[tilespmem:s20+$0x0] =	vst v0  }
.LBB2_3:
0x38: {  	s21 =	sadd.s32 $0x4, s21  }
0x39: {  	[tilespmem:s20+$0xFFFFFFF0] =	vst v0;
	s20 =	sadd.s32 $0x40, s20;
	s22 =	simm.s32 $0x20;
	p0 =	slt.u32 s21, $0xFC  }
.Ltmp4:
0x3a: {  	[tilespmem:s20+$0xFFFFFFE0] =	vst v0;
	(pc) =	sbr.rel @p0 .LBB2_3-.Ltmp4, $3  }
0x3b: {  	_ =	sdelay $0x1  }
0x3c: {  	[tilespmem:s20+$0x10] =	vst v0  }
0x3d: {  	[tilespmem:s20+$0x0] =	vst v0  }
0x3e: {  	[tilespmem:s20+$0xFFFFFFF0] =	vst v0  }
0x3f: {  	v3 =	vld [tilespmem:s22+$0x10]  }
0x40: {  	v4 =	vld [tilespmem:s22+$0xFFFFFFF0]  }
0x41: {  	v5 =	vld [tilespmem:s22+$0x0];
	_ =	sdelay $0x1  }
0x42: {  	v6 =	vld [tilespmem:s22+$0xFFFFFFE0];
	_ =	sdelay $0x2  }
0x43: {  	v7 =	vshra.s32 v3, $0x1F;
	v8 =	vshra.s32 v4, $0x1F;
	v9 =	vshra.s32 v5, $0x1F  }
0x44: {  	s31 =	simm.s32 $0x60;
	v7 =	vor.u32 $0x80000000, v7;
	v8 =	vor.u32 $0x80000000, v8;
	v9 =	vor.u32 $0x80000000, v9  }
0x45: {  	v10 =	vld [tilespmem:s31+$0x10];
	v3 =	vxor.u32 v3, v7;
	v7 =	vshra.s32 v6, $0x1F;
	v8 =	vxor.u32 v4, v8  }
0x46: {  	v5 =	vxor.u32 v5, v9;
	v11 =	vshrl.u32 v3, $0x14;
	v7 =	vor.u32 $0x80000000, v7  }
0x47: {  	v3 =	vld [tilespmem:s31+$0xFFFFFFF0];
	v11 =	vand.u32 $0xFF0, v11;
	v6 =	vxor.u32 v6, v7;
	v7 =	vshrl.u32 v8, $0x14  }
0x48: {  	v4 =	vld [tilespmem:s31+$0x0];
	v5 =	vshrl.u32 v5, $0x14;
	v12 =	vor.u32 v1, v11;
	v8 =	vand.u32 $0xFF0, v7  }
0x49: {  	v9 =	vand.u32 $0xFF0, v5;
	v5 =	vor.u32 v1, v8;
	v8 =	vld [tilespmem:s31+$0xFFFFFFE0]  }
0x4a: {  	v6 =	vshrl.u32 v6, $0x14;
	v11 =	vshra.s32 v10, $0x1F  }
0x4b: {  	v6 =	vand.u32 $0xFF0, v6;
	v14 =	vor.u32 $0x80000000, v11  }
0x4c: {  	v7 =	vor.u32 v1, v6;
	v6 =	vor.u32 v1, v9;
	v13 =	vshra.s32 v3, $0x1F  }
0x4d: {  	s20 =	simm.s32 $0x4;
	s21 =	simm.s32 $0xA0;
	v11 =	vshra.s32 v4, $0x1F;
	v10 =	vxor.u32 v10, v14;
	v9 =	vor.u32 $0x80000000, v13;
	[tilespmem:v12+s13+$0x0] =	vst.idx.add.s32.msk $0xffff, v2  }
.LBB2_5:
0x4e: {  	v12 =	vld [tilespmem:s21+$0x10];
	s20 =	sadd.s32 $0x4, s20;
	v13 =	vshra.s32 v8, $0x1F;
	v11 =	vor.u32 $0x80000000, v11;
	v10 =	vshrl.u32 v10, $0x14  }
0x4f: {  	v9 =	vxor.u32 v3, v9;
	p0 =	slt.u32 s20, $0x1864;
	v13 =	vor.u32 $0x80000000, v13;
	v3 =	vld [tilespmem:s21+$0xFFFFFFF0];
	v10 =	vand.u32 $0xFF0, v10  }
0x50: {  	v11 =	vxor.u32 v4, v11;
	v13 =	vxor.u32 v8, v13;
	v4 =	vld [tilespmem:s21+$0x0];
	v14 =	vor.u32 v1, v10  }
.Ltmp5:
0x51: {  	v9 =	vshrl.u32 v9, $0x14;
	v11 =	vshrl.u32 v11, $0x14;
	v8 =	vld [tilespmem:s21+$0xFFFFFFE0];
	v10 =	vshrl.u32 v13, $0x14;
	(pc) =	sbr.rel @p0 .LBB2_5-.Ltmp5, $4  }
0x52: {  	v9 =	vand.u32 $0xFF0, v9;
	v11 =	vand.u32 $0xFF0, v11;
	v10 =	vand.u32 $0xFF0, v10;
	[tilespmem:v7+s13+$0x0] =	vst.idx.add.s32.msk $0xffff, v2  }
0x53: {  	v13 =	vshra.s32 v12, $0x1F;
	v7 =	vor.u32 v1, v10;
	[tilespmem:v5+s13+$0x0] =	vst.idx.add.s32.msk $0xffff, v2;
	v5 =	vor.u32 v1, v9  }
0x54: {  	v9 =	vshra.s32 v3, $0x1F;
	v10 =	vor.u32 $0x80000000, v13;
	[tilespmem:v6+s13+$0x0] =	vst.idx.add.s32.msk $0xffff, v2;
	v6 =	vor.u32 v1, v11  }
0x55: {  	s21 =	sadd.s32 $0x40, s21;
	v9 =	vor.u32 $0x80000000, v9;
	v11 =	vshra.s32 v4, $0x1F;
	v10 =	vxor.u32 v12, v10;
	[tilespmem:v14+s13+$0x0] =	vst.idx.add.s32.msk $0xffff, v2  }
0x56: {  	v12 =	vshra.s32 v8, $0x1F;
	v11 =	vor.u32 $0x80000000, v11;
	v10 =	vshrl.u32 v10, $0x14  }
0x57: {  	v3 =	vxor.u32 v3, v9;
	v12 =	vor.u32 $0x80000000, v12;
	v63 =	vand.u32 $0xFF0, v10  }
0x58: {  	v4 =	vxor.u32 v4, v11;
	v3 =	vshrl.u32 v3, $0x14;
	v62 =	vxor.u32 v8, v12  }
0x59: {  	v9 =	vor.u32 v1, v63;
	v4 =	vshrl.u32 v4, $0x14;
	v3 =	vand.u32 $0xFF0, v3  }
0x5a: {  	v8 =	vshrl.u32 v62, $0x14;
	v4 =	vand.u32 $0xFF0, v4;
	v3 =	vor.u32 v1, v3  }
0x5b: {  	[tilespmem:v7+s13+$0x0] =	vst.idx.add.s32.msk $0xffff, v2;
	v8 =	vand.u32 $0xFF0, v8;
	v4 =	vor.u32 v1, v4  }
0x5c: {  	[tilespmem:v5+s13+$0x0] =	vst.idx.add.s32.msk $0xffff, v2;
	v8 =	vor.u32 v1, v8  }
0x5d: {  	[tilespmem:v6+s13+$0x0] =	vst.idx.add.s32.msk $0xffff, v2  }
0x5e: {  	[tilespmem:v9+s13+$0x0] =	vst.idx.add.s32.msk $0xffff, v2  }
0x5f: {  	[tilespmem:v3+s13+$0x0] =	vst.idx.add.s32.msk $0xffff, v2  }
0x60: {  	[tilespmem:v4+s13+$0x0] =	vst.idx.add.s32.msk $0xffff, v2  }
0x61: {  	s20 =	simm.s32 $0x0;
	s21 =	simm.s32 $0x0;
	[tilespmem:v8+s13+$0x0] =	vst.idx.add.s32.msk $0xffff, v2  }
.LBB2_7:
0x62: {  	s22 =	sshra.s32 s21, $0x2  }
0x63: {  	v3 =	vld [tilespmem:s22+$0x18680];
	_ =	sdelay $0x4  }
0x64: {  	v4 =	vshra.s32 v3, $0x1F  }
0x65: {  	v4 =	vor.u32 $0x80000000, v4  }
0x66: {  	v3 =	vxor.u32 v3, v4  }
0x67: {  	v3 =	vshrl.u32 v3, $0x14  }
0x68: {  	v3 =	vand.u32 $0xFF0, v3  }
0x69: {  	p0 =	sne.s32 s21, $0x40;
	v3 =	vor.u32 v1, v3  }
.Ltmp6:
0x6a: {  	_ = 	snop;
	(pc) =	sbr.rel @p0 .LBB2_7-.Ltmp6, $2  }
0x6b: {  	_ =	sdelay $0x2  }
0x6c: {  	s21 =	sadd.s32 $0x40, s21;
	[tilespmem:v3+s13+$0x0] =	vst.idx.add.s32.msk $0xffff, v2  }
0x6d: {  	s21 =	simm.s32 $0xF0  }
0x6e: {  	v5 =	vor.u32 s21, v1  }
0x6f: {  	v3 =	vshll.u32 v5, $0x4  }
0x70: {  	v4 =	vor.u32 $0x1, v3  }
0x71: {  	v6 =	vor.u32 $0x2, v3  }
0x72: {  	v7 =	vor.u32 $0x3, v3  }
0x73: {  	v8 =	vor.u32 $0x4, v3  }
0x74: {  	v9 =	vor.u32 $0x5, v3;
	v10 =	vld.idx.msk [tilespmem:v3+s13+$0x0], $0xffff  }
0x75: {  	v11 =	vor.u32 $0x6, v3;
	v4 =	vld.idx.msk [tilespmem:v4+s13+$0x0], $0xffff  }
0x76: {  	v12 =	vor.u32 $0x7, v3;
	v6 =	vld.idx.msk [tilespmem:v6+s13+$0x0], $0xffff  }
0x77: {  	v13 =	vor.u32 $0x8, v3;
	v7 =	vld.idx.msk [tilespmem:v7+s13+$0x0], $0xffff  }
0x78: {  	v14 =	vor.u32 $0x9, v3;
	v8 =	vld.idx.msk [tilespmem:v8+s13+$0x0], $0xffff  }
0x79: {  	v15 =	vor.u32 $0xA, v3;
	v9 =	vld.idx.msk [tilespmem:v9+s13+$0x0], $0xffff  }
0x7a: {  	v16 =	vor.u32 $0xB, v3;
	v11 =	vld.idx.msk [tilespmem:v11+s13+$0x0], $0xffff  }
0x7b: {  	v4 =	vadd.s32 v10, v4;
	v10 =	vld.idx.msk [tilespmem:v12+s13+$0x0], $0xffff;
	v12 =	vor.u32 $0xC, v3  }
0x7c: {  	v17 =	vor.u32 $0xD, v3;
	v13 =	vld.idx.msk [tilespmem:v13+s13+$0x0], $0xffff;
	v4 =	vadd.s32 v6, v4  }
0x7d: {  	s24 =	simm.s32 $0xE0;
	v4 =	vadd.s32 v7, v4;
	v7 =	vld.idx.msk [tilespmem:v14+s13+$0x0], $0xffff;
	v14 =	vor.u32 $0xE, v3  }
0x7e: {  	v6 =	vor.u32 s24, v1;
	v3 =	vor.u32 $0xF, v3;
	v4 =	vadd.s32 v8, v4;
	v8 =	vld.idx.msk [tilespmem:v15+s13+$0x0], $0xffff  }
0x7f: {  	v15 =	vshll.u32 v6, $0x4;
	v4 =	vadd.s32 v9, v4;
	v9 =	vld.idx.msk [tilespmem:v16+s13+$0x0], $0xffff  }
0x80: {  	v16 =	vor.u32 $0x1, v15;
	v4 =	vadd.s32 v11, v4;
	v11 =	vld.idx.msk [tilespmem:v12+s13+$0x0], $0xffff  }
0x81: {  	v12 =	vor.u32 $0x2, v15;
	v4 =	vadd.s32 v10, v4;
	v10 =	vld.idx.msk [tilespmem:v17+s13+$0x0], $0xffff  }
0x82: {  	v17 =	vor.u32 $0x3, v15;
	v4 =	vadd.s32 v13, v4;
	v13 =	vld.idx.msk [tilespmem:v14+s13+$0x0], $0xffff  }
0x83: {  	v14 =	vor.u32 $0x4, v15;
	v3 =	vld.idx.msk [tilespmem:v3+s13+$0x0], $0xffff;
	v4 =	vadd.s32 v7, v4  }
0x84: {  	v7 =	vor.u32 $0x5, v15;
	v18 =	vld.idx.msk [tilespmem:v15+s13+$0x0], $0xffff;
	v4 =	vadd.s32 v8, v4  }
0x85: {  	v8 =	vld.idx.msk [tilespmem:v16+s13+$0x0], $0xffff;
	v16 =	vor.u32 $0x6, v15;
	v4 =	vadd.s32 v9, v4  }
0x86: {  	v9 =	vld.idx.msk [tilespmem:v12+s13+$0x0], $0xffff;
	v12 =	vor.u32 $0x7, v15;
	v4 =	vadd.s32 v11, v4  }
0x87: {  	v11 =	vld.idx.msk [tilespmem:v17+s13+$0x0], $0xffff;
	v17 =	vor.u32 $0x8, v15;
	v4 =	vadd.s32 v10, v4  }
0x88: {  	v10 =	vld.idx.msk [tilespmem:v14+s13+$0x0], $0xffff;
	v14 =	vor.u32 $0x9, v15;
	v4 =	vadd.s32 v13, v4  }
0x89: {  	v7 =	vld.idx.msk [tilespmem:v7+s13+$0x0], $0xffff;
	v13 =	vor.u32 $0xA, v15;
	v19 =	vadd.s32 v3, v4  }
0x8a: {  	v4 =	vld.idx.msk [tilespmem:v16+s13+$0x0], $0xffff;
	v16 =	vor.u32 $0xB, v15;
	(xrf0) =	vadd.scan.msk.s32 $0xffff, v19  }
0x8b: {  	v3 =	vadd.s32 v18, v8;
	v8 =	vld.idx.msk [tilespmem:v12+s13+$0x0], $0xffff;
	v12 =	vor.u32 $0xC, v15  }
0x8c: {  	v3 =	vadd.s32 v9, v3;
	v9 =	vld.idx.msk [tilespmem:v17+s13+$0x0], $0xffff;
	v17 =	vor.u32 $0xD, v15  }
0x8d: {  	s25 =	simm.s32 $0xD0;
	v18 =	vor.u32 $0xE, v15;
	v11 =	vadd.s32 v11, v3;
	v14 =	vld.idx.msk [tilespmem:v14+s13+$0x0], $0xffff  }
0x8e: {  	v3 =	vor.u32 s25, v1;
	v10 =	vadd.s32 v10, v11;
	v11 =	vld.idx.msk [tilespmem:v13+s13+$0x0], $0xffff;
	v13 =	vor.u32 $0xF, v15  }
0x8f: {  	v15 =	vshll.u32 v3, $0x4;
	v7 =	vadd.s32 v7, v10;
	v10 =	vld.idx.msk [tilespmem:v16+s13+$0x0], $0xffff  }
0x90: {  	v16 =	vor.u32 $0x1, v15;
	v4 =	vadd.s32 v4, v7;
	v7 =	vld.idx.msk [tilespmem:v12+s13+$0x0], $0xffff;
	v12, _, _ =	vpop (xrf0)  }
0x91: {  	v20 =	vor.u32 $0x2, v15;
	v4 =	vadd.s32 v8, v4;
	v8 =	vld.idx.msk [tilespmem:v17+s13+$0x0], $0xffff;
	(v2sf) =	vpush v12, $0xF  }
0x92: {  	v22 =	vor.u32 $0xB, v15;
	v4 =	vadd.s32 v9, v4;
	v9 =	vld.idx.msk [tilespmem:v18+s13+$0x0], $0xffff  }
0x93: {  	v23 =	vor.u32 $0xC, v15;
	v4 =	vadd.s32 v14, v4;
	v13 =	vld.idx.msk [tilespmem:v13+s13+$0x0], $0xffff  }
0x94: {  	v24 =	vor.u32 $0xD, v15;
	v21 =	vld.idx.msk [tilespmem:v15+s13+$0x0], $0xffff;
	v4 =	vadd.s32 v11, v4  }
0x95: {  	v25 =	vor.u32 $0xE, v15;
	v11 =	vld.idx.msk [tilespmem:v16+s13+$0x0], $0xffff;
	v4 =	vadd.s32 v10, v4  }
0x96: {  	v17 =	vor.u32 $0x3, v15;
	v10 =	vld.idx.msk [tilespmem:v20+s13+$0x0], $0xffff;
	v4 =	vadd.s32 v7, v4  }
0x97: {  	v18 =	vor.u32 $0x4, v15;
	v22 =	vld.idx.msk [tilespmem:v22+s13+$0x0], $0xffff;
	v4 =	vadd.s32 v8, v4  }
0x98: {  	v14 =	vor.u32 $0x5, v15;
	v23 =	vld.idx.msk [tilespmem:v23+s13+$0x0], $0xffff;
	v4 =	vadd.s32 v9, v4  }
0x99: {  	v16 =	vor.u32 $0x6, v15;
	v24 =	vld.idx.msk [tilespmem:v24+s13+$0x0], $0xffff;
	v13 =	vadd.s32 v13, v4  }
0x9a: {  	v20 =	vor.u32 $0x7, v15;
	v25 =	vld.idx.msk [tilespmem:v25+s13+$0x0], $0xffff;
	(xrf0) =	vadd.scan.msk.s32 $0xffff, v13  }
0x9b: {  	v7 =	vld.idx.msk [tilespmem:v17+s13+$0x0], $0xffff;
	v17 =	vor.u32 $0x8, v15  }
0x9c: {  	s26 =	simm.s32 $0xC0;
	v8 =	vld.idx.msk [tilespmem:v18+s13+$0x0], $0xffff;
	v18 =	vor.u32 $0x9, v15  }
0x9d: {  	v9 =	vld.idx.msk [tilespmem:v14+s13+$0x0], $0xffff;
	v14 =	vor.u32 $0xA, v15;
	v4 =	vor.u32 s26, v1  }
0x9e: {  	v15 =	vor.u32 $0xF, v15;
	v16 =	vld.idx.msk [tilespmem:v16+s13+$0x0], $0xffff;
	v11 =	vadd.s32 v21, v11;
	v21 =	vshll.u32 v4, $0x4  }
0x9f: {  	v20 =	vld.idx.msk [tilespmem:v20+s13+$0x0], $0xffff;
	v10 =	vadd.s32 v10, v11;
	v11 =	vor.u32 $0x1, v21  }
0xa0: {  	v17 =	vld.idx.msk [tilespmem:v17+s13+$0x0], $0xffff;
	v26, _, _ =	vpop (xrf0);
	s28 =	spop (v2sf)  }
0xa1: {  	v18 =	vld.idx.msk [tilespmem:v18+s13+$0x0], $0xffff;
	v7 =	vadd.s32 v7, v10;
	v10 =	vor.u32 $0x2, v21;
	(v2sf) =	vpush v26, $0xF;
	s21 =	sadd.s32 $0x0, s28  }
0xa2: {  	v14 =	vld.idx.msk [tilespmem:v14+s13+$0x0], $0xffff;
	v7 =	vadd.s32 v8, v7;
	v8 =	vor.u32 $0x3, v21;
	v12 =	vsub.s32 s21, v12  }
0xa3: {  	v15 =	vld.idx.msk [tilespmem:v15+s13+$0x0], $0xffff;
	v7 =	vadd.s32 v9, v7;
	v9 =	vor.u32 $0x4, v21;
	v19 =	vadd.s32 v19, v12  }
0xa4: {  	v27 =	vor.u32 $0x5, v21;
	v11 =	vld.idx.msk [tilespmem:v11+s13+$0x0], $0xffff;
	vm1 =	vlt.s32 v12, $0x100;
	vm0 =	vgt.s32 v19, $0xFF  }
0xa5: {  	v7 =	vadd.s32 v16, v7;
	v16 =	vor.u32 $0x6, v21;
	v19 =	vld.idx.msk [tilespmem:v21+s13+$0x0], $0xffff;
	vm0 =	vmand vm1, vm0  }
0xa6: {  	v7 =	vadd.s32 v20, v7;
	v20 =	vor.u32 $0x7, v21;
	v10 =	vld.idx.msk [tilespmem:v10+s13+$0x0], $0xffff;
	v12 =	vnsel vm0, $0x0, v12  }
0xa7: {  	v7 =	vadd.s32 v17, v7;
	v8 =	vld.idx.msk [tilespmem:v8+s13+$0x0], $0xffff;
	v5 =	vnsel vm0, $0x0, v5;
	(xrf0) =	vadd.scan.msk.s32 $0xffff, v12;
	v12 =	vor.u32 $0x8, v21  }
0xa8: {  	v7 =	vadd.s32 v18, v7;
	v9 =	vld.idx.msk [tilespmem:v9+s13+$0x0], $0xffff;
	(xrf0) =	vadd.scan.msk.s32 $0xffff, v5;
	v5 =	vor.u32 $0x9, v21  }
0xa9: {  	v17 =	vor.u32 $0xA, v21;
	v7 =	vadd.s32 v14, v7;
	v14 =	vld.idx.msk [tilespmem:v27+s13+$0x0], $0xffff  }
0xaa: {  	v18 =	vor.u32 $0xB, v21;
	v16 =	vld.idx.msk [tilespmem:v16+s13+$0x0], $0xffff;
	v11 =	vadd.s32 v19, v11  }
0xab: {  	v20 =	vld.idx.msk [tilespmem:v20+s13+$0x0], $0xffff;
	v10 =	vadd.s32 v10, v11  }
0xac: {  	v7 =	vadd.s32 v22, v7;
	v22 =	vor.u32 $0xC, v21;
	v8 =	vadd.s32 v8, v10;
	v12 =	vld.idx.msk [tilespmem:v12+s13+$0x0], $0xffff  }
0xad: {  	v7 =	vadd.s32 v23, v7;
	v23 =	vor.u32 $0xE, v21;
	v8 =	vadd.s32 v9, v8;
	v11 =	vld.idx.msk [tilespmem:v5+s13+$0x0], $0xffff  }
0xae: {  	v7 =	vadd.s32 v24, v7;
	v17 =	vld.idx.msk [tilespmem:v17+s13+$0x0], $0xffff;
	v8 =	vadd.s32 v14, v8  }
0xaf: {  	v7 =	vadd.s32 v25, v7;
	v10 =	vld.idx.msk [tilespmem:v18+s13+$0x0], $0xffff;
	v8 =	vadd.s32 v16, v8  }
0xb0: {  	s22 =	simm.s32 $0xB0;
	v7 =	vadd.s32 v15, v7;
	s29 =	spop (v2sf);
	v8 =	vadd.s32 v20, v8  }
0xb1: {  	v15 =	vld.idx.msk [tilespmem:v22+s13+$0x0], $0xffff;
	(xrf0) =	vadd.scan.msk.s32 $0xffff, v7;
	v5 =	vor.u32 s22, v1;
	s22 =	sadd.s32 s21, s29;
	v8 =	vadd.s32 v12, v8  }
0xb2: {  	v22 =	vld.idx.msk [tilespmem:v23+s13+$0x0], $0xffff;
	v19 =	vor.u32 $0xD, v21;
	v23 =	vsub.s32 s22, v26;
	v8 =	vadd.s32 v11, v8  }
0xb3: {  	v21 =	vor.u32 $0xF, v21;
	v13 =	vadd.s32 v13, v23;
	v8 =	vadd.s32 v17, v8  }
0xb4: {  	v59, _, _ =	vpop (xrf0);
	vm14 =	vlt.s32 v23, $0x100;
	vm15 =	vgt.s32 v13, $0xFF;
	v8 =	vadd.s32 v10, v8  }
0xb5: {  	(v2sf) =	vpush v59, $0xF;
	v60, _, _ =	vpop (xrf0);
	v61 =	vshll.u32 v5, $0x4;
	vm0 =	vmand vm14, vm15  }
0xb6: {  	(v2sf) =	vpush v60, $0xF;
	v9 =	vor.u32 $0x1, v61;
	v12 =	vnsel vm0, $0x0, v23  }
0xb7: {  	(xrf0) =	vadd.scan.msk.s32 $0xffff, v12;
	v12 =	vadd.s32 v15, v8;
	v8, _, _ =	vpop (xrf0)  }
0xb8: {  	v18 =	vor.u32 $0x2, v61;
	(v2sf) =	vpush v8, $0xF  }
0xb9: {  	v19 =	vld.idx.msk [tilespmem:v19+s13+$0x0], $0xffff;
	v16 =	vor.u32 $0x3, v61  }
0xba: {  	v21 =	vld.idx.msk [tilespmem:v21+s13+$0x0], $0xffff;
	v20 =	vor.u32 $0x4, v61  }
0xbb: {  	v11 =	vld.idx.msk [tilespmem:v9+s13+$0x0], $0xffff;
	v9 =	vor.u32 $0x6, v61  }
0xbc: {  	v14 =	vor.u32 $0x5, v61;
	v62 =	vld.idx.msk [tilespmem:v61+s13+$0x0], $0xffff  }
0xbd: {  	v13 =	vor.u32 $0x7, v61;
	v17 =	vld.idx.msk [tilespmem:v18+s13+$0x0], $0xffff;
	v6 =	vnsel vm0, $0x0, v6  }
0xbe: {  	v10 =	vor.u32 $0x8, v61;
	v23 =	vld.idx.msk [tilespmem:v16+s13+$0x0], $0xffff;
	(xrf0) =	vadd.scan.msk.s32 $0xffff, v6;
	v6 =	vadd.s32 v19, v12  }
0xbf: {  	v15 =	vld.idx.msk [tilespmem:v20+s13+$0x0], $0xffff;
	v20 =	vor.u32 $0x9, v61;
	v6 =	vadd.s32 v22, v6  }
0xc0: {  	v63 =	vor.u32 $0xA, v61;
	v12 =	vld.idx.msk [tilespmem:v9+s13+$0x0], $0xffff;
	v9 =	vadd.s32 v21, v6  }
0xc1: {  	v14 =	vld.idx.msk [tilespmem:v14+s13+$0x0], $0xffff;
	v19 =	vor.u32 $0xB, v61;
	(xrf0) =	vadd.scan.msk.s32 $0xffff, v9  }
0xc2: {  	v18 =	vor.u32 $0xC, v61;
	v13 =	vld.idx.msk [tilespmem:v13+s13+$0x0], $0xffff;
	v6 =	vadd.s32 v62, v11  }
0xc3: {  	s30 =	simm.s32 $0xA0;
	v16 =	vor.u32 $0xD, v61;
	v10 =	vld.idx.msk [tilespmem:v10+s13+$0x0], $0xffff;
	v11 =	vadd.s32 v17, v6  }
0xc4: {  	v6 =	vor.u32 s30, v1;
	v17 =	vor.u32 $0xE, v61;
	v21 =	vadd.s32 v23, v11;
	v11 =	vld.idx.msk [tilespmem:v20+s13+$0x0], $0xffff;
	v23, _, _ =	vpop (xrf0);
	s31 =	spop (v2sf)  }
0xc5: {  	s24 =	simm.s32 $0x90;
	v20 =	vor.u32 $0xF, v61;
	v21 =	vadd.s32 v15, v21;
	v15 =	vld.idx.msk [tilespmem:v63+s13+$0x0], $0xffff;
	v22, _, _ =	vpop (xrf0);
	(v2sf) =	vpush v23, $0xF;
	s21 =	sadd.s32 $0x0, s31;
	s23 =	spop (v2sf)  }
.LBB2_9:
0xc6: {  	p0 =	sne.s32 s24, $0x0;
	v23 =	vshll.u32 v6, $0x4;
	v14 =	vadd.s32 v14, v21;
	v19 =	vld.idx.msk [tilespmem:v19+s13+$0x0], $0xffff;
	(v2sf) =	vpush v22, $0xF;
	s20 =	sadd.s32 s20, s23  }
0xc7: {  	v21 =	vor.u32 $0x1, v23;
	v22 =	vor.u32 $0x5, v23;
	v12 =	vadd.s32 v12, v14;
	v14 =	vld.idx.msk [tilespmem:v18+s13+$0x0], $0xffff;
	v18, _, _ =	vpop (xrf0);
	s23 =	spop (v2sf)  }
0xc8: {  	v24 =	vor.u32 $0x2, v23;
	v12 =	vadd.s32 v13, v12;
	v13 =	vld.idx.msk [tilespmem:v16+s13+$0x0], $0xffff;
	(v2sf) =	vpush v18, $0xF;
	s22 =	sadd.s32 s22, s23  }
0xc9: {  	v16 =	vor.u32 $0x3, v23;
	v10 =	vadd.s32 v10, v12;
	v12 =	vld.idx.msk [tilespmem:v17+s13+$0x0], $0xffff;
	v17 =	vsub.s32 s22, v8;
	v8 =	vmovc v18  }
0xca: {  	v18 =	vor.u32 $0x4, v23;
	v10 =	vadd.s32 v11, v10;
	v11 =	vld.idx.msk [tilespmem:v20+s13+$0x0], $0xffff;
	v20 =	vadd.s32 v7, v17;
	v7 =	vmovc v9  }
0xcb: {  	vm0 =	vlt.s32 v17, $0x100;
	v25 =	vld.idx.msk [tilespmem:v23+s13+$0x0], $0xffff;
	v9 =	vadd.s32 v15, v10;
	vm1 =	vgt.s32 v20, $0xFF  }
0xcc: {  	v15 =	vor.u32 $0x6, v23;
	v10 =	vld.idx.msk [tilespmem:v21+s13+$0x0], $0xffff;
	v9 =	vadd.s32 v19, v9;
	vm0 =	vmand vm0, vm1  }
0xcd: {  	v21 =	vor.u32 $0x7, v23;
	v20 =	vld.idx.msk [tilespmem:v24+s13+$0x0], $0xffff;
	v9 =	vadd.s32 v14, v9;
	v14 =	vnsel vm0, $0x0, v17  }
0xce: {  	v17 =	vld.idx.msk [tilespmem:v16+s13+$0x0], $0xffff;
	v16 =	vor.u32 $0x8, v23;
	v9 =	vadd.s32 v13, v9;
	v13 =	vnsel vm0, $0x0, v3;
	(xrf0) =	vadd.scan.msk.s32 $0xffff, v14;
	v3 =	vmovc v4  }
0xcf: {  	v26 =	vor.u32 $0x9, v23;
	v4 =	vmovc v5;
	v5 =	vmov v6;
	v24 =	vld.idx.msk [tilespmem:v18+s13+$0x0], $0xffff;
	v9 =	vadd.s32 v12, v9;
	(xrf0) =	vadd.scan.msk.s32 $0xffff, v13  }
0xd0: {  	v14 =	vld.idx.msk [tilespmem:v22+s13+$0x0], $0xffff;
	v22 =	vor.u32 $0xA, v23;
	v9 =	vadd.s32 v11, v9  }
.Ltmp7:
0xd1: {  	v19 =	vor.u32 $0xB, v23;
	v12 =	vld.idx.msk [tilespmem:v15+s13+$0x0], $0xffff;
	(xrf0) =	vadd.scan.msk.s32 $0xffff, v9;
	(pc) =	sbr.rel @p0 .LBB2_9-.Ltmp7, $4  }
0xd2: {  	v18 =	vor.u32 $0xC, v23;
	v6 =	vadd.s32 v25, v10;
	v13 =	vld.idx.msk [tilespmem:v21+s13+$0x0], $0xffff  }
0xd3: {  	v11 =	vadd.s32 v20, v6;
	v10 =	vld.idx.msk [tilespmem:v16+s13+$0x0], $0xffff;
	v16 =	vor.u32 $0xD, v23  }
0xd4: {  	v6 =	vor.u32 s24, v1;
	v15 =	vadd.s32 v17, v11;
	v17 =	vor.u32 $0xE, v23;
	v11 =	vld.idx.msk [tilespmem:v26+s13+$0x0], $0xffff;
	v25, _, _ =	vpop (xrf0);
	s23 =	spop (v2sf)  }
0xd5: {  	s24 =	sadd.s32 $0xFFFFFFF0, s24;
	v20 =	vor.u32 $0xF, v23;
	v21 =	vadd.s32 v24, v15;
	v15 =	vld.idx.msk [tilespmem:v22+s13+$0x0], $0xffff;
	v22, _, _ =	vpop (xrf0);
	(v2sf) =	vpush v25, $0xF;
	s21 =	sadd.s32 s21, s23;
	s23 =	spop (v2sf)  }
0xd6: {  	_ =	sdelay $0x3  }
0xd7: {  	v23 =	vshll.u32 v6, $0x4;
	v19 =	vld.idx.msk [tilespmem:v19+s13+$0x0], $0xffff  }
0xd8: {  	(v2sf) =	vpush v22, $0xF;
	v18 =	vld.idx.msk [tilespmem:v18+s13+$0x0], $0xffff;
	v38 =	vor.u32 $0x1, v23;
	v24, _, _ =	vpop (xrf0)  }
0xd9: {  	v16 =	vld.idx.msk [tilespmem:v16+s13+$0x0], $0xffff;
	v25 =	vor.u32 $0x2, v23;
	(v2sf) =	vpush v24, $0xF  }
0xda: {  	v17 =	vld.idx.msk [tilespmem:v17+s13+$0x0], $0xffff;
	v26 =	vor.u32 $0x3, v23  }
0xdb: {  	v20 =	vld.idx.msk [tilespmem:v20+s13+$0x0], $0xffff;
	v27 =	vor.u32 $0x4, v23  }
0xdc: {  	v28 =	vor.u32 $0x5, v23;
	v29 =	vld.idx.msk [tilespmem:v23+s13+$0x0], $0xffff  }
0xdd: {  	v30 =	vor.u32 $0x6, v23;
	v22 =	vld.idx.msk [tilespmem:v38+s13+$0x0], $0xffff  }
0xde: {  	v14 =	vadd.s32 v14, v21;
	v40 =	vor.u32 $0x7, v23;
	v39 =	vld.idx.msk [tilespmem:v25+s13+$0x0], $0xffff  }
0xdf: {  	v12 =	vadd.s32 v12, v14;
	v42 =	vor.u32 $0x8, v23;
	v41 =	vld.idx.msk [tilespmem:v26+s13+$0x0], $0xffff  }
0xe0: {  	v44 =	vor.u32 $0x9, v23;
	v12 =	vadd.s32 v13, v12;
	v43 =	vld.idx.msk [tilespmem:v27+s13+$0x0], $0xffff  }
0xe1: {  	v46 =	vor.u32 $0xA, v23;
	v10 =	vadd.s32 v10, v12;
	v45 =	vld.idx.msk [tilespmem:v28+s13+$0x0], $0xffff  }
0xe2: {  	s24 =	spop (v2sf);
	v47 =	vor.u32 $0xB, v23;
	v10 =	vadd.s32 v11, v10;
	v11 =	vld.idx.msk [tilespmem:v30+s13+$0x0], $0xffff;
	v22 =	vadd.s32 v29, v22  }
0xe3: {  	v49 =	vor.u32 $0xC, v23;
	v51 =	vor.u32 $0xD, v23;
	s25 =	sadd.s32 s22, s24;
	v48 =	vld.idx.msk [tilespmem:v40+s13+$0x0], $0xffff;
	v21 =	vadd.s32 v39, v22  }
0xe4: {  	v53 =	vor.u32 $0xE, v23;
	v8 =	vsub.s32 s25, v8;
	v50 =	vld.idx.msk [tilespmem:v42+s13+$0x0], $0xffff;
	v14 =	vadd.s32 v41, v21  }
0xe5: {  	v55 =	vor.u32 $0xF, v23;
	v7 =	vadd.s32 v7, v8;
	v52 =	vld.idx.msk [tilespmem:v44+s13+$0x0], $0xffff;
	v13 =	vadd.s32 v43, v14  }
0xe6: {  	v10 =	vadd.s32 v15, v10;
	vm0 =	vgt.s32 v7, $0xFF;
	v54 =	vld.idx.msk [tilespmem:v46+s13+$0x0], $0xffff;
	s22 =	spop (v2sf);
	v7 =	vadd.s32 v45, v13  }
0xe7: {  	vm1 =	vlt.s32 v8, $0x100;
	v10 =	vadd.s32 v19, v10;
	s0 =	spop (v2sf);
	v7 =	vadd.s32 v11, v7;
	v11 =	vld.idx.msk [tilespmem:v47+s13+$0x0], $0xffff  }
0xe8: {  	vm0 =	vmand vm1, vm0;
	v56 =	vld.idx.msk [tilespmem:v49+s13+$0x0], $0xffff;
	v10 =	vadd.s32 v18, v10;
	s26 =	spop (v2sf);
	v7 =	vadd.s32 v48, v7  }
0xe9: {  	v57 =	vld.idx.msk [tilespmem:v51+s13+$0x0], $0xffff;
	v8 =	vnsel vm0, $0x0, v8;
	v3 =	vnsel vm0, $0x0, v3;
	s28 =	sadd.s32 s25, s26;
	v7 =	vadd.s32 v50, v7  }
0xea: {  	v10 =	vadd.s32 v16, v10;
	v14 =	vld.idx.msk [tilespmem:v53+s13+$0x0], $0xffff;
	v58 =	vsub.s32 s28, v24;
	v7 =	vadd.s32 v52, v7  }
0xeb: {  	v10 =	vadd.s32 v17, v10;
	v13 =	vld.idx.msk [tilespmem:v55+s13+$0x0], $0xffff;
	v9 =	vadd.s32 v9, v58;
	v7 =	vadd.s32 v54, v7  }
0xec: {  	(xrf0) =	vadd.scan.msk.s32 $0xffff, v8;
	vm0 =	vlt.s32 v58, $0x100;
	vm1 =	vgt.s32 v9, $0xFF;
	v7 =	vadd.s32 v11, v7  }
0xed: {  	(xrf0) =	vadd.scan.msk.s32 $0xffff, v3;
	v3 =	vadd.s32 v20, v10;
	vm0 =	vmand vm0, vm1;
	v7 =	vadd.s32 v56, v7  }
0xee: {  	(xrf0) =	vadd.scan.msk.s32 $0xffff, v3;
	v8 =	vnsel vm0, $0x0, v58;
	v7 =	vadd.s32 v57, v7  }
0xef: {  	v4 =	vnsel vm0, $0x0, v4;
	(xrf0) =	vadd.scan.msk.s32 $0xffff, v8;
	v7 =	vadd.s32 v14, v7  }
0xf0: {  	(xrf0) =	vadd.scan.msk.s32 $0xffff, v4;
	v4 =	vadd.s32 v13, v7  }
0xf1: {  	(xrf0) =	vadd.scan.msk.s32 $0xffff, v4  }
0xf2: {  	v7, _, _ =	vpop (xrf0)  }
0xf3: {  	v8, _, _ =	vpop (xrf0);
	(v2sf) =	vpush v7, $0xF  }
0xf4: {  	(v2sf) =	vpush v8, $0xF;
	v7, _, _ =	vpop (xrf0)  }
0xf5: {  	(v2sf) =	vpush v7, $0xF;
	v8, _, _ =	vpop (xrf0)  }
0xf6: {  	v9, _, _ =	vpop (xrf0);
	(v2sf) =	vpush v8, $0xF  }
0xf7: {  	(v2sf) =	vpush v9, $0xF;
	v8, _, _ =	vpop (xrf0)  }
0xf8: {  	(v2sf) =	vpush v8, $0xF;
	_ =	sdelay $0x9  }
0xf9: {  	s26 =	spop (v2sf)  }
0xfa: {  	s29 =	spop (v2sf)  }
0xfb: {  	s30 =	spop (v2sf)  }
0xfc: {  	s25 =	spop (v2sf)  }
0xfd: {  	s28 =	sadd.s32 s28, s30;
	s2 =	spop (v2sf)  }
0xfe: {  	v7 =	vsub.s32 s28, v7;
	s31 =	spop (v2sf)  }
0xff: {  	v3 =	vadd.s32 v3, v7;
	s28 =	sadd.s32 s28, s31  }
0x100: {  	vm0 =	vlt.s32 v7, $0x100;
	vm1 =	vgt.s32 v3, $0xFF;
	v3 =	vsub.s32 s28, v8  }
0x101: {  	vm0 =	vmand vm0, vm1;
	v4 =	vadd.s32 v4, v3  }
0x102: {  	v7 =	vnsel vm0, $0x0, v7;
	vm1 =	vlt.s32 v3, $0x100;
	vm2 =	vgt.s32 v4, $0xFF  }
0x103: {  	v4 =	vnsel vm0, $0x0, v5;
	(xrf0) =	vadd.scan.msk.s32 $0xffff, v7;
	vm0 =	vmand vm1, vm2  }
0x104: {  	(xrf0) =	vadd.scan.msk.s32 $0xffff, v4;
	v3 =	vnsel vm0, $0x0, v3  }
0x105: {  	v4 =	vnsel vm0, $0x0, v6;
	(xrf0) =	vadd.scan.msk.s32 $0xffff, v3  }
0x106: {  	(xrf0) =	vadd.scan.msk.s32 $0xffff, v4;
	_ =	sdelay $0x2  }
0x107: {  	v3, _, _ =	vpop (xrf0)  }
0x108: {  	v4, _, _ =	vpop (xrf0);
	(v2sf) =	vpush v3, $0xF  }
0x109: {  	(v2sf) =	vpush v4, $0xF;
	v3, _, _ =	vpop (xrf0)  }
0x10a: {  	v4, _, _ =	vpop (xrf0);
	(v2sf) =	vpush v3, $0xF  }
0x10b: {  	(v2sf) =	vpush v4, $0xF;
	_ =	sdelay $0x6  }
0x10c: {  	s20 =	sadd.s32 s20, s23;
	[tilespmem:$0x1D960] =	vst v0;
	s28 =	simm.s32 $0x20  }
0x10d: {  	s20 =	sadd.s32 s20, s0;
	v8 =	vld [tilespmem:s28+$0xFFFFFFF0]  }
0x10e: {  	s20 =	sadd.s32 s20, s29;
	v7 =	vld [tilespmem:s28+$0x10]  }
0x10f: {  	s20 =	sadd.s32 s20, s2;
	s2 =	simm.s32 $0x2;
	v10 =	vld [tilespmem:s28+$0xFFFFFFE0]  }
0x110: {  	s0 =	simm.s32 $0x0;
	s30 =	simm.s32 $0x1;
	v11 =	vmov s2  }
0x111: {  	v11 =	vand.u32 $0xFFFFFFFE, v11;
	v5 =	vmov s30;
	v4 =	vmov s0;
	s23 =	spop (v2sf)  }
0x112: {  	v9 =	vld [tilespmem:s28+$0x0];
	v5 =	vand.u32 $0xFFFFFFFD, v5;
	v60 =	vshra.s32 v8, $0x1F;
	v4 =	vand.u32 $0xFFFFFFFC, v4;
	s31 =	spop (v2sf)  }
0x113: {  	v6 =	vbroadcast v4, $0x0;
	v4 =	vbroadcast v5, $0x0;
	v5 =	vshra.s32 v7, $0x1F;
	s29 =	spop (v2sf)  }
0x114: {  	v62 =	vshra.s32 v10, $0x1F;
	v13 =	vor.u32 $0x80000000, v60;
	s0 =	simm.s32 $0x3;
	v61 =	vor.u32 $0x80000000, v5;
	s20 =	sadd.s32 s20, s31;
	s24 =	spop (v2sf)  }
0x115: {  	v14 =	vor.u32 $0x80000000, v62;
	v59 =	vmov s0;
	v7 =	vxor.u32 v7, v61;
	s20 =	sadd.s32 s20, s24  }
0x116: {  	v8 =	vxor.u32 v8, v13;
	v7 =	vshrl.u32 v7, $0x18;
	s31 =	sadd.s32 s21, s22;
	v3 =	vmov s20  }
0x117: {  	v5 =	vbroadcast v11, $0x0;
	v11 =	vshra.s32 v9, $0x1F;
	s0 =	sadd.s32 s31, s26;
	vm0 =	vge.u32 v7, v3  }
0x118: {  	v11 =	vor.u32 $0x80000000, v11;
	s0 =	sadd.s32 s0, s25;
	v7 =	vxor.u32 v10, v14;
	v10 =	vmpcnt.ones.xlane vm0  }
0x119: {  	v8 =	vshrl.u32 v8, $0x18;
	v9 =	vxor.u32 v9, v11;
	s0 =	sadd.s32 s0, s23;
	s23 =	simm.s32 $0x60;
	v63 =	vshrl.u32 v7, $0x18  }
0x11a: {  	s21 =	simm.s32 $0x4;
	s24 =	simm.s32 $0x8;
	s22 =	sadd.s32 s0, s29;
	v7 =	vld [tilespmem:s23+$0x10];
	vm0 =	vge.u32 v8, v3;
	v8 =	vshrl.u32 v9, $0x18;
	vm1 =	vge.u32 v63, v3;
	[tilespmem:v59+s14+$0x0] =	vst.idx.msk $0x1, v10  }
.LBB2_11:
0x11b: {  	p0 =	slt.u32 s24, $0x1864;
	v9 =	vld [tilespmem:s23+$0xFFFFFFF0];
	v10 =	vmpcnt.ones.xlane vm1;
	v11 =	vmpcnt.ones.xlane vm0;
	vm0 =	vge.u32 v8, v3  }
0x11c: {  	v8 =	vmov s21;
	s0 =	sadd.s32 $0x1, s21;
	v12 =	vld [tilespmem:s23+$0x0];
	v13 =	vmpcnt.ones.xlane vm0  }
0x11d: {  	v8 =	vand.u32 $0xFFFFFFFC, v8;
	v15 =	vmov s0;
	s0 =	sadd.s32 $0x2, s21;
	v14 =	vld [tilespmem:s23+$0xFFFFFFE0];
	[tilespmem:v6+s14+$0x0] =	vst.idx.msk $0x1, v10  }
0x11e: {  	v6 =	vbroadcast v8, $0x0;
	v8 =	vand.u32 $0xFFFFFFFD, v15;
	v10 =	vmov s0;
	[tilespmem:v4+s14+$0x0] =	vst.idx.msk $0x1, v11  }
0x11f: {  	v4 =	vbroadcast v8, $0x0;
	v8 =	vand.u32 $0xFFFFFFFE, v10;
	v10 =	vshra.s32 v7, $0x1F;
	[tilespmem:v5+s14+$0x0] =	vst.idx.msk $0x1, v13  }
0x120: {  	s0 =	sadd.s32 $0x3, s21;
	s21 =	smov.u32 s24;
	v5 =	vbroadcast v8, $0x0;
	v11 =	vshra.s32 v9, $0x1F;
	v8 =	vor.u32 $0x80000000, v10  }
0x121: {  	v13 =	vmov s0;
	v10 =	vshra.s32 v12, $0x1F;
	v7 =	vxor.u32 v7, v8  }
.Ltmp8:
0x122: {  	v11 =	vor.u32 $0x80000000, v11;
	v8 =	vshra.s32 v14, $0x1F;
	v7 =	vshrl.u32 v7, $0x18;
	(pc) =	sbr.rel @p0 .LBB2_11-.Ltmp8, $4  }
0x123: {  	v10 =	vor.u32 $0x80000000, v10;
	v8 =	vor.u32 $0x80000000, v8;
	vm0 =	vge.u32 v7, v3  }
0x124: {  	v7 =	vxor.u32 v14, v8;
	v8 =	vxor.u32 v9, v11;
	v9 =	vmpcnt.ones.xlane vm0  }
0x125: {  	s23 =	sadd.s32 $0x40, s23;
	v10 =	vxor.u32 v12, v10;
	v11 =	vshrl.u32 v7, $0x18;
	v8 =	vshrl.u32 v8, $0x18  }
0x126: {  	s24 =	sadd.s32 $0x4, s24;
	v7 =	vld [tilespmem:s23+$0x10];
	vm1 =	vge.u32 v11, v3;
	vm0 =	vge.u32 v8, v3;
	v8 =	vshrl.u32 v10, $0x18;
	[tilespmem:v13+s14+$0x0] =	vst.idx.msk $0x1, v9  }
0x127: {  	v54 =	vld [tilespmem:s23+$0xFFFFFFE0]  }
0x128: {  	v9 =	vmpcnt.ones.xlane vm1;
	vm11 =	vge.u32 v8, v3;
	v10 =	vld [tilespmem:s23+$0xFFFFFFF0]  }
0x129: {  	v11 =	vmpcnt.ones.xlane vm0;
	v12 =	vmov s21;
	s0 =	sadd.s32 $0x1, s21;
	v16 =	vld [tilespmem:s23+$0x0];
	s30 =	sadd.s32 $0x2, s21;
	v13 =	vmpcnt.ones.xlane vm11  }
0x12a: {  	s31 =	sadd.s32 $0x3, s21;
	v12 =	vand.u32 $0xFFFFFFFC, v12;
	v14 =	vmov s0;
	v17 =	vmov s30  }
0x12b: {  	v59 =	vmov s31;
	v12 =	vbroadcast v12, $0x0;
	v14 =	vand.u32 $0xFFFFFFFD, v14  }
0x12c: {  	v56 =	vand.u32 $0xFFFFFFFE, v17;
	v14 =	vbroadcast v14, $0x0;
	v15 =	vshra.s32 v7, $0x1F  }
0x12d: {  	v15 =	vor.u32 $0x80000000, v15;
	v57 =	vshra.s32 v54, $0x1F;
	v58 =	vshra.s32 v10, $0x1F  }
0x12e: {  	v60 =	vshra.s32 v16, $0x1F;
	v55 =	vxor.u32 v7, v15;
	v17 =	vor.u32 $0x80000000, v57  }
0x12f: {  	v15 =	vbroadcast v56, $0x0;
	v61 =	vor.u32 $0x80000000, v60;
	v7 =	vshrl.u32 v55, $0x18  }
0x130: {  	v8 =	vxor.u32 v54, v17;
	vm12 =	vge.u32 v7, v3;
	v7 =	vor.u32 $0x80000000, v58  }
0x131: {  	[tilespmem:v6+s14+$0x0] =	vst.idx.msk $0x1, v9;
	v6 =	vxor.u32 v16, v61;
	v8 =	vshrl.u32 v8, $0x18;
	v7 =	vxor.u32 v10, v7  }
0x132: {  	[tilespmem:v4+s14+$0x0] =	vst.idx.msk $0x1, v11;
	v62 =	vmpcnt.ones.xlane vm12;
	vm13 =	vge.u32 v8, v3;
	v4 =	vshrl.u32 v7, $0x18  }
0x133: {  	[tilespmem:v5+s14+$0x0] =	vst.idx.msk $0x1, v13;
	v5 =	vmpcnt.ones.xlane vm13;
	vm14 =	vge.u32 v4, v3;
	v4 =	vshrl.u32 v6, $0x18  }
0x134: {  	[tilespmem:v59+s14+$0x0] =	vst.idx.msk $0x1, v62;
	v63 =	vmpcnt.ones.xlane vm14;
	vm15 =	vge.u32 v4, v3  }
0x135: {  	[tilespmem:v12+s14+$0x0] =	vst.idx.msk $0x1, v5;
	v4 =	vmpcnt.ones.xlane vm15  }
0x136: {  	[tilespmem:v14+s14+$0x0] =	vst.idx.msk $0x1, v63  }
0x137: {  	s21 =	simm.s32 $0x1868;
	s24 =	simm.s32 $0x18680;
	[tilespmem:v15+s14+$0x0] =	vst.idx.msk $0x1, v4  }
.LBB2_13:
0x138: {  	v4 =	vld [tilespmem:s24+$0x0];
	_ =	sdelay $0x4  }
0x139: {  	v5 =	vshra.s32 v4, $0x1F  }
0x13a: {  	v5 =	vor.u32 $0x80000000, v5  }
0x13b: {  	p0 =	sne.s32 s21, $0x1869;
	v4 =	vxor.u32 v4, v5;
	v5 =	vmov s21  }
.Ltmp9:
0x13c: {  	v4 =	vshrl.u32 v4, $0x18;
	(pc) =	sbr.rel @p0 .LBB2_13-.Ltmp9, $3  }
0x13d: {  	vm0 =	vge.u32 v4, v3  }
0x13e: {  	v4 =	vmpcnt.ones.xlane vm0;
	_ =	sdelay $0x1  }
0x13f: {  	s24 =	sadd.s32 $0x10, s24;
	s23 =	simm.s32 $0x0;
	s21 =	sadd.s32 $0x1, s21;
	[tilespmem:v5+s14+$0x0] =	vst.idx.msk $0x1, v4  }
0x140: {  	s0 =	sshra.s32 s23, $0x2  }
0x141: {  	v4 =	vld [tilespmem:s0+$0x1C100];
	_ =	sdelay $0x4  }
0x142: {  	(xrf0) =	vadd.scan.msk.s32 $0xffff, v4;
	_ =	sdelay $0x5  }
0x143: {  	v5, _, _ =	vpop (xrf0)  }
0x144: {  	(v2sf) =	vpush v5, $0xF  }
0x145: {  	v4 =	vsub.s32 s23, v4  }
0x146: {  	s24 =	sadd.s32 $0x40, s23;
	v4 =	vadd.s32 v5, v4  }
0x147: {  	s21 =	sshra.s32 s24, $0x2;
	s25 =	sadd.s32 $0x40, s24;
	s24 =	simm.s32 $0x0;
	[tilespmem:s0+$0x1C100] =	vst v4  }
.LBB2_15:
0x148: {  	p0 =	sne.s32 s25, $0x6180;
	v4 =	vld [tilespmem:s21+$0x1C100];
	_ =	sdelay $0x4  }
0x149: {  	(xrf0) =	vadd.scan.msk.s32 $0xffff, v4;
	_ =	sdelay $0x5  }
.Ltmp10:
0x14a: {  	v5, _, _ =	vpop (xrf0);
	s0 =	spop (v2sf);
	(pc) =	sbr.rel @p0 .LBB2_15-.Ltmp10, $4  }
0x14b: {  	(v2sf) =	vpush v5, $0xF;
	s24 =	sadd.s32 s24, s0  }
0x14c: {  	v4 =	vsub.s32 s24, v4  }
0x14d: {  	v4 =	vadd.s32 v5, v4  }
0x14e: {  	[tilespmem:s21+$0x1C100] =	vst v4;
	s21 =	sshra.s32 s25, $0x2;
	s25 =	sadd.s32 $0x40, s25  }
0x14f: {  	_ =	sdelay $0x1  }
0x150: {  	v4 =	vld [tilespmem:s21+$0x1C100];
	_ =	sdelay $0x4  }
0x151: {  	(xrf0) =	vadd.scan.msk.s32 $0xffff, v4;
	_ =	sdelay $0x3  }
0x152: {  	s0 =	spop (v2sf)  }
0x153: {  	s0 =	sadd.s32 s24, s0  }
0x154: {  	v5, _, _ =	vpop (xrf0);
	v4 =	vsub.s32 s0, v4  }
0x155: {  	v4 =	vadd.s32 v5, v4  }
0x156: {  	s25 =	simm.s32 $0x1C102;
	[tilespmem:s21+$0x1C100] =	vst v4  }
0x157: {  	v4 =	vld [tilespmem:s25+$0x1];
	_ =	sdelay $0x3  }
0x158: {  	(v2sf) =	vpush v5, $0xF;
	v6 =	vld [tilespmem:s25+$0xFFFFFFFE]  }
0x159: {  	v7 =	vld [tilespmem:s25+$0xFFFFFFFF];
	(v2sf) =	vpush v4, $0x0  }
0x15a: {  	v5 =	vld [tilespmem:s25+$0x0]  }
0x15b: {  	s26 =	simm.s32 $0x1C106  }
0x15c: {  	v8 =	vld [tilespmem:s26+$0x0]  }
0x15d: {  	s30 =	simm.s32 $0x20;
	v4 =	vld [tilespmem:s26+$0x1];
	(v2sf) =	vpush v6, $0x0  }
0x15e: {  	v11 =	vld [tilespmem:s30+$0xFFFFFFE0];
	(v2sf) =	vpush v7, $0x0  }
0x15f: {  	v6 =	vld [tilespmem:s26+$0xFFFFFFFE];
	(v2sf) =	vpush v5, $0x0  }
0x160: {  	v5 =	vld [tilespmem:s26+$0xFFFFFFFF]  }
0x161: {  	v7 =	vld [tilespmem:s30+$0x10]  }
0x162: {  	v10 =	vld [tilespmem:s30+$0x0];
	(v2sf) =	vpush v4, $0x0;
	_ =	sdelay $0x1  }
0x163: {  	v9 =	vld [tilespmem:s30+$0xFFFFFFF0];
	s25 =	simm.s32 $0x1C10A;
	(v2sf) =	vpush v6, $0x0  }
0x164: {  	v12 =	vld [tilespmem:s25+$0x1];
	(v2sf) =	vpush v5, $0x0  }
0x165: {  	v13 =	vshra.s32 v11, $0x1F;
	v4 =	vshra.s32 v7, $0x1F;
	(v2sf) =	vpush v8, $0x0;
	v8 =	vld [tilespmem:s25+$0xFFFFFFFE]  }
0x166: {  	v14 =	vld [tilespmem:s25+$0xFFFFFFFF];
	v13 =	vor.u32 $0x80000000, v13;
	s31 =	spop (v2sf);
	v6 =	vshra.s32 v10, $0x1F;
	v4 =	vor.u32 $0x80000000, v4  }
0x167: {  	v13 =	vxor.u32 v11, v13;
	v6 =	vor.u32 $0x80000000, v6;
	v4 =	vxor.u32 v7, v4;
	s28 =	spop (v2sf)  }
0x168: {  	s24 =	simm.s32 $0x60;
	v5 =	vshra.s32 v9, $0x1F;
	v6 =	vxor.u32 v10, v6;
	v7 =	vshrl.u32 v4, $0x18;
	p0 =	slt.s32 s28, $0x1000  }
0x169: {  	s26 =	simm.s32 $0x30;
	v5 =	vor.u32 $0x80000000, v5;
	(v2sf) =	vpush v12, $0x0;
	vm0 =	vge.u32 v7, v3;
	v7 =	vld [tilespmem:s24+$0x10];
	s28 =	simm.s32 @!p0 $0x1000  }
0x16a: {  	v11 =	vld [tilespmem:s25+$0x0];
	v9 =	vxor.u32 v9, v5;
	v5 =	vor.u32 s26, v1;
	(v2sf) =	vpush v8, $0x0;
	[tilespmem:s28+$0x18700] =	vst.msk vm0, v4  }
0x16b: {  	s21 =	sadd.s32 s0, s31;
	s0 =	spop (v2sf);
	(v2sf) =	vpush v14, $0x0;
	v4 =	vshrl.u32 v6, $0x18;
	[tilespmem:s28+$0x19780] =	vst.msk vm0, v5;
	v5 =	vld [tilespmem:s24+$0xFFFFFFF0]  }
0x16c: {  	s29 =	simm.s32 $0x10;
	v10 =	vshrl.u32 v13, $0x18;
	p0 =	slt.s32 s0, $0x1000;
	s26 =	spop (v2sf);
	vm0 =	vge.u32 v4, v3;
	v4 =	vld [tilespmem:s24+$0x0]  }
0x16d: {  	vm2 =	vge.u32 v10, v3;
	v10 =	vld [tilespmem:s24+$0xFFFFFFE0];
	v15 =	vshrl.u32 v9, $0x18;
	s0 =	simm.s32 @!p0 $0x1000;
	p0 =	slt.s32 s26, $0x1000;
	s25 =	spop (v2sf)  }
0x16e: {  	s30 =	simm.s32 $0x20;
	vm1 =	vge.u32 v15, v3;
	v15 =	vor.u32 s23, v1;
	v16 =	vshra.s32 v7, $0x1F;
	s26 =	simm.s32 @!p0 $0x1000;
	p0 =	slt.s32 s25, $0x1000;
	[tilespmem:s0+$0x18700] =	vst.msk vm2, v13  }
0x16f: {  	v12 =	vor.u32 s29, v1;
	s29 =	simm.s32 $0x1C10E;
	v8 =	vor.u32 s30, v1;
	s28 =	simm.s32 $0x8;
	v13 =	vor.u32 $0x80000000, v16;
	s25 =	simm.s32 @!p0 $0x1000;
	[tilespmem:s0+$0x19780] =	vst.msk vm2, v15  }
.LBB2_17:
0x170: {  	v14 =	vld [tilespmem:s29+$0x1];
	(v2sf) =	vpush v11, $0x0;
	v11 =	vshra.s32 v5, $0x1F;
	v13 =	vxor.u32 v7, v13;
	s0 =	spop (v2sf);
	[tilespmem:s26+$0x18700] =	vst.msk vm1, v9;
	s23 =	sadd.s32 $0x40, s23  }
0x171: {  	s28 =	sadd.s32 $0x4, s28;
	s24 =	sadd.s32 $0x40, s24;
	v15 =	vld [tilespmem:s29+$0xFFFFFFFE];
	v9 =	vor.u32 $0x80000000, v11;
	v7 =	vshra.s32 v4, $0x1F;
	v11 =	vshrl.u32 v13, $0x18;
	p1 =	slt.s32 s0, $0x1000;
	[tilespmem:s26+$0x19780] =	vst.msk vm1, v12  }
0x172: {  	p0 =	slt.u32 s28, $0x1864;
	s26 =	sadd.s32 $0x30, s23;
	v16 =	vld [tilespmem:s29+$0xFFFFFFFF];
	v12 =	vshra.s32 v10, $0x1F;
	v17 =	vor.u32 $0x80000000, v7;
	vm1 =	vge.u32 v11, v3;
	s0 =	simm.s32 @!p1 $0x1000;
	[tilespmem:s25+$0x18700] =	vst.msk vm0, v6  }
0x173: {  	s2 =	spop (v2sf)  }
0x174: {  	s30 =	sadd.s32 $0x10, s23;
	s31 =	sadd.s32 $0x20, s23;
	v9 =	vxor.u32 v5, v9;
	v5 =	vor.u32 s26, v1;
	v7 =	vld [tilespmem:s24+$0x10];
	v6 =	vor.u32 $0x80000000, v12;
	[tilespmem:s0+$0x18700] =	vst.msk vm1, v13;
	p1 =	slt.s32 s2, $0x1000  }
0x175: {  	v11 =	vld [tilespmem:s29+$0x0];
	v13 =	vxor.u32 v10, v6;
	v10 =	vshrl.u32 v9, $0x18;
	v6 =	vxor.u32 v4, v17;
	[tilespmem:s0+$0x19780] =	vst.msk vm1, v5;
	s26 =	spop (v2sf);
	s2 =	simm.s32 @!p1 $0x1000  }
.Ltmp11:
0x176: {  	(v2sf) =	vpush v14, $0x0;
	v5 =	vld [tilespmem:s24+$0xFFFFFFF0];
	v12 =	vshrl.u32 v13, $0x18;
	p1 =	slt.s32 s26, $0x1000;
	v14 =	vshrl.u32 v6, $0x18;
	s0 =	spop (v2sf);
	[tilespmem:s25+$0x19780] =	vst.msk vm0, v8;
	(pc) =	sbr.rel @p0 .LBB2_17-.Ltmp11, $4  }
0x177: {  	vm1 =	vge.u32 v10, v3;
	v4 =	vld [tilespmem:s24+$0x0];
	vm2 =	vge.u32 v12, v3;
	s26 =	simm.s32 @!p1 $0x1000;
	vm0 =	vge.u32 v14, v3;
	p1 =	slt.s32 s0, $0x1000;
	s25 =	smov.u32 s0  }
0x178: {  	v8 =	vor.u32 s31, v1;
	v14 =	vor.u32 s23, v1;
	v12 =	vor.u32 s30, v1;
	v10 =	vld [tilespmem:s24+$0xFFFFFFE0];
	s25 =	simm.s32 @!p1 $0x1000  }
0x179: {  	(v2sf) =	vpush v15, $0x0;
	v15 =	vshra.s32 v7, $0x1F;
	[tilespmem:s2+$0x18700] =	vst.msk vm2, v13  }
0x17a: {  	s29 =	sadd.s32 $0x4, s29;
	(v2sf) =	vpush v16, $0x0;
	v13 =	vor.u32 $0x80000000, v15;
	[tilespmem:s2+$0x19780] =	vst.msk vm2, v14  }
0x17b: {  	_ =	sdelay $0x1  }
0x17c: {  	(v2sf) =	vpush v11, $0x0;
	v7 =	vxor.u32 v7, v13;
	s0 =	spop (v2sf);
	[tilespmem:s26+$0x18700] =	vst.msk vm1, v9  }
0x17d: {  	s2 =	sadd.s32 $0x40, s24;
	s23 =	sadd.s32 $0x40, s23;
	[tilespmem:s25+$0x18700] =	vst.msk vm0, v6;
	v38 =	vshrl.u32 v7, $0x18;
	p0 =	slt.s32 s0, $0x1000;
	v39 =	vshra.s32 v10, $0x1F  }
0x17e: {  	v42 =	vshra.s32 v5, $0x1F;
	[tilespmem:s26+$0x19780] =	vst.msk vm1, v12;
	v40 =	vld [tilespmem:s2+$0x10];
	s30 =	sadd.s32 $0x30, s23;
	vm8 =	vge.u32 v38, v3;
	s0 =	simm.s32 @!p0 $0x1000;
	v41 =	vor.u32 $0x80000000, v39  }
0x17f: {  	s24 =	spop (v2sf);
	v9 =	vor.u32 $0x80000000, v42;
	v43 =	vor.u32 s30, v1;
	[tilespmem:s0+$0x18700] =	vst.msk vm8, v7;
	v6 =	vxor.u32 v10, v41  }
0x180: {  	v46 =	vld [tilespmem:s2+$0xFFFFFFE0];
	p0 =	slt.s32 s24, $0x1000;
	v5 =	vxor.u32 v5, v9;
	[tilespmem:s0+$0x19780] =	vst.msk vm8, v43;
	s0 =	spop (v2sf);
	v45 =	vshrl.u32 v6, $0x18  }
0x181: {  	v44 =	vshra.s32 v4, $0x1F;
	[tilespmem:s25+$0x19780] =	vst.msk vm0, v8;
	s24 =	simm.s32 @!p0 $0x1000;
	v47 =	vshrl.u32 v5, $0x18;
	p0 =	slt.s32 s0, $0x1000;
	vm9 =	vge.u32 v45, v3  }
0x182: {  	v48 =	vld [tilespmem:s2+$0xFFFFFFF0];
	v10 =	vor.u32 $0x80000000, v44;
	vm10 =	vge.u32 v47, v3;
	s0 =	simm.s32 @!p0 $0x1000;
	[tilespmem:s24+$0x18700] =	vst.msk vm9, v6  }
0x183: {  	v49 =	vor.u32 s23, v1;
	s31 =	sadd.s32 $0x10, s23;
	v4 =	vxor.u32 v4, v10;
	s26 =	spop (v2sf);
	v50 =	vshra.s32 v40, $0x1F;
	[tilespmem:s0+$0x18700] =	vst.msk vm10, v5  }
0x184: {  	v53 =	vld [tilespmem:s2+$0x0];
	s28 =	sadd.s32 $0x40, s23;
	v54 =	vor.u32 s31, v1;
	v52 =	vshrl.u32 v4, $0x18;
	p0 =	slt.s32 s26, $0x1000;
	v51 =	vor.u32 $0x80000000, v50;
	[tilespmem:s24+$0x19780] =	vst.msk vm9, v49  }
0x185: {  	s23 =	sadd.s32 $0x20, s23;
	v55 =	vshra.s32 v46, $0x1F;
	vm11 =	vge.u32 v52, v3;
	s26 =	simm.s32 @!p0 $0x1000;
	v6 =	vxor.u32 v40, v51;
	[tilespmem:s0+$0x19780] =	vst.msk vm10, v54;
	s2 =	spop (v2sf)  }
0x186: {  	v57 =	vor.u32 s23, v1;
	[tilespmem:s26+$0x18700] =	vst.msk vm11, v4;
	v4 =	vor.u32 $0x80000000, v55;
	v5 =	vshrl.u32 v6, $0x18;
	p0 =	slt.s32 s2, $0x1000  }
0x187: {  	s29 =	sadd.s32 $0x30, s28;
	v4 =	vxor.u32 v46, v4;
	[tilespmem:s26+$0x19780] =	vst.msk vm11, v57;
	vm12 =	vge.u32 v5, v3;
	v5 =	vshra.s32 v48, $0x1F;
	s2 =	simm.s32 @!p0 $0x1000;
	s0 =	spop (v2sf)  }
0x188: {  	v56 =	vor.u32 s29, v1;
	v58 =	vshrl.u32 v4, $0x18;
	v5 =	vor.u32 $0x80000000, v5;
	[tilespmem:s2+$0x18700] =	vst.msk vm12, v6;
	p0 =	slt.s32 s0, $0x1000  }
0x189: {  	v59 =	vshra.s32 v53, $0x1F;
	vm13 =	vge.u32 v58, v3;
	v5 =	vxor.u32 v48, v5;
	[tilespmem:s2+$0x19780] =	vst.msk vm12, v56;
	s2 =	spop (v2sf);
	s0 =	simm.s32 @!p0 $0x1000  }
0x18a: {  	v62 =	vor.u32 s28, v1;
	v60 =	vor.u32 $0x80000000, v59;
	v61 =	vshrl.u32 v5, $0x18;
	p0 =	slt.s32 s2, $0x1000;
	[tilespmem:s0+$0x18700] =	vst.msk vm13, v4  }
0x18b: {  	s30 =	sadd.s32 $0x10, s28;
	vm14 =	vge.u32 v61, v3;
	s25 =	spop (v2sf);
	v4 =	vxor.u32 v53, v60;
	s2 =	simm.s32 @!p0 $0x1000;
	[tilespmem:s0+$0x19780] =	vst.msk vm13, v62  }
0x18c: {  	v63 =	vor.u32 s30, v1;
	p0 =	slt.s32 s25, $0x1000;
	v6 =	vshrl.u32 v4, $0x18;
	[tilespmem:s2+$0x18700] =	vst.msk vm14, v5  }
0x18d: {  	s31 =	sadd.s32 $0x20, s28;
	s25 =	simm.s32 @!p0 $0x1000;
	vm15 =	vge.u32 v6, v3;
	[tilespmem:s2+$0x19780] =	vst.msk vm14, v63  }
0x18e: {  	v5 =	vor.u32 s31, v1;
	[tilespmem:s25+$0x18700] =	vst.msk vm15, v4  }
0x18f: {  	s23 =	simm.s32 $0x1D968;
	s24 =	simm.s32 $0x18680;
	[tilespmem:s25+$0x19780] =	vst.msk vm15, v5;
	s25 =	simm.s32 $0x18680  }
.LBB2_19:
0x190: {  	v4 =	vld [tilespmem:s23+$0x0];
	_ =	sdelay $0x4  }
0x191: {  	(v2sf) =	vpush v4, $0x0;
	_ =	sdelay $0xa  }
0x192: {  	v4 =	vld [tilespmem:s24+$0x0];
	_ =	sdelay $0x3  }
0x193: {  	s0 =	spop (v2sf)  }
0x194: {  	v5 =	vshra.s32 v4, $0x1F;
	p0 =	slt.s32 s0, $0x1000  }
0x195: {  	v5 =	vor.u32 $0x80000000, v5;
	s0 =	simm.s32 @!p0 $0x1000;
	p0 =	seq.s32 s25, $0x18690  }
.Ltmp12:
0x196: {  	v4 =	vxor.u32 v4, v5;
	(pc) =	sbr.rel @!p0 .LBB2_19-.Ltmp12, $4  }
0x197: {  	v5 =	vshrl.u32 v4, $0x18  }
0x198: {  	vm0 =	vge.u32 v5, v3  }
0x199: {  	[tilespmem:s0+$0x18700] =	vst.msk vm0, v4;
	v4 =	vor.u32 s25, v1  }
0x19a: {  	s23 =	sadd.s32 $0x1, s23;
	s24 =	sadd.s32 $0x10, s24;
	s25 =	sadd.s32 $0x10, s25;
	[tilespmem:s0+$0x19780] =	vst.msk vm0, v4  }
0x19b: {  	s23 =	simm.s32 $0x40;
	s24 =	simm.s32 $0x0  }
.LBB2_21:
0x19c: {  	p0 =	seq.s32 s23, $0x3FC0;
	[tilespmem:s24+$0x1A800] =	vst v0;
	s0 =	smov.u32 s23;
	s23 =	sadd.s32 $0x40, s23  }
.Ltmp13:
0x19d: {  	(pc) =	sbr.rel @!p0 .LBB2_21-.Ltmp13, $2  }
0x19e: {  	_ =	sdelay $0x2  }
0x19f: {  	s24 =	sshra.s32 s0, $0x2  }
0x1a0: {  	p0 =	slt.s32 s21, $0x1000  }
0x1a1: {  	p1 =	slt.s32 s21, $0xFFFFFFF2;
	s21 =	simm.s32 @!p0 $0x1000  }
0x1a2: {  	s0 =	sadd.s32 $0xF, s21  }
0x1a3: {  	s2 =	sand.u32 $0xF, s0  }
0x1a4: {  	s31 =	sshra.s32 s0, $0x1F;
	p6 =	sne.s32 s2, $0x0  }
0x1a5: {  	s2 =	sshrl.u32 s31, $0x1C;
	p0 =	por !p1, !p6  }
0x1a6: {  	s0 =	sadd.s32 s2, s0;
	s2 =	simm.s32 $0x1;
	p0 =	por !p0, !p0  }
0x1a7: {  	s0 =	sshra.s32 s0, $0x4;
	s2 =	simm.s32 @!p0 $0x0  }
0x1a8: {  	s23 =	ssub.s32 s0, s2  }
0x1a9: {  	p0 =	sgt.s32 s23, $0x0  }
.Ltmp14:
0x1aa: {  	_ = 	snop;
	(pc) =	sbr.rel @!p0 .LBB2_29-.Ltmp14, $2  }
0x1ab: {  	_ =	sdelay $0x2  }
0x1ac: {  	[tilespmem:s24+$0x1A800] =	vst v0;
	s24 =	simm.s32 $0x18700  }
0x1ad: {  	p1 =	sne.s32 s23, $0x1  }
.Ltmp15:
0x1ae: {  	_ = 	snop;
	(pc) =	sbr.rel @!p1 .LBB2_24-.Ltmp15, $2  }
0x1af: {  	_ =	sdelay $0x2  }
0x1b0: {  	v4 =	vld [tilespmem:s24+$0x0];
	s26 =	sadd.s32 $0xFFFFFFFF, s23;
	p0 =	por $0x0, $0x0  }
0x1b1: {  	_ =	sdelay $0x3  }
0x1b2: {  	v5 =	vmov s21;
	v6 =	vshrl.u32 v4, $0x18  }
0x1b3: {  	vm0 =	vgt.s32 v5, v1;
	v4 =	vshrl.u32 v4, $0xC;
	vm1 =	veq.s32 v6, v3  }
0x1b4: {  	v4 =	vand.u32 $0xFF0, v4;
	vm0 =	vmand vm0, vm1  }
0x1b5: {  	v4 =	vor.u32 v1, v4  }
0x1b6: {  	p1 =	sne.s32 s26, $0x1  }
.Ltmp16:
0x1b7: {  	_ = 	snop;
	(pc) =	sbr.rel @!p1 .LBB2_26-.Ltmp16, $3  }
0x1b8: {  	_ =	sdelay $0x1  }
0x1b9: {  	s25 =	sadd.s32 $0x10, s24;
	[tilespmem:v4+s13+$0x0] =	vst.idx.add.s32.msk vm0, v2  }
0x1ba: {  	s26 =	sadd.s32 $0xFFFFFFFF, s26;
	p0 =	por $0x1, $0x1;
	s24 =	smov.u32 s21;
	v4 =	vld [tilespmem:s25+$0x0]  }
.LBB2_27:
0x1bb: {  	p1 =	sne.s32 s26, $0x1;
	_ =	sdelay $0x2  }
0x1bc: {  	s24 =	sadd.s32 $0xFFFFFFF0, s24  }
0x1bd: {  	v5 =	vmov s24;
	v6 =	vshrl.u32 v4, $0x18  }
0x1be: {  	vm0 =	vgt.s32 v5, v1;
	v4 =	vshrl.u32 v4, $0xC;
	vm1 =	veq.s32 v6, v3  }
0x1bf: {  	v4 =	vand.u32 $0xFF0, v4;
	vm0 =	vmand vm0, vm1  }
0x1c0: {  	v4 =	vor.u32 v1, v4;
	_ =	sdelay $0x1  }
.Ltmp17:
0x1c1: {  	(pc) =	sbr.rel @p1 .LBB2_27-.Ltmp17, $3  }
0x1c2: {  	_ =	sdelay $0x1  }
0x1c3: {  	s25 =	sadd.s32 $0x10, s25;
	[tilespmem:v4+s13+$0x0] =	vst.idx.add.s32.msk vm0, v2  }
0x1c4: {  	s26 =	sadd.s32 $0xFFFFFFFF, s26;
	v4 =	vld [tilespmem:s25+$0x0]  }
.LBB2_28:
0x1c5: {  	_ =	sdelay $0x1  }
0x1c6: {  	s0 =	sadd.s32 @p0 $0xFFFFFFF0, s24;
	s2 =	smov.u32 s21  }
0x1c7: {  	s2 =	smov.u32 @p0 s0  }
0x1c8: {  	v5 =	vmov s2;
	v6 =	vshrl.u32 v4, $0x18  }
0x1c9: {  	vm0 =	vgt.s32 v5, v1;
	vm1 =	veq.s32 v6, v3;
	v3 =	vshrl.u32 v4, $0xC  }
0x1ca: {  	vm0 =	vmand vm0, vm1;
	v3 =	vand.u32 $0xFF0, v3  }
0x1cb: {  	v3 =	vor.u32 v1, v3;
	_ =	sdelay $0x4  }
0x1cc: {  	[tilespmem:v3+s13+$0x0] =	vst.idx.add.s32.msk vm0, v2  }
.LBB2_29:
0x1cd: {  	s0 =	simm.s32 $0xF0  }
0x1ce: {  	v8 =	vor.u32 s0, v1  }
0x1cf: {  	v4 =	vshll.u32 v8, $0x4  }
0x1d0: {  	v3 =	vor.u32 $0x1, v4  }
0x1d1: {  	v5 =	vor.u32 $0x2, v4  }
0x1d2: {  	v6 =	vor.u32 $0x3, v4  }
0x1d3: {  	v7 =	vor.u32 $0x4, v4  }
0x1d4: {  	v9 =	vor.u32 $0x5, v4;
	v10 =	vld.idx.msk [tilespmem:v4+s13+$0x0], $0xffff  }
0x1d5: {  	v11 =	vor.u32 $0x6, v4;
	v3 =	vld.idx.msk [tilespmem:v3+s13+$0x0], $0xffff  }
0x1d6: {  	v12 =	vor.u32 $0x7, v4;
	v5 =	vld.idx.msk [tilespmem:v5+s13+$0x0], $0xffff  }
0x1d7: {  	v13 =	vor.u32 $0x8, v4;
	v6 =	vld.idx.msk [tilespmem:v6+s13+$0x0], $0xffff  }
0x1d8: {  	v14 =	vor.u32 $0x9, v4;
	v7 =	vld.idx.msk [tilespmem:v7+s13+$0x0], $0xffff  }
0x1d9: {  	v15 =	vor.u32 $0xA, v4;
	v9 =	vld.idx.msk [tilespmem:v9+s13+$0x0], $0xffff  }
0x1da: {  	v16 =	vor.u32 $0xB, v4;
	v11 =	vld.idx.msk [tilespmem:v11+s13+$0x0], $0xffff  }
0x1db: {  	v3 =	vadd.s32 v10, v3;
	v10 =	vld.idx.msk [tilespmem:v12+s13+$0x0], $0xffff;
	v12 =	vor.u32 $0xC, v4  }
0x1dc: {  	v3 =	vadd.s32 v5, v3;
	v5 =	vld.idx.msk [tilespmem:v13+s13+$0x0], $0xffff;
	v13 =	vor.u32 $0xD, v4  }
0x1dd: {  	s26 =	simm.s32 $0xE0;
	v17 =	vor.u32 $0xE, v4;
	v14 =	vld.idx.msk [tilespmem:v14+s13+$0x0], $0xffff;
	v4 =	vor.u32 $0xF, v4;
	v6 =	vadd.s32 v6, v3  }
0x1de: {  	v3 =	vor.u32 s26, v1;
	v6 =	vadd.s32 v7, v6;
	v7 =	vld.idx.msk [tilespmem:v15+s13+$0x0], $0xffff  }
0x1df: {  	v15 =	vshll.u32 v3, $0x4;
	v6 =	vadd.s32 v9, v6;
	v9 =	vld.idx.msk [tilespmem:v16+s13+$0x0], $0xffff  }
0x1e0: {  	v16 =	vor.u32 $0x1, v15;
	v6 =	vadd.s32 v11, v6;
	v11 =	vld.idx.msk [tilespmem:v12+s13+$0x0], $0xffff  }
0x1e1: {  	v20 =	vor.u32 $0xC, v15;
	v6 =	vadd.s32 v10, v6;
	v10 =	vld.idx.msk [tilespmem:v13+s13+$0x0], $0xffff  }
0x1e2: {  	v21 =	vor.u32 $0xD, v15;
	v4 =	vld.idx.msk [tilespmem:v4+s13+$0x0], $0xffff;
	v5 =	vadd.s32 v5, v6  }
0x1e3: {  	v22 =	vor.u32 $0xE, v15;
	v6 =	vld.idx.msk [tilespmem:v17+s13+$0x0], $0xffff;
	v5 =	vadd.s32 v14, v5  }
0x1e4: {  	v12 =	vor.u32 $0x2, v15;
	v18 =	vld.idx.msk [tilespmem:v15+s13+$0x0], $0xffff;
	v5 =	vadd.s32 v7, v5  }
0x1e5: {  	v13 =	vor.u32 $0x3, v15;
	v7 =	vld.idx.msk [tilespmem:v16+s13+$0x0], $0xffff;
	v5 =	vadd.s32 v9, v5  }
0x1e6: {  	v17 =	vor.u32 $0x4, v15;
	v20 =	vld.idx.msk [tilespmem:v20+s13+$0x0], $0xffff;
	v5 =	vadd.s32 v11, v5  }
0x1e7: {  	v14 =	vor.u32 $0x5, v15;
	v21 =	vld.idx.msk [tilespmem:v21+s13+$0x0], $0xffff;
	v5 =	vadd.s32 v10, v5  }
0x1e8: {  	v16 =	vor.u32 $0x6, v15;
	v22 =	vld.idx.msk [tilespmem:v22+s13+$0x0], $0xffff;
	v5 =	vadd.s32 v6, v5  }
0x1e9: {  	v9 =	vld.idx.msk [tilespmem:v12+s13+$0x0], $0xffff;
	v12 =	vor.u32 $0x7, v15;
	v19 =	vadd.s32 v4, v5  }
0x1ea: {  	v11 =	vld.idx.msk [tilespmem:v13+s13+$0x0], $0xffff;
	v13 =	vor.u32 $0x8, v15;
	(xrf0) =	vadd.scan.msk.s32 $0xffff, v19  }
0x1eb: {  	v10 =	vld.idx.msk [tilespmem:v17+s13+$0x0], $0xffff;
	v17 =	vor.u32 $0x9, v15  }
0x1ec: {  	v6 =	vld.idx.msk [tilespmem:v14+s13+$0x0], $0xffff;
	v14 =	vor.u32 $0xA, v15  }
0x1ed: {  	s28 =	simm.s32 $0xD0;
	v5 =	vld.idx.msk [tilespmem:v16+s13+$0x0], $0xffff;
	v16 =	vor.u32 $0xB, v15;
	v7 =	vadd.s32 v18, v7  }
0x1ee: {  	v4 =	vor.u32 s28, v1;
	v15 =	vor.u32 $0xF, v15;
	v12 =	vld.idx.msk [tilespmem:v12+s13+$0x0], $0xffff;
	v7 =	vadd.s32 v9, v7  }
0x1ef: {  	v23 =	vshll.u32 v4, $0x4;
	v13 =	vld.idx.msk [tilespmem:v13+s13+$0x0], $0xffff;
	v7 =	vadd.s32 v11, v7  }
0x1f0: {  	v18 =	vor.u32 $0x1, v23;
	v17 =	vld.idx.msk [tilespmem:v17+s13+$0x0], $0xffff;
	v7 =	vadd.s32 v10, v7;
	v24, _, _ =	vpop (xrf0)  }
0x1f1: {  	v9 =	vor.u32 $0x2, v23;
	v14 =	vld.idx.msk [tilespmem:v14+s13+$0x0], $0xffff;
	v6 =	vadd.s32 v6, v7;
	(v2sf) =	vpush v24, $0xF  }
0x1f2: {  	v11 =	vor.u32 $0x3, v23;
	v16 =	vld.idx.msk [tilespmem:v16+s13+$0x0], $0xffff;
	v5 =	vadd.s32 v5, v6  }
0x1f3: {  	v10 =	vor.u32 $0x4, v23;
	v15 =	vld.idx.msk [tilespmem:v15+s13+$0x0], $0xffff;
	v5 =	vadd.s32 v12, v5  }
0x1f4: {  	v7 =	vor.u32 $0x5, v23;
	v25 =	vld.idx.msk [tilespmem:v23+s13+$0x0], $0xffff;
	v5 =	vadd.s32 v13, v5  }
0x1f5: {  	v6 =	vld.idx.msk [tilespmem:v18+s13+$0x0], $0xffff;
	v18 =	vor.u32 $0x6, v23;
	v5 =	vadd.s32 v17, v5  }
0x1f6: {  	v12 =	vor.u32 $0x7, v23;
	v9 =	vld.idx.msk [tilespmem:v9+s13+$0x0], $0xffff;
	v5 =	vadd.s32 v14, v5  }
0x1f7: {  	v11 =	vld.idx.msk [tilespmem:v11+s13+$0x0], $0xffff;
	v13 =	vor.u32 $0x8, v23;
	v5 =	vadd.s32 v16, v5  }
0x1f8: {  	v10 =	vld.idx.msk [tilespmem:v10+s13+$0x0], $0xffff;
	v17 =	vor.u32 $0x9, v23;
	v5 =	vadd.s32 v20, v5  }
0x1f9: {  	v14 =	vld.idx.msk [tilespmem:v7+s13+$0x0], $0xffff;
	v7 =	vor.u32 $0xA, v23;
	v5 =	vadd.s32 v21, v5  }
0x1fa: {  	v16 =	vld.idx.msk [tilespmem:v18+s13+$0x0], $0xffff;
	v18 =	vor.u32 $0xB, v23;
	v22 =	vadd.s32 v22, v5;
	v5 =	vadd.s32 v25, v6  }
0x1fb: {  	v12 =	vld.idx.msk [tilespmem:v12+s13+$0x0], $0xffff;
	v9 =	vadd.s32 v9, v5  }
0x1fc: {  	v13 =	vld.idx.msk [tilespmem:v13+s13+$0x0], $0xffff;
	v9 =	vadd.s32 v11, v9  }
0x1fd: {  	v20 =	vor.u32 $0xC, v23;
	v17 =	vld.idx.msk [tilespmem:v17+s13+$0x0], $0xffff;
	v9 =	vadd.s32 v10, v9  }
0x1fe: {  	v26 =	vld.idx.msk [tilespmem:v7+s13+$0x0], $0xffff;
	v9 =	vadd.s32 v14, v9  }
0x1ff: {  	v11 =	vld.idx.msk [tilespmem:v18+s13+$0x0], $0xffff;
	v9 =	vadd.s32 v16, v9  }
0x200: {  	v7 =	vadd.s32 v15, v22;
	v9 =	vadd.s32 v12, v9;
	s30 =	spop (v2sf)  }
0x201: {  	s29 =	simm.s32 $0xC0;
	v60 =	vor.u32 $0xE, v23;
	v21 =	vor.u32 $0xD, v23;
	(xrf0) =	vadd.scan.msk.s32 $0xffff, v7;
	v9 =	vadd.s32 v13, v9;
	s24 =	sadd.s32 $0x0, s30  }
0x202: {  	s2 =	ssub.s32 $0x100, s22;
	v6 =	vor.u32 s29, v1;
	v15 =	vld.idx.msk [tilespmem:v20+s13+$0x0], $0xffff;
	v9 =	vadd.s32 v17, v9;
	v22 =	vsub.s32 s24, v24  }
0x203: {  	v5 =	vmov s2;
	v9 =	vadd.s32 v26, v9;
	v19 =	vadd.s32 v19, v22  }
0x204: {  	v9 =	vadd.s32 v11, v9;
	vm0 =	vlt.s32 v22, v5;
	vm1 =	vge.s32 v19, v5  }
0x205: {  	v23 =	vor.u32 $0xF, v23;
	v27 =	vshll.u32 v6, $0x4;
	vm0 =	vmand vm0, vm1  }
0x206: {  	v10 =	vor.u32 $0x1, v27;
	v8 =	vnsel vm0, $0x0, v8  }
0x207: {  	(xrf0) =	vadd.scan.msk.s32 $0xffff, v8;
	v8 =	vadd.s32 v15, v9;
	v9, _, _ =	vpop (xrf0)  }
0x208: {  	v20 =	vld.idx.msk [tilespmem:v21+s13+$0x0], $0xffff;
	v12 =	vor.u32 $0x4, v27;
	(v2sf) =	vpush v9, $0xF  }
0x209: {  	v18 =	vor.u32 $0x2, v27;
	v21 =	vld.idx.msk [tilespmem:v60+s13+$0x0], $0xffff  }
0x20a: {  	v23 =	vld.idx.msk [tilespmem:v23+s13+$0x0], $0xffff;
	v16 =	vor.u32 $0x3, v27  }
0x20b: {  	v19 =	vld.idx.msk [tilespmem:v10+s13+$0x0], $0xffff;
	v10 =	vor.u32 $0x6, v27  }
0x20c: {  	v14 =	vor.u32 $0x5, v27;
	v13 =	vld.idx.msk [tilespmem:v27+s13+$0x0], $0xffff  }
0x20d: {  	v62 =	vld.idx.msk [tilespmem:v12+s13+$0x0], $0xffff;
	v12 =	vor.u32 $0x9, v27  }
0x20e: {  	v18 =	vld.idx.msk [tilespmem:v18+s13+$0x0], $0xffff;
	v22 =	vor.u32 $0x7, v27;
	v8 =	vadd.s32 v20, v8  }
0x20f: {  	v61 =	vor.u32 $0x8, v27;
	v11 =	vld.idx.msk [tilespmem:v16+s13+$0x0], $0xffff;
	v8 =	vadd.s32 v21, v8  }
0x210: {  	v63 =	vor.u32 $0xA, v27;
	v16 =	vld.idx.msk [tilespmem:v10+s13+$0x0], $0xffff;
	v10 =	vadd.s32 v23, v8  }
0x211: {  	v17 =	vor.u32 $0xB, v27;
	v15 =	vld.idx.msk [tilespmem:v14+s13+$0x0], $0xffff;
	(xrf0) =	vadd.scan.msk.s32 $0xffff, v10  }
0x212: {  	v12 =	vld.idx.msk [tilespmem:v12+s13+$0x0], $0xffff;
	v20 =	vor.u32 $0xC, v27;
	v8 =	vadd.s32 v13, v19  }
0x213: {  	v14 =	vld.idx.msk [tilespmem:v22+s13+$0x0], $0xffff;
	v19 =	vadd.s32 v18, v8;
	v18 =	vor.u32 $0xD, v27  }
0x214: {  	s31 =	simm.s32 $0xB0;
	v21 =	vor.u32 $0xF, v27;
	v13 =	vld.idx.msk [tilespmem:v61+s13+$0x0], $0xffff;
	v11 =	vadd.s32 v11, v19;
	v19 =	vor.u32 $0xE, v27;
	v23, _, _ =	vpop (xrf0)  }
0x215: {  	s22 =	simm.s32 $0x0;
	s25 =	simm.s32 $0xA0;
	v8 =	vor.u32 s31, v1;
	v22 =	vadd.s32 v62, v11;
	v11 =	vld.idx.msk [tilespmem:v63+s13+$0x0], $0xffff;
	(v2sf) =	vpush v23, $0xF  }
.LBB2_30:
0x216: {  	p0 =	seq.s32 s25, $0x0;
	v23 =	vshll.u32 v8, $0x4;
	v15 =	vadd.s32 v15, v22;
	v17 =	vld.idx.msk [tilespmem:v17+s13+$0x0], $0xffff  }
0x217: {  	v22 =	vor.u32 $0x1, v23;
	v24 =	vor.u32 $0x5, v23;
	v15 =	vadd.s32 v16, v15;
	v16 =	vld.idx.msk [tilespmem:v20+s13+$0x0], $0xffff;
	v20, _, _ =	vpop (xrf0);
	s0 =	spop (v2sf)  }
0x218: {  	v25 =	vor.u32 $0x2, v23;
	v14 =	vadd.s32 v14, v15;
	v15 =	vld.idx.msk [tilespmem:v18+s13+$0x0], $0xffff;
	(v2sf) =	vpush v20, $0xF;
	s24 =	sadd.s32 s24, s0  }
0x219: {  	v18 =	vor.u32 $0x3, v23;
	v13 =	vadd.s32 v13, v14;
	v14 =	vld.idx.msk [tilespmem:v19+s13+$0x0], $0xffff;
	v19 =	vsub.s32 s24, v9;
	v9 =	vmovc v20  }
0x21a: {  	v20 =	vor.u32 $0x4, v23;
	v12 =	vadd.s32 v12, v13;
	v13 =	vld.idx.msk [tilespmem:v21+s13+$0x0], $0xffff;
	v21 =	vadd.s32 v7, v19;
	v7 =	vmovc v10  }
0x21b: {  	vm0 =	vlt.s32 v19, v5;
	v26 =	vld.idx.msk [tilespmem:v23+s13+$0x0], $0xffff;
	v10 =	vadd.s32 v11, v12;
	vm1 =	vge.s32 v21, v5  }
0x21c: {  	v12 =	vor.u32 $0x6, v23;
	v11 =	vld.idx.msk [tilespmem:v22+s13+$0x0], $0xffff;
	v10 =	vadd.s32 v17, v10;
	vm0 =	vmand vm0, vm1  }
0x21d: {  	v21 =	vor.u32 $0x7, v23;
	v19 =	vld.idx.msk [tilespmem:v25+s13+$0x0], $0xffff;
	v10 =	vadd.s32 v16, v10;
	v16 =	vnsel vm0, $0x0, v3;
	v3 =	vmovc v4;
	v4 =	vmovc v6  }
0x21e: {  	v6 =	vmovc v8;
	v22 =	vld.idx.msk [tilespmem:v18+s13+$0x0], $0xffff;
	v18 =	vor.u32 $0x8, v23;
	v10 =	vadd.s32 v15, v10;
	(xrf0) =	vadd.scan.msk.s32 $0xffff, v16  }
0x21f: {  	v27 =	vor.u32 $0x9, v23;
	v25 =	vld.idx.msk [tilespmem:v20+s13+$0x0], $0xffff;
	v8 =	vadd.s32 v14, v10  }
0x220: {  	v15 =	vld.idx.msk [tilespmem:v24+s13+$0x0], $0xffff;
	v24 =	vor.u32 $0xA, v23;
	v10 =	vadd.s32 v13, v8  }
.Ltmp18:
0x221: {  	v17 =	vor.u32 $0xB, v23;
	v16 =	vld.idx.msk [tilespmem:v12+s13+$0x0], $0xffff;
	(xrf0) =	vadd.scan.msk.s32 $0xffff, v10;
	(pc) =	sbr.rel @!p0 .LBB2_30-.Ltmp18, $4  }
0x222: {  	v20 =	vor.u32 $0xC, v23;
	v8 =	vadd.s32 v26, v11;
	v14 =	vld.idx.msk [tilespmem:v21+s13+$0x0], $0xffff  }
0x223: {  	v11 =	vadd.s32 v19, v8;
	v13 =	vld.idx.msk [tilespmem:v18+s13+$0x0], $0xffff;
	v18 =	vor.u32 $0xD, v23  }
0x224: {  	v8 =	vor.u32 s25, v1;
	v19 =	vor.u32 $0xE, v23;
	v11 =	vadd.s32 v22, v11;
	v12 =	vld.idx.msk [tilespmem:v27+s13+$0x0], $0xffff;
	v26, _, _ =	vpop (xrf0);
	s0 =	spop (v2sf)  }
0x225: {  	s25 =	sadd.s32 $0xFFFFFFF0, s25;
	v21 =	vor.u32 $0xF, v23;
	v22 =	vadd.s32 v25, v11;
	v11 =	vld.idx.msk [tilespmem:v24+s13+$0x0], $0xffff;
	(v2sf) =	vpush v26, $0xF;
	s22 =	sadd.s32 s22, s0  }
0x226: {  	_ =	sdelay $0x3  }
0x227: {  	v23 =	vshll.u32 v8, $0x4;
	v17 =	vld.idx.msk [tilespmem:v17+s13+$0x0], $0xffff  }
0x228: {  	v20 =	vld.idx.msk [tilespmem:v20+s13+$0x0], $0xffff;
	v24 =	vor.u32 $0x1, v23  }
0x229: {  	v18 =	vld.idx.msk [tilespmem:v18+s13+$0x0], $0xffff;
	v25, _, _ =	vpop (xrf0);
	v26 =	vor.u32 $0x2, v23  }
0x22a: {  	v19 =	vld.idx.msk [tilespmem:v19+s13+$0x0], $0xffff;
	v27 =	vor.u32 $0x3, v23;
	(v2sf) =	vpush v25, $0xF  }
0x22b: {  	v21 =	vld.idx.msk [tilespmem:v21+s13+$0x0], $0xffff;
	v28 =	vor.u32 $0x4, v23  }
0x22c: {  	v29 =	vor.u32 $0x5, v23;
	v30 =	vld.idx.msk [tilespmem:v23+s13+$0x0], $0xffff  }
0x22d: {  	v31 =	vor.u32 $0x6, v23;
	v24 =	vld.idx.msk [tilespmem:v24+s13+$0x0], $0xffff  }
0x22e: {  	v32 =	vor.u32 $0x7, v23;
	v26 =	vld.idx.msk [tilespmem:v26+s13+$0x0], $0xffff  }
0x22f: {  	v33 =	vor.u32 $0x8, v23;
	v27 =	vld.idx.msk [tilespmem:v27+s13+$0x0], $0xffff  }
0x230: {  	v34 =	vor.u32 $0x9, v23;
	v28 =	vld.idx.msk [tilespmem:v28+s13+$0x0], $0xffff  }
0x231: {  	v15 =	vadd.s32 v15, v22;
	v41 =	vor.u32 $0xA, v23;
	v40 =	vld.idx.msk [tilespmem:v29+s13+$0x0], $0xffff  }
0x232: {  	v15 =	vadd.s32 v16, v15;
	v43 =	vor.u32 $0xB, v23;
	v42 =	vld.idx.msk [tilespmem:v31+s13+$0x0], $0xffff;
	v24 =	vadd.s32 v30, v24  }
0x233: {  	v45 =	vor.u32 $0xC, v23;
	s0 =	spop (v2sf);
	v47 =	vor.u32 $0xD, v23;
	v44 =	vld.idx.msk [tilespmem:v32+s13+$0x0], $0xffff;
	v24 =	vadd.s32 v26, v24  }
0x234: {  	v49 =	vor.u32 $0xE, v23;
	v14 =	vadd.s32 v14, v15;
	s0 =	sadd.s32 s24, s0;
	v46 =	vld.idx.msk [tilespmem:v33+s13+$0x0], $0xffff;
	v24 =	vadd.s32 v27, v24  }
0x235: {  	v13 =	vadd.s32 v13, v14;
	v9 =	vsub.s32 s0, v9;
	v48 =	vld.idx.msk [tilespmem:v34+s13+$0x0], $0xffff;
	v24 =	vadd.s32 v28, v24  }
0x236: {  	v12 =	vadd.s32 v12, v13;
	v23 =	vor.u32 $0xF, v23;
	v50 =	vld.idx.msk [tilespmem:v41+s13+$0x0], $0xffff;
	v22 =	vadd.s32 v40, v24  }
0x237: {  	v7 =	vadd.s32 v7, v9;
	vm0 =	vlt.s32 v9, v5;
	v52 =	vld.idx.msk [tilespmem:v43+s13+$0x0], $0xffff;
	v51 =	vadd.s32 v42, v22  }
0x238: {  	v11 =	vadd.s32 v11, v12;
	vm1 =	vge.s32 v7, v5;
	v54 =	vld.idx.msk [tilespmem:v45+s13+$0x0], $0xffff;
	s30 =	spop (v2sf);
	v53 =	vadd.s32 v44, v51  }
0x239: {  	v11 =	vadd.s32 v17, v11;
	vm0 =	vmand vm0, vm1;
	v55 =	vld.idx.msk [tilespmem:v47+s13+$0x0], $0xffff;
	s2 =	spop (v2sf);
	v9 =	vadd.s32 v46, v53  }
0x23a: {  	v56 =	vld.idx.msk [tilespmem:v49+s13+$0x0], $0xffff;
	v11 =	vadd.s32 v20, v11;
	v3 =	vnsel vm0, $0x0, v3;
	s0 =	sadd.s32 s0, s2;
	v9 =	vadd.s32 v48, v9  }
0x23b: {  	v11 =	vadd.s32 v18, v11;
	v58 =	vld.idx.msk [tilespmem:v23+s13+$0x0], $0xffff;
	v57 =	vsub.s32 s0, v25;
	v9 =	vadd.s32 v50, v9  }
0x23c: {  	v11 =	vadd.s32 v19, v11;
	v10 =	vadd.s32 v10, v57;
	v9 =	vadd.s32 v52, v9  }
0x23d: {  	vm10 =	vlt.s32 v57, v5;
	vm11 =	vge.s32 v10, v5;
	v7 =	vadd.s32 v54, v9  }
0x23e: {  	(xrf0) =	vadd.scan.msk.s32 $0xffff, v3;
	v3 =	vadd.s32 v21, v11;
	vm0 =	vmand vm10, vm11;
	v7 =	vadd.s32 v55, v7  }
0x23f: {  	(xrf0) =	vadd.scan.msk.s32 $0xffff, v3;
	v4 =	vnsel vm0, $0x0, v4;
	v7 =	vadd.s32 v56, v7  }
0x240: {  	(xrf0) =	vadd.scan.msk.s32 $0xffff, v4;
	v59 =	vadd.s32 v58, v7  }
0x241: {  	(xrf0) =	vadd.scan.msk.s32 $0xffff, v59;
	_ =	sdelay $0x2  }
0x242: {  	v60, _, _ =	vpop (xrf0)  }
0x243: {  	(v2sf) =	vpush v60, $0xF;
	v61, _, _ =	vpop (xrf0)  }
0x244: {  	(v2sf) =	vpush v61, $0xF;
	v62, _, _ =	vpop (xrf0)  }
0x245: {  	(v2sf) =	vpush v62, $0xF;
	v63, _, _ =	vpop (xrf0)  }
0x246: {  	(v2sf) =	vpush v63, $0xF;
	_ =	sdelay $0xb  }
0x247: {  	s31 =	spop (v2sf)  }
0x248: {  	s25 =	spop (v2sf)  }
0x249: {  	s26 =	spop (v2sf)  }
0x24a: {  	s0 =	sadd.s32 s0, s25;
	s28 =	spop (v2sf)  }
0x24b: {  	v9 =	vsub.s32 s0, v61;
	s0 =	sadd.s32 s0, s28  }
0x24c: {  	v3 =	vadd.s32 v3, v9;
	v7 =	vsub.s32 s0, v63  }
0x24d: {  	vm12 =	vlt.s32 v9, v5;
	vm13 =	vge.s32 v3, v5;
	v3 =	vadd.s32 v59, v7  }
0x24e: {  	vm0 =	vmand vm12, vm13;
	vm14 =	vlt.s32 v7, v5;
	vm2 =	vge.s32 v3, v5  }
0x24f: {  	v3 =	vnsel vm0, $0x0, v6;
	vm15 =	vmand vm14, vm2  }
0x250: {  	(xrf0) =	vadd.scan.msk.s32 $0xffff, v3;
	v3 =	vnsel vm15, $0x0, v8  }
0x251: {  	(xrf0) =	vadd.scan.msk.s32 $0xffff, v3;
	_ =	sdelay $0x4  }
0x252: {  	v3, _, _ =	vpop (xrf0)  }
0x253: {  	(v2sf) =	vpush v3, $0xF;
	v3, _, _ =	vpop (xrf0)  }
0x254: {  	(v2sf) =	vpush v3, $0xF;
	_ =	sdelay $0xb  }
0x255: {  	s29 =	sadd.s32 s22, s30  }
0x256: {  	s0 =	sadd.s32 s29, s31  }
0x257: {  	s0 =	sadd.s32 s0, s26;
	s30 =	spop (v2sf)  }
0x258: {  	s0 =	sadd.s32 s0, s30;
	s31 =	spop (v2sf)  }
0x259: {  	s24 =	simm.s32 $0x40;
	s25 =	simm.s32 $0x0;
	s22 =	sadd.s32 s0, s31  }
.LBB2_32:
0x25a: {  	p0 =	seq.s32 s24, $0x1000;
	[tilespmem:s25+$0x1B800] =	vst v0;
	s0 =	smov.u32 s24;
	s24 =	sadd.s32 $0x40, s24  }
.Ltmp19:
0x25b: {  	[tilespmem:s25+$0x1BC80] =	vst v0;
	(pc) =	sbr.rel @!p0 .LBB2_32-.Ltmp19, $2  }
0x25c: {  	_ =	sdelay $0x2  }
0x25d: {  	s25 =	sshra.s32 s0, $0x2  }
0x25e: {  	p0 =	slt.s32 s23, $0x1  }
.Ltmp20:
0x25f: {  	_ = 	snop;
	(pc) =	sbr.rel @p0 .LBB2_45-.Ltmp20, $3  }
0x260: {  	_ =	sdelay $0x1  }
0x261: {  	[tilespmem:s25+$0x1B800] =	vst v0  }
0x262: {  	[tilespmem:s25+$0x1BC80] =	vst v0  }
0x263: {  	p1 =	sne.s32 s23, $0x1  }
.Ltmp21:
0x264: {  	_ = 	snop;
	(pc) =	sbr.rel @!p1 .LBB2_35-.Ltmp21, $4  }
0x265: {  	_ = 	snop  }
0x266: {  	s0 =	sshll.u32 s20, $0x8  }
0x267: {  	s25 =	simm.s32 $0x0;
	s24 =	simm.s32 $0x18700;
	s0 =	sor.u32 s0, s22  }
0x268: {  	s20 =	simm.s32 $0x19780;
	p0 =	por $0x0, $0x0;
	v4 =	vmov s21;
	v5 =	vld [tilespmem:s24+$0x0];
	s22 =	sadd.s32 $0xFFFFFFFF, s23;
	v3 =	vmov s0  }
0x269: {  	_ =	sdelay $0x3  }
0x26a: {  	v7 =	vshrl.u32 v5, $0x10  }
0x26b: {  	vm0 =	vgt.s32 v4, v1;
	vm1 =	vgt.u32 v7, v3  }
0x26c: {  	vm0 =	vmand vm0, vm1  }
0x26d: {  	v7 =	vmpcnt.ones.xlane vm0;
	_ =	sdelay $0x1  }
0x26e: {  	v6 =	vld [tilespmem:s20+$0x0];
	(v2sf) =	vpush v7, $0x0  }
0x26f: {  	p3 =	sne.s32 s22, $0x1  }
.Ltmp22:
0x270: {  	p2 =	por $0x1, $0x1;
	s0 =	simm.s32 $0x0;
	(pc) =	sbr.rel @!p3 .LBB2_37-.Ltmp22, $4  }
0x271: {  	s0 =	simm.s32 @!p2 $0x400  }
0x272: {  	[tilespmem:s0+$0x1B800] =	vst.msk vm0, v5  }
0x273: {  	s29 =	simm.s32 $0x18710;
	s30 =	sadd.s32 $0xFFFFFFFF, s22;
	s28 =	smov.u32 s21;
	[tilespmem:s0+$0x1BC80] =	vst.msk vm0, v6  }
0x274: {  	s26 =	simm.s32 $0x19780;
	s23 =	simm.s32 $0x0;
	p2 =	por $0x1, $0x1;
	v5 =	vld [tilespmem:s29+$0x0]  }
.LBB2_38:
0x275: {  	p3 =	sne.s32 s30, $0x1;
	_ =	sdelay $0x2  }
0x276: {  	s28 =	sadd.s32 $0xFFFFFFF0, s28  }
0x277: {  	v6 =	vmov s28;
	v7 =	vshrl.u32 v5, $0x10  }
0x278: {  	vm0 =	vgt.s32 v6, v1;
	vm1 =	vgt.u32 v7, v3  }
0x279: {  	vm0 =	vmand vm0, vm1  }
0x27a: {  	s26 =	sadd.s32 $0x10, s26;
	v6 =	vmpcnt.ones.xlane vm0  }
0x27b: {  	v7 =	vld [tilespmem:s26+$0x0];
	s0 =	spop (v2sf)  }
0x27c: {  	(v2sf) =	vpush v6, $0x0;
	s23 =	sadd.s32 s23, s0  }
0x27d: {  	p4 =	slt.s32 s23, $0x400;
	s0 =	smov.u32 s23  }
.Ltmp23:
0x27e: {  	s0 =	simm.s32 @!p4 $0x400;
	(pc) =	sbr.rel @p3 .LBB2_38-.Ltmp23, $4  }
0x27f: {  	[tilespmem:s0+$0x1B800] =	vst.msk vm0, v5  }
0x280: {  	[tilespmem:s0+$0x1BC80] =	vst.msk vm0, v7  }
0x281: {  	s29 =	sadd.s32 $0x10, s29  }
0x282: {  	s30 =	sadd.s32 $0xFFFFFFFF, s30;
	v5 =	vld [tilespmem:s29+$0x0]  }
.LBB2_39:
0x283: {  	_ =	sdelay $0x1  }
0x284: {  	s0 =	sadd.s32 @p2 $0xFFFFFFF0, s28;
	s2 =	smov.u32 s21  }
0x285: {  	s2 =	smov.u32 @p2 s0  }
0x286: {  	v6 =	vmov s2;
	v7 =	vshrl.u32 v5, $0x10  }
0x287: {  	vm0 =	vgt.s32 v6, v1;
	vm1 =	vgt.u32 v7, v3  }
0x288: {  	vm0 =	vmand vm0, vm1  }
0x289: {  	v6 =	vmpcnt.ones.xlane vm0;
	_ =	sdelay $0x1  }
0x28a: {  	(v2sf) =	vpush v6, $0x0;
	_ =	sdelay $0x5  }
0x28b: {  	s0 =	sadd.s32 @p2 $0x10, s26;
	s2 =	simm.s32 $0x19780  }
0x28c: {  	s2 =	smov.u32 @p2 s0;
	s26 =	spop @p2 (v2sf)  }
0x28d: {  	v6 =	vld [tilespmem:s2+$0x0];
	s0 =	sadd.s32 @p2 s23, s26  }
0x28e: {  	s25 =	smov.u32 @p2 s0  }
0x28f: {  	p2 =	slt.s32 s25, $0x400;
	s0 =	smov.u32 s25  }
0x290: {  	s0 =	simm.s32 @!p2 $0x400  }
.Ltmp24:
0x291: {  	[tilespmem:s0+$0x1B800] =	vst.msk vm0, v5;
	(pc) =	sbr.rel @!p1 .LBB2_40-.Ltmp24, $4  }
0x292: {  	[tilespmem:s0+$0x1BC80] =	vst.msk vm0, v6  }
0x293: {  	v5 =	vld [tilespmem:s24+$0x0]  }
0x294: {  	s31 =	spop (v2sf)  }
0x295: {  	s23 =	sadd.s32 s25, s31  }
0x296: {  	_ =	sdelay $0x1  }
0x297: {  	v7 =	vshrl.u32 v5, $0x10  }
0x298: {  	vm0 =	vgt.s32 v4, v1;
	vm1 =	veq.s32 v7, v3  }
0x299: {  	vm0 =	vmand vm0, vm1  }
0x29a: {  	v6 =	vld [tilespmem:s20+$0x0];
	v4 =	vmpcnt.ones.xlane vm0;
	_ =	sdelay $0x1  }
0x29b: {  	p0 =	slt.s32 s23, $0x400;
	s0 =	smov.u32 s23;
	(v2sf) =	vpush v4, $0x0  }
0x29c: {  	p1 =	sne.s32 s22, $0x1;
	s0 =	simm.s32 @!p0 $0x400  }
.Ltmp25:
0x29d: {  	[tilespmem:s0+$0x1B800] =	vst.msk vm0, v5;
	(pc) =	sbr.rel @!p1 .LBB2_42-.Ltmp25, $4  }
0x29e: {  	s26 =	simm.s32 $0x18710;
	[tilespmem:s0+$0x1BC80] =	vst.msk vm0, v6  }
0x29f: {  	v5 =	vld [tilespmem:s26+$0x0]  }
0x2a0: {  	s28 =	sadd.s32 $0xFFFFFFFF, s22;
	s25 =	smov.u32 s21  }
0x2a1: {  	s22 =	simm.s32 $0x19780;
	s24 =	smov.u32 s23;
	p0 =	por $0x1, $0x1  }
.LBB2_43:
0x2a2: {  	p1 =	sne.s32 s28, $0x1;
	_ =	sdelay $0x2  }
0x2a3: {  	s25 =	sadd.s32 $0xFFFFFFF0, s25  }
0x2a4: {  	v6 =	vshrl.u32 v5, $0x10;
	v4 =	vmov s25  }
0x2a5: {  	vm1 =	veq.s32 v6, v3;
	vm0 =	vgt.s32 v4, v1  }
0x2a6: {  	vm0 =	vmand vm0, vm1  }
0x2a7: {  	s22 =	sadd.s32 $0x10, s22;
	v4 =	vmpcnt.ones.xlane vm0  }
0x2a8: {  	v6 =	vld [tilespmem:s22+$0x0];
	s0 =	spop (v2sf)  }
0x2a9: {  	(v2sf) =	vpush v4, $0x0;
	s24 =	sadd.s32 s24, s0  }
0x2aa: {  	p2 =	slt.s32 s24, $0x400;
	s0 =	smov.u32 s24  }
.Ltmp26:
0x2ab: {  	s0 =	simm.s32 @!p2 $0x400;
	(pc) =	sbr.rel @p1 .LBB2_43-.Ltmp26, $4  }
0x2ac: {  	[tilespmem:s0+$0x1B800] =	vst.msk vm0, v5  }
0x2ad: {  	[tilespmem:s0+$0x1BC80] =	vst.msk vm0, v6  }
0x2ae: {  	s26 =	sadd.s32 $0x10, s26  }
0x2af: {  	s28 =	sadd.s32 $0xFFFFFFFF, s28;
	v5 =	vld [tilespmem:s26+$0x0]  }
.Ltmp27:
0x2b0: {  	_ = 	snop;
	(pc) =	sbr.rel .LBB2_44-.Ltmp27, $1  }
0x2b1: {  	_ =	sdelay $0x3  }
.LBB2_24:
.Ltmp28:
0x2b2: {  	(pc) =	sbr.rel .LBB2_28-.Ltmp28, $2  }
0x2b3: {  	_ =	sdelay $0x2  }
0x2b4: {  	s24 =	smov.u32 s21  }
.LBB2_35:
.Ltmp29:
0x2b5: {  	(pc) =	sbr.rel .LBB2_39-.Ltmp29, $3  }
0x2b6: {  	_ =	sdelay $0x1  }
0x2b7: {  	s28 =	smov.u32 s21  }
0x2b8: {  	s26 =	simm.s32 $0x19780;
	s23 =	simm.s32 $0x0;
	p2 =	por $0x0, $0x0  }
.LBB2_26:
.Ltmp30:
0x2b9: {  	(pc) =	sbr.rel .LBB2_28-.Ltmp30, $2  }
0x2ba: {  	_ =	sdelay $0x2  }
0x2bb: {  	s24 =	smov.u32 s21  }
.LBB2_37:
.Ltmp31:
0x2bc: {  	(pc) =	sbr.rel .LBB2_39-.Ltmp31, $2  }
0x2bd: {  	_ =	sdelay $0x2  }
0x2be: {  	s28 =	smov.u32 s21;
	s26 =	simm.s32 $0x19780;
	s23 =	simm.s32 $0x0  }
.LBB2_42:
.Ltmp32:
0x2bf: {  	(pc) =	sbr.rel .LBB2_44-.Ltmp32, $2  }
0x2c0: {  	_ =	sdelay $0x2  }
0x2c1: {  	s25 =	smov.u32 s21;
	s22 =	simm.s32 $0x19780;
	s24 =	smov.u32 s23  }
.LBB2_47:
0x2c2: {  	_ =	sfence.sel $0x180000  }
0x2c3: {  	[bflag:$0x0] =	sbarrier.arrive $0xFFFF  }
0x2c4: {  	_ =	strace $0x90000047  }
0x2c5: {  	s0 =	stileid.u32;
	[bflag:$0x2] =	sbarrier.arrive $0xFFFF  }
0x2c6: {  	p0 =	sne.s32 s0, $0x0;
	s0 =	rddreg [dreg:$0x1]  }
0x2c7: {  	s0 =	sadd.s32 @!p0 $0x100000, s0  }
0x2c8: {  	[sflag:s0] =	ssyncadd.tile.s32 @!p0 $0x1;
	_ =	shalt  }
.Lfunc_end2:
_tile_overlayer_lowered:
.L_overlay_start_2:
0x2c9: {  	(tag) =	ssettag $0x2  }
0x2ca: {  	s0 =	rddreg [dreg:$0x0];
	s2 =	stileid.u32  }
0x2cb: {  	s1 =	rddreg [dreg:$0x1];
	p0 =	sne.s32 s2, $0x0  }
0x2cc: {  	s3 =	rddreg [dreg:$0x2];
	[bflag:$0x3] =	sbarrier.arrive $0xFFFF;
	s2 =	simm.s32 @!p0 $0x1C01  }
0x2cd: {  	[timem:s3], [sflag:s2] =	dma.local @!p0 [hbm:s0], s1  }
0x2ce: {  	s0 =	simm.s32 @!p0 $0x1  }
0x2cf: {  	_ =	swait.ge @!p0 [sflag:s0], s1  }
0x2d0: {  	s1 =	ssub.s32 @!p0 $0x0, s1;
	[sflag:s0] =	ssyncset.done @!p0 $0x0  }
0x2d1: {  	[sflag:s0] =	ssyncadd.s32 @!p0 s1  }
0x2d2: {  	[bflag:$0x3] =	sbarrier.arrive $0xFFFF  }
0x2d3: {  	_ =	shalt  }

</sc_bundles>
